<compile_context>
chip_gen: v7x
topology: tpu7x:2x2x1
jax: 0.10.2.dev20260603
libtpu: 0.0.44.dev20260713+nightly
codegen_flags: <defaults>
</compile_context>

<pallas_src>
import functools

import jax
import jax.numpy as jnp
from jax import lax
from jax.experimental import pallas as pl
from jax.experimental.pallas import tpu as pltpu
from jax.experimental.pallas import tpu_sc as plsc

VOCAB = 1000
DPAD = 1024
B, T = 1024, 200
NPIECE = 4
BP = B // NPIECE
PIECE_ROWS = BP * T
NC, NS = 2, 16
NW = NC * NS
ROWS_PER_W = PIECE_ROWS // NW
CHUNK = 40
N_CHUNKS = ROWS_PER_W // CHUNK
MAIN = 896
TAIL = VOCAB - MAIN
TAIL_OFFS = (0, 16, 32, 48, 64, 80, TAIL - 16)


def _gather_body(table_hbm, idx_hbm, out_hbm, idx_v, rows0, rows1, tail0,
                 tail1, gsem0, gsem1, om0, om1, ot0, ot1):
    rows = (rows0, rows1)
    tails = (tail0, tail1)
    gsems = (gsem0, gsem1)
    osems = ((om0, ot0), (om1, ot1))

    wid = lax.axis_index("s") * NC + lax.axis_index("c")
    base = wid * ROWS_PER_W
    pltpu.sync_copy(idx_hbm.at[pl.ds(base, ROWS_PER_W)], idx_v)

    def issue_gather(g, p):
        pltpu.async_copy(
            table_hbm.at[idx_v.at[pl.ds(g * CHUNK, CHUNK)]], rows[p], gsems[p]
        )

    def out_slices(g):
        off = base + g * CHUNK
        b = off // T
        t0 = off % T
        return (
            out_hbm.at[b, pl.ds(t0, CHUNK), pl.ds(0, MAIN)],
            out_hbm.at[b, pl.ds(t0, CHUNK), pl.ds(MAIN, TAIL)],
        )

    def issue_out_main(g, p):
        main_dst, _ = out_slices(g)
        pltpu.async_copy(rows[p].at[:, pl.ds(0, MAIN)], main_dst, osems[p][0])

    def issue_out_tail(g, p):
        _, tail_dst = out_slices(g)
        pltpu.async_copy(tails[p], tail_dst, osems[p][1])

    def wait_out(g, p):
        main_dst, tail_dst = out_slices(g)
        pltpu.make_async_copy(
            rows[p].at[:, pl.ds(0, MAIN)], main_dst, osems[p][0]
        ).wait()
        pltpu.make_async_copy(tails[p], tail_dst, osems[p][1]).wait()

    def wait_gather(g, p):
        pltpu.make_async_copy(
            table_hbm.at[idx_v.at[pl.ds(g * CHUNK, CHUNK)]], rows[p], gsems[p]
        ).wait()

    def repack(p):
        rv, tv = rows[p], tails[p]

        def body(r, c2):
            for c in TAIL_OFFS:
                tv[r, pl.ds(c, 16)] = rv[r, pl.ds(MAIN + c, 16)]
            return c2

        lax.fori_loop(0, CHUNK, body, 0)

    def half(g, p):
        @pl.when(g >= 1)
        def _():
            wait_out(g - 1, 1 - p)

        @pl.when(g + 1 < N_CHUNKS)
        def _():
            issue_gather(g + 1, 1 - p)

        wait_gather(g, p)
        issue_out_main(g, p)
        repack(p)
        issue_out_tail(g, p)

    issue_gather(0, 0)

    def step(i, carry):
        half(2 * i, 0)
        half(2 * i + 1, 1)
        return carry

    lax.fori_loop(0, N_CHUNKS // 2, step, 0)
    wait_out(N_CHUNKS - 1, 1)


@jax.jit
def kernel(idx, table):
    mesh = plsc.VectorSubcoreMesh(
        core_axis_name="c", subcore_axis_name="s", num_cores=NC, num_subcores=NS
    )
    k = functools.partial(
        pl.kernel,
        out_type=jax.ShapeDtypeStruct((BP, T, VOCAB), jnp.float32),
        mesh=mesh,
        scratch_types=[
            pltpu.VMEM((ROWS_PER_W,), jnp.int32),
            pltpu.VMEM((CHUNK, DPAD), jnp.float32),
            pltpu.VMEM((CHUNK, DPAD), jnp.float32),
            pltpu.VMEM((CHUNK, TAIL), jnp.float32),
            pltpu.VMEM((CHUNK, TAIL), jnp.float32),
            pltpu.SemaphoreType.DMA,
            pltpu.SemaphoreType.DMA,
            pltpu.SemaphoreType.DMA,
            pltpu.SemaphoreType.DMA,
            pltpu.SemaphoreType.DMA,
            pltpu.SemaphoreType.DMA,
        ],
    )(_gather_body)
    table_pad = jnp.pad(table, ((0, 0), (0, DPAD - VOCAB)))
    idx_flat = idx.reshape(B * T).astype(jnp.int32)
    out = jnp.zeros((B, T, VOCAB), jnp.float32)
    for s in range(NPIECE):
        piece = k(table_pad, idx_flat[s * PIECE_ROWS:(s + 1) * PIECE_ROWS])
        out = lax.dynamic_update_slice(out, piece, (s * BP, 0, 0))
    return out

# --- scband reference (transcript-rebuilt; emitter-appended) ---
"""Pipeline reference for scband-bigram-languag-model-83348135346675 (READ-ONLY COPY).

The authoritative reference and input builder live on the scoring server;
editing this copy changes nothing except your own understanding.
"""

import jax, jax.numpy as jnp
import numpy as np

VOCAB = 1000
B = 1024
T = 200

def setup_inputs(seed: int = 0) -> dict:
    key = jax.random.key(seed)
    k1, k2 = jax.random.split(key)
    idx = jax.random.randint(k1, (B, T), 0, VOCAB)
    table = jax.random.normal(k2, (VOCAB, VOCAB), dtype=jnp.float32) * 0.02
    return {"idx": idx, "table": table}

def reference(idx, table):
    # BigramLanguageModel forward: logits = token_embedding_table(idx)
    # Embedding lookup -> gather rows of the table
    logits = jnp.take(table, idx, axis=0)  # [B, T, vocab_size]
    return logits

if __name__ == "__main__":
    import jax
    _d = setup_inputs()
    print(jax.jit(kernel)(*tuple(_d.values())))

</pallas_src>

<mosaic_0001>
#map = affine_map<(d0, d1) -> (0, 0)>
#map1 = affine_map<(d0, d1) -> (0)>
#map2 = affine_map<(d0, d1) -> (0, 0, 0)>
module attributes {stable_mosaic.version = 14 : i64} {
  func.func @_gather_body(%arg0: i32, %arg1: i32, %arg2: memref<1000x1024xf32, #tpu.memory_space<hbm>>, %arg3: memref<51200xi32, #tpu.memory_space<hbm>>, %arg4: memref<256x200x1000xf32, #tpu.memory_space<hbm>>, %arg5: memref<1600xi32, #tpu.memory_space<vmem>>, %arg6: memref<40x1024xf32, #tpu.memory_space<vmem>>, %arg7: memref<40x1024xf32, #tpu.memory_space<vmem>>, %arg8: memref<40x104xf32, #tpu.memory_space<vmem>>, %arg9: memref<40x104xf32, #tpu.memory_space<vmem>>, %arg10: memref<!tpu.dma_semaphore, #tpu.memory_space<semaphore_mem>>, %arg11: memref<!tpu.dma_semaphore, #tpu.memory_space<semaphore_mem>>, %arg12: memref<!tpu.dma_semaphore, #tpu.memory_space<semaphore_mem>>, %arg13: memref<!tpu.dma_semaphore, #tpu.memory_space<semaphore_mem>>, %arg14: memref<!tpu.dma_semaphore, #tpu.memory_space<semaphore_mem>>, %arg15: memref<!tpu.dma_semaphore, #tpu.memory_space<semaphore_mem>>) attributes {dimension_semantics = [#tpu.dimension_semantics<core_parallel>, #tpu.dimension_semantics<subcore_parallel>], iteration_bounds = array<i64: 2, 16>, scalar_prefetch = 0 : i64, scratch_operands = 11 : i64, tpu.core_type = #tpu.core_type<sc_vector_subcore>, window_params = [{transform_indices = #map}, {transform_indices = #map1}, {transform_indices = #map2}]} {
    %mul3A = arith.constant 2 : i32
    %mul3A_0 = arith.muli %arg1, %mul3A : i32
    %add3A = arith.addi %mul3A_0, %arg0 : i32
    %mul3A_1 = arith.constant 1600 : i32
    %mul3A_2 = arith.muli %add3A, %mul3A_1 : i32
    "tpu.region"() ({
      %run_scoped3A = tpu.sem_alloc : memref<!tpu.dma_semaphore, #tpu.memory_space<semaphore_mem>>
      %dma_start3A_61 = tpu.memref_slice %arg3[%mul3A_2] : memref<51200xi32, #tpu.memory_space<hbm>> -> memref<1600xi32, #tpu.memory_space<hbm>>
      %dma_start3A_62 = tpu.memref_slice %arg3[%mul3A_2] : memref<51200xi32, #tpu.memory_space<hbm>> -> memref<1600xi32, #tpu.memory_space<hbm>>
      tpu.enqueue_dma source(%dma_start3A_62 : memref<1600xi32, #tpu.memory_space<hbm>>) target(%arg5 : memref<1600xi32, #tpu.memory_space<vmem>>) target_semaphore(%run_scoped3A : memref<!tpu.dma_semaphore, #tpu.memory_space<semaphore_mem>>)
      %dma_wait3A_63 = tpu.memref_slice %arg3[%mul3A_2] : memref<51200xi32, #tpu.memory_space<hbm>> -> memref<1600xi32, #tpu.memory_space<hbm>>
      %dma_wait3A_64 = tpu.memref_slice %arg3[%mul3A_2] : memref<51200xi32, #tpu.memory_space<hbm>> -> memref<1600xi32, #tpu.memory_space<hbm>>
      tpu.wait_dma2 semaphore(%run_scoped3A : memref<!tpu.dma_semaphore, #tpu.memory_space<semaphore_mem>>) src(%dma_wait3A_64 : memref<1600xi32, #tpu.memory_space<hbm>>) dst(%arg5 : memref<1600xi32, #tpu.memory_space<vmem>>)
      tpu.yield
    }) : () -> ()
    %dma_start3A = arith.constant 0 : i32
    %dma_start3A_3 = tpu.memref_slice %arg5[%dma_start3A] : memref<1600xi32, #tpu.memory_space<vmem>> -> memref<40xi32, #tpu.memory_space<vmem>>
    %dma_start3A_4 = arith.constant 0 : i32
    %dma_start3A_5 = arith.constant 0 : i32
    %dma_start3A_6 = tpu.memref_slice %arg2[%dma_start3A_4, %dma_start3A_5] : memref<1000x1024xf32, #tpu.memory_space<hbm>> -> memref<1000x1024xf32, #tpu.memory_space<hbm>>
    tpu.enqueue_indirect_dma source(%dma_start3A_6 : memref<1000x1024xf32, #tpu.memory_space<hbm>>) target(%arg6 : memref<40x1024xf32, #tpu.memory_space<vmem>>) offsets(%dma_start3A_3 : memref<40xi32, #tpu.memory_space<vmem>>) semaphore(%arg10 : memref<!tpu.dma_semaphore, #tpu.memory_space<semaphore_mem>>)
    %scan3A = arith.constant 0 : i32
    %scan3A_7 = arith.constant 0 : i32
    %scan3A_8 = arith.constant 20 : i32
    %scan3A_9 = arith.addi %scan3A_7, %scan3A_8 : i32
    %scan3A_10 = arith.constant 1 : i32
    scf.for %scan3A_61 = %scan3A_7 to %scan3A_9 step %scan3A_10  : i32 {
      %mul3A_62 = arith.constant 2 : i32
      %mul3A_63 = arith.muli %mul3A_62, %scan3A_61 : i32
      %ge3A = arith.constant 1 : i32
      %ge3A_64 = arith.cmpi sge, %mul3A_63, %ge3A : i32
      %convert_element_type3A = arith.extui %ge3A_64 : i1 to i32
      %cond3A = arith.constant 0 : i32
      %cond3A_65 = arith.cmpi ne, %convert_element_type3A, %cond3A : i32
      scf.if %cond3A_65 {
        %sub3A_321 = arith.constant 1 : i32
        %sub3A_322 = arith.subi %mul3A_63, %sub3A_321 : i32
        %mul3A_323 = arith.constant 40 : i32
        %mul3A_324 = arith.muli %sub3A_322, %mul3A_323 : i32
        %add3A_325 = arith.addi %mul3A_2, %mul3A_324 : i32
        %jit3A_326 = arith.constant 200 : i32
        %div3A_327 = arith.divsi %add3A_325, %jit3A_326 : i32
        %sign3A_328 = arith.constant 0 : i32
        %sign3A_329 = arith.cmpi sgt, %add3A_325, %sign3A_328 : i32
        %sign3A_330 = arith.extui %sign3A_329 : i1 to i32
        %sign3A_331 = arith.constant 0 : i32
        %sign3A_332 = arith.cmpi slt, %add3A_325, %sign3A_331 : i32
        %sign3A_333 = arith.extui %sign3A_332 : i1 to i32
        %sign3A_334 = arith.subi %sign3A_330, %sign3A_333 : i32
        %sign3A_335 = arith.constant 0 : i32
        %sign3A_336 = arith.cmpi sgt, %jit3A_326, %sign3A_335 : i32
        %sign3A_337 = arith.extui %sign3A_336 : i1 to i32
        %sign3A_338 = arith.constant 0 : i32
        %sign3A_339 = arith.cmpi slt, %jit3A_326, %sign3A_338 : i32
        %sign3A_340 = arith.extui %sign3A_339 : i1 to i32
        %sign3A_341 = arith.subi %sign3A_337, %sign3A_340 : i32
        %ne3A_342 = arith.cmpi ne, %sign3A_334, %sign3A_341 : i32
        %rem3A_343 = arith.remsi %add3A_325, %jit3A_326 : i32
        %ne3A_344 = arith.constant 0 : i32
        %ne3A_345 = arith.cmpi ne, %rem3A_343, %ne3A_344 : i32
        %and3A_346 = arith.andi %ne3A_342, %ne3A_345 : i1
        %sub3A_347 = arith.constant 1 : i32
        %sub3A_348 = arith.subi %div3A_327, %sub3A_347 : i32
        %select_n3A_349 = arith.select %and3A_346, %sub3A_348, %div3A_327 : i32
        %jit3A_350 = arith.constant 200 : i32
        %eq3A_351 = arith.constant 0 : i32
        %eq3A_352 = arith.cmpi eq, %jit3A_350, %eq3A_351 : i32
        %jit3A_353 = arith.constant 1 : i32
        %select_n3A_354 = arith.select %eq3A_352, %jit3A_353, %jit3A_350 : i32
        %rem3A_355 = arith.remsi %add3A_325, %select_n3A_354 : i32
        %ne3A_356 = arith.constant 0 : i32
        %ne3A_357 = arith.cmpi ne, %rem3A_355, %ne3A_356 : i32
        %lt3A_358 = arith.constant 0 : i32
        %lt3A_359 = arith.cmpi slt, %rem3A_355, %lt3A_358 : i32
        %lt3A_360 = arith.constant 0 : i32
        %lt3A_361 = arith.cmpi slt, %select_n3A_354, %lt3A_360 : i32
        %ne3A_362 = arith.xori %lt3A_359, %lt3A_361 : i1
        %and3A_363 = arith.andi %ne3A_362, %ne3A_357 : i1
        %add3A_364 = arith.addi %rem3A_355, %select_n3A_354 : i32
        %select_n3A_365 = arith.select %and3A_363, %add3A_364, %rem3A_355 : i32
        %dma_wait3A_366 = arith.constant 0 : i32
        %dma_wait3A_367 = arith.constant 0 : i32
        %dma_wait3A_368 = tpu.memref_slice %arg7[%dma_wait3A_366, %dma_wait3A_367] : memref<40x1024xf32, #tpu.memory_space<vmem>> -> memref<40x896xf32, #tpu.memory_space<vmem>>
        %dma_wait3A_369 = arith.constant 0 : i32
        %dma_wait3A_370 = tpu.memref_slice %arg4[%select_n3A_349, %select_n3A_365, %dma_wait3A_369] : memref<256x200x1000xf32, #tpu.memory_space<hbm>> -> memref<1x40x896xf32, #tpu.memory_space<hbm>>
        %dma_wait3A_371 = tpu.memref_squeeze %dma_wait3A_370 : memref<1x40x896xf32, #tpu.memory_space<hbm>> -> memref<40x896xf32, #tpu.memory_space<hbm>>
        %dma_wait3A_372 = arith.constant 0 : i32
        %dma_wait3A_373 = tpu.memref_slice %arg4[%select_n3A_349, %select_n3A_365, %dma_wait3A_372] : memref<256x200x1000xf32, #tpu.memory_space<hbm>> -> memref<1x40x896xf32, #tpu.memory_space<hbm>>
        %dma_wait3A_374 = tpu.memref_squeeze %dma_wait3A_373 : memref<1x40x896xf32, #tpu.memory_space<hbm>> -> memref<40x896xf32, #tpu.memory_space<hbm>>
        %dma_wait3A_375 = arith.constant 0 : i32
        %dma_wait3A_376 = arith.constant 0 : i32
        %dma_wait3A_377 = tpu.memref_slice %arg7[%dma_wait3A_375, %dma_wait3A_376] : memref<40x1024xf32, #tpu.memory_space<vmem>> -> memref<40x896xf32, #tpu.memory_space<vmem>>
        tpu.wait_dma2 semaphore(%arg13 : memref<!tpu.dma_semaphore, #tpu.memory_space<semaphore_mem>>) src(%dma_wait3A_377 : memref<40x896xf32, #tpu.memory_space<vmem>>) dst(%dma_wait3A_374 : memref<40x896xf32, #tpu.memory_space<hbm>>)
        %dma_wait3A_378 = arith.constant 896 : i32
        %dma_wait3A_379 = tpu.memref_slice %arg4[%select_n3A_349, %select_n3A_365, %dma_wait3A_378] : memref<256x200x1000xf32, #tpu.memory_space<hbm>> -> memref<1x40x104xf32, #tpu.memory_space<hbm>>
        %dma_wait3A_380 = tpu.memref_squeeze %dma_wait3A_379 : memref<1x40x104xf32, #tpu.memory_space<hbm>> -> memref<40x104xf32, #tpu.memory_space<hbm>>
        %dma_wait3A_381 = arith.constant 896 : i32
        %dma_wait3A_382 = tpu.memref_slice %arg4[%select_n3A_349, %select_n3A_365, %dma_wait3A_381] : memref<256x200x1000xf32, #tpu.memory_space<hbm>> -> memref<1x40x104xf32, #tpu.memory_space<hbm>>
        %dma_wait3A_383 = tpu.memref_squeeze %dma_wait3A_382 : memref<1x40x104xf32, #tpu.memory_space<hbm>> -> memref<40x104xf32, #tpu.memory_space<hbm>>
        tpu.wait_dma2 semaphore(%arg15 : memref<!tpu.dma_semaphore, #tpu.memory_space<semaphore_mem>>) src(%arg9 : memref<40x104xf32, #tpu.memory_space<vmem>>) dst(%dma_wait3A_383 : memref<40x104xf32, #tpu.memory_space<hbm>>)
      } else {
      }
      %add3A_66 = arith.constant 1 : i32
      %add3A_67 = arith.addi %mul3A_63, %add3A_66 : i32
      %lt3A_68 = arith.constant 40 : i32
      %lt3A_69 = arith.cmpi slt, %add3A_67, %lt3A_68 : i32
      %convert_element_type3A_70 = arith.extui %lt3A_69 : i1 to i32
      %cond3A_71 = arith.constant 0 : i32
      %cond3A_72 = arith.cmpi ne, %convert_element_type3A_70, %cond3A_71 : i32
      scf.if %cond3A_72 {
        %add3A_321 = arith.constant 1 : i32
        %add3A_322 = arith.addi %mul3A_63, %add3A_321 : i32
        %mul3A_323 = arith.constant 40 : i32
        %mul3A_324 = arith.muli %add3A_322, %mul3A_323 : i32
        %dma_start3A_325 = tpu.memref_slice %arg5[%mul3A_324] : memref<1600xi32, #tpu.memory_space<vmem>> -> memref<40xi32, #tpu.memory_space<vmem>>
        %dma_start3A_326 = arith.constant 0 : i32
        %dma_start3A_327 = arith.constant 0 : i32
        %dma_start3A_328 = tpu.memref_slice %arg2[%dma_start3A_326, %dma_start3A_327] : memref<1000x1024xf32, #tpu.memory_space<hbm>> -> memref<1000x1024xf32, #tpu.memory_space<hbm>>
        tpu.enqueue_indirect_dma source(%dma_start3A_328 : memref<1000x1024xf32, #tpu.memory_space<hbm>>) target(%arg7 : memref<40x1024xf32, #tpu.memory_space<vmem>>) offsets(%dma_start3A_325 : memref<40xi32, #tpu.memory_space<vmem>>) semaphore(%arg11 : memref<!tpu.dma_semaphore, #tpu.memory_space<semaphore_mem>>)
      } else {
      }
      %mul3A_73 = arith.constant 40 : i32
      %mul3A_74 = arith.muli %mul3A_63, %mul3A_73 : i32
      %dma_wait3A_75 = tpu.memref_slice %arg5[%mul3A_74] : memref<1600xi32, #tpu.memory_space<vmem>> -> memref<40xi32, #tpu.memory_space<vmem>>
      %dma_wait3A_76 = arith.constant 0 : i32
      %dma_wait3A_77 = arith.constant 0 : i32
      %dma_wait3A_78 = tpu.memref_slice %arg2[%dma_wait3A_76, %dma_wait3A_77] : memref<1000x1024xf32, #tpu.memory_space<hbm>> -> memref<1000x1024xf32, #tpu.memory_space<hbm>>
      tpu.wait_indirect_dma semaphore(%arg10 : memref<!tpu.dma_semaphore, #tpu.memory_space<semaphore_mem>>) src(%dma_wait3A_78 : memref<1000x1024xf32, #tpu.memory_space<hbm>>) dst(%arg6 : memref<40x1024xf32, #tpu.memory_space<vmem>>)
      %mul3A_79 = arith.constant 40 : i32
      %mul3A_80 = arith.muli %mul3A_63, %mul3A_79 : i32
      %add3A_81 = arith.addi %mul3A_2, %mul3A_80 : i32
      %jit3A_82 = arith.constant 200 : i32
      %div3A_83 = arith.divsi %add3A_81, %jit3A_82 : i32
      %sign3A_84 = arith.constant 0 : i32
      %sign3A_85 = arith.cmpi sgt, %add3A_81, %sign3A_84 : i32
      %sign3A_86 = arith.extui %sign3A_85 : i1 to i32
      %sign3A_87 = arith.constant 0 : i32
      %sign3A_88 = arith.cmpi slt, %add3A_81, %sign3A_87 : i32
      %sign3A_89 = arith.extui %sign3A_88 : i1 to i32
      %sign3A_90 = arith.subi %sign3A_86, %sign3A_89 : i32
      %sign3A_91 = arith.constant 0 : i32
      %sign3A_92 = arith.cmpi sgt, %jit3A_82, %sign3A_91 : i32
      %sign3A_93 = arith.extui %sign3A_92 : i1 to i32
      %sign3A_94 = arith.constant 0 : i32
      %sign3A_95 = arith.cmpi slt, %jit3A_82, %sign3A_94 : i32
      %sign3A_96 = arith.extui %sign3A_95 : i1 to i32
      %sign3A_97 = arith.subi %sign3A_93, %sign3A_96 : i32
      %ne3A_98 = arith.cmpi ne, %sign3A_90, %sign3A_97 : i32
      %rem3A_99 = arith.remsi %add3A_81, %jit3A_82 : i32
      %ne3A_100 = arith.constant 0 : i32
      %ne3A_101 = arith.cmpi ne, %rem3A_99, %ne3A_100 : i32
      %and3A_102 = arith.andi %ne3A_98, %ne3A_101 : i1
      %sub3A_103 = arith.constant 1 : i32
      %sub3A_104 = arith.subi %div3A_83, %sub3A_103 : i32
      %select_n3A_105 = arith.select %and3A_102, %sub3A_104, %div3A_83 : i32
      %jit3A_106 = arith.constant 200 : i32
      %eq3A_107 = arith.constant 0 : i32
      %eq3A_108 = arith.cmpi eq, %jit3A_106, %eq3A_107 : i32
      %jit3A_109 = arith.constant 1 : i32
      %select_n3A_110 = arith.select %eq3A_108, %jit3A_109, %jit3A_106 : i32
      %rem3A_111 = arith.remsi %add3A_81, %select_n3A_110 : i32
      %ne3A_112 = arith.constant 0 : i32
      %ne3A_113 = arith.cmpi ne, %rem3A_111, %ne3A_112 : i32
      %lt3A_114 = arith.constant 0 : i32
      %lt3A_115 = arith.cmpi slt, %rem3A_111, %lt3A_114 : i32
      %lt3A_116 = arith.constant 0 : i32
      %lt3A_117 = arith.cmpi slt, %select_n3A_110, %lt3A_116 : i32
      %ne3A_118 = arith.xori %lt3A_115, %lt3A_117 : i1
      %and3A_119 = arith.andi %ne3A_118, %ne3A_113 : i1
      %add3A_120 = arith.addi %rem3A_111, %select_n3A_110 : i32
      %select_n3A_121 = arith.select %and3A_119, %add3A_120, %rem3A_111 : i32
      %dma_start3A_122 = arith.constant 0 : i32
      %dma_start3A_123 = arith.constant 0 : i32
      %dma_start3A_124 = tpu.memref_slice %arg6[%dma_start3A_122, %dma_start3A_123] : memref<40x1024xf32, #tpu.memory_space<vmem>> -> memref<40x896xf32, #tpu.memory_space<vmem>>
      %dma_start3A_125 = arith.constant 0 : i32
      %dma_start3A_126 = tpu.memref_slice %arg4[%select_n3A_105, %select_n3A_121, %dma_start3A_125] : memref<256x200x1000xf32, #tpu.memory_space<hbm>> -> memref<1x40x896xf32, #tpu.memory_space<hbm>>
      %dma_start3A_127 = tpu.memref_squeeze %dma_start3A_126 : memref<1x40x896xf32, #tpu.memory_space<hbm>> -> memref<40x896xf32, #tpu.memory_space<hbm>>
      %dma_start3A_128 = arith.constant 0 : i32
      %dma_start3A_129 = tpu.memref_slice %arg4[%select_n3A_105, %select_n3A_121, %dma_start3A_128] : memref<256x200x1000xf32, #tpu.memory_space<hbm>> -> memref<1x40x896xf32, #tpu.memory_space<hbm>>
      %dma_start3A_130 = tpu.memref_squeeze %dma_start3A_129 : memref<1x40x896xf32, #tpu.memory_space<hbm>> -> memref<40x896xf32, #tpu.memory_space<hbm>>
      %dma_start3A_131 = arith.constant 0 : i32
      %dma_start3A_132 = arith.constant 0 : i32
      %dma_start3A_133 = tpu.memref_slice %arg6[%dma_start3A_131, %dma_start3A_132] : memref<40x1024xf32, #tpu.memory_space<vmem>> -> memref<40x896xf32, #tpu.memory_space<vmem>>
      tpu.enqueue_dma source(%dma_start3A_133 : memref<40x896xf32, #tpu.memory_space<vmem>>) target(%dma_start3A_130 : memref<40x896xf32, #tpu.memory_space<hbm>>) target_semaphore(%arg12 : memref<!tpu.dma_semaphore, #tpu.memory_space<semaphore_mem>>)
      %scan3A_134 = arith.constant 0 : i32
      %scan3A_135 = arith.constant 0 : i32
      %scan3A_136 = arith.constant 40 : i32
      %scan3A_137 = arith.addi %scan3A_135, %scan3A_136 : i32
      %scan3A_138 = arith.constant 1 : i32
      scf.for %scan3A_321 = %scan3A_135 to %scan3A_137 step %scan3A_138  : i32 {
        %get3A = arith.index_cast %scan3A_321 : i32 to index
        %get3A_322 = arith.constant 896 : index
        %get3A_323 = tpu.vector_load %arg6[%get3A, %get3A_322] {strides = array<i32>} : memref<40x1024xf32, #tpu.memory_space<vmem>>, vector<1x16xf32>,
        %get3A_324 = vector.shape_cast %get3A_323 : vector<1x16xf32> to vector<16xf32>
        %swap3A = arith.index_cast %scan3A_321 : i32 to index
        %swap3A_325 = arith.constant 0 : index
        %swap3A_326 = tpu.vector_load %arg8[%swap3A, %swap3A_325] {strides = array<i32>} : memref<40x104xf32, #tpu.memory_space<vmem>>, vector<1x16xf32>,
        %swap3A_327 = vector.shape_cast %swap3A_326 : vector<1x16xf32> to vector<16xf32>
        %swap3A_328 = vector.shape_cast %get3A_324 : vector<16xf32> to vector<1x16xf32>
        tpu.vector_store %arg8[%swap3A, %swap3A_325], %swap3A_328 {strides = array<i32>} : memref<40x104xf32, #tpu.memory_space<vmem>>, vector<1x16xf32>,
        %get3A_329 = arith.index_cast %scan3A_321 : i32 to index
        %get3A_330 = arith.constant 912 : index
        %get3A_331 = tpu.vector_load %arg6[%get3A_329, %get3A_330] {strides = array<i32>} : memref<40x1024xf32, #tpu.memory_space<vmem>>, vector<1x16xf32>,
        %get3A_332 = vector.shape_cast %get3A_331 : vector<1x16xf32> to vector<16xf32>
        %swap3A_333 = arith.index_cast %scan3A_321 : i32 to index
        %swap3A_334 = arith.constant 16 : index
        %swap3A_335 = tpu.vector_load %arg8[%swap3A_333, %swap3A_334] {strides = array<i32>} : memref<40x104xf32, #tpu.memory_space<vmem>>, vector<1x16xf32>,
        %swap3A_336 = vector.shape_cast %swap3A_335 : vector<1x16xf32> to vector<16xf32>
        %swap3A_337 = vector.shape_cast %get3A_332 : vector<16xf32> to vector<1x16xf32>
        tpu.vector_store %arg8[%swap3A_333, %swap3A_334], %swap3A_337 {strides = array<i32>} : memref<40x104xf32, #tpu.memory_space<vmem>>, vector<1x16xf32>,
        %get3A_338 = arith.index_cast %scan3A_321 : i32 to index
        %get3A_339 = arith.constant 928 : index
        %get3A_340 = tpu.vector_load %arg6[%get3A_338, %get3A_339] {strides = array<i32>} : memref<40x1024xf32, #tpu.memory_space<vmem>>, vector<1x16xf32>,
        %get3A_341 = vector.shape_cast %get3A_340 : vector<1x16xf32> to vector<16xf32>
        %swap3A_342 = arith.index_cast %scan3A_321 : i32 to index
        %swap3A_343 = arith.constant 32 : index
        %swap3A_344 = tpu.vector_load %arg8[%swap3A_342, %swap3A_343] {strides = array<i32>} : memref<40x104xf32, #tpu.memory_space<vmem>>, vector<1x16xf32>,
        %swap3A_345 = vector.shape_cast %swap3A_344 : vector<1x16xf32> to vector<16xf32>
        %swap3A_346 = vector.shape_cast %get3A_341 : vector<16xf32> to vector<1x16xf32>
        tpu.vector_store %arg8[%swap3A_342, %swap3A_343], %swap3A_346 {strides = array<i32>} : memref<40x104xf32, #tpu.memory_space<vmem>>, vector<1x16xf32>,
        %get3A_347 = arith.index_cast %scan3A_321 : i32 to index
        %get3A_348 = arith.constant 944 : index
        %get3A_349 = tpu.vector_load %arg6[%get3A_347, %get3A_348] {strides = array<i32>} : memref<40x1024xf32, #tpu.memory_space<vmem>>, vector<1x16xf32>,
        %get3A_350 = vector.shape_cast %get3A_349 : vector<1x16xf32> to vector<16xf32>
        %swap3A_351 = arith.index_cast %scan3A_321 : i32 to index
        %swap3A_352 = arith.constant 48 : index
        %swap3A_353 = tpu.vector_load %arg8[%swap3A_351, %swap3A_352] {strides = array<i32>} : memref<40x104xf32, #tpu.memory_space<vmem>>, vector<1x16xf32>,
        %swap3A_354 = vector.shape_cast %swap3A_353 : vector<1x16xf32> to vector<16xf32>
        %swap3A_355 = vector.shape_cast %get3A_350 : vector<16xf32> to vector<1x16xf32>
        tpu.vector_store %arg8[%swap3A_351, %swap3A_352], %swap3A_355 {strides = array<i32>} : memref<40x104xf32, #tpu.memory_space<vmem>>, vector<1x16xf32>,
        %get3A_356 = arith.index_cast %scan3A_321 : i32 to index
        %get3A_357 = arith.constant 960 : index
        %get3A_358 = tpu.vector_load %arg6[%get3A_356, %get3A_357] {strides = array<i32>} : memref<40x1024xf32, #tpu.memory_space<vmem>>, vector<1x16xf32>,
        %get3A_359 = vector.shape_cast %get3A_358 : vector<1x16xf32> to vector<16xf32>
        %swap3A_360 = arith.index_cast %scan3A_321 : i32 to index
        %swap3A_361 = arith.constant 64 : index
        %swap3A_362 = tpu.vector_load %arg8[%swap3A_360, %swap3A_361] {strides = array<i32>} : memref<40x104xf32, #tpu.memory_space<vmem>>, vector<1x16xf32>,
        %swap3A_363 = vector.shape_cast %swap3A_362 : vector<1x16xf32> to vector<16xf32>
        %swap3A_364 = vector.shape_cast %get3A_359 : vector<16xf32> to vector<1x16xf32>
        tpu.vector_store %arg8[%swap3A_360, %swap3A_361], %swap3A_364 {strides = array<i32>} : memref<40x104xf32, #tpu.memory_space<vmem>>, vector<1x16xf32>,
        %get3A_365 = arith.index_cast %scan3A_321 : i32 to index
        %get3A_366 = arith.constant 976 : index
        %get3A_367 = tpu.vector_load %arg6[%get3A_365, %get3A_366] {strides = array<i32>} : memref<40x1024xf32, #tpu.memory_space<vmem>>, vector<1x16xf32>,
        %get3A_368 = vector.shape_cast %get3A_367 : vector<1x16xf32> to vector<16xf32>
        %swap3A_369 = arith.index_cast %scan3A_321 : i32 to index
        %swap3A_370 = arith.constant 80 : index
        %swap3A_371 = tpu.vector_load %arg8[%swap3A_369, %swap3A_370] {strides = array<i32>} : memref<40x104xf32, #tpu.memory_space<vmem>>, vector<1x16xf32>,
        %swap3A_372 = vector.shape_cast %swap3A_371 : vector<1x16xf32> to vector<16xf32>
        %swap3A_373 = vector.shape_cast %get3A_368 : vector<16xf32> to vector<1x16xf32>
        tpu.vector_store %arg8[%swap3A_369, %swap3A_370], %swap3A_373 {strides = array<i32>} : memref<40x104xf32, #tpu.memory_space<vmem>>, vector<1x16xf32>,
        %get3A_374 = arith.index_cast %scan3A_321 : i32 to index
        %get3A_375 = arith.constant 984 : index
        %get3A_376 = tpu.vector_load %arg6[%get3A_374, %get3A_375] {strides = array<i32>} : memref<40x1024xf32, #tpu.memory_space<vmem>>, vector<1x16xf32>,
        %get3A_377 = vector.shape_cast %get3A_376 : vector<1x16xf32> to vector<16xf32>
        %swap3A_378 = arith.index_cast %scan3A_321 : i32 to index
        %swap3A_379 = arith.constant 88 : index
        %swap3A_380 = tpu.vector_load %arg8[%swap3A_378, %swap3A_379] {strides = array<i32>} : memref<40x104xf32, #tpu.memory_space<vmem>>, vector<1x16xf32>,
        %swap3A_381 = vector.shape_cast %swap3A_380 : vector<1x16xf32> to vector<16xf32>
        %swap3A_382 = vector.shape_cast %get3A_377 : vector<16xf32> to vector<1x16xf32>
        tpu.vector_store %arg8[%swap3A_378, %swap3A_379], %swap3A_382 {strides = array<i32>} : memref<40x104xf32, #tpu.memory_space<vmem>>, vector<1x16xf32>,
      }
      %scan3A_139 = arith.constant 40 : i32
      %mul3A_140 = arith.constant 40 : i32
      %mul3A_141 = arith.muli %mul3A_63, %mul3A_140 : i32
      %add3A_142 = arith.addi %mul3A_2, %mul3A_141 : i32
      %jit3A_143 = arith.constant 200 : i32
      %div3A_144 = arith.divsi %add3A_142, %jit3A_143 : i32
      %sign3A_145 = arith.constant 0 : i32
      %sign3A_146 = arith.cmpi sgt, %add3A_142, %sign3A_145 : i32
      %sign3A_147 = arith.extui %sign3A_146 : i1 to i32
      %sign3A_148 = arith.constant 0 : i32
      %sign3A_149 = arith.cmpi slt, %add3A_142, %sign3A_148 : i32
      %sign3A_150 = arith.extui %sign3A_149 : i1 to i32
      %sign3A_151 = arith.subi %sign3A_147, %sign3A_150 : i32
      %sign3A_152 = arith.constant 0 : i32
      %sign3A_153 = arith.cmpi sgt, %jit3A_143, %sign3A_152 : i32
      %sign3A_154 = arith.extui %sign3A_153 : i1 to i32
      %sign3A_155 = arith.constant 0 : i32
      %sign3A_156 = arith.cmpi slt, %jit3A_143, %sign3A_155 : i32
      %sign3A_157 = arith.extui %sign3A_156 : i1 to i32
      %sign3A_158 = arith.subi %sign3A_154, %sign3A_157 : i32
      %ne3A_159 = arith.cmpi ne, %sign3A_151, %sign3A_158 : i32
      %rem3A_160 = arith.remsi %add3A_142, %jit3A_143 : i32
      %ne3A_161 = arith.constant 0 : i32
      %ne3A_162 = arith.cmpi ne, %rem3A_160, %ne3A_161 : i32
      %and3A_163 = arith.andi %ne3A_159, %ne3A_162 : i1
      %sub3A_164 = arith.constant 1 : i32
      %sub3A_165 = arith.subi %div3A_144, %sub3A_164 : i32
      %select_n3A_166 = arith.select %and3A_163, %sub3A_165, %div3A_144 : i32
      %jit3A_167 = arith.constant 200 : i32
      %eq3A_168 = arith.constant 0 : i32
      %eq3A_169 = arith.cmpi eq, %jit3A_167, %eq3A_168 : i32
      %jit3A_170 = arith.constant 1 : i32
      %select_n3A_171 = arith.select %eq3A_169, %jit3A_170, %jit3A_167 : i32
      %rem3A_172 = arith.remsi %add3A_142, %select_n3A_171 : i32
      %ne3A_173 = arith.constant 0 : i32
      %ne3A_174 = arith.cmpi ne, %rem3A_172, %ne3A_173 : i32
      %lt3A_175 = arith.constant 0 : i32
      %lt3A_176 = arith.cmpi slt, %rem3A_172, %lt3A_175 : i32
      %lt3A_177 = arith.constant 0 : i32
      %lt3A_178 = arith.cmpi slt, %select_n3A_171, %lt3A_177 : i32
      %ne3A_179 = arith.xori %lt3A_176, %lt3A_178 : i1
      %and3A_180 = arith.andi %ne3A_179, %ne3A_174 : i1
      %add3A_181 = arith.addi %rem3A_172, %select_n3A_171 : i32
      %select_n3A_182 = arith.select %and3A_180, %add3A_181, %rem3A_172 : i32
      %dma_start3A_183 = arith.constant 896 : i32
      %dma_start3A_184 = tpu.memref_slice %arg4[%select_n3A_166, %select_n3A_182, %dma_start3A_183] : memref<256x200x1000xf32, #tpu.memory_space<hbm>> -> memref<1x40x104xf32, #tpu.memory_space<hbm>>
      %dma_start3A_185 = tpu.memref_squeeze %dma_start3A_184 : memref<1x40x104xf32, #tpu.memory_space<hbm>> -> memref<40x104xf32, #tpu.memory_space<hbm>>
      %dma_start3A_186 = arith.constant 896 : i32
      %dma_start3A_187 = tpu.memref_slice %arg4[%select_n3A_166, %select_n3A_182, %dma_start3A_186] : memref<256x200x1000xf32, #tpu.memory_space<hbm>> -> memref<1x40x104xf32, #tpu.memory_space<hbm>>
      %dma_start3A_188 = tpu.memref_squeeze %dma_start3A_187 : memref<1x40x104xf32, #tpu.memory_space<hbm>> -> memref<40x104xf32, #tpu.memory_space<hbm>>
      tpu.enqueue_dma source(%arg8 : memref<40x104xf32, #tpu.memory_space<vmem>>) target(%dma_start3A_188 : memref<40x104xf32, #tpu.memory_space<hbm>>) target_semaphore(%arg14 : memref<!tpu.dma_semaphore, #tpu.memory_space<semaphore_mem>>)
      %mul3A_189 = arith.constant 2 : i32
      %mul3A_190 = arith.muli %mul3A_189, %scan3A_61 : i32
      %add3A_191 = arith.constant 1 : i32
      %add3A_192 = arith.addi %mul3A_190, %add3A_191 : i32
      %ge3A_193 = arith.constant 1 : i32
      %ge3A_194 = arith.cmpi sge, %add3A_192, %ge3A_193 : i32
      %convert_element_type3A_195 = arith.extui %ge3A_194 : i1 to i32
      %cond3A_196 = arith.constant 0 : i32
      %cond3A_197 = arith.cmpi ne, %convert_element_type3A_195, %cond3A_196 : i32
      scf.if %cond3A_197 {
        %sub3A_321 = arith.constant 1 : i32
        %sub3A_322 = arith.subi %add3A_192, %sub3A_321 : i32
        %mul3A_323 = arith.constant 40 : i32
        %mul3A_324 = arith.muli %sub3A_322, %mul3A_323 : i32
        %add3A_325 = arith.addi %mul3A_2, %mul3A_324 : i32
        %jit3A_326 = arith.constant 200 : i32
        %div3A_327 = arith.divsi %add3A_325, %jit3A_326 : i32
        %sign3A_328 = arith.constant 0 : i32
        %sign3A_329 = arith.cmpi sgt, %add3A_325, %sign3A_328 : i32
        %sign3A_330 = arith.extui %sign3A_329 : i1 to i32
        %sign3A_331 = arith.constant 0 : i32
        %sign3A_332 = arith.cmpi slt, %add3A_325, %sign3A_331 : i32
        %sign3A_333 = arith.extui %sign3A_332 : i1 to i32
        %sign3A_334 = arith.subi %sign3A_330, %sign3A_333 : i32
        %sign3A_335 = arith.constant 0 : i32
        %sign3A_336 = arith.cmpi sgt, %jit3A_326, %sign3A_335 : i32
        %sign3A_337 = arith.extui %sign3A_336 : i1 to i32
        %sign3A_338 = arith.constant 0 : i32
        %sign3A_339 = arith.cmpi slt, %jit3A_326, %sign3A_338 : i32
        %sign3A_340 = arith.extui %sign3A_339 : i1 to i32
        %sign3A_341 = arith.subi %sign3A_337, %sign3A_340 : i32
        %ne3A_342 = arith.cmpi ne, %sign3A_334, %sign3A_341 : i32
        %rem3A_343 = arith.remsi %add3A_325, %jit3A_326 : i32
        %ne3A_344 = arith.constant 0 : i32
        %ne3A_345 = arith.cmpi ne, %rem3A_343, %ne3A_344 : i32
        %and3A_346 = arith.andi %ne3A_342, %ne3A_345 : i1
        %sub3A_347 = arith.constant 1 : i32
        %sub3A_348 = arith.subi %div3A_327, %sub3A_347 : i32
        %select_n3A_349 = arith.select %and3A_346, %sub3A_348, %div3A_327 : i32
        %jit3A_350 = arith.constant 200 : i32
        %eq3A_351 = arith.constant 0 : i32
        %eq3A_352 = arith.cmpi eq, %jit3A_350, %eq3A_351 : i32
        %jit3A_353 = arith.constant 1 : i32
        %select_n3A_354 = arith.select %eq3A_352, %jit3A_353, %jit3A_350 : i32
        %rem3A_355 = arith.remsi %add3A_325, %select_n3A_354 : i32
        %ne3A_356 = arith.constant 0 : i32
        %ne3A_357 = arith.cmpi ne, %rem3A_355, %ne3A_356 : i32
        %lt3A_358 = arith.constant 0 : i32
        %lt3A_359 = arith.cmpi slt, %rem3A_355, %lt3A_358 : i32
        %lt3A_360 = arith.constant 0 : i32
        %lt3A_361 = arith.cmpi slt, %select_n3A_354, %lt3A_360 : i32
        %ne3A_362 = arith.xori %lt3A_359, %lt3A_361 : i1
        %and3A_363 = arith.andi %ne3A_362, %ne3A_357 : i1
        %add3A_364 = arith.addi %rem3A_355, %select_n3A_354 : i32
        %select_n3A_365 = arith.select %and3A_363, %add3A_364, %rem3A_355 : i32
        %dma_wait3A_366 = arith.constant 0 : i32
        %dma_wait3A_367 = arith.constant 0 : i32
        %dma_wait3A_368 = tpu.memref_slice %arg6[%dma_wait3A_366, %dma_wait3A_367] : memref<40x1024xf32, #tpu.memory_space<vmem>> -> memref<40x896xf32, #tpu.memory_space<vmem>>
        %dma_wait3A_369 = arith.constant 0 : i32
        %dma_wait3A_370 = tpu.memref_slice %arg4[%select_n3A_349, %select_n3A_365, %dma_wait3A_369] : memref<256x200x1000xf32, #tpu.memory_space<hbm>> -> memref<1x40x896xf32, #tpu.memory_space<hbm>>
        %dma_wait3A_371 = tpu.memref_squeeze %dma_wait3A_370 : memref<1x40x896xf32, #tpu.memory_space<hbm>> -> memref<40x896xf32, #tpu.memory_space<hbm>>
        %dma_wait3A_372 = arith.constant 0 : i32
        %dma_wait3A_373 = tpu.memref_slice %arg4[%select_n3A_349, %select_n3A_365, %dma_wait3A_372] : memref<256x200x1000xf32, #tpu.memory_space<hbm>> -> memref<1x40x896xf32, #tpu.memory_space<hbm>>
        %dma_wait3A_374 = tpu.memref_squeeze %dma_wait3A_373 : memref<1x40x896xf32, #tpu.memory_space<hbm>> -> memref<40x896xf32, #tpu.memory_space<hbm>>
        %dma_wait3A_375 = arith.constant 0 : i32
        %dma_wait3A_376 = arith.constant 0 : i32
        %dma_wait3A_377 = tpu.memref_slice %arg6[%dma_wait3A_375, %dma_wait3A_376] : memref<40x1024xf32, #tpu.memory_space<vmem>> -> memref<40x896xf32, #tpu.memory_space<vmem>>
        tpu.wait_dma2 semaphore(%arg12 : memref<!tpu.dma_semaphore, #tpu.memory_space<semaphore_mem>>) src(%dma_wait3A_377 : memref<40x896xf32, #tpu.memory_space<vmem>>) dst(%dma_wait3A_374 : memref<40x896xf32, #tpu.memory_space<hbm>>)
        %dma_wait3A_378 = arith.constant 896 : i32
        %dma_wait3A_379 = tpu.memref_slice %arg4[%select_n3A_349, %select_n3A_365, %dma_wait3A_378] : memref<256x200x1000xf32, #tpu.memory_space<hbm>> -> memref<1x40x104xf32, #tpu.memory_space<hbm>>
        %dma_wait3A_380 = tpu.memref_squeeze %dma_wait3A_379 : memref<1x40x104xf32, #tpu.memory_space<hbm>> -> memref<40x104xf32, #tpu.memory_space<hbm>>
        %dma_wait3A_381 = arith.constant 896 : i32
        %dma_wait3A_382 = tpu.memref_slice %arg4[%select_n3A_349, %select_n3A_365, %dma_wait3A_381] : memref<256x200x1000xf32, #tpu.memory_space<hbm>> -> memref<1x40x104xf32, #tpu.memory_space<hbm>>
        %dma_wait3A_383 = tpu.memref_squeeze %dma_wait3A_382 : memref<1x40x104xf32, #tpu.memory_space<hbm>> -> memref<40x104xf32, #tpu.memory_space<hbm>>
        tpu.wait_dma2 semaphore(%arg14 : memref<!tpu.dma_semaphore, #tpu.memory_space<semaphore_mem>>) src(%arg8 : memref<40x104xf32, #tpu.memory_space<vmem>>) dst(%dma_wait3A_383 : memref<40x104xf32, #tpu.memory_space<hbm>>)
      } else {
      }
      %add3A_198 = arith.constant 1 : i32
      %add3A_199 = arith.addi %add3A_192, %add3A_198 : i32
      %lt3A_200 = arith.constant 40 : i32
      %lt3A_201 = arith.cmpi slt, %add3A_199, %lt3A_200 : i32
      %convert_element_type3A_202 = arith.extui %lt3A_201 : i1 to i32
      %cond3A_203 = arith.constant 0 : i32
      %cond3A_204 = arith.cmpi ne, %convert_element_type3A_202, %cond3A_203 : i32
      scf.if %cond3A_204 {
        %add3A_321 = arith.constant 1 : i32
        %add3A_322 = arith.addi %add3A_192, %add3A_321 : i32
        %mul3A_323 = arith.constant 40 : i32
        %mul3A_324 = arith.muli %add3A_322, %mul3A_323 : i32
        %dma_start3A_325 = tpu.memref_slice %arg5[%mul3A_324] : memref<1600xi32, #tpu.memory_space<vmem>> -> memref<40xi32, #tpu.memory_space<vmem>>
        %dma_start3A_326 = arith.constant 0 : i32
        %dma_start3A_327 = arith.constant 0 : i32
        %dma_start3A_328 = tpu.memref_slice %arg2[%dma_start3A_326, %dma_start3A_327] : memref<1000x1024xf32, #tpu.memory_space<hbm>> -> memref<1000x1024xf32, #tpu.memory_space<hbm>>
        tpu.enqueue_indirect_dma source(%dma_start3A_328 : memref<1000x1024xf32, #tpu.memory_space<hbm>>) target(%arg6 : memref<40x1024xf32, #tpu.memory_space<vmem>>) offsets(%dma_start3A_325 : memref<40xi32, #tpu.memory_space<vmem>>) semaphore(%arg10 : memref<!tpu.dma_semaphore, #tpu.memory_space<semaphore_mem>>)
      } else {
      }
      %mul3A_205 = arith.constant 40 : i32
      %mul3A_206 = arith.muli %add3A_192, %mul3A_205 : i32
      %dma_wait3A_207 = tpu.memref_slice %arg5[%mul3A_206] : memref<1600xi32, #tpu.memory_space<vmem>> -> memref<40xi32, #tpu.memory_space<vmem>>
      %dma_wait3A_208 = arith.constant 0 : i32
      %dma_wait3A_209 = arith.constant 0 : i32
      %dma_wait3A_210 = tpu.memref_slice %arg2[%dma_wait3A_208, %dma_wait3A_209] : memref<1000x1024xf32, #tpu.memory_space<hbm>> -> memref<1000x1024xf32, #tpu.memory_space<hbm>>
      tpu.wait_indirect_dma semaphore(%arg11 : memref<!tpu.dma_semaphore, #tpu.memory_space<semaphore_mem>>) src(%dma_wait3A_210 : memref<1000x1024xf32, #tpu.memory_space<hbm>>) dst(%arg7 : memref<40x1024xf32, #tpu.memory_space<vmem>>)
      %mul3A_211 = arith.constant 40 : i32
      %mul3A_212 = arith.muli %add3A_192, %mul3A_211 : i32
      %add3A_213 = arith.addi %mul3A_2, %mul3A_212 : i32
      %jit3A_214 = arith.constant 200 : i32
      %div3A_215 = arith.divsi %add3A_213, %jit3A_214 : i32
      %sign3A_216 = arith.constant 0 : i32
      %sign3A_217 = arith.cmpi sgt, %add3A_213, %sign3A_216 : i32
      %sign3A_218 = arith.extui %sign3A_217 : i1 to i32
      %sign3A_219 = arith.constant 0 : i32
      %sign3A_220 = arith.cmpi slt, %add3A_213, %sign3A_219 : i32
      %sign3A_221 = arith.extui %sign3A_220 : i1 to i32
      %sign3A_222 = arith.subi %sign3A_218, %sign3A_221 : i32
      %sign3A_223 = arith.constant 0 : i32
      %sign3A_224 = arith.cmpi sgt, %jit3A_214, %sign3A_223 : i32
      %sign3A_225 = arith.extui %sign3A_224 : i1 to i32
      %sign3A_226 = arith.constant 0 : i32
      %sign3A_227 = arith.cmpi slt, %jit3A_214, %sign3A_226 : i32
      %sign3A_228 = arith.extui %sign3A_227 : i1 to i32
      %sign3A_229 = arith.subi %sign3A_225, %sign3A_228 : i32
      %ne3A_230 = arith.cmpi ne, %sign3A_222, %sign3A_229 : i32
      %rem3A_231 = arith.remsi %add3A_213, %jit3A_214 : i32
      %ne3A_232 = arith.constant 0 : i32
      %ne3A_233 = arith.cmpi ne, %rem3A_231, %ne3A_232 : i32
      %and3A_234 = arith.andi %ne3A_230, %ne3A_233 : i1
      %sub3A_235 = arith.constant 1 : i32
      %sub3A_236 = arith.subi %div3A_215, %sub3A_235 : i32
      %select_n3A_237 = arith.select %and3A_234, %sub3A_236, %div3A_215 : i32
      %jit3A_238 = arith.constant 200 : i32
      %eq3A_239 = arith.constant 0 : i32
      %eq3A_240 = arith.cmpi eq, %jit3A_238, %eq3A_239 : i32
      %jit3A_241 = arith.constant 1 : i32
      %select_n3A_242 = arith.select %eq3A_240, %jit3A_241, %jit3A_238 : i32
      %rem3A_243 = arith.remsi %add3A_213, %select_n3A_242 : i32
      %ne3A_244 = arith.constant 0 : i32
      %ne3A_245 = arith.cmpi ne, %rem3A_243, %ne3A_244 : i32
      %lt3A_246 = arith.constant 0 : i32
      %lt3A_247 = arith.cmpi slt, %rem3A_243, %lt3A_246 : i32
      %lt3A_248 = arith.constant 0 : i32
      %lt3A_249 = arith.cmpi slt, %select_n3A_242, %lt3A_248 : i32
      %ne3A_250 = arith.xori %lt3A_247, %lt3A_249 : i1
      %and3A_251 = arith.andi %ne3A_250, %ne3A_245 : i1
      %add3A_252 = arith.addi %rem3A_243, %select_n3A_242 : i32
      %select_n3A_253 = arith.select %and3A_251, %add3A_252, %rem3A_243 : i32
      %dma_start3A_254 = arith.constant 0 : i32
      %dma_start3A_255 = arith.constant 0 : i32
      %dma_start3A_256 = tpu.memref_slice %arg7[%dma_start3A_254, %dma_start3A_255] : memref<40x1024xf32, #tpu.memory_space<vmem>> -> memref<40x896xf32, #tpu.memory_space<vmem>>
      %dma_start3A_257 = arith.constant 0 : i32
      %dma_start3A_258 = tpu.memref_slice %arg4[%select_n3A_237, %select_n3A_253, %dma_start3A_257] : memref<256x200x1000xf32, #tpu.memory_space<hbm>> -> memref<1x40x896xf32, #tpu.memory_space<hbm>>
      %dma_start3A_259 = tpu.memref_squeeze %dma_start3A_258 : memref<1x40x896xf32, #tpu.memory_space<hbm>> -> memref<40x896xf32, #tpu.memory_space<hbm>>
      %dma_start3A_260 = arith.constant 0 : i32
      %dma_start3A_261 = tpu.memref_slice %arg4[%select_n3A_237, %select_n3A_253, %dma_start3A_260] : memref<256x200x1000xf32, #tpu.memory_space<hbm>> -> memref<1x40x896xf32, #tpu.memory_space<hbm>>
      %dma_start3A_262 = tpu.memref_squeeze %dma_start3A_261 : memref<1x40x896xf32, #tpu.memory_space<hbm>> -> memref<40x896xf32, #tpu.memory_space<hbm>>
      %dma_start3A_263 = arith.constant 0 : i32
      %dma_start3A_264 = arith.constant 0 : i32
      %dma_start3A_265 = tpu.memref_slice %arg7[%dma_start3A_263, %dma_start3A_264] : memref<40x1024xf32, #tpu.memory_space<vmem>> -> memref<40x896xf32, #tpu.memory_space<vmem>>
      tpu.enqueue_dma source(%dma_start3A_265 : memref<40x896xf32, #tpu.memory_space<vmem>>) target(%dma_start3A_262 : memref<40x896xf32, #tpu.memory_space<hbm>>) target_semaphore(%arg13 : memref<!tpu.dma_semaphore, #tpu.memory_space<semaphore_mem>>)
      %scan3A_266 = arith.constant 0 : i32
      %scan3A_267 = arith.constant 0 : i32
      %scan3A_268 = arith.constant 40 : i32
      %scan3A_269 = arith.addi %scan3A_267, %scan3A_268 : i32
      %scan3A_270 = arith.constant 1 : i32
      scf.for %scan3A_321 = %scan3A_267 to %scan3A_269 step %scan3A_270  : i32 {
        %get3A = arith.index_cast %scan3A_321 : i32 to index
        %get3A_322 = arith.constant 896 : index
        %get3A_323 = tpu.vector_load %arg7[%get3A, %get3A_322] {strides = array<i32>} : memref<40x1024xf32, #tpu.memory_space<vmem>>, vector<1x16xf32>,
        %get3A_324 = vector.shape_cast %get3A_323 : vector<1x16xf32> to vector<16xf32>
        %swap3A = arith.index_cast %scan3A_321 : i32 to index
        %swap3A_325 = arith.constant 0 : index
        %swap3A_326 = tpu.vector_load %arg9[%swap3A, %swap3A_325] {strides = array<i32>} : memref<40x104xf32, #tpu.memory_space<vmem>>, vector<1x16xf32>,
        %swap3A_327 = vector.shape_cast %swap3A_326 : vector<1x16xf32> to vector<16xf32>
        %swap3A_328 = vector.shape_cast %get3A_324 : vector<16xf32> to vector<1x16xf32>
        tpu.vector_store %arg9[%swap3A, %swap3A_325], %swap3A_328 {strides = array<i32>} : memref<40x104xf32, #tpu.memory_space<vmem>>, vector<1x16xf32>,
        %get3A_329 = arith.index_cast %scan3A_321 : i32 to index
        %get3A_330 = arith.constant 912 : index
        %get3A_331 = tpu.vector_load %arg7[%get3A_329, %get3A_330] {strides = array<i32>} : memref<40x1024xf32, #tpu.memory_space<vmem>>, vector<1x16xf32>,
        %get3A_332 = vector.shape_cast %get3A_331 : vector<1x16xf32> to vector<16xf32>
        %swap3A_333 = arith.index_cast %scan3A_321 : i32 to index
        %swap3A_334 = arith.constant 16 : index
        %swap3A_335 = tpu.vector_load %arg9[%swap3A_333, %swap3A_334] {strides = array<i32>} : memref<40x104xf32, #tpu.memory_space<vmem>>, vector<1x16xf32>,
        %swap3A_336 = vector.shape_cast %swap3A_335 : vector<1x16xf32> to vector<16xf32>
        %swap3A_337 = vector.shape_cast %get3A_332 : vector<16xf32> to vector<1x16xf32>
        tpu.vector_store %arg9[%swap3A_333, %swap3A_334], %swap3A_337 {strides = array<i32>} : memref<40x104xf32, #tpu.memory_space<vmem>>, vector<1x16xf32>,
        %get3A_338 = arith.index_cast %scan3A_321 : i32 to index
        %get3A_339 = arith.constant 928 : index
        %get3A_340 = tpu.vector_load %arg7[%get3A_338, %get3A_339] {strides = array<i32>} : memref<40x1024xf32, #tpu.memory_space<vmem>>, vector<1x16xf32>,
        %get3A_341 = vector.shape_cast %get3A_340 : vector<1x16xf32> to vector<16xf32>
        %swap3A_342 = arith.index_cast %scan3A_321 : i32 to index
        %swap3A_343 = arith.constant 32 : index
        %swap3A_344 = tpu.vector_load %arg9[%swap3A_342, %swap3A_343] {strides = array<i32>} : memref<40x104xf32, #tpu.memory_space<vmem>>, vector<1x16xf32>,
        %swap3A_345 = vector.shape_cast %swap3A_344 : vector<1x16xf32> to vector<16xf32>
        %swap3A_346 = vector.shape_cast %get3A_341 : vector<16xf32> to vector<1x16xf32>
        tpu.vector_store %arg9[%swap3A_342, %swap3A_343], %swap3A_346 {strides = array<i32>} : memref<40x104xf32, #tpu.memory_space<vmem>>, vector<1x16xf32>,
        %get3A_347 = arith.index_cast %scan3A_321 : i32 to index
        %get3A_348 = arith.constant 944 : index
        %get3A_349 = tpu.vector_load %arg7[%get3A_347, %get3A_348] {strides = array<i32>} : memref<40x1024xf32, #tpu.memory_space<vmem>>, vector<1x16xf32>,
        %get3A_350 = vector.shape_cast %get3A_349 : vector<1x16xf32> to vector<16xf32>
        %swap3A_351 = arith.index_cast %scan3A_321 : i32 to index
        %swap3A_352 = arith.constant 48 : index
        %swap3A_353 = tpu.vector_load %arg9[%swap3A_351, %swap3A_352] {strides = array<i32>} : memref<40x104xf32, #tpu.memory_space<vmem>>, vector<1x16xf32>,
        %swap3A_354 = vector.shape_cast %swap3A_353 : vector<1x16xf32> to vector<16xf32>
        %swap3A_355 = vector.shape_cast %get3A_350 : vector<16xf32> to vector<1x16xf32>
        tpu.vector_store %arg9[%swap3A_351, %swap3A_352], %swap3A_355 {strides = array<i32>} : memref<40x104xf32, #tpu.memory_space<vmem>>, vector<1x16xf32>,
        %get3A_356 = arith.index_cast %scan3A_321 : i32 to index
        %get3A_357 = arith.constant 960 : index
        %get3A_358 = tpu.vector_load %arg7[%get3A_356, %get3A_357] {strides = array<i32>} : memref<40x1024xf32, #tpu.memory_space<vmem>>, vector<1x16xf32>,
        %get3A_359 = vector.shape_cast %get3A_358 : vector<1x16xf32> to vector<16xf32>
        %swap3A_360 = arith.index_cast %scan3A_321 : i32 to index
        %swap3A_361 = arith.constant 64 : index
        %swap3A_362 = tpu.vector_load %arg9[%swap3A_360, %swap3A_361] {strides = array<i32>} : memref<40x104xf32, #tpu.memory_space<vmem>>, vector<1x16xf32>,
        %swap3A_363 = vector.shape_cast %swap3A_362 : vector<1x16xf32> to vector<16xf32>
        %swap3A_364 = vector.shape_cast %get3A_359 : vector<16xf32> to vector<1x16xf32>
        tpu.vector_store %arg9[%swap3A_360, %swap3A_361], %swap3A_364 {strides = array<i32>} : memref<40x104xf32, #tpu.memory_space<vmem>>, vector<1x16xf32>,
        %get3A_365 = arith.index_cast %scan3A_321 : i32 to index
        %get3A_366 = arith.constant 976 : index
        %get3A_367 = tpu.vector_load %arg7[%get3A_365, %get3A_366] {strides = array<i32>} : memref<40x1024xf32, #tpu.memory_space<vmem>>, vector<1x16xf32>,
        %get3A_368 = vector.shape_cast %get3A_367 : vector<1x16xf32> to vector<16xf32>
        %swap3A_369 = arith.index_cast %scan3A_321 : i32 to index
        %swap3A_370 = arith.constant 80 : index
        %swap3A_371 = tpu.vector_load %arg9[%swap3A_369, %swap3A_370] {strides = array<i32>} : memref<40x104xf32, #tpu.memory_space<vmem>>, vector<1x16xf32>,
        %swap3A_372 = vector.shape_cast %swap3A_371 : vector<1x16xf32> to vector<16xf32>
        %swap3A_373 = vector.shape_cast %get3A_368 : vector<16xf32> to vector<1x16xf32>
        tpu.vector_store %arg9[%swap3A_369, %swap3A_370], %swap3A_373 {strides = array<i32>} : memref<40x104xf32, #tpu.memory_space<vmem>>, vector<1x16xf32>,
        %get3A_374 = arith.index_cast %scan3A_321 : i32 to index
        %get3A_375 = arith.constant 984 : index
        %get3A_376 = tpu.vector_load %arg7[%get3A_374, %get3A_375] {strides = array<i32>} : memref<40x1024xf32, #tpu.memory_space<vmem>>, vector<1x16xf32>,
        %get3A_377 = vector.shape_cast %get3A_376 : vector<1x16xf32> to vector<16xf32>
        %swap3A_378 = arith.index_cast %scan3A_321 : i32 to index
        %swap3A_379 = arith.constant 88 : index
        %swap3A_380 = tpu.vector_load %arg9[%swap3A_378, %swap3A_379] {strides = array<i32>} : memref<40x104xf32, #tpu.memory_space<vmem>>, vector<1x16xf32>,
        %swap3A_381 = vector.shape_cast %swap3A_380 : vector<1x16xf32> to vector<16xf32>
        %swap3A_382 = vector.shape_cast %get3A_377 : vector<16xf32> to vector<1x16xf32>
        tpu.vector_store %arg9[%swap3A_378, %swap3A_379], %swap3A_382 {strides = array<i32>} : memref<40x104xf32, #tpu.memory_space<vmem>>, vector<1x16xf32>,
      }
      %scan3A_271 = arith.constant 40 : i32
      %mul3A_272 = arith.constant 40 : i32
      %mul3A_273 = arith.muli %add3A_192, %mul3A_272 : i32
      %add3A_274 = arith.addi %mul3A_2, %mul3A_273 : i32
      %jit3A_275 = arith.constant 200 : i32
      %div3A_276 = arith.divsi %add3A_274, %jit3A_275 : i32
      %sign3A_277 = arith.constant 0 : i32
      %sign3A_278 = arith.cmpi sgt, %add3A_274, %sign3A_277 : i32
      %sign3A_279 = arith.extui %sign3A_278 : i1 to i32
      %sign3A_280 = arith.constant 0 : i32
      %sign3A_281 = arith.cmpi slt, %add3A_274, %sign3A_280 : i32
      %sign3A_282 = arith.extui %sign3A_281 : i1 to i32
      %sign3A_283 = arith.subi %sign3A_279, %sign3A_282 : i32
      %sign3A_284 = arith.constant 0 : i32
      %sign3A_285 = arith.cmpi sgt, %jit3A_275, %sign3A_284 : i32
      %sign3A_286 = arith.extui %sign3A_285 : i1 to i32
      %sign3A_287 = arith.constant 0 : i32
      %sign3A_288 = arith.cmpi slt, %jit3A_275, %sign3A_287 : i32
      %sign3A_289 = arith.extui %sign3A_288 : i1 to i32
      %sign3A_290 = arith.subi %sign3A_286, %sign3A_289 : i32
      %ne3A_291 = arith.cmpi ne, %sign3A_283, %sign3A_290 : i32
      %rem3A_292 = arith.remsi %add3A_274, %jit3A_275 : i32
      %ne3A_293 = arith.constant 0 : i32
      %ne3A_294 = arith.cmpi ne, %rem3A_292, %ne3A_293 : i32
      %and3A_295 = arith.andi %ne3A_291, %ne3A_294 : i1
      %sub3A_296 = arith.constant 1 : i32
      %sub3A_297 = arith.subi %div3A_276, %sub3A_296 : i32
      %select_n3A_298 = arith.select %and3A_295, %sub3A_297, %div3A_276 : i32
      %jit3A_299 = arith.constant 200 : i32
      %eq3A_300 = arith.constant 0 : i32
      %eq3A_301 = arith.cmpi eq, %jit3A_299, %eq3A_300 : i32
      %jit3A_302 = arith.constant 1 : i32
      %select_n3A_303 = arith.select %eq3A_301, %jit3A_302, %jit3A_299 : i32
      %rem3A_304 = arith.remsi %add3A_274, %select_n3A_303 : i32
      %ne3A_305 = arith.constant 0 : i32
      %ne3A_306 = arith.cmpi ne, %rem3A_304, %ne3A_305 : i32
      %lt3A_307 = arith.constant 0 : i32
      %lt3A_308 = arith.cmpi slt, %rem3A_304, %lt3A_307 : i32
      %lt3A_309 = arith.constant 0 : i32
      %lt3A_310 = arith.cmpi slt, %select_n3A_303, %lt3A_309 : i32
      %ne3A_311 = arith.xori %lt3A_308, %lt3A_310 : i1
      %and3A_312 = arith.andi %ne3A_311, %ne3A_306 : i1
      %add3A_313 = arith.addi %rem3A_304, %select_n3A_303 : i32
      %select_n3A_314 = arith.select %and3A_312, %add3A_313, %rem3A_304 : i32
      %dma_start3A_315 = arith.constant 896 : i32
      %dma_start3A_316 = tpu.memref_slice %arg4[%select_n3A_298, %select_n3A_314, %dma_start3A_315] : memref<256x200x1000xf32, #tpu.memory_space<hbm>> -> memref<1x40x104xf32, #tpu.memory_space<hbm>>
      %dma_start3A_317 = tpu.memref_squeeze %dma_start3A_316 : memref<1x40x104xf32, #tpu.memory_space<hbm>> -> memref<40x104xf32, #tpu.memory_space<hbm>>
      %dma_start3A_318 = arith.constant 896 : i32
      %dma_start3A_319 = tpu.memref_slice %arg4[%select_n3A_298, %select_n3A_314, %dma_start3A_318] : memref<256x200x1000xf32, #tpu.memory_space<hbm>> -> memref<1x40x104xf32, #tpu.memory_space<hbm>>
      %dma_start3A_320 = tpu.memref_squeeze %dma_start3A_319 : memref<1x40x104xf32, #tpu.memory_space<hbm>> -> memref<40x104xf32, #tpu.memory_space<hbm>>
      tpu.enqueue_dma source(%arg9 : memref<40x104xf32, #tpu.memory_space<vmem>>) target(%dma_start3A_320 : memref<40x104xf32, #tpu.memory_space<hbm>>) target_semaphore(%arg15 : memref<!tpu.dma_semaphore, #tpu.memory_space<semaphore_mem>>)
    }
    %scan3A_11 = arith.constant 20 : i32
    %add3A_12 = arith.constant 1560 : i32
    %add3A_13 = arith.addi %mul3A_2, %add3A_12 : i32
    %jit3A = arith.constant 200 : i32
    %div3A = arith.divsi %add3A_13, %jit3A : i32
    %sign3A = arith.constant 0 : i32
    %sign3A_14 = arith.cmpi sgt, %add3A_13, %sign3A : i32
    %sign3A_15 = arith.extui %sign3A_14 : i1 to i32
    %sign3A_16 = arith.constant 0 : i32
    %sign3A_17 = arith.cmpi slt, %add3A_13, %sign3A_16 : i32
    %sign3A_18 = arith.extui %sign3A_17 : i1 to i32
    %sign3A_19 = arith.subi %sign3A_15, %sign3A_18 : i32
    %sign3A_20 = arith.constant 0 : i32
    %sign3A_21 = arith.cmpi sgt, %jit3A, %sign3A_20 : i32
    %sign3A_22 = arith.extui %sign3A_21 : i1 to i32
    %sign3A_23 = arith.constant 0 : i32
    %sign3A_24 = arith.cmpi slt, %jit3A, %sign3A_23 : i32
    %sign3A_25 = arith.extui %sign3A_24 : i1 to i32
    %sign3A_26 = arith.subi %sign3A_22, %sign3A_25 : i32
    %ne3A = arith.cmpi ne, %sign3A_19, %sign3A_26 : i32
    %rem3A = arith.remsi %add3A_13, %jit3A : i32
    %ne3A_27 = arith.constant 0 : i32
    %ne3A_28 = arith.cmpi ne, %rem3A, %ne3A_27 : i32
    %and3A = arith.andi %ne3A, %ne3A_28 : i1
    %sub3A = arith.constant 1 : i32
    %sub3A_29 = arith.subi %div3A, %sub3A : i32
    %select_n3A = arith.select %and3A, %sub3A_29, %div3A : i32
    %jit3A_30 = arith.constant 200 : i32
    %eq3A = arith.constant 0 : i32
    %eq3A_31 = arith.cmpi eq, %jit3A_30, %eq3A : i32
    %jit3A_32 = arith.constant 1 : i32
    %select_n3A_33 = arith.select %eq3A_31, %jit3A_32, %jit3A_30 : i32
    %rem3A_34 = arith.remsi %add3A_13, %select_n3A_33 : i32
    %ne3A_35 = arith.constant 0 : i32
    %ne3A_36 = arith.cmpi ne, %rem3A_34, %ne3A_35 : i32
    %lt3A = arith.constant 0 : i32
    %lt3A_37 = arith.cmpi slt, %rem3A_34, %lt3A : i32
    %lt3A_38 = arith.constant 0 : i32
    %lt3A_39 = arith.cmpi slt, %select_n3A_33, %lt3A_38 : i32
    %ne3A_40 = arith.xori %lt3A_37, %lt3A_39 : i1
    %and3A_41 = arith.andi %ne3A_40, %ne3A_36 : i1
    %add3A_42 = arith.addi %rem3A_34, %select_n3A_33 : i32
    %select_n3A_43 = arith.select %and3A_41, %add3A_42, %rem3A_34 : i32
    %dma_wait3A = arith.constant 0 : i32
    %dma_wait3A_44 = arith.constant 0 : i32
    %dma_wait3A_45 = tpu.memref_slice %arg7[%dma_wait3A, %dma_wait3A_44] : memref<40x1024xf32, #tpu.memory_space<vmem>> -> memref<40x896xf32, #tpu.memory_space<vmem>>
    %dma_wait3A_46 = arith.constant 0 : i32
    %dma_wait3A_47 = tpu.memref_slice %arg4[%select_n3A, %select_n3A_43, %dma_wait3A_46] : memref<256x200x1000xf32, #tpu.memory_space<hbm>> -> memref<1x40x896xf32, #tpu.memory_space<hbm>>
    %dma_wait3A_48 = tpu.memref_squeeze %dma_wait3A_47 : memref<1x40x896xf32, #tpu.memory_space<hbm>> -> memref<40x896xf32, #tpu.memory_space<hbm>>
    %dma_wait3A_49 = arith.constant 0 : i32
    %dma_wait3A_50 = tpu.memref_slice %arg4[%select_n3A, %select_n3A_43, %dma_wait3A_49] : memref<256x200x1000xf32, #tpu.memory_space<hbm>> -> memref<1x40x896xf32, #tpu.memory_space<hbm>>
    %dma_wait3A_51 = tpu.memref_squeeze %dma_wait3A_50 : memref<1x40x896xf32, #tpu.memory_space<hbm>> -> memref<40x896xf32, #tpu.memory_space<hbm>>
    %dma_wait3A_52 = arith.constant 0 : i32
    %dma_wait3A_53 = arith.constant 0 : i32
    %dma_wait3A_54 = tpu.memref_slice %arg7[%dma_wait3A_52, %dma_wait3A_53] : memref<40x1024xf32, #tpu.memory_space<vmem>> -> memref<40x896xf32, #tpu.memory_space<vmem>>
    tpu.wait_dma2 semaphore(%arg13 : memref<!tpu.dma_semaphore, #tpu.memory_space<semaphore_mem>>) src(%dma_wait3A_54 : memref<40x896xf32, #tpu.memory_space<vmem>>) dst(%dma_wait3A_51 : memref<40x896xf32, #tpu.memory_space<hbm>>)
    %dma_wait3A_55 = arith.constant 896 : i32
    %dma_wait3A_56 = tpu.memref_slice %arg4[%select_n3A, %select_n3A_43, %dma_wait3A_55] : memref<256x200x1000xf32, #tpu.memory_space<hbm>> -> memref<1x40x104xf32, #tpu.memory_space<hbm>>
    %dma_wait3A_57 = tpu.memref_squeeze %dma_wait3A_56 : memref<1x40x104xf32, #tpu.memory_space<hbm>> -> memref<40x104xf32, #tpu.memory_space<hbm>>
    %dma_wait3A_58 = arith.constant 896 : i32
    %dma_wait3A_59 = tpu.memref_slice %arg4[%select_n3A, %select_n3A_43, %dma_wait3A_58] : memref<256x200x1000xf32, #tpu.memory_space<hbm>> -> memref<1x40x104xf32, #tpu.memory_space<hbm>>
    %dma_wait3A_60 = tpu.memref_squeeze %dma_wait3A_59 : memref<1x40x104xf32, #tpu.memory_space<hbm>> -> memref<40x104xf32, #tpu.memory_space<hbm>>
    tpu.wait_dma2 semaphore(%arg15 : memref<!tpu.dma_semaphore, #tpu.memory_space<semaphore_mem>>) src(%arg9 : memref<40x104xf32, #tpu.memory_space<vmem>>) dst(%dma_wait3A_60 : memref<40x104xf32, #tpu.memory_space<hbm>>)
    return
  }
}

#map = affine_map<(d0, d1) -> (0, 0)>
#map1 = affine_map<(d0, d1) -> (0)>
#map2 = affine_map<(d0, d1) -> (0, 0, 0)>
module attributes {stable_mosaic.version = 14 : i64} {
  func.func @_gather_body(%arg0: i32, %arg1: i32, %arg2: memref<1000x1024xf32, #tpu.memory_space<hbm>>, %arg3: memref<51200xi32, #tpu.memory_space<hbm>>, %arg4: memref<256x200x1000xf32, #tpu.memory_space<hbm>>, %arg5: memref<1600xi32, #tpu.memory_space<vmem>>, %arg6: memref<40x1024xf32, #tpu.memory_space<vmem>>, %arg7: memref<40x1024xf32, #tpu.memory_space<vmem>>, %arg8: memref<40x104xf32, #tpu.memory_space<vmem>>, %arg9: memref<40x104xf32, #tpu.memory_space<vmem>>, %arg10: memref<!tpu.dma_semaphore, #tpu.memory_space<semaphore_mem>>, %arg11: memref<!tpu.dma_semaphore, #tpu.memory_space<semaphore_mem>>, %arg12: memref<!tpu.dma_semaphore, #tpu.memory_space<semaphore_mem>>, %arg13: memref<!tpu.dma_semaphore, #tpu.memory_space<semaphore_mem>>, %arg14: memref<!tpu.dma_semaphore, #tpu.memory_space<semaphore_mem>>, %arg15: memref<!tpu.dma_semaphore, #tpu.memory_space<semaphore_mem>>) attributes {dimension_semantics = [#tpu.dimension_semantics<core_parallel>, #tpu.dimension_semantics<subcore_parallel>], iteration_bounds = array<i64: 2, 16>, scalar_prefetch = 0 : i64, scratch_operands = 11 : i64, tpu.core_type = #tpu.core_type<sc_vector_subcore>, window_params = [{transform_indices = #map}, {transform_indices = #map1}, {transform_indices = #map2}]} {
    %mul3A = arith.constant 2 : i32
    %mul3A_0 = arith.muli %arg1, %mul3A : i32
    %add3A = arith.addi %mul3A_0, %arg0 : i32
    %mul3A_1 = arith.constant 1600 : i32
    %mul3A_2 = arith.muli %add3A, %mul3A_1 : i32
    "tpu.region"() ({
      %run_scoped3A = tpu.sem_alloc : memref<!tpu.dma_semaphore, #tpu.memory_space<semaphore_mem>>
      %dma_start3A_61 = tpu.memref_slice %arg3[%mul3A_2] : memref<51200xi32, #tpu.memory_space<hbm>> -> memref<1600xi32, #tpu.memory_space<hbm>>
      %dma_start3A_62 = tpu.memref_slice %arg3[%mul3A_2] : memref<51200xi32, #tpu.memory_space<hbm>> -> memref<1600xi32, #tpu.memory_space<hbm>>
      tpu.enqueue_dma source(%dma_start3A_62 : memref<1600xi32, #tpu.memory_space<hbm>>) target(%arg5 : memref<1600xi32, #tpu.memory_space<vmem>>) target_semaphore(%run_scoped3A : memref<!tpu.dma_semaphore, #tpu.memory_space<semaphore_mem>>)
      %dma_wait3A_63 = tpu.memref_slice %arg3[%mul3A_2] : memref<51200xi32, #tpu.memory_space<hbm>> -> memref<1600xi32, #tpu.memory_space<hbm>>
      %dma_wait3A_64 = tpu.memref_slice %arg3[%mul3A_2] : memref<51200xi32, #tpu.memory_space<hbm>> -> memref<1600xi32, #tpu.memory_space<hbm>>
      tpu.wait_dma2 semaphore(%run_scoped3A : memref<!tpu.dma_semaphore, #tpu.memory_space<semaphore_mem>>) src(%dma_wait3A_64 : memref<1600xi32, #tpu.memory_space<hbm>>) dst(%arg5 : memref<1600xi32, #tpu.memory_space<vmem>>)
      tpu.yield
    }) : () -> ()
    %dma_start3A = arith.constant 0 : i32
    %dma_start3A_3 = tpu.memref_slice %arg5[%dma_start3A] : memref<1600xi32, #tpu.memory_space<vmem>> -> memref<40xi32, #tpu.memory_space<vmem>>
    %dma_start3A_4 = arith.constant 0 : i32
    %dma_start3A_5 = arith.constant 0 : i32
    %dma_start3A_6 = tpu.memref_slice %arg2[%dma_start3A_4, %dma_start3A_5] : memref<1000x1024xf32, #tpu.memory_space<hbm>> -> memref<1000x1024xf32, #tpu.memory_space<hbm>>
    tpu.enqueue_indirect_dma source(%dma_start3A_6 : memref<1000x1024xf32, #tpu.memory_space<hbm>>) target(%arg6 : memref<40x1024xf32, #tpu.memory_space<vmem>>) offsets(%dma_start3A_3 : memref<40xi32, #tpu.memory_space<vmem>>) semaphore(%arg10 : memref<!tpu.dma_semaphore, #tpu.memory_space<semaphore_mem>>)
    %scan3A = arith.constant 0 : i32
    %scan3A_7 = arith.constant 0 : i32
    %scan3A_8 = arith.constant 20 : i32
    %scan3A_9 = arith.addi %scan3A_7, %scan3A_8 : i32
    %scan3A_10 = arith.constant 1 : i32
    scf.for %scan3A_61 = %scan3A_7 to %scan3A_9 step %scan3A_10  : i32 {
      %mul3A_62 = arith.constant 2 : i32
      %mul3A_63 = arith.muli %mul3A_62, %scan3A_61 : i32
      %ge3A = arith.constant 1 : i32
      %ge3A_64 = arith.cmpi sge, %mul3A_63, %ge3A : i32
      %convert_element_type3A = arith.extui %ge3A_64 : i1 to i32
      %cond3A = arith.constant 0 : i32
      %cond3A_65 = arith.cmpi ne, %convert_element_type3A, %cond3A : i32
      scf.if %cond3A_65 {
        %sub3A_321 = arith.constant 1 : i32
        %sub3A_322 = arith.subi %mul3A_63, %sub3A_321 : i32
        %mul3A_323 = arith.constant 40 : i32
        %mul3A_324 = arith.muli %sub3A_322, %mul3A_323 : i32
        %add3A_325 = arith.addi %mul3A_2, %mul3A_324 : i32
        %jit3A_326 = arith.constant 200 : i32
        %div3A_327 = arith.divsi %add3A_325, %jit3A_326 : i32
        %sign3A_328 = arith.constant 0 : i32
        %sign3A_329 = arith.cmpi sgt, %add3A_325, %sign3A_328 : i32
        %sign3A_330 = arith.extui %sign3A_329 : i1 to i32
        %sign3A_331 = arith.constant 0 : i32
        %sign3A_332 = arith.cmpi slt, %add3A_325, %sign3A_331 : i32
        %sign3A_333 = arith.extui %sign3A_332 : i1 to i32
        %sign3A_334 = arith.subi %sign3A_330, %sign3A_333 : i32
        %sign3A_335 = arith.constant 0 : i32
        %sign3A_336 = arith.cmpi sgt, %jit3A_326, %sign3A_335 : i32
        %sign3A_337 = arith.extui %sign3A_336 : i1 to i32
        %sign3A_338 = arith.constant 0 : i32
        %sign3A_339 = arith.cmpi slt, %jit3A_326, %sign3A_338 : i32
        %sign3A_340 = arith.extui %sign3A_339 : i1 to i32
        %sign3A_341 = arith.subi %sign3A_337, %sign3A_340 : i32
        %ne3A_342 = arith.cmpi ne, %sign3A_334, %sign3A_341 : i32
        %rem3A_343 = arith.remsi %add3A_325, %jit3A_326 : i32
        %ne3A_344 = arith.constant 0 : i32
        %ne3A_345 = arith.cmpi ne, %rem3A_343, %ne3A_344 : i32
        %and3A_346 = arith.andi %ne3A_342, %ne3A_345 : i1
        %sub3A_347 = arith.constant 1 : i32
        %sub3A_348 = arith.subi %div3A_327, %sub3A_347 : i32
        %select_n3A_349 = arith.select %and3A_346, %sub3A_348, %div3A_327 : i32
        %jit3A_350 = arith.constant 200 : i32
        %eq3A_351 = arith.constant 0 : i32
        %eq3A_352 = arith.cmpi eq, %jit3A_350, %eq3A_351 : i32
        %jit3A_353 = arith.constant 1 : i32
        %select_n3A_354 = arith.select %eq3A_352, %jit3A_353, %jit3A_350 : i32
        %rem3A_355 = arith.remsi %add3A_325, %select_n3A_354 : i32
        %ne3A_356 = arith.constant 0 : i32
        %ne3A_357 = arith.cmpi ne, %rem3A_355, %ne3A_356 : i32
        %lt3A_358 = arith.constant 0 : i32
        %lt3A_359 = arith.cmpi slt, %rem3A_355, %lt3A_358 : i32
        %lt3A_360 = arith.constant 0 : i32
        %lt3A_361 = arith.cmpi slt, %select_n3A_354, %lt3A_360 : i32
        %ne3A_362 = arith.xori %lt3A_359, %lt3A_361 : i1
        %and3A_363 = arith.andi %ne3A_362, %ne3A_357 : i1
        %add3A_364 = arith.addi %rem3A_355, %select_n3A_354 : i32
        %select_n3A_365 = arith.select %and3A_363, %add3A_364, %rem3A_355 : i32
        %dma_wait3A_366 = arith.constant 0 : i32
        %dma_wait3A_367 = arith.constant 0 : i32
        %dma_wait3A_368 = tpu.memref_slice %arg7[%dma_wait3A_366, %dma_wait3A_367] : memref<40x1024xf32, #tpu.memory_space<vmem>> -> memref<40x896xf32, #tpu.memory_space<vmem>>
        %dma_wait3A_369 = arith.constant 0 : i32
        %dma_wait3A_370 = tpu.memref_slice %arg4[%select_n3A_349, %select_n3A_365, %dma_wait3A_369] : memref<256x200x1000xf32, #tpu.memory_space<hbm>> -> memref<1x40x896xf32, #tpu.memory_space<hbm>>
        %dma_wait3A_371 = tpu.memref_squeeze %dma_wait3A_370 : memref<1x40x896xf32, #tpu.memory_space<hbm>> -> memref<40x896xf32, #tpu.memory_space<hbm>>
        %dma_wait3A_372 = arith.constant 0 : i32
        %dma_wait3A_373 = tpu.memref_slice %arg4[%select_n3A_349, %select_n3A_365, %dma_wait3A_372] : memref<256x200x1000xf32, #tpu.memory_space<hbm>> -> memref<1x40x896xf32, #tpu.memory_space<hbm>>
        %dma_wait3A_374 = tpu.memref_squeeze %dma_wait3A_373 : memref<1x40x896xf32, #tpu.memory_space<hbm>> -> memref<40x896xf32, #tpu.memory_space<hbm>>
        %dma_wait3A_375 = arith.constant 0 : i32
        %dma_wait3A_376 = arith.constant 0 : i32
        %dma_wait3A_377 = tpu.memref_slice %arg7[%dma_wait3A_375, %dma_wait3A_376] : memref<40x1024xf32, #tpu.memory_space<vmem>> -> memref<40x896xf32, #tpu.memory_space<vmem>>
        tpu.wait_dma2 semaphore(%arg13 : memref<!tpu.dma_semaphore, #tpu.memory_space<semaphore_mem>>) src(%dma_wait3A_377 : memref<40x896xf32, #tpu.memory_space<vmem>>) dst(%dma_wait3A_374 : memref<40x896xf32, #tpu.memory_space<hbm>>)
        %dma_wait3A_378 = arith.constant 896 : i32
        %dma_wait3A_379 = tpu.memref_slice %arg4[%select_n3A_349, %select_n3A_365, %dma_wait3A_378] : memref<256x200x1000xf32, #tpu.memory_space<hbm>> -> memref<1x40x104xf32, #tpu.memory_space<hbm>>
        %dma_wait3A_380 = tpu.memref_squeeze %dma_wait3A_379 : memref<1x40x104xf32, #tpu.memory_space<hbm>> -> memref<40x104xf32, #tpu.memory_space<hbm>>
        %dma_wait3A_381 = arith.constant 896 : i32
        %dma_wait3A_382 = tpu.memref_slice %arg4[%select_n3A_349, %select_n3A_365, %dma_wait3A_381] : memref<256x200x1000xf32, #tpu.memory_space<hbm>> -> memref<1x40x104xf32, #tpu.memory_space<hbm>>
        %dma_wait3A_383 = tpu.memref_squeeze %dma_wait3A_382 : memref<1x40x104xf32, #tpu.memory_space<hbm>> -> memref<40x104xf32, #tpu.memory_space<hbm>>
        tpu.wait_dma2 semaphore(%arg15 : memref<!tpu.dma_semaphore, #tpu.memory_space<semaphore_mem>>) src(%arg9 : memref<40x104xf32, #tpu.memory_space<vmem>>) dst(%dma_wait3A_383 : memref<40x104xf32, #tpu.memory_space<hbm>>)
      } else {
      }
      %add3A_66 = arith.constant 1 : i32
      %add3A_67 = arith.addi %mul3A_63, %add3A_66 : i32
      %lt3A_68 = arith.constant 40 : i32
      %lt3A_69 = arith.cmpi slt, %add3A_67, %lt3A_68 : i32
      %convert_element_type3A_70 = arith.extui %lt3A_69 : i1 to i32
      %cond3A_71 = arith.constant 0 : i32
      %cond3A_72 = arith.cmpi ne, %convert_element_type3A_70, %cond3A_71 : i32
      scf.if %cond3A_72 {
        %add3A_321 = arith.constant 1 : i32
        %add3A_322 = arith.addi %mul3A_63, %add3A_321 : i32
        %mul3A_323 = arith.constant 40 : i32
        %mul3A_324 = arith.muli %add3A_322, %mul3A_323 : i32
        %dma_start3A_325 = tpu.memref_slice %arg5[%mul3A_324] : memref<1600xi32, #tpu.memory_space<vmem>> -> memref<40xi32, #tpu.memory_space<vmem>>
        %dma_start3A_326 = arith.constant 0 : i32
        %dma_start3A_327 = arith.constant 0 : i32
        %dma_start3A_328 = tpu.memref_slice %arg2[%dma_start3A_326, %dma_start3A_327] : memref<1000x1024xf32, #tpu.memory_space<hbm>> -> memref<1000x1024xf32, #tpu.memory_space<hbm>>
        tpu.enqueue_indirect_dma source(%dma_start3A_328 : memref<1000x1024xf32, #tpu.memory_space<hbm>>) target(%arg7 : memref<40x1024xf32, #tpu.memory_space<vmem>>) offsets(%dma_start3A_325 : memref<40xi32, #tpu.memory_space<vmem>>) semaphore(%arg11 : memref<!tpu.dma_semaphore, #tpu.memory_space<semaphore_mem>>)
      } else {
      }
      %mul3A_73 = arith.constant 40 : i32
      %mul3A_74 = arith.muli %mul3A_63, %mul3A_73 : i32
      %dma_wait3A_75 = tpu.memref_slice %arg5[%mul3A_74] : memref<1600xi32, #tpu.memory_space<vmem>> -> memref<40xi32, #tpu.memory_space<vmem>>
      %dma_wait3A_76 = arith.constant 0 : i32
      %dma_wait3A_77 = arith.constant 0 : i32
      %dma_wait3A_78 = tpu.memref_slice %arg2[%dma_wait3A_76, %dma_wait3A_77] : memref<1000x1024xf32, #tpu.memory_space<hbm>> -> memref<1000x1024xf32, #tpu.memory_space<hbm>>
      tpu.wait_indirect_dma semaphore(%arg10 : memref<!tpu.dma_semaphore, #tpu.memory_space<semaphore_mem>>) src(%dma_wait3A_78 : memref<1000x1024xf32, #tpu.memory_space<hbm>>) dst(%arg6 : memref<40x1024xf32, #tpu.memory_space<vmem>>)
      %mul3A_79 = arith.constant 40 : i32
      %mul3A_80 = arith.muli %mul3A_63, %mul3A_79 : i32
      %add3A_81 = arith.addi %mul3A_2, %mul3A_80 : i32
      %jit3A_82 = arith.constant 200 : i32
      %div3A_83 = arith.divsi %add3A_81, %jit3A_82 : i32
      %sign3A_84 = arith.constant 0 : i32
      %sign3A_85 = arith.cmpi sgt, %add3A_81, %sign3A_84 : i32
      %sign3A_86 = arith.extui %sign3A_85 : i1 to i32
      %sign3A_87 = arith.constant 0 : i32
      %sign3A_88 = arith.cmpi slt, %add3A_81, %sign3A_87 : i32
      %sign3A_89 = arith.extui %sign3A_88 : i1 to i32
      %sign3A_90 = arith.subi %sign3A_86, %sign3A_89 : i32
      %sign3A_91 = arith.constant 0 : i32
      %sign3A_92 = arith.cmpi sgt, %jit3A_82, %sign3A_91 : i32
      %sign3A_93 = arith.extui %sign3A_92 : i1 to i32
      %sign3A_94 = arith.constant 0 : i32
      %sign3A_95 = arith.cmpi slt, %jit3A_82, %sign3A_94 : i32
      %sign3A_96 = arith.extui %sign3A_95 : i1 to i32
      %sign3A_97 = arith.subi %sign3A_93, %sign3A_96 : i32
      %ne3A_98 = arith.cmpi ne, %sign3A_90, %sign3A_97 : i32
      %rem3A_99 = arith.remsi %add3A_81, %jit3A_82 : i32
      %ne3A_100 = arith.constant 0 : i32
      %ne3A_101 = arith.cmpi ne, %rem3A_99, %ne3A_100 : i32
      %and3A_102 = arith.andi %ne3A_98, %ne3A_101 : i1
      %sub3A_103 = arith.constant 1 : i32
      %sub3A_104 = arith.subi %div3A_83, %sub3A_103 : i32
      %select_n3A_105 = arith.select %and3A_102, %sub3A_104, %div3A_83 : i32
      %jit3A_106 = arith.constant 200 : i32
      %eq3A_107 = arith.constant 0 : i32
      %eq3A_108 = arith.cmpi eq, %jit3A_106, %eq3A_107 : i32
      %jit3A_109 = arith.constant 1 : i32
      %select_n3A_110 = arith.select %eq3A_108, %jit3A_109, %jit3A_106 : i32
      %rem3A_111 = arith.remsi %add3A_81, %select_n3A_110 : i32
      %ne3A_112 = arith.constant 0 : i32
      %ne3A_113 = arith.cmpi ne, %rem3A_111, %ne3A_112 : i32
      %lt3A_114 = arith.constant 0 : i32
      %lt3A_115 = arith.cmpi slt, %rem3A_111, %lt3A_114 : i32
      %lt3A_116 = arith.constant 0 : i32
      %lt3A_117 = arith.cmpi slt, %select_n3A_110, %lt3A_116 : i32
      %ne3A_118 = arith.xori %lt3A_115, %lt3A_117 : i1
      %and3A_119 = arith.andi %ne3A_118, %ne3A_113 : i1
      %add3A_120 = arith.addi %rem3A_111, %select_n3A_110 : i32
      %select_n3A_121 = arith.select %and3A_119, %add3A_120, %rem3A_111 : i32
      %dma_start3A_122 = arith.constant 0 : i32
      %dma_start3A_123 = arith.constant 0 : i32
      %dma_start3A_124 = tpu.memref_slice %arg6[%dma_start3A_122, %dma_start3A_123] : memref<40x1024xf32, #tpu.memory_space<vmem>> -> memref<40x896xf32, #tpu.memory_space<vmem>>
      %dma_start3A_125 = arith.constant 0 : i32
      %dma_start3A_126 = tpu.memref_slice %arg4[%select_n3A_105, %select_n3A_121, %dma_start3A_125] : memref<256x200x1000xf32, #tpu.memory_space<hbm>> -> memref<1x40x896xf32, #tpu.memory_space<hbm>>
      %dma_start3A_127 = tpu.memref_squeeze %dma_start3A_126 : memref<1x40x896xf32, #tpu.memory_space<hbm>> -> memref<40x896xf32, #tpu.memory_space<hbm>>
      %dma_start3A_128 = arith.constant 0 : i32
      %dma_start3A_129 = tpu.memref_slice %arg4[%select_n3A_105, %select_n3A_121, %dma_start3A_128] : memref<256x200x1000xf32, #tpu.memory_space<hbm>> -> memref<1x40x896xf32, #tpu.memory_space<hbm>>
      %dma_start3A_130 = tpu.memref_squeeze %dma_start3A_129 : memref<1x40x896xf32, #tpu.memory_space<hbm>> -> memref<40x896xf32, #tpu.memory_space<hbm>>
      %dma_start3A_131 = arith.constant 0 : i32
      %dma_start3A_132 = arith.constant 0 : i32
      %dma_start3A_133 = tpu.memref_slice %arg6[%dma_start3A_131, %dma_start3A_132] : memref<40x1024xf32, #tpu.memory_space<vmem>> -> memref<40x896xf32, #tpu.memory_space<vmem>>
      tpu.enqueue_dma source(%dma_start3A_133 : memref<40x896xf32, #tpu.memory_space<vmem>>) target(%dma_start3A_130 : memref<40x896xf32, #tpu.memory_space<hbm>>) target_semaphore(%arg12 : memref<!tpu.dma_semaphore, #tpu.memory_space<semaphore_mem>>)
      %scan3A_134 = arith.constant 0 : i32
      %scan3A_135 = arith.constant 0 : i32
      %scan3A_136 = arith.constant 40 : i32
      %scan3A_137 = arith.addi %scan3A_135, %scan3A_136 : i32
      %scan3A_138 = arith.constant 1 : i32
      scf.for %scan3A_321 = %scan3A_135 to %scan3A_137 step %scan3A_138  : i32 {
        %get3A = arith.index_cast %scan3A_321 : i32 to index
        %get3A_322 = arith.constant 896 : index
        %get3A_323 = tpu.vector_load %arg6[%get3A, %get3A_322] {strides = array<i32>} : memref<40x1024xf32, #tpu.memory_space<vmem>>, vector<1x16xf32>,
        %get3A_324 = vector.shape_cast %get3A_323 : vector<1x16xf32> to vector<16xf32>
        %swap3A = arith.index_cast %scan3A_321 : i32 to index
        %swap3A_325 = arith.constant 0 : index
        %swap3A_326 = tpu.vector_load %arg8[%swap3A, %swap3A_325] {strides = array<i32>} : memref<40x104xf32, #tpu.memory_space<vmem>>, vector<1x16xf32>,
        %swap3A_327 = vector.shape_cast %swap3A_326 : vector<1x16xf32> to vector<16xf32>
        %swap3A_328 = vector.shape_cast %get3A_324 : vector<16xf32> to vector<1x16xf32>
        tpu.vector_store %arg8[%swap3A, %swap3A_325], %swap3A_328 {strides = array<i32>} : memref<40x104xf32, #tpu.memory_space<vmem>>, vector<1x16xf32>,
        %get3A_329 = arith.index_cast %scan3A_321 : i32 to index
        %get3A_330 = arith.constant 912 : index
        %get3A_331 = tpu.vector_load %arg6[%get3A_329, %get3A_330] {strides = array<i32>} : memref<40x1024xf32, #tpu.memory_space<vmem>>, vector<1x16xf32>,
        %get3A_332 = vector.shape_cast %get3A_331 : vector<1x16xf32> to vector<16xf32>
        %swap3A_333 = arith.index_cast %scan3A_321 : i32 to index
        %swap3A_334 = arith.constant 16 : index
        %swap3A_335 = tpu.vector_load %arg8[%swap3A_333, %swap3A_334] {strides = array<i32>} : memref<40x104xf32, #tpu.memory_space<vmem>>, vector<1x16xf32>,
        %swap3A_336 = vector.shape_cast %swap3A_335 : vector<1x16xf32> to vector<16xf32>
        %swap3A_337 = vector.shape_cast %get3A_332 : vector<16xf32> to vector<1x16xf32>
        tpu.vector_store %arg8[%swap3A_333, %swap3A_334], %swap3A_337 {strides = array<i32>} : memref<40x104xf32, #tpu.memory_space<vmem>>, vector<1x16xf32>,
        %get3A_338 = arith.index_cast %scan3A_321 : i32 to index
        %get3A_339 = arith.constant 928 : index
        %get3A_340 = tpu.vector_load %arg6[%get3A_338, %get3A_339] {strides = array<i32>} : memref<40x1024xf32, #tpu.memory_space<vmem>>, vector<1x16xf32>,
        %get3A_341 = vector.shape_cast %get3A_340 : vector<1x16xf32> to vector<16xf32>
        %swap3A_342 = arith.index_cast %scan3A_321 : i32 to index
        %swap3A_343 = arith.constant 32 : index
        %swap3A_344 = tpu.vector_load %arg8[%swap3A_342, %swap3A_343] {strides = array<i32>} : memref<40x104xf32, #tpu.memory_space<vmem>>, vector<1x16xf32>,
        %swap3A_345 = vector.shape_cast %swap3A_344 : vector<1x16xf32> to vector<16xf32>
        %swap3A_346 = vector.shape_cast %get3A_341 : vector<16xf32> to vector<1x16xf32>
        tpu.vector_store %arg8[%swap3A_342, %swap3A_343], %swap3A_346 {strides = array<i32>} : memref<40x104xf32, #tpu.memory_space<vmem>>, vector<1x16xf32>,
        %get3A_347 = arith.index_cast %scan3A_321 : i32 to index
        %get3A_348 = arith.constant 944 : index
        %get3A_349 = tpu.vector_load %arg6[%get3A_347, %get3A_348] {strides = array<i32>} : memref<40x1024xf32, #tpu.memory_space<vmem>>, vector<1x16xf32>,
        %get3A_350 = vector.shape_cast %get3A_349 : vector<1x16xf32> to vector<16xf32>
        %swap3A_351 = arith.index_cast %scan3A_321 : i32 to index
        %swap3A_352 = arith.constant 48 : index
        %swap3A_353 = tpu.vector_load %arg8[%swap3A_351, %swap3A_352] {strides = array<i32>} : memref<40x104xf32, #tpu.memory_space<vmem>>, vector<1x16xf32>,
        %swap3A_354 = vector.shape_cast %swap3A_353 : vector<1x16xf32> to vector<16xf32>
        %swap3A_355 = vector.shape_cast %get3A_350 : vector<16xf32> to vector<1x16xf32>
        tpu.vector_store %arg8[%swap3A_351, %swap3A_352], %swap3A_355 {strides = array<i32>} : memref<40x104xf32, #tpu.memory_space<vmem>>, vector<1x16xf32>,
        %get3A_356 = arith.index_cast %scan3A_321 : i32 to index
        %get3A_357 = arith.constant 960 : index
        %get3A_358 = tpu.vector_load %arg6[%get3A_356, %get3A_357] {strides = array<i32>} : memref<40x1024xf32, #tpu.memory_space<vmem>>, vector<1x16xf32>,
        %get3A_359 = vector.shape_cast %get3A_358 : vector<1x16xf32> to vector<16xf32>
        %swap3A_360 = arith.index_cast %scan3A_321 : i32 to index
        %swap3A_361 = arith.constant 64 : index
        %swap3A_362 = tpu.vector_load %arg8[%swap3A_360, %swap3A_361] {strides = array<i32>} : memref<40x104xf32, #tpu.memory_space<vmem>>, vector<1x16xf32>,
        %swap3A_363 = vector.shape_cast %swap3A_362 : vector<1x16xf32> to vector<16xf32>
        %swap3A_364 = vector.shape_cast %get3A_359 : vector<16xf32> to vector<1x16xf32>
        tpu.vector_store %arg8[%swap3A_360, %swap3A_361], %swap3A_364 {strides = array<i32>} : memref<40x104xf32, #tpu.memory_space<vmem>>, vector<1x16xf32>,
        %get3A_365 = arith.index_cast %scan3A_321 : i32 to index
        %get3A_366 = arith.constant 976 : index
        %get3A_367 = tpu.vector_load %arg6[%get3A_365, %get3A_366] {strides = array<i32>} : memref<40x1024xf32, #tpu.memory_space<vmem>>, vector<1x16xf32>,
        %get3A_368 = vector.shape_cast %get3A_367 : vector<1x16xf32> to vector<16xf32>
        %swap3A_369 = arith.index_cast %scan3A_321 : i32 to index
        %swap3A_370 = arith.constant 80 : index
        %swap3A_371 = tpu.vector_load %arg8[%swap3A_369, %swap3A_370] {strides = array<i32>} : memref<40x104xf32, #tpu.memory_space<vmem>>, vector<1x16xf32>,
        %swap3A_372 = vector.shape_cast %swap3A_371 : vector<1x16xf32> to vector<16xf32>
        %swap3A_373 = vector.shape_cast %get3A_368 : vector<16xf32> to vector<1x16xf32>
        tpu.vector_store %arg8[%swap3A_369, %swap3A_370], %swap3A_373 {strides = array<i32>} : memref<40x104xf32, #tpu.memory_space<vmem>>, vector<1x16xf32>,
        %get3A_374 = arith.index_cast %scan3A_321 : i32 to index
        %get3A_375 = arith.constant 984 : index
        %get3A_376 = tpu.vector_load %arg6[%get3A_374, %get3A_375] {strides = array<i32>} : memref<40x1024xf32, #tpu.memory_space<vmem>>, vector<1x16xf32>,
        %get3A_377 = vector.shape_cast %get3A_376 : vector<1x16xf32> to vector<16xf32>
        %swap3A_378 = arith.index_cast %scan3A_321 : i32 to index
        %swap3A_379 = arith.constant 88 : index
        %swap3A_380 = tpu.vector_load %arg8[%swap3A_378, %swap3A_379] {strides = array<i32>} : memref<40x104xf32, #tpu.memory_space<vmem>>, vector<1x16xf32>,
        %swap3A_381 = vector.shape_cast %swap3A_380 : vector<1x16xf32> to vector<16xf32>
        %swap3A_382 = vector.shape_cast %get3A_377 : vector<16xf32> to vector<1x16xf32>
        tpu.vector_store %arg8[%swap3A_378, %swap3A_379], %swap3A_382 {strides = array<i32>} : memref<40x104xf32, #tpu.memory_space<vmem>>, vector<1x16xf32>,
      }
      %scan3A_139 = arith.constant 40 : i32
      %mul3A_140 = arith.constant 40 : i32
      %mul3A_141 = arith.muli %mul3A_63, %mul3A_140 : i32
      %add3A_142 = arith.addi %mul3A_2, %mul3A_141 : i32
      %jit3A_143 = arith.constant 200 : i32
      %div3A_144 = arith.divsi %add3A_142, %jit3A_143 : i32
      %sign3A_145 = arith.constant 0 : i32
      %sign3A_146 = arith.cmpi sgt, %add3A_142, %sign3A_145 : i32
      %sign3A_147 = arith.extui %sign3A_146 : i1 to i32
      %sign3A_148 = arith.constant 0 : i32
      %sign3A_149 = arith.cmpi slt, %add3A_142, %sign3A_148 : i32
      %sign3A_150 = arith.extui %sign3A_149 : i1 to i32
      %sign3A_151 = arith.subi %sign3A_147, %sign3A_150 : i32
      %sign3A_152 = arith.constant 0 : i32
      %sign3A_153 = arith.cmpi sgt, %jit3A_143, %sign3A_152 : i32
      %sign3A_154 = arith.extui %sign3A_153 : i1 to i32
      %sign3A_155 = arith.constant 0 : i32
      %sign3A_156 = arith.cmpi slt, %jit3A_143, %sign3A_155 : i32
      %sign3A_157 = arith.extui %sign3A_156 : i1 to i32
      %sign3A_158 = arith.subi %sign3A_154, %sign3A_157 : i32
      %ne3A_159 = arith.cmpi ne, %sign3A_151, %sign3A_158 : i32
      %rem3A_160 = arith.remsi %add3A_142, %jit3A_143 : i32
      %ne3A_161 = arith.constant 0 : i32
      %ne3A_162 = arith.cmpi ne, %rem3A_160, %ne3A_161 : i32
      %and3A_163 = arith.andi %ne3A_159, %ne3A_162 : i1
      %sub3A_164 = arith.constant 1 : i32
      %sub3A_165 = arith.subi %div3A_144, %sub3A_164 : i32
      %select_n3A_166 = arith.select %and3A_163, %sub3A_165, %div3A_144 : i32
      %jit3A_167 = arith.constant 200 : i32
      %eq3A_168 = arith.constant 0 : i32
      %eq3A_169 = arith.cmpi eq, %jit3A_167, %eq3A_168 : i32
      %jit3A_170 = arith.constant 1 : i32
      %select_n3A_171 = arith.select %eq3A_169, %jit3A_170, %jit3A_167 : i32
      %rem3A_172 = arith.remsi %add3A_142, %select_n3A_171 : i32
      %ne3A_173 = arith.constant 0 : i32
      %ne3A_174 = arith.cmpi ne, %rem3A_172, %ne3A_173 : i32
      %lt3A_175 = arith.constant 0 : i32
      %lt3A_176 = arith.cmpi slt, %rem3A_172, %lt3A_175 : i32
      %lt3A_177 = arith.constant 0 : i32
      %lt3A_178 = arith.cmpi slt, %select_n3A_171, %lt3A_177 : i32
      %ne3A_179 = arith.xori %lt3A_176, %lt3A_178 : i1
      %and3A_180 = arith.andi %ne3A_179, %ne3A_174 : i1
      %add3A_181 = arith.addi %rem3A_172, %select_n3A_171 : i32
      %select_n3A_182 = arith.select %and3A_180, %add3A_181, %rem3A_172 : i32
      %dma_start3A_183 = arith.constant 896 : i32
      %dma_start3A_184 = tpu.memref_slice %arg4[%select_n3A_166, %select_n3A_182, %dma_start3A_183] : memref<256x200x1000xf32, #tpu.memory_space<hbm>> -> memref<1x40x104xf32, #tpu.memory_space<hbm>>
      %dma_start3A_185 = tpu.memref_squeeze %dma_start3A_184 : memref<1x40x104xf32, #tpu.memory_space<hbm>> -> memref<40x104xf32, #tpu.memory_space<hbm>>
      %dma_start3A_186 = arith.constant 896 : i32
      %dma_start3A_187 = tpu.memref_slice %arg4[%select_n3A_166, %select_n3A_182, %dma_start3A_186] : memref<256x200x1000xf32, #tpu.memory_space<hbm>> -> memref<1x40x104xf32, #tpu.memory_space<hbm>>
      %dma_start3A_188 = tpu.memref_squeeze %dma_start3A_187 : memref<1x40x104xf32, #tpu.memory_space<hbm>> -> memref<40x104xf32, #tpu.memory_space<hbm>>
      tpu.enqueue_dma source(%arg8 : memref<40x104xf32, #tpu.memory_space<vmem>>) target(%dma_start3A_188 : memref<40x104xf32, #tpu.memory_space<hbm>>) target_semaphore(%arg14 : memref<!tpu.dma_semaphore, #tpu.memory_space<semaphore_mem>>)
      %mul3A_189 = arith.constant 2 : i32
      %mul3A_190 = arith.muli %mul3A_189, %scan3A_61 : i32
      %add3A_191 = arith.constant 1 : i32
      %add3A_192 = arith.addi %mul3A_190, %add3A_191 : i32
      %ge3A_193 = arith.constant 1 : i32
      %ge3A_194 = arith.cmpi sge, %add3A_192, %ge3A_193 : i32
      %convert_element_type3A_195 = arith.extui %ge3A_194 : i1 to i32
      %cond3A_196 = arith.constant 0 : i32
      %cond3A_197 = arith.cmpi ne, %convert_element_type3A_195, %cond3A_196 : i32
      scf.if %cond3A_197 {
        %sub3A_321 = arith.constant 1 : i32
        %sub3A_322 = arith.subi %add3A_192, %sub3A_321 : i32
        %mul3A_323 = arith.constant 40 : i32
        %mul3A_324 = arith.muli %sub3A_322, %mul3A_323 : i32
        %add3A_325 = arith.addi %mul3A_2, %mul3A_324 : i32
        %jit3A_326 = arith.constant 200 : i32
        %div3A_327 = arith.divsi %add3A_325, %jit3A_326 : i32
        %sign3A_328 = arith.constant 0 : i32
        %sign3A_329 = arith.cmpi sgt, %add3A_325, %sign3A_328 : i32
        %sign3A_330 = arith.extui %sign3A_329 : i1 to i32
        %sign3A_331 = arith.constant 0 : i32
        %sign3A_332 = arith.cmpi slt, %add3A_325, %sign3A_331 : i32
        %sign3A_333 = arith.extui %sign3A_332 : i1 to i32
        %sign3A_334 = arith.subi %sign3A_330, %sign3A_333 : i32
        %sign3A_335 = arith.constant 0 : i32
        %sign3A_336 = arith.cmpi sgt, %jit3A_326, %sign3A_335 : i32
        %sign3A_337 = arith.extui %sign3A_336 : i1 to i32
        %sign3A_338 = arith.constant 0 : i32
        %sign3A_339 = arith.cmpi slt, %jit3A_326, %sign3A_338 : i32
        %sign3A_340 = arith.extui %sign3A_339 : i1 to i32
        %sign3A_341 = arith.subi %sign3A_337, %sign3A_340 : i32
        %ne3A_342 = arith.cmpi ne, %sign3A_334, %sign3A_341 : i32
        %rem3A_343 = arith.remsi %add3A_325, %jit3A_326 : i32
        %ne3A_344 = arith.constant 0 : i32
        %ne3A_345 = arith.cmpi ne, %rem3A_343, %ne3A_344 : i32
        %and3A_346 = arith.andi %ne3A_342, %ne3A_345 : i1
        %sub3A_347 = arith.constant 1 : i32
        %sub3A_348 = arith.subi %div3A_327, %sub3A_347 : i32
        %select_n3A_349 = arith.select %and3A_346, %sub3A_348, %div3A_327 : i32
        %jit3A_350 = arith.constant 200 : i32
        %eq3A_351 = arith.constant 0 : i32
        %eq3A_352 = arith.cmpi eq, %jit3A_350, %eq3A_351 : i32
        %jit3A_353 = arith.constant 1 : i32
        %select_n3A_354 = arith.select %eq3A_352, %jit3A_353, %jit3A_350 : i32
        %rem3A_355 = arith.remsi %add3A_325, %select_n3A_354 : i32
        %ne3A_356 = arith.constant 0 : i32
        %ne3A_357 = arith.cmpi ne, %rem3A_355, %ne3A_356 : i32
        %lt3A_358 = arith.constant 0 : i32
        %lt3A_359 = arith.cmpi slt, %rem3A_355, %lt3A_358 : i32
        %lt3A_360 = arith.constant 0 : i32
        %lt3A_361 = arith.cmpi slt, %select_n3A_354, %lt3A_360 : i32
        %ne3A_362 = arith.xori %lt3A_359, %lt3A_361 : i1
        %and3A_363 = arith.andi %ne3A_362, %ne3A_357 : i1
        %add3A_364 = arith.addi %rem3A_355, %select_n3A_354 : i32
        %select_n3A_365 = arith.select %and3A_363, %add3A_364, %rem3A_355 : i32
        %dma_wait3A_366 = arith.constant 0 : i32
        %dma_wait3A_367 = arith.constant 0 : i32
        %dma_wait3A_368 = tpu.memref_slice %arg6[%dma_wait3A_366, %dma_wait3A_367] : memref<40x1024xf32, #tpu.memory_space<vmem>> -> memref<40x896xf32, #tpu.memory_space<vmem>>
        %dma_wait3A_369 = arith.constant 0 : i32
        %dma_wait3A_370 = tpu.memref_slice %arg4[%select_n3A_349, %select_n3A_365, %dma_wait3A_369] : memref<256x200x1000xf32, #tpu.memory_space<hbm>> -> memref<1x40x896xf32, #tpu.memory_space<hbm>>
        %dma_wait3A_371 = tpu.memref_squeeze %dma_wait3A_370 : memref<1x40x896xf32, #tpu.memory_space<hbm>> -> memref<40x896xf32, #tpu.memory_space<hbm>>
        %dma_wait3A_372 = arith.constant 0 : i32
        %dma_wait3A_373 = tpu.memref_slice %arg4[%select_n3A_349, %select_n3A_365, %dma_wait3A_372] : memref<256x200x1000xf32, #tpu.memory_space<hbm>> -> memref<1x40x896xf32, #tpu.memory_space<hbm>>
        %dma_wait3A_374 = tpu.memref_squeeze %dma_wait3A_373 : memref<1x40x896xf32, #tpu.memory_space<hbm>> -> memref<40x896xf32, #tpu.memory_space<hbm>>
        %dma_wait3A_375 = arith.constant 0 : i32
        %dma_wait3A_376 = arith.constant 0 : i32
        %dma_wait3A_377 = tpu.memref_slice %arg6[%dma_wait3A_375, %dma_wait3A_376] : memref<40x1024xf32, #tpu.memory_space<vmem>> -> memref<40x896xf32, #tpu.memory_space<vmem>>
        tpu.wait_dma2 semaphore(%arg12 : memref<!tpu.dma_semaphore, #tpu.memory_space<semaphore_mem>>) src(%dma_wait3A_377 : memref<40x896xf32, #tpu.memory_space<vmem>>) dst(%dma_wait3A_374 : memref<40x896xf32, #tpu.memory_space<hbm>>)
        %dma_wait3A_378 = arith.constant 896 : i32
        %dma_wait3A_379 = tpu.memref_slice %arg4[%select_n3A_349, %select_n3A_365, %dma_wait3A_378] : memref<256x200x1000xf32, #tpu.memory_space<hbm>> -> memref<1x40x104xf32, #tpu.memory_space<hbm>>
        %dma_wait3A_380 = tpu.memref_squeeze %dma_wait3A_379 : memref<1x40x104xf32, #tpu.memory_space<hbm>> -> memref<40x104xf32, #tpu.memory_space<hbm>>
        %dma_wait3A_381 = arith.constant 896 : i32
        %dma_wait3A_382 = tpu.memref_slice %arg4[%select_n3A_349, %select_n3A_365, %dma_wait3A_381] : memref<256x200x1000xf32, #tpu.memory_space<hbm>> -> memref<1x40x104xf32, #tpu.memory_space<hbm>>
        %dma_wait3A_383 = tpu.memref_squeeze %dma_wait3A_382 : memref<1x40x104xf32, #tpu.memory_space<hbm>> -> memref<40x104xf32, #tpu.memory_space<hbm>>
        tpu.wait_dma2 semaphore(%arg14 : memref<!tpu.dma_semaphore, #tpu.memory_space<semaphore_mem>>) src(%arg8 : memref<40x104xf32, #tpu.memory_space<vmem>>) dst(%dma_wait3A_383 : memref<40x104xf32, #tpu.memory_space<hbm>>)
      } else {
      }
      %add3A_198 = arith.constant 1 : i32
      %add3A_199 = arith.addi %add3A_192, %add3A_198 : i32
      %lt3A_200 = arith.constant 40 : i32
      %lt3A_201 = arith.cmpi slt, %add3A_199, %lt3A_200 : i32
      %convert_element_type3A_202 = arith.extui %lt3A_201 : i1 to i32
      %cond3A_203 = arith.constant 0 : i32
      %cond3A_204 = arith.cmpi ne, %convert_element_type3A_202, %cond3A_203 : i32
      scf.if %cond3A_204 {
        %add3A_321 = arith.constant 1 : i32
        %add3A_322 = arith.addi %add3A_192, %add3A_321 : i32
        %mul3A_323 = arith.constant 40 : i32
        %mul3A_324 = arith.muli %add3A_322, %mul3A_323 : i32
        %dma_start3A_325 = tpu.memref_slice %arg5[%mul3A_324] : memref<1600xi32, #tpu.memory_space<vmem>> -> memref<40xi32, #tpu.memory_space<vmem>>
        %dma_start3A_326 = arith.constant 0 : i32
        %dma_start3A_327 = arith.constant 0 : i32
        %dma_start3A_328 = tpu.memref_slice %arg2[%dma_start3A_326, %dma_start3A_327] : memref<1000x1024xf32, #tpu.memory_space<hbm>> -> memref<1000x1024xf32, #tpu.memory_space<hbm>>
        tpu.enqueue_indirect_dma source(%dma_start3A_328 : memref<1000x1024xf32, #tpu.memory_space<hbm>>) target(%arg6 : memref<40x1024xf32, #tpu.memory_space<vmem>>) offsets(%dma_start3A_325 : memref<40xi32, #tpu.memory_space<vmem>>) semaphore(%arg10 : memref<!tpu.dma_semaphore, #tpu.memory_space<semaphore_mem>>)
      } else {
      }
      %mul3A_205 = arith.constant 40 : i32
      %mul3A_206 = arith.muli %add3A_192, %mul3A_205 : i32
      %dma_wait3A_207 = tpu.memref_slice %arg5[%mul3A_206] : memref<1600xi32, #tpu.memory_space<vmem>> -> memref<40xi32, #tpu.memory_space<vmem>>
      %dma_wait3A_208 = arith.constant 0 : i32
      %dma_wait3A_209 = arith.constant 0 : i32
      %dma_wait3A_210 = tpu.memref_slice %arg2[%dma_wait3A_208, %dma_wait3A_209] : memref<1000x1024xf32, #tpu.memory_space<hbm>> -> memref<1000x1024xf32, #tpu.memory_space<hbm>>
      tpu.wait_indirect_dma semaphore(%arg11 : memref<!tpu.dma_semaphore, #tpu.memory_space<semaphore_mem>>) src(%dma_wait3A_210 : memref<1000x1024xf32, #tpu.memory_space<hbm>>) dst(%arg7 : memref<40x1024xf32, #tpu.memory_space<vmem>>)
      %mul3A_211 = arith.constant 40 : i32
      %mul3A_212 = arith.muli %add3A_192, %mul3A_211 : i32
      %add3A_213 = arith.addi %mul3A_2, %mul3A_212 : i32
      %jit3A_214 = arith.constant 200 : i32
      %div3A_215 = arith.divsi %add3A_213, %jit3A_214 : i32
      %sign3A_216 = arith.constant 0 : i32
      %sign3A_217 = arith.cmpi sgt, %add3A_213, %sign3A_216 : i32
      %sign3A_218 = arith.extui %sign3A_217 : i1 to i32
      %sign3A_219 = arith.constant 0 : i32
      %sign3A_220 = arith.cmpi slt, %add3A_213, %sign3A_219 : i32
      %sign3A_221 = arith.extui %sign3A_220 : i1 to i32
      %sign3A_222 = arith.subi %sign3A_218, %sign3A_221 : i32
      %sign3A_223 = arith.constant 0 : i32
      %sign3A_224 = arith.cmpi sgt, %jit3A_214, %sign3A_223 : i32
      %sign3A_225 = arith.extui %sign3A_224 : i1 to i32
      %sign3A_226 = arith.constant 0 : i32
      %sign3A_227 = arith.cmpi slt, %jit3A_214, %sign3A_226 : i32
      %sign3A_228 = arith.extui %sign3A_227 : i1 to i32
      %sign3A_229 = arith.subi %sign3A_225, %sign3A_228 : i32
      %ne3A_230 = arith.cmpi ne, %sign3A_222, %sign3A_229 : i32
      %rem3A_231 = arith.remsi %add3A_213, %jit3A_214 : i32
      %ne3A_232 = arith.constant 0 : i32
      %ne3A_233 = arith.cmpi ne, %rem3A_231, %ne3A_232 : i32
      %and3A_234 = arith.andi %ne3A_230, %ne3A_233 : i1
      %sub3A_235 = arith.constant 1 : i32
      %sub3A_236 = arith.subi %div3A_215, %sub3A_235 : i32
      %select_n3A_237 = arith.select %and3A_234, %sub3A_236, %div3A_215 : i32
      %jit3A_238 = arith.constant 200 : i32
      %eq3A_239 = arith.constant 0 : i32
      %eq3A_240 = arith.cmpi eq, %jit3A_238, %eq3A_239 : i32
      %jit3A_241 = arith.constant 1 : i32
      %select_n3A_242 = arith.select %eq3A_240, %jit3A_241, %jit3A_238 : i32
      %rem3A_243 = arith.remsi %add3A_213, %select_n3A_242 : i32
      %ne3A_244 = arith.constant 0 : i32
      %ne3A_245 = arith.cmpi ne, %rem3A_243, %ne3A_244 : i32
      %lt3A_246 = arith.constant 0 : i32
      %lt3A_247 = arith.cmpi slt, %rem3A_243, %lt3A_246 : i32
      %lt3A_248 = arith.constant 0 : i32
      %lt3A_249 = arith.cmpi slt, %select_n3A_242, %lt3A_248 : i32
      %ne3A_250 = arith.xori %lt3A_247, %lt3A_249 : i1
      %and3A_251 = arith.andi %ne3A_250, %ne3A_245 : i1
      %add3A_252 = arith.addi %rem3A_243, %select_n3A_242 : i32
      %select_n3A_253 = arith.select %and3A_251, %add3A_252, %rem3A_243 : i32
      %dma_start3A_254 = arith.constant 0 : i32
      %dma_start3A_255 = arith.constant 0 : i32
      %dma_start3A_256 = tpu.memref_slice %arg7[%dma_start3A_254, %dma_start3A_255] : memref<40x1024xf32, #tpu.memory_space<vmem>> -> memref<40x896xf32, #tpu.memory_space<vmem>>
      %dma_start3A_257 = arith.constant 0 : i32
      %dma_start3A_258 = tpu.memref_slice %arg4[%select_n3A_237, %select_n3A_253, %dma_start3A_257] : memref<256x200x1000xf32, #tpu.memory_space<hbm>> -> memref<1x40x896xf32, #tpu.memory_space<hbm>>
      %dma_start3A_259 = tpu.memref_squeeze %dma_start3A_258 : memref<1x40x896xf32, #tpu.memory_space<hbm>> -> memref<40x896xf32, #tpu.memory_space<hbm>>
      %dma_start3A_260 = arith.constant 0 : i32
      %dma_start3A_261 = tpu.memref_slice %arg4[%select_n3A_237, %select_n3A_253, %dma_start3A_260] : memref<256x200x1000xf32, #tpu.memory_space<hbm>> -> memref<1x40x896xf32, #tpu.memory_space<hbm>>
      %dma_start3A_262 = tpu.memref_squeeze %dma_start3A_261 : memref<1x40x896xf32, #tpu.memory_space<hbm>> -> memref<40x896xf32, #tpu.memory_space<hbm>>
      %dma_start3A_263 = arith.constant 0 : i32
      %dma_start3A_264 = arith.constant 0 : i32
      %dma_start3A_265 = tpu.memref_slice %arg7[%dma_start3A_263, %dma_start3A_264] : memref<40x1024xf32, #tpu.memory_space<vmem>> -> memref<40x896xf32, #tpu.memory_space<vmem>>
      tpu.enqueue_dma source(%dma_start3A_265 : memref<40x896xf32, #tpu.memory_space<vmem>>) target(%dma_start3A_262 : memref<40x896xf32, #tpu.memory_space<hbm>>) target_semaphore(%arg13 : memref<!tpu.dma_semaphore, #tpu.memory_space<semaphore_mem>>)
      %scan3A_266 = arith.constant 0 : i32
      %scan3A_267 = arith.constant 0 : i32
      %scan3A_268 = arith.constant 40 : i32
      %scan3A_269 = arith.addi %scan3A_267, %scan3A_268 : i32
      %scan3A_270 = arith.constant 1 : i32
      scf.for %scan3A_321 = %scan3A_267 to %scan3A_269 step %scan3A_270  : i32 {
        %get3A = arith.index_cast %scan3A_321 : i32 to index
        %get3A_322 = arith.constant 896 : index
        %get3A_323 = tpu.vector_load %arg7[%get3A, %get3A_322] {strides = array<i32>} : memref<40x1024xf32, #tpu.memory_space<vmem>>, vector<1x16xf32>,
        %get3A_324 = vector.shape_cast %get3A_323 : vector<1x16xf32> to vector<16xf32>
        %swap3A = arith.index_cast %scan3A_321 : i32 to index
        %swap3A_325 = arith.constant 0 : index
        %swap3A_326 = tpu.vector_load %arg9[%swap3A, %swap3A_325] {strides = array<i32>} : memref<40x104xf32, #tpu.memory_space<vmem>>, vector<1x16xf32>,
        %swap3A_327 = vector.shape_cast %swap3A_326 : vector<1x16xf32> to vector<16xf32>
        %swap3A_328 = vector.shape_cast %get3A_324 : vector<16xf32> to vector<1x16xf32>
        tpu.vector_store %arg9[%swap3A, %swap3A_325], %swap3A_328 {strides = array<i32>} : memref<40x104xf32, #tpu.memory_space<vmem>>, vector<1x16xf32>,
        %get3A_329 = arith.index_cast %scan3A_321 : i32 to index
        %get3A_330 = arith.constant 912 : index
        %get3A_331 = tpu.vector_load %arg7[%get3A_329, %get3A_330] {strides = array<i32>} : memref<40x1024xf32, #tpu.memory_space<vmem>>, vector<1x16xf32>,
        %get3A_332 = vector.shape_cast %get3A_331 : vector<1x16xf32> to vector<16xf32>
        %swap3A_333 = arith.index_cast %scan3A_321 : i32 to index
        %swap3A_334 = arith.constant 16 : index
        %swap3A_335 = tpu.vector_load %arg9[%swap3A_333, %swap3A_334] {strides = array<i32>} : memref<40x104xf32, #tpu.memory_space<vmem>>, vector<1x16xf32>,
        %swap3A_336 = vector.shape_cast %swap3A_335 : vector<1x16xf32> to vector<16xf32>
        %swap3A_337 = vector.shape_cast %get3A_332 : vector<16xf32> to vector<1x16xf32>
        tpu.vector_store %arg9[%swap3A_333, %swap3A_334], %swap3A_337 {strides = array<i32>} : memref<40x104xf32, #tpu.memory_space<vmem>>, vector<1x16xf32>,
        %get3A_338 = arith.index_cast %scan3A_321 : i32 to index
        %get3A_339 = arith.constant 928 : index
        %get3A_340 = tpu.vector_load %arg7[%get3A_338, %get3A_339] {strides = array<i32>} : memref<40x1024xf32, #tpu.memory_space<vmem>>, vector<1x16xf32>,
        %get3A_341 = vector.shape_cast %get3A_340 : vector<1x16xf32> to vector<16xf32>
        %swap3A_342 = arith.index_cast %scan3A_321 : i32 to index
        %swap3A_343 = arith.constant 32 : index
        %swap3A_344 = tpu.vector_load %arg9[%swap3A_342, %swap3A_343] {strides = array<i32>} : memref<40x104xf32, #tpu.memory_space<vmem>>, vector<1x16xf32>,
        %swap3A_345 = vector.shape_cast %swap3A_344 : vector<1x16xf32> to vector<16xf32>
        %swap3A_346 = vector.shape_cast %get3A_341 : vector<16xf32> to vector<1x16xf32>
        tpu.vector_store %arg9[%swap3A_342, %swap3A_343], %swap3A_346 {strides = array<i32>} : memref<40x104xf32, #tpu.memory_space<vmem>>, vector<1x16xf32>,
        %get3A_347 = arith.index_cast %scan3A_321 : i32 to index
        %get3A_348 = arith.constant 944 : index
        %get3A_349 = tpu.vector_load %arg7[%get3A_347, %get3A_348] {strides = array<i32>} : memref<40x1024xf32, #tpu.memory_space<vmem>>, vector<1x16xf32>,
        %get3A_350 = vector.shape_cast %get3A_349 : vector<1x16xf32> to vector<16xf32>
        %swap3A_351 = arith.index_cast %scan3A_321 : i32 to index
        %swap3A_352 = arith.constant 48 : index
        %swap3A_353 = tpu.vector_load %arg9[%swap3A_351, %swap3A_352] {strides = array<i32>} : memref<40x104xf32, #tpu.memory_space<vmem>>, vector<1x16xf32>,
        %swap3A_354 = vector.shape_cast %swap3A_353 : vector<1x16xf32> to vector<16xf32>
        %swap3A_355 = vector.shape_cast %get3A_350 : vector<16xf32> to vector<1x16xf32>
        tpu.vector_store %arg9[%swap3A_351, %swap3A_352], %swap3A_355 {strides = array<i32>} : memref<40x104xf32, #tpu.memory_space<vmem>>, vector<1x16xf32>,
        %get3A_356 = arith.index_cast %scan3A_321 : i32 to index
        %get3A_357 = arith.constant 960 : index
        %get3A_358 = tpu.vector_load %arg7[%get3A_356, %get3A_357] {strides = array<i32>} : memref<40x1024xf32, #tpu.memory_space<vmem>>, vector<1x16xf32>,
        %get3A_359 = vector.shape_cast %get3A_358 : vector<1x16xf32> to vector<16xf32>
        %swap3A_360 = arith.index_cast %scan3A_321 : i32 to index
        %swap3A_361 = arith.constant 64 : index
        %swap3A_362 = tpu.vector_load %arg9[%swap3A_360, %swap3A_361] {strides = array<i32>} : memref<40x104xf32, #tpu.memory_space<vmem>>, vector<1x16xf32>,
        %swap3A_363 = vector.shape_cast %swap3A_362 : vector<1x16xf32> to vector<16xf32>
        %swap3A_364 = vector.shape_cast %get3A_359 : vector<16xf32> to vector<1x16xf32>
        tpu.vector_store %arg9[%swap3A_360, %swap3A_361], %swap3A_364 {strides = array<i32>} : memref<40x104xf32, #tpu.memory_space<vmem>>, vector<1x16xf32>,
        %get3A_365 = arith.index_cast %scan3A_321 : i32 to index
        %get3A_366 = arith.constant 976 : index
        %get3A_367 = tpu.vector_load %arg7[%get3A_365, %get3A_366] {strides = array<i32>} : memref<40x1024xf32, #tpu.memory_space<vmem>>, vector<1x16xf32>,
        %get3A_368 = vector.shape_cast %get3A_367 : vector<1x16xf32> to vector<16xf32>
        %swap3A_369 = arith.index_cast %scan3A_321 : i32 to index
        %swap3A_370 = arith.constant 80 : index
        %swap3A_371 = tpu.vector_load %arg9[%swap3A_369, %swap3A_370] {strides = array<i32>} : memref<40x104xf32, #tpu.memory_space<vmem>>, vector<1x16xf32>,
        %swap3A_372 = vector.shape_cast %swap3A_371 : vector<1x16xf32> to vector<16xf32>
        %swap3A_373 = vector.shape_cast %get3A_368 : vector<16xf32> to vector<1x16xf32>
        tpu.vector_store %arg9[%swap3A_369, %swap3A_370], %swap3A_373 {strides = array<i32>} : memref<40x104xf32, #tpu.memory_space<vmem>>, vector<1x16xf32>,
        %get3A_374 = arith.index_cast %scan3A_321 : i32 to index
        %get3A_375 = arith.constant 984 : index
        %get3A_376 = tpu.vector_load %arg7[%get3A_374, %get3A_375] {strides = array<i32>} : memref<40x1024xf32, #tpu.memory_space<vmem>>, vector<1x16xf32>,
        %get3A_377 = vector.shape_cast %get3A_376 : vector<1x16xf32> to vector<16xf32>
        %swap3A_378 = arith.index_cast %scan3A_321 : i32 to index
        %swap3A_379 = arith.constant 88 : index
        %swap3A_380 = tpu.vector_load %arg9[%swap3A_378, %swap3A_379] {strides = array<i32>} : memref<40x104xf32, #tpu.memory_space<vmem>>, vector<1x16xf32>,
        %swap3A_381 = vector.shape_cast %swap3A_380 : vector<1x16xf32> to vector<16xf32>
        %swap3A_382 = vector.shape_cast %get3A_377 : vector<16xf32> to vector<1x16xf32>
        tpu.vector_store %arg9[%swap3A_378, %swap3A_379], %swap3A_382 {strides = array<i32>} : memref<40x104xf32, #tpu.memory_space<vmem>>, vector<1x16xf32>,
      }
      %scan3A_271 = arith.constant 40 : i32
      %mul3A_272 = arith.constant 40 : i32
      %mul3A_273 = arith.muli %add3A_192, %mul3A_272 : i32
      %add3A_274 = arith.addi %mul3A_2, %mul3A_273 : i32
      %jit3A_275 = arith.constant 200 : i32
      %div3A_276 = arith.divsi %add3A_274, %jit3A_275 : i32
      %sign3A_277 = arith.constant 0 : i32
      %sign3A_278 = arith.cmpi sgt, %add3A_274, %sign3A_277 : i32
      %sign3A_279 = arith.extui %sign3A_278 : i1 to i32
      %sign3A_280 = arith.constant 0 : i32
      %sign3A_281 = arith.cmpi slt, %add3A_274, %sign3A_280 : i32
      %sign3A_282 = arith.extui %sign3A_281 : i1 to i32
      %sign3A_283 = arith.subi %sign3A_279, %sign3A_282 : i32
      %sign3A_284 = arith.constant 0 : i32
      %sign3A_285 = arith.cmpi sgt, %jit3A_275, %sign3A_284 : i32
      %sign3A_286 = arith.extui %sign3A_285 : i1 to i32
      %sign3A_287 = arith.constant 0 : i32
      %sign3A_288 = arith.cmpi slt, %jit3A_275, %sign3A_287 : i32
      %sign3A_289 = arith.extui %sign3A_288 : i1 to i32
      %sign3A_290 = arith.subi %sign3A_286, %sign3A_289 : i32
      %ne3A_291 = arith.cmpi ne, %sign3A_283, %sign3A_290 : i32
      %rem3A_292 = arith.remsi %add3A_274, %jit3A_275 : i32
      %ne3A_293 = arith.constant 0 : i32
      %ne3A_294 = arith.cmpi ne, %rem3A_292, %ne3A_293 : i32
      %and3A_295 = arith.andi %ne3A_291, %ne3A_294 : i1
      %sub3A_296 = arith.constant 1 : i32
      %sub3A_297 = arith.subi %div3A_276, %sub3A_296 : i32
      %select_n3A_298 = arith.select %and3A_295, %sub3A_297, %div3A_276 : i32
      %jit3A_299 = arith.constant 200 : i32
      %eq3A_300 = arith.constant 0 : i32
      %eq3A_301 = arith.cmpi eq, %jit3A_299, %eq3A_300 : i32
      %jit3A_302 = arith.constant 1 : i32
      %select_n3A_303 = arith.select %eq3A_301, %jit3A_302, %jit3A_299 : i32
      %rem3A_304 = arith.remsi %add3A_274, %select_n3A_303 : i32
      %ne3A_305 = arith.constant 0 : i32
      %ne3A_306 = arith.cmpi ne, %rem3A_304, %ne3A_305 : i32
      %lt3A_307 = arith.constant 0 : i32
      %lt3A_308 = arith.cmpi slt, %rem3A_304, %lt3A_307 : i32
      %lt3A_309 = arith.constant 0 : i32
      %lt3A_310 = arith.cmpi slt, %select_n3A_303, %lt3A_309 : i32
      %ne3A_311 = arith.xori %lt3A_308, %lt3A_310 : i1
      %and3A_312 = arith.andi %ne3A_311, %ne3A_306 : i1
      %add3A_313 = arith.addi %rem3A_304, %select_n3A_303 : i32
      %select_n3A_314 = arith.select %and3A_312, %add3A_313, %rem3A_304 : i32
      %dma_start3A_315 = arith.constant 896 : i32
      %dma_start3A_316 = tpu.memref_slice %arg4[%select_n3A_298, %select_n3A_314, %dma_start3A_315] : memref<256x200x1000xf32, #tpu.memory_space<hbm>> -> memref<1x40x104xf32, #tpu.memory_space<hbm>>
      %dma_start3A_317 = tpu.memref_squeeze %dma_start3A_316 : memref<1x40x104xf32, #tpu.memory_space<hbm>> -> memref<40x104xf32, #tpu.memory_space<hbm>>
      %dma_start3A_318 = arith.constant 896 : i32
      %dma_start3A_319 = tpu.memref_slice %arg4[%select_n3A_298, %select_n3A_314, %dma_start3A_318] : memref<256x200x1000xf32, #tpu.memory_space<hbm>> -> memref<1x40x104xf32, #tpu.memory_space<hbm>>
      %dma_start3A_320 = tpu.memref_squeeze %dma_start3A_319 : memref<1x40x104xf32, #tpu.memory_space<hbm>> -> memref<40x104xf32, #tpu.memory_space<hbm>>
      tpu.enqueue_dma source(%arg9 : memref<40x104xf32, #tpu.memory_space<vmem>>) target(%dma_start3A_320 : memref<40x104xf32, #tpu.memory_space<hbm>>) target_semaphore(%arg15 : memref<!tpu.dma_semaphore, #tpu.memory_space<semaphore_mem>>)
    }
    %scan3A_11 = arith.constant 20 : i32
    %add3A_12 = arith.constant 1560 : i32
    %add3A_13 = arith.addi %mul3A_2, %add3A_12 : i32
    %jit3A = arith.constant 200 : i32
    %div3A = arith.divsi %add3A_13, %jit3A : i32
    %sign3A = arith.constant 0 : i32
    %sign3A_14 = arith.cmpi sgt, %add3A_13, %sign3A : i32
    %sign3A_15 = arith.extui %sign3A_14 : i1 to i32
    %sign3A_16 = arith.constant 0 : i32
    %sign3A_17 = arith.cmpi slt, %add3A_13, %sign3A_16 : i32
    %sign3A_18 = arith.extui %sign3A_17 : i1 to i32
    %sign3A_19 = arith.subi %sign3A_15, %sign3A_18 : i32
    %sign3A_20 = arith.constant 0 : i32
    %sign3A_21 = arith.cmpi sgt, %jit3A, %sign3A_20 : i32
    %sign3A_22 = arith.extui %sign3A_21 : i1 to i32
    %sign3A_23 = arith.constant 0 : i32
    %sign3A_24 = arith.cmpi slt, %jit3A, %sign3A_23 : i32
    %sign3A_25 = arith.extui %sign3A_24 : i1 to i32
    %sign3A_26 = arith.subi %sign3A_22, %sign3A_25 : i32
    %ne3A = arith.cmpi ne, %sign3A_19, %sign3A_26 : i32
    %rem3A = arith.remsi %add3A_13, %jit3A : i32
    %ne3A_27 = arith.constant 0 : i32
    %ne3A_28 = arith.cmpi ne, %rem3A, %ne3A_27 : i32
    %and3A = arith.andi %ne3A, %ne3A_28 : i1
    %sub3A = arith.constant 1 : i32
    %sub3A_29 = arith.subi %div3A, %sub3A : i32
    %select_n3A = arith.select %and3A, %sub3A_29, %div3A : i32
    %jit3A_30 = arith.constant 200 : i32
    %eq3A = arith.constant 0 : i32
    %eq3A_31 = arith.cmpi eq, %jit3A_30, %eq3A : i32
    %jit3A_32 = arith.constant 1 : i32
    %select_n3A_33 = arith.select %eq3A_31, %jit3A_32, %jit3A_30 : i32
    %rem3A_34 = arith.remsi %add3A_13, %select_n3A_33 : i32
    %ne3A_35 = arith.constant 0 : i32
    %ne3A_36 = arith.cmpi ne, %rem3A_34, %ne3A_35 : i32
    %lt3A = arith.constant 0 : i32
    %lt3A_37 = arith.cmpi slt, %rem3A_34, %lt3A : i32
    %lt3A_38 = arith.constant 0 : i32
    %lt3A_39 = arith.cmpi slt, %select_n3A_33, %lt3A_38 : i32
    %ne3A_40 = arith.xori %lt3A_37, %lt3A_39 : i1
    %and3A_41 = arith.andi %ne3A_40, %ne3A_36 : i1
    %add3A_42 = arith.addi %rem3A_34, %select_n3A_33 : i32
    %select_n3A_43 = arith.select %and3A_41, %add3A_42, %rem3A_34 : i32
    %dma_wait3A = arith.constant 0 : i32
    %dma_wait3A_44 = arith.constant 0 : i32
    %dma_wait3A_45 = tpu.memref_slice %arg7[%dma_wait3A, %dma_wait3A_44] : memref<40x1024xf32, #tpu.memory_space<vmem>> -> memref<40x896xf32, #tpu.memory_space<vmem>>
    %dma_wait3A_46 = arith.constant 0 : i32
    %dma_wait3A_47 = tpu.memref_slice %arg4[%select_n3A, %select_n3A_43, %dma_wait3A_46] : memref<256x200x1000xf32, #tpu.memory_space<hbm>> -> memref<1x40x896xf32, #tpu.memory_space<hbm>>
    %dma_wait3A_48 = tpu.memref_squeeze %dma_wait3A_47 : memref<1x40x896xf32, #tpu.memory_space<hbm>> -> memref<40x896xf32, #tpu.memory_space<hbm>>
    %dma_wait3A_49 = arith.constant 0 : i32
    %dma_wait3A_50 = tpu.memref_slice %arg4[%select_n3A, %select_n3A_43, %dma_wait3A_49] : memref<256x200x1000xf32, #tpu.memory_space<hbm>> -> memref<1x40x896xf32, #tpu.memory_space<hbm>>
    %dma_wait3A_51 = tpu.memref_squeeze %dma_wait3A_50 : memref<1x40x896xf32, #tpu.memory_space<hbm>> -> memref<40x896xf32, #tpu.memory_space<hbm>>
    %dma_wait3A_52 = arith.constant 0 : i32
    %dma_wait3A_53 = arith.constant 0 : i32
    %dma_wait3A_54 = tpu.memref_slice %arg7[%dma_wait3A_52, %dma_wait3A_53] : memref<40x1024xf32, #tpu.memory_space<vmem>> -> memref<40x896xf32, #tpu.memory_space<vmem>>
    tpu.wait_dma2 semaphore(%arg13 : memref<!tpu.dma_semaphore, #tpu.memory_space<semaphore_mem>>) src(%dma_wait3A_54 : memref<40x896xf32, #tpu.memory_space<vmem>>) dst(%dma_wait3A_51 : memref<40x896xf32, #tpu.memory_space<hbm>>)
    %dma_wait3A_55 = arith.constant 896 : i32
    %dma_wait3A_56 = tpu.memref_slice %arg4[%select_n3A, %select_n3A_43, %dma_wait3A_55] : memref<256x200x1000xf32, #tpu.memory_space<hbm>> -> memref<1x40x104xf32, #tpu.memory_space<hbm>>
    %dma_wait3A_57 = tpu.memref_squeeze %dma_wait3A_56 : memref<1x40x104xf32, #tpu.memory_space<hbm>> -> memref<40x104xf32, #tpu.memory_space<hbm>>
    %dma_wait3A_58 = arith.constant 896 : i32
    %dma_wait3A_59 = tpu.memref_slice %arg4[%select_n3A, %select_n3A_43, %dma_wait3A_58] : memref<256x200x1000xf32, #tpu.memory_space<hbm>> -> memref<1x40x104xf32, #tpu.memory_space<hbm>>
    %dma_wait3A_60 = tpu.memref_squeeze %dma_wait3A_59 : memref<1x40x104xf32, #tpu.memory_space<hbm>> -> memref<40x104xf32, #tpu.memory_space<hbm>>
    tpu.wait_dma2 semaphore(%arg15 : memref<!tpu.dma_semaphore, #tpu.memory_space<semaphore_mem>>) src(%arg9 : memref<40x104xf32, #tpu.memory_space<vmem>>) dst(%dma_wait3A_60 : memref<40x104xf32, #tpu.memory_space<hbm>>)
    return
  }
}

#map = affine_map<(d0, d1) -> (0, 0)>
#map1 = affine_map<(d0, d1) -> (0)>
#map2 = affine_map<(d0, d1) -> (0, 0, 0)>
module attributes {stable_mosaic.version = 14 : i64} {
  func.func @_gather_body(%arg0: i32, %arg1: i32, %arg2: memref<1000x1024xf32, #tpu.memory_space<hbm>>, %arg3: memref<51200xi32, #tpu.memory_space<hbm>>, %arg4: memref<256x200x1000xf32, #tpu.memory_space<hbm>>, %arg5: memref<1600xi32, #tpu.memory_space<vmem>>, %arg6: memref<40x1024xf32, #tpu.memory_space<vmem>>, %arg7: memref<40x1024xf32, #tpu.memory_space<vmem>>, %arg8: memref<40x104xf32, #tpu.memory_space<vmem>>, %arg9: memref<40x104xf32, #tpu.memory_space<vmem>>, %arg10: memref<!tpu.dma_semaphore, #tpu.memory_space<semaphore_mem>>, %arg11: memref<!tpu.dma_semaphore, #tpu.memory_space<semaphore_mem>>, %arg12: memref<!tpu.dma_semaphore, #tpu.memory_space<semaphore_mem>>, %arg13: memref<!tpu.dma_semaphore, #tpu.memory_space<semaphore_mem>>, %arg14: memref<!tpu.dma_semaphore, #tpu.memory_space<semaphore_mem>>, %arg15: memref<!tpu.dma_semaphore, #tpu.memory_space<semaphore_mem>>) attributes {dimension_semantics = [#tpu.dimension_semantics<core_parallel>, #tpu.dimension_semantics<subcore_parallel>], iteration_bounds = array<i64: 2, 16>, scalar_prefetch = 0 : i64, scratch_operands = 11 : i64, tpu.core_type = #tpu.core_type<sc_vector_subcore>, window_params = [{transform_indices = #map}, {transform_indices = #map1}, {transform_indices = #map2}]} {
    %mul3A = arith.constant 2 : i32
    %mul3A_0 = arith.muli %arg1, %mul3A : i32
    %add3A = arith.addi %mul3A_0, %arg0 : i32
    %mul3A_1 = arith.constant 1600 : i32
    %mul3A_2 = arith.muli %add3A, %mul3A_1 : i32
    "tpu.region"() ({
      %run_scoped3A = tpu.sem_alloc : memref<!tpu.dma_semaphore, #tpu.memory_space<semaphore_mem>>
      %dma_start3A_61 = tpu.memref_slice %arg3[%mul3A_2] : memref<51200xi32, #tpu.memory_space<hbm>> -> memref<1600xi32, #tpu.memory_space<hbm>>
      %dma_start3A_62 = tpu.memref_slice %arg3[%mul3A_2] : memref<51200xi32, #tpu.memory_space<hbm>> -> memref<1600xi32, #tpu.memory_space<hbm>>
      tpu.enqueue_dma source(%dma_start3A_62 : memref<1600xi32, #tpu.memory_space<hbm>>) target(%arg5 : memref<1600xi32, #tpu.memory_space<vmem>>) target_semaphore(%run_scoped3A : memref<!tpu.dma_semaphore, #tpu.memory_space<semaphore_mem>>)
      %dma_wait3A_63 = tpu.memref_slice %arg3[%mul3A_2] : memref<51200xi32, #tpu.memory_space<hbm>> -> memref<1600xi32, #tpu.memory_space<hbm>>
      %dma_wait3A_64 = tpu.memref_slice %arg3[%mul3A_2] : memref<51200xi32, #tpu.memory_space<hbm>> -> memref<1600xi32, #tpu.memory_space<hbm>>
      tpu.wait_dma2 semaphore(%run_scoped3A : memref<!tpu.dma_semaphore, #tpu.memory_space<semaphore_mem>>) src(%dma_wait3A_64 : memref<1600xi32, #tpu.memory_space<hbm>>) dst(%arg5 : memref<1600xi32, #tpu.memory_space<vmem>>)
      tpu.yield
    }) : () -> ()
    %dma_start3A = arith.constant 0 : i32
    %dma_start3A_3 = tpu.memref_slice %arg5[%dma_start3A] : memref<1600xi32, #tpu.memory_space<vmem>> -> memref<40xi32, #tpu.memory_space<vmem>>
    %dma_start3A_4 = arith.constant 0 : i32
    %dma_start3A_5 = arith.constant 0 : i32
    %dma_start3A_6 = tpu.memref_slice %arg2[%dma_start3A_4, %dma_start3A_5] : memref<1000x1024xf32, #tpu.memory_space<hbm>> -> memref<1000x1024xf32, #tpu.memory_space<hbm>>
    tpu.enqueue_indirect_dma source(%dma_start3A_6 : memref<1000x1024xf32, #tpu.memory_space<hbm>>) target(%arg6 : memref<40x1024xf32, #tpu.memory_space<vmem>>) offsets(%dma_start3A_3 : memref<40xi32, #tpu.memory_space<vmem>>) semaphore(%arg10 : memref<!tpu.dma_semaphore, #tpu.memory_space<semaphore_mem>>)
    %scan3A = arith.constant 0 : i32
    %scan3A_7 = arith.constant 0 : i32
    %scan3A_8 = arith.constant 20 : i32
    %scan3A_9 = arith.addi %scan3A_7, %scan3A_8 : i32
    %scan3A_10 = arith.constant 1 : i32
    scf.for %scan3A_61 = %scan3A_7 to %scan3A_9 step %scan3A_10  : i32 {
      %mul3A_62 = arith.constant 2 : i32
      %mul3A_63 = arith.muli %mul3A_62, %scan3A_61 : i32
      %ge3A = arith.constant 1 : i32
      %ge3A_64 = arith.cmpi sge, %mul3A_63, %ge3A : i32
      %convert_element_type3A = arith.extui %ge3A_64 : i1 to i32
      %cond3A = arith.constant 0 : i32
      %cond3A_65 = arith.cmpi ne, %convert_element_type3A, %cond3A : i32
      scf.if %cond3A_65 {
        %sub3A_321 = arith.constant 1 : i32
        %sub3A_322 = arith.subi %mul3A_63, %sub3A_321 : i32
        %mul3A_323 = arith.constant 40 : i32
        %mul3A_324 = arith.muli %sub3A_322, %mul3A_323 : i32
        %add3A_325 = arith.addi %mul3A_2, %mul3A_324 : i32
        %jit3A_326 = arith.constant 200 : i32
        %div3A_327 = arith.divsi %add3A_325, %jit3A_326 : i32
        %sign3A_328 = arith.constant 0 : i32
        %sign3A_329 = arith.cmpi sgt, %add3A_325, %sign3A_328 : i32
        %sign3A_330 = arith.extui %sign3A_329 : i1 to i32
        %sign3A_331 = arith.constant 0 : i32
        %sign3A_332 = arith.cmpi slt, %add3A_325, %sign3A_331 : i32
        %sign3A_333 = arith.extui %sign3A_332 : i1 to i32
        %sign3A_334 = arith.subi %sign3A_330, %sign3A_333 : i32
        %sign3A_335 = arith.constant 0 : i32
        %sign3A_336 = arith.cmpi sgt, %jit3A_326, %sign3A_335 : i32
        %sign3A_337 = arith.extui %sign3A_336 : i1 to i32
        %sign3A_338 = arith.constant 0 : i32
        %sign3A_339 = arith.cmpi slt, %jit3A_326, %sign3A_338 : i32
        %sign3A_340 = arith.extui %sign3A_339 : i1 to i32
        %sign3A_341 = arith.subi %sign3A_337, %sign3A_340 : i32
        %ne3A_342 = arith.cmpi ne, %sign3A_334, %sign3A_341 : i32
        %rem3A_343 = arith.remsi %add3A_325, %jit3A_326 : i32
        %ne3A_344 = arith.constant 0 : i32
        %ne3A_345 = arith.cmpi ne, %rem3A_343, %ne3A_344 : i32
        %and3A_346 = arith.andi %ne3A_342, %ne3A_345 : i1
        %sub3A_347 = arith.constant 1 : i32
        %sub3A_348 = arith.subi %div3A_327, %sub3A_347 : i32
        %select_n3A_349 = arith.select %and3A_346, %sub3A_348, %div3A_327 : i32
        %jit3A_350 = arith.constant 200 : i32
        %eq3A_351 = arith.constant 0 : i32
        %eq3A_352 = arith.cmpi eq, %jit3A_350, %eq3A_351 : i32
        %jit3A_353 = arith.constant 1 : i32
        %select_n3A_354 = arith.select %eq3A_352, %jit3A_353, %jit3A_350 : i32
        %rem3A_355 = arith.remsi %add3A_325, %select_n3A_354 : i32
        %ne3A_356 = arith.constant 0 : i32
        %ne3A_357 = arith.cmpi ne, %rem3A_355, %ne3A_356 : i32
        %lt3A_358 = arith.constant 0 : i32
        %lt3A_359 = arith.cmpi slt, %rem3A_355, %lt3A_358 : i32
        %lt3A_360 = arith.constant 0 : i32
        %lt3A_361 = arith.cmpi slt, %select_n3A_354, %lt3A_360 : i32
        %ne3A_362 = arith.xori %lt3A_359, %lt3A_361 : i1
        %and3A_363 = arith.andi %ne3A_362, %ne3A_357 : i1
        %add3A_364 = arith.addi %rem3A_355, %select_n3A_354 : i32
        %select_n3A_365 = arith.select %and3A_363, %add3A_364, %rem3A_355 : i32
        %dma_wait3A_366 = arith.constant 0 : i32
        %dma_wait3A_367 = arith.constant 0 : i32
        %dma_wait3A_368 = tpu.memref_slice %arg7[%dma_wait3A_366, %dma_wait3A_367] : memref<40x1024xf32, #tpu.memory_space<vmem>> -> memref<40x896xf32, #tpu.memory_space<vmem>>
        %dma_wait3A_369 = arith.constant 0 : i32
        %dma_wait3A_370 = tpu.memref_slice %arg4[%select_n3A_349, %select_n3A_365, %dma_wait3A_369] : memref<256x200x1000xf32, #tpu.memory_space<hbm>> -> memref<1x40x896xf32, #tpu.memory_space<hbm>>
        %dma_wait3A_371 = tpu.memref_squeeze %dma_wait3A_370 : memref<1x40x896xf32, #tpu.memory_space<hbm>> -> memref<40x896xf32, #tpu.memory_space<hbm>>
        %dma_wait3A_372 = arith.constant 0 : i32
        %dma_wait3A_373 = tpu.memref_slice %arg4[%select_n3A_349, %select_n3A_365, %dma_wait3A_372] : memref<256x200x1000xf32, #tpu.memory_space<hbm>> -> memref<1x40x896xf32, #tpu.memory_space<hbm>>
        %dma_wait3A_374 = tpu.memref_squeeze %dma_wait3A_373 : memref<1x40x896xf32, #tpu.memory_space<hbm>> -> memref<40x896xf32, #tpu.memory_space<hbm>>
        %dma_wait3A_375 = arith.constant 0 : i32
        %dma_wait3A_376 = arith.constant 0 : i32
        %dma_wait3A_377 = tpu.memref_slice %arg7[%dma_wait3A_375, %dma_wait3A_376] : memref<40x1024xf32, #tpu.memory_space<vmem>> -> memref<40x896xf32, #tpu.memory_space<vmem>>
        tpu.wait_dma2 semaphore(%arg13 : memref<!tpu.dma_semaphore, #tpu.memory_space<semaphore_mem>>) src(%dma_wait3A_377 : memref<40x896xf32, #tpu.memory_space<vmem>>) dst(%dma_wait3A_374 : memref<40x896xf32, #tpu.memory_space<hbm>>)
        %dma_wait3A_378 = arith.constant 896 : i32
        %dma_wait3A_379 = tpu.memref_slice %arg4[%select_n3A_349, %select_n3A_365, %dma_wait3A_378] : memref<256x200x1000xf32, #tpu.memory_space<hbm>> -> memref<1x40x104xf32, #tpu.memory_space<hbm>>
        %dma_wait3A_380 = tpu.memref_squeeze %dma_wait3A_379 : memref<1x40x104xf32, #tpu.memory_space<hbm>> -> memref<40x104xf32, #tpu.memory_space<hbm>>
        %dma_wait3A_381 = arith.constant 896 : i32
        %dma_wait3A_382 = tpu.memref_slice %arg4[%select_n3A_349, %select_n3A_365, %dma_wait3A_381] : memref<256x200x1000xf32, #tpu.memory_space<hbm>> -> memref<1x40x104xf32, #tpu.memory_space<hbm>>
        %dma_wait3A_383 = tpu.memref_squeeze %dma_wait3A_382 : memref<1x40x104xf32, #tpu.memory_space<hbm>> -> memref<40x104xf32, #tpu.memory_space<hbm>>
        tpu.wait_dma2 semaphore(%arg15 : memref<!tpu.dma_semaphore, #tpu.memory_space<semaphore_mem>>) src(%arg9 : memref<40x104xf32, #tpu.memory_space<vmem>>) dst(%dma_wait3A_383 : memref<40x104xf32, #tpu.memory_space<hbm>>)
      } else {
      }
      %add3A_66 = arith.constant 1 : i32
      %add3A_67 = arith.addi %mul3A_63, %add3A_66 : i32
      %lt3A_68 = arith.constant 40 : i32
      %lt3A_69 = arith.cmpi slt, %add3A_67, %lt3A_68 : i32
      %convert_element_type3A_70 = arith.extui %lt3A_69 : i1 to i32
      %cond3A_71 = arith.constant 0 : i32
      %cond3A_72 = arith.cmpi ne, %convert_element_type3A_70, %cond3A_71 : i32
      scf.if %cond3A_72 {
        %add3A_321 = arith.constant 1 : i32
        %add3A_322 = arith.addi %mul3A_63, %add3A_321 : i32
        %mul3A_323 = arith.constant 40 : i32
        %mul3A_324 = arith.muli %add3A_322, %mul3A_323 : i32
        %dma_start3A_325 = tpu.memref_slice %arg5[%mul3A_324] : memref<1600xi32, #tpu.memory_space<vmem>> -> memref<40xi32, #tpu.memory_space<vmem>>
        %dma_start3A_326 = arith.constant 0 : i32
        %dma_start3A_327 = arith.constant 0 : i32
        %dma_start3A_328 = tpu.memref_slice %arg2[%dma_start3A_326, %dma_start3A_327] : memref<1000x1024xf32, #tpu.memory_space<hbm>> -> memref<1000x1024xf32, #tpu.memory_space<hbm>>
        tpu.enqueue_indirect_dma source(%dma_start3A_328 : memref<1000x1024xf32, #tpu.memory_space<hbm>>) target(%arg7 : memref<40x1024xf32, #tpu.memory_space<vmem>>) offsets(%dma_start3A_325 : memref<40xi32, #tpu.memory_space<vmem>>) semaphore(%arg11 : memref<!tpu.dma_semaphore, #tpu.memory_space<semaphore_mem>>)
      } else {
      }
      %mul3A_73 = arith.constant 40 : i32
      %mul3A_74 = arith.muli %mul3A_63, %mul3A_73 : i32
      %dma_wait3A_75 = tpu.memref_slice %arg5[%mul3A_74] : memref<1600xi32, #tpu.memory_space<vmem>> -> memref<40xi32, #tpu.memory_space<vmem>>
      %dma_wait3A_76 = arith.constant 0 : i32
      %dma_wait3A_77 = arith.constant 0 : i32
      %dma_wait3A_78 = tpu.memref_slice %arg2[%dma_wait3A_76, %dma_wait3A_77] : memref<1000x1024xf32, #tpu.memory_space<hbm>> -> memref<1000x1024xf32, #tpu.memory_space<hbm>>
      tpu.wait_indirect_dma semaphore(%arg10 : memref<!tpu.dma_semaphore, #tpu.memory_space<semaphore_mem>>) src(%dma_wait3A_78 : memref<1000x1024xf32, #tpu.memory_space<hbm>>) dst(%arg6 : memref<40x1024xf32, #tpu.memory_space<vmem>>)
      %mul3A_79 = arith.constant 40 : i32
      %mul3A_80 = arith.muli %mul3A_63, %mul3A_79 : i32
      %add3A_81 = arith.addi %mul3A_2, %mul3A_80 : i32
      %jit3A_82 = arith.constant 200 : i32
      %div3A_83 = arith.divsi %add3A_81, %jit3A_82 : i32
      %sign3A_84 = arith.constant 0 : i32
      %sign3A_85 = arith.cmpi sgt, %add3A_81, %sign3A_84 : i32
      %sign3A_86 = arith.extui %sign3A_85 : i1 to i32
      %sign3A_87 = arith.constant 0 : i32
      %sign3A_88 = arith.cmpi slt, %add3A_81, %sign3A_87 : i32
      %sign3A_89 = arith.extui %sign3A_88 : i1 to i32
      %sign3A_90 = arith.subi %sign3A_86, %sign3A_89 : i32
      %sign3A_91 = arith.constant 0 : i32
      %sign3A_92 = arith.cmpi sgt, %jit3A_82, %sign3A_91 : i32
      %sign3A_93 = arith.extui %sign3A_92 : i1 to i32
      %sign3A_94 = arith.constant 0 : i32
      %sign3A_95 = arith.cmpi slt, %jit3A_82, %sign3A_94 : i32
      %sign3A_96 = arith.extui %sign3A_95 : i1 to i32
      %sign3A_97 = arith.subi %sign3A_93, %sign3A_96 : i32
      %ne3A_98 = arith.cmpi ne, %sign3A_90, %sign3A_97 : i32
      %rem3A_99 = arith.remsi %add3A_81, %jit3A_82 : i32
      %ne3A_100 = arith.constant 0 : i32
      %ne3A_101 = arith.cmpi ne, %rem3A_99, %ne3A_100 : i32
      %and3A_102 = arith.andi %ne3A_98, %ne3A_101 : i1
      %sub3A_103 = arith.constant 1 : i32
      %sub3A_104 = arith.subi %div3A_83, %sub3A_103 : i32
      %select_n3A_105 = arith.select %and3A_102, %sub3A_104, %div3A_83 : i32
      %jit3A_106 = arith.constant 200 : i32
      %eq3A_107 = arith.constant 0 : i32
      %eq3A_108 = arith.cmpi eq, %jit3A_106, %eq3A_107 : i32
      %jit3A_109 = arith.constant 1 : i32
      %select_n3A_110 = arith.select %eq3A_108, %jit3A_109, %jit3A_106 : i32
      %rem3A_111 = arith.remsi %add3A_81, %select_n3A_110 : i32
      %ne3A_112 = arith.constant 0 : i32
      %ne3A_113 = arith.cmpi ne, %rem3A_111, %ne3A_112 : i32
      %lt3A_114 = arith.constant 0 : i32
      %lt3A_115 = arith.cmpi slt, %rem3A_111, %lt3A_114 : i32
      %lt3A_116 = arith.constant 0 : i32
      %lt3A_117 = arith.cmpi slt, %select_n3A_110, %lt3A_116 : i32
      %ne3A_118 = arith.xori %lt3A_115, %lt3A_117 : i1
      %and3A_119 = arith.andi %ne3A_118, %ne3A_113 : i1
      %add3A_120 = arith.addi %rem3A_111, %select_n3A_110 : i32
      %select_n3A_121 = arith.select %and3A_119, %add3A_120, %rem3A_111 : i32
      %dma_start3A_122 = arith.constant 0 : i32
      %dma_start3A_123 = arith.constant 0 : i32
      %dma_start3A_124 = tpu.memref_slice %arg6[%dma_start3A_122, %dma_start3A_123] : memref<40x1024xf32, #tpu.memory_space<vmem>> -> memref<40x896xf32, #tpu.memory_space<vmem>>
      %dma_start3A_125 = arith.constant 0 : i32
      %dma_start3A_126 = tpu.memref_slice %arg4[%select_n3A_105, %select_n3A_121, %dma_start3A_125] : memref<256x200x1000xf32, #tpu.memory_space<hbm>> -> memref<1x40x896xf32, #tpu.memory_space<hbm>>
      %dma_start3A_127 = tpu.memref_squeeze %dma_start3A_126 : memref<1x40x896xf32, #tpu.memory_space<hbm>> -> memref<40x896xf32, #tpu.memory_space<hbm>>
      %dma_start3A_128 = arith.constant 0 : i32
      %dma_start3A_129 = tpu.memref_slice %arg4[%select_n3A_105, %select_n3A_121, %dma_start3A_128] : memref<256x200x1000xf32, #tpu.memory_space<hbm>> -> memref<1x40x896xf32, #tpu.memory_space<hbm>>
      %dma_start3A_130 = tpu.memref_squeeze %dma_start3A_129 : memref<1x40x896xf32, #tpu.memory_space<hbm>> -> memref<40x896xf32, #tpu.memory_space<hbm>>
      %dma_start3A_131 = arith.constant 0 : i32
      %dma_start3A_132 = arith.constant 0 : i32
      %dma_start3A_133 = tpu.memref_slice %arg6[%dma_start3A_131, %dma_start3A_132] : memref<40x1024xf32, #tpu.memory_space<vmem>> -> memref<40x896xf32, #tpu.memory_space<vmem>>
      tpu.enqueue_dma source(%dma_start3A_133 : memref<40x896xf32, #tpu.memory_space<vmem>>) target(%dma_start3A_130 : memref<40x896xf32, #tpu.memory_space<hbm>>) target_semaphore(%arg12 : memref<!tpu.dma_semaphore, #tpu.memory_space<semaphore_mem>>)
      %scan3A_134 = arith.constant 0 : i32
      %scan3A_135 = arith.constant 0 : i32
      %scan3A_136 = arith.constant 40 : i32
      %scan3A_137 = arith.addi %scan3A_135, %scan3A_136 : i32
      %scan3A_138 = arith.constant 1 : i32
      scf.for %scan3A_321 = %scan3A_135 to %scan3A_137 step %scan3A_138  : i32 {
        %get3A = arith.index_cast %scan3A_321 : i32 to index
        %get3A_322 = arith.constant 896 : index
        %get3A_323 = tpu.vector_load %arg6[%get3A, %get3A_322] {strides = array<i32>} : memref<40x1024xf32, #tpu.memory_space<vmem>>, vector<1x16xf32>,
        %get3A_324 = vector.shape_cast %get3A_323 : vector<1x16xf32> to vector<16xf32>
        %swap3A = arith.index_cast %scan3A_321 : i32 to index
        %swap3A_325 = arith.constant 0 : index
        %swap3A_326 = tpu.vector_load %arg8[%swap3A, %swap3A_325] {strides = array<i32>} : memref<40x104xf32, #tpu.memory_space<vmem>>, vector<1x16xf32>,
        %swap3A_327 = vector.shape_cast %swap3A_326 : vector<1x16xf32> to vector<16xf32>
        %swap3A_328 = vector.shape_cast %get3A_324 : vector<16xf32> to vector<1x16xf32>
        tpu.vector_store %arg8[%swap3A, %swap3A_325], %swap3A_328 {strides = array<i32>} : memref<40x104xf32, #tpu.memory_space<vmem>>, vector<1x16xf32>,
        %get3A_329 = arith.index_cast %scan3A_321 : i32 to index
        %get3A_330 = arith.constant 912 : index
        %get3A_331 = tpu.vector_load %arg6[%get3A_329, %get3A_330] {strides = array<i32>} : memref<40x1024xf32, #tpu.memory_space<vmem>>, vector<1x16xf32>,
        %get3A_332 = vector.shape_cast %get3A_331 : vector<1x16xf32> to vector<16xf32>
        %swap3A_333 = arith.index_cast %scan3A_321 : i32 to index
        %swap3A_334 = arith.constant 16 : index
        %swap3A_335 = tpu.vector_load %arg8[%swap3A_333, %swap3A_334] {strides = array<i32>} : memref<40x104xf32, #tpu.memory_space<vmem>>, vector<1x16xf32>,
        %swap3A_336 = vector.shape_cast %swap3A_335 : vector<1x16xf32> to vector<16xf32>
        %swap3A_337 = vector.shape_cast %get3A_332 : vector<16xf32> to vector<1x16xf32>
        tpu.vector_store %arg8[%swap3A_333, %swap3A_334], %swap3A_337 {strides = array<i32>} : memref<40x104xf32, #tpu.memory_space<vmem>>, vector<1x16xf32>,
        %get3A_338 = arith.index_cast %scan3A_321 : i32 to index
        %get3A_339 = arith.constant 928 : index
        %get3A_340 = tpu.vector_load %arg6[%get3A_338, %get3A_339] {strides = array<i32>} : memref<40x1024xf32, #tpu.memory_space<vmem>>, vector<1x16xf32>,
        %get3A_341 = vector.shape_cast %get3A_340 : vector<1x16xf32> to vector<16xf32>
        %swap3A_342 = arith.index_cast %scan3A_321 : i32 to index
        %swap3A_343 = arith.constant 32 : index
        %swap3A_344 = tpu.vector_load %arg8[%swap3A_342, %swap3A_343] {strides = array<i32>} : memref<40x104xf32, #tpu.memory_space<vmem>>, vector<1x16xf32>,
        %swap3A_345 = vector.shape_cast %swap3A_344 : vector<1x16xf32> to vector<16xf32>
        %swap3A_346 = vector.shape_cast %get3A_341 : vector<16xf32> to vector<1x16xf32>
        tpu.vector_store %arg8[%swap3A_342, %swap3A_343], %swap3A_346 {strides = array<i32>} : memref<40x104xf32, #tpu.memory_space<vmem>>, vector<1x16xf32>,
        %get3A_347 = arith.index_cast %scan3A_321 : i32 to index
        %get3A_348 = arith.constant 944 : index
        %get3A_349 = tpu.vector_load %arg6[%get3A_347, %get3A_348] {strides = array<i32>} : memref<40x1024xf32, #tpu.memory_space<vmem>>, vector<1x16xf32>,
        %get3A_350 = vector.shape_cast %get3A_349 : vector<1x16xf32> to vector<16xf32>
        %swap3A_351 = arith.index_cast %scan3A_321 : i32 to index
        %swap3A_352 = arith.constant 48 : index
        %swap3A_353 = tpu.vector_load %arg8[%swap3A_351, %swap3A_352] {strides = array<i32>} : memref<40x104xf32, #tpu.memory_space<vmem>>, vector<1x16xf32>,
        %swap3A_354 = vector.shape_cast %swap3A_353 : vector<1x16xf32> to vector<16xf32>
        %swap3A_355 = vector.shape_cast %get3A_350 : vector<16xf32> to vector<1x16xf32>
        tpu.vector_store %arg8[%swap3A_351, %swap3A_352], %swap3A_355 {strides = array<i32>} : memref<40x104xf32, #tpu.memory_space<vmem>>, vector<1x16xf32>,
        %get3A_356 = arith.index_cast %scan3A_321 : i32 to index
        %get3A_357 = arith.constant 960 : index
        %get3A_358 = tpu.vector_load %arg6[%get3A_356, %get3A_357] {strides = array<i32>} : memref<40x1024xf32, #tpu.memory_space<vmem>>, vector<1x16xf32>,
        %get3A_359 = vector.shape_cast %get3A_358 : vector<1x16xf32> to vector<16xf32>
        %swap3A_360 = arith.index_cast %scan3A_321 : i32 to index
        %swap3A_361 = arith.constant 64 : index
        %swap3A_362 = tpu.vector_load %arg8[%swap3A_360, %swap3A_361] {strides = array<i32>} : memref<40x104xf32, #tpu.memory_space<vmem>>, vector<1x16xf32>,
        %swap3A_363 = vector.shape_cast %swap3A_362 : vector<1x16xf32> to vector<16xf32>
        %swap3A_364 = vector.shape_cast %get3A_359 : vector<16xf32> to vector<1x16xf32>
        tpu.vector_store %arg8[%swap3A_360, %swap3A_361], %swap3A_364 {strides = array<i32>} : memref<40x104xf32, #tpu.memory_space<vmem>>, vector<1x16xf32>,
        %get3A_365 = arith.index_cast %scan3A_321 : i32 to index
        %get3A_366 = arith.constant 976 : index
        %get3A_367 = tpu.vector_load %arg6[%get3A_365, %get3A_366] {strides = array<i32>} : memref<40x1024xf32, #tpu.memory_space<vmem>>, vector<1x16xf32>,
        %get3A_368 = vector.shape_cast %get3A_367 : vector<1x16xf32> to vector<16xf32>
        %swap3A_369 = arith.index_cast %scan3A_321 : i32 to index
        %swap3A_370 = arith.constant 80 : index
        %swap3A_371 = tpu.vector_load %arg8[%swap3A_369, %swap3A_370] {strides = array<i32>} : memref<40x104xf32, #tpu.memory_space<vmem>>, vector<1x16xf32>,
        %swap3A_372 = vector.shape_cast %swap3A_371 : vector<1x16xf32> to vector<16xf32>
        %swap3A_373 = vector.shape_cast %get3A_368 : vector<16xf32> to vector<1x16xf32>
        tpu.vector_store %arg8[%swap3A_369, %swap3A_370], %swap3A_373 {strides = array<i32>} : memref<40x104xf32, #tpu.memory_space<vmem>>, vector<1x16xf32>,
        %get3A_374 = arith.index_cast %scan3A_321 : i32 to index
        %get3A_375 = arith.constant 984 : index
        %get3A_376 = tpu.vector_load %arg6[%get3A_374, %get3A_375] {strides = array<i32>} : memref<40x1024xf32, #tpu.memory_space<vmem>>, vector<1x16xf32>,
        %get3A_377 = vector.shape_cast %get3A_376 : vector<1x16xf32> to vector<16xf32>
        %swap3A_378 = arith.index_cast %scan3A_321 : i32 to index
        %swap3A_379 = arith.constant 88 : index
        %swap3A_380 = tpu.vector_load %arg8[%swap3A_378, %swap3A_379] {strides = array<i32>} : memref<40x104xf32, #tpu.memory_space<vmem>>, vector<1x16xf32>,
        %swap3A_381 = vector.shape_cast %swap3A_380 : vector<1x16xf32> to vector<16xf32>
        %swap3A_382 = vector.shape_cast %get3A_377 : vector<16xf32> to vector<1x16xf32>
        tpu.vector_store %arg8[%swap3A_378, %swap3A_379], %swap3A_382 {strides = array<i32>} : memref<40x104xf32, #tpu.memory_space<vmem>>, vector<1x16xf32>,
      }
      %scan3A_139 = arith.constant 40 : i32
      %mul3A_140 = arith.constant 40 : i32
      %mul3A_141 = arith.muli %mul3A_63, %mul3A_140 : i32
      %add3A_142 = arith.addi %mul3A_2, %mul3A_141 : i32
      %jit3A_143 = arith.constant 200 : i32
      %div3A_144 = arith.divsi %add3A_142, %jit3A_143 : i32
      %sign3A_145 = arith.constant 0 : i32
      %sign3A_146 = arith.cmpi sgt, %add3A_142, %sign3A_145 : i32
      %sign3A_147 = arith.extui %sign3A_146 : i1 to i32
      %sign3A_148 = arith.constant 0 : i32
      %sign3A_149 = arith.cmpi slt, %add3A_142, %sign3A_148 : i32
      %sign3A_150 = arith.extui %sign3A_149 : i1 to i32
      %sign3A_151 = arith.subi %sign3A_147, %sign3A_150 : i32
      %sign3A_152 = arith.constant 0 : i32
      %sign3A_153 = arith.cmpi sgt, %jit3A_143, %sign3A_152 : i32
      %sign3A_154 = arith.extui %sign3A_153 : i1 to i32
      %sign3A_155 = arith.constant 0 : i32
      %sign3A_156 = arith.cmpi slt, %jit3A_143, %sign3A_155 : i32
      %sign3A_157 = arith.extui %sign3A_156 : i1 to i32
      %sign3A_158 = arith.subi %sign3A_154, %sign3A_157 : i32
      %ne3A_159 = arith.cmpi ne, %sign3A_151, %sign3A_158 : i32
      %rem3A_160 = arith.remsi %add3A_142, %jit3A_143 : i32
      %ne3A_161 = arith.constant 0 : i32
      %ne3A_162 = arith.cmpi ne, %rem3A_160, %ne3A_161 : i32
      %and3A_163 = arith.andi %ne3A_159, %ne3A_162 : i1
      %sub3A_164 = arith.constant 1 : i32
      %sub3A_165 = arith.subi %div3A_144, %sub3A_164 : i32
      %select_n3A_166 = arith.select %and3A_163, %sub3A_165, %div3A_144 : i32
      %jit3A_167 = arith.constant 200 : i32
      %eq3A_168 = arith.constant 0 : i32
      %eq3A_169 = arith.cmpi eq, %jit3A_167, %eq3A_168 : i32
      %jit3A_170 = arith.constant 1 : i32
      %select_n3A_171 = arith.select %eq3A_169, %jit3A_170, %jit3A_167 : i32
      %rem3A_172 = arith.remsi %add3A_142, %select_n3A_171 : i32
      %ne3A_173 = arith.constant 0 : i32
      %ne3A_174 = arith.cmpi ne, %rem3A_172, %ne3A_173 : i32
      %lt3A_175 = arith.constant 0 : i32
      %lt3A_176 = arith.cmpi slt, %rem3A_172, %lt3A_175 : i32
      %lt3A_177 = arith.constant 0 : i32
      %lt3A_178 = arith.cmpi slt, %select_n3A_171, %lt3A_177 : i32
      %ne3A_179 = arith.xori %lt3A_176, %lt3A_178 : i1
      %and3A_180 = arith.andi %ne3A_179, %ne3A_174 : i1
      %add3A_181 = arith.addi %rem3A_172, %select_n3A_171 : i32
      %select_n3A_182 = arith.select %and3A_180, %add3A_181, %rem3A_172 : i32
      %dma_start3A_183 = arith.constant 896 : i32
      %dma_start3A_184 = tpu.memref_slice %arg4[%select_n3A_166, %select_n3A_182, %dma_start3A_183] : memref<256x200x1000xf32, #tpu.memory_space<hbm>> -> memref<1x40x104xf32, #tpu.memory_space<hbm>>
      %dma_start3A_185 = tpu.memref_squeeze %dma_start3A_184 : memref<1x40x104xf32, #tpu.memory_space<hbm>> -> memref<40x104xf32, #tpu.memory_space<hbm>>
      %dma_start3A_186 = arith.constant 896 : i32
      %dma_start3A_187 = tpu.memref_slice %arg4[%select_n3A_166, %select_n3A_182, %dma_start3A_186] : memref<256x200x1000xf32, #tpu.memory_space<hbm>> -> memref<1x40x104xf32, #tpu.memory_space<hbm>>
      %dma_start3A_188 = tpu.memref_squeeze %dma_start3A_187 : memref<1x40x104xf32, #tpu.memory_space<hbm>> -> memref<40x104xf32, #tpu.memory_space<hbm>>
      tpu.enqueue_dma source(%arg8 : memref<40x104xf32, #tpu.memory_space<vmem>>) target(%dma_start3A_188 : memref<40x104xf32, #tpu.memory_space<hbm>>) target_semaphore(%arg14 : memref<!tpu.dma_semaphore, #tpu.memory_space<semaphore_mem>>)
      %mul3A_189 = arith.constant 2 : i32
      %mul3A_190 = arith.muli %mul3A_189, %scan3A_61 : i32
      %add3A_191 = arith.constant 1 : i32
      %add3A_192 = arith.addi %mul3A_190, %add3A_191 : i32
      %ge3A_193 = arith.constant 1 : i32
      %ge3A_194 = arith.cmpi sge, %add3A_192, %ge3A_193 : i32
      %convert_element_type3A_195 = arith.extui %ge3A_194 : i1 to i32
      %cond3A_196 = arith.constant 0 : i32
      %cond3A_197 = arith.cmpi ne, %convert_element_type3A_195, %cond3A_196 : i32
      scf.if %cond3A_197 {
        %sub3A_321 = arith.constant 1 : i32
        %sub3A_322 = arith.subi %add3A_192, %sub3A_321 : i32
        %mul3A_323 = arith.constant 40 : i32
        %mul3A_324 = arith.muli %sub3A_322, %mul3A_323 : i32
        %add3A_325 = arith.addi %mul3A_2, %mul3A_324 : i32
        %jit3A_326 = arith.constant 200 : i32
        %div3A_327 = arith.divsi %add3A_325, %jit3A_326 : i32
        %sign3A_328 = arith.constant 0 : i32
        %sign3A_329 = arith.cmpi sgt, %add3A_325, %sign3A_328 : i32
        %sign3A_330 = arith.extui %sign3A_329 : i1 to i32
        %sign3A_331 = arith.constant 0 : i32
        %sign3A_332 = arith.cmpi slt, %add3A_325, %sign3A_331 : i32
        %sign3A_333 = arith.extui %sign3A_332 : i1 to i32
        %sign3A_334 = arith.subi %sign3A_330, %sign3A_333 : i32
        %sign3A_335 = arith.constant 0 : i32
        %sign3A_336 = arith.cmpi sgt, %jit3A_326, %sign3A_335 : i32
        %sign3A_337 = arith.extui %sign3A_336 : i1 to i32
        %sign3A_338 = arith.constant 0 : i32
        %sign3A_339 = arith.cmpi slt, %jit3A_326, %sign3A_338 : i32
        %sign3A_340 = arith.extui %sign3A_339 : i1 to i32
        %sign3A_341 = arith.subi %sign3A_337, %sign3A_340 : i32
        %ne3A_342 = arith.cmpi ne, %sign3A_334, %sign3A_341 : i32
        %rem3A_343 = arith.remsi %add3A_325, %jit3A_326 : i32
        %ne3A_344 = arith.constant 0 : i32
        %ne3A_345 = arith.cmpi ne, %rem3A_343, %ne3A_344 : i32
        %and3A_346 = arith.andi %ne3A_342, %ne3A_345 : i1
        %sub3A_347 = arith.constant 1 : i32
        %sub3A_348 = arith.subi %div3A_327, %sub3A_347 : i32
        %select_n3A_349 = arith.select %and3A_346, %sub3A_348, %div3A_327 : i32
        %jit3A_350 = arith.constant 200 : i32
        %eq3A_351 = arith.constant 0 : i32
        %eq3A_352 = arith.cmpi eq, %jit3A_350, %eq3A_351 : i32
        %jit3A_353 = arith.constant 1 : i32
        %select_n3A_354 = arith.select %eq3A_352, %jit3A_353, %jit3A_350 : i32
        %rem3A_355 = arith.remsi %add3A_325, %select_n3A_354 : i32
        %ne3A_356 = arith.constant 0 : i32
        %ne3A_357 = arith.cmpi ne, %rem3A_355, %ne3A_356 : i32
        %lt3A_358 = arith.constant 0 : i32
        %lt3A_359 = arith.cmpi slt, %rem3A_355, %lt3A_358 : i32
        %lt3A_360 = arith.constant 0 : i32
        %lt3A_361 = arith.cmpi slt, %select_n3A_354, %lt3A_360 : i32
        %ne3A_362 = arith.xori %lt3A_359, %lt3A_361 : i1
        %and3A_363 = arith.andi %ne3A_362, %ne3A_357 : i1
        %add3A_364 = arith.addi %rem3A_355, %select_n3A_354 : i32
        %select_n3A_365 = arith.select %and3A_363, %add3A_364, %rem3A_355 : i32
        %dma_wait3A_366 = arith.constant 0 : i32
        %dma_wait3A_367 = arith.constant 0 : i32
        %dma_wait3A_368 = tpu.memref_slice %arg6[%dma_wait3A_366, %dma_wait3A_367] : memref<40x1024xf32, #tpu.memory_space<vmem>> -> memref<40x896xf32, #tpu.memory_space<vmem>>
        %dma_wait3A_369 = arith.constant 0 : i32
        %dma_wait3A_370 = tpu.memref_slice %arg4[%select_n3A_349, %select_n3A_365, %dma_wait3A_369] : memref<256x200x1000xf32, #tpu.memory_space<hbm>> -> memref<1x40x896xf32, #tpu.memory_space<hbm>>
        %dma_wait3A_371 = tpu.memref_squeeze %dma_wait3A_370 : memref<1x40x896xf32, #tpu.memory_space<hbm>> -> memref<40x896xf32, #tpu.memory_space<hbm>>
        %dma_wait3A_372 = arith.constant 0 : i32
        %dma_wait3A_373 = tpu.memref_slice %arg4[%select_n3A_349, %select_n3A_365, %dma_wait3A_372] : memref<256x200x1000xf32, #tpu.memory_space<hbm>> -> memref<1x40x896xf32, #tpu.memory_space<hbm>>
        %dma_wait3A_374 = tpu.memref_squeeze %dma_wait3A_373 : memref<1x40x896xf32, #tpu.memory_space<hbm>> -> memref<40x896xf32, #tpu.memory_space<hbm>>
        %dma_wait3A_375 = arith.constant 0 : i32
        %dma_wait3A_376 = arith.constant 0 : i32
        %dma_wait3A_377 = tpu.memref_slice %arg6[%dma_wait3A_375, %dma_wait3A_376] : memref<40x1024xf32, #tpu.memory_space<vmem>> -> memref<40x896xf32, #tpu.memory_space<vmem>>
        tpu.wait_dma2 semaphore(%arg12 : memref<!tpu.dma_semaphore, #tpu.memory_space<semaphore_mem>>) src(%dma_wait3A_377 : memref<40x896xf32, #tpu.memory_space<vmem>>) dst(%dma_wait3A_374 : memref<40x896xf32, #tpu.memory_space<hbm>>)
        %dma_wait3A_378 = arith.constant 896 : i32
        %dma_wait3A_379 = tpu.memref_slice %arg4[%select_n3A_349, %select_n3A_365, %dma_wait3A_378] : memref<256x200x1000xf32, #tpu.memory_space<hbm>> -> memref<1x40x104xf32, #tpu.memory_space<hbm>>
        %dma_wait3A_380 = tpu.memref_squeeze %dma_wait3A_379 : memref<1x40x104xf32, #tpu.memory_space<hbm>> -> memref<40x104xf32, #tpu.memory_space<hbm>>
        %dma_wait3A_381 = arith.constant 896 : i32
        %dma_wait3A_382 = tpu.memref_slice %arg4[%select_n3A_349, %select_n3A_365, %dma_wait3A_381] : memref<256x200x1000xf32, #tpu.memory_space<hbm>> -> memref<1x40x104xf32, #tpu.memory_space<hbm>>
        %dma_wait3A_383 = tpu.memref_squeeze %dma_wait3A_382 : memref<1x40x104xf32, #tpu.memory_space<hbm>> -> memref<40x104xf32, #tpu.memory_space<hbm>>
        tpu.wait_dma2 semaphore(%arg14 : memref<!tpu.dma_semaphore, #tpu.memory_space<semaphore_mem>>) src(%arg8 : memref<40x104xf32, #tpu.memory_space<vmem>>) dst(%dma_wait3A_383 : memref<40x104xf32, #tpu.memory_space<hbm>>)
      } else {
      }
      %add3A_198 = arith.constant 1 : i32
      %add3A_199 = arith.addi %add3A_192, %add3A_198 : i32
      %lt3A_200 = arith.constant 40 : i32
      %lt3A_201 = arith.cmpi slt, %add3A_199, %lt3A_200 : i32
      %convert_element_type3A_202 = arith.extui %lt3A_201 : i1 to i32
      %cond3A_203 = arith.constant 0 : i32
      %cond3A_204 = arith.cmpi ne, %convert_element_type3A_202, %cond3A_203 : i32
      scf.if %cond3A_204 {
        %add3A_321 = arith.constant 1 : i32
        %add3A_322 = arith.addi %add3A_192, %add3A_321 : i32
        %mul3A_323 = arith.constant 40 : i32
        %mul3A_324 = arith.muli %add3A_322, %mul3A_323 : i32
        %dma_start3A_325 = tpu.memref_slice %arg5[%mul3A_324] : memref<1600xi32, #tpu.memory_space<vmem>> -> memref<40xi32, #tpu.memory_space<vmem>>
        %dma_start3A_326 = arith.constant 0 : i32
        %dma_start3A_327 = arith.constant 0 : i32
        %dma_start3A_328 = tpu.memref_slice %arg2[%dma_start3A_326, %dma_start3A_327] : memref<1000x1024xf32, #tpu.memory_space<hbm>> -> memref<1000x1024xf32, #tpu.memory_space<hbm>>
        tpu.enqueue_indirect_dma source(%dma_start3A_328 : memref<1000x1024xf32, #tpu.memory_space<hbm>>) target(%arg6 : memref<40x1024xf32, #tpu.memory_space<vmem>>) offsets(%dma_start3A_325 : memref<40xi32, #tpu.memory_space<vmem>>) semaphore(%arg10 : memref<!tpu.dma_semaphore, #tpu.memory_space<semaphore_mem>>)
      } else {
      }
      %mul3A_205 = arith.constant 40 : i32
      %mul3A_206 = arith.muli %add3A_192, %mul3A_205 : i32
      %dma_wait3A_207 = tpu.memref_slice %arg5[%mul3A_206] : memref<1600xi32, #tpu.memory_space<vmem>> -> memref<40xi32, #tpu.memory_space<vmem>>
      %dma_wait3A_208 = arith.constant 0 : i32
      %dma_wait3A_209 = arith.constant 0 : i32
      %dma_wait3A_210 = tpu.memref_slice %arg2[%dma_wait3A_208, %dma_wait3A_209] : memref<1000x1024xf32, #tpu.memory_space<hbm>> -> memref<1000x1024xf32, #tpu.memory_space<hbm>>
      tpu.wait_indirect_dma semaphore(%arg11 : memref<!tpu.dma_semaphore, #tpu.memory_space<semaphore_mem>>) src(%dma_wait3A_210 : memref<1000x1024xf32, #tpu.memory_space<hbm>>) dst(%arg7 : memref<40x1024xf32, #tpu.memory_space<vmem>>)
      %mul3A_211 = arith.constant 40 : i32
      %mul3A_212 = arith.muli %add3A_192, %mul3A_211 : i32
      %add3A_213 = arith.addi %mul3A_2, %mul3A_212 : i32
      %jit3A_214 = arith.constant 200 : i32
      %div3A_215 = arith.divsi %add3A_213, %jit3A_214 : i32
      %sign3A_216 = arith.constant 0 : i32
      %sign3A_217 = arith.cmpi sgt, %add3A_213, %sign3A_216 : i32
      %sign3A_218 = arith.extui %sign3A_217 : i1 to i32
      %sign3A_219 = arith.constant 0 : i32
      %sign3A_220 = arith.cmpi slt, %add3A_213, %sign3A_219 : i32
      %sign3A_221 = arith.extui %sign3A_220 : i1 to i32
      %sign3A_222 = arith.subi %sign3A_218, %sign3A_221 : i32
      %sign3A_223 = arith.constant 0 : i32
      %sign3A_224 = arith.cmpi sgt, %jit3A_214, %sign3A_223 : i32
      %sign3A_225 = arith.extui %sign3A_224 : i1 to i32
      %sign3A_226 = arith.constant 0 : i32
      %sign3A_227 = arith.cmpi slt, %jit3A_214, %sign3A_226 : i32
      %sign3A_228 = arith.extui %sign3A_227 : i1 to i32
      %sign3A_229 = arith.subi %sign3A_225, %sign3A_228 : i32
      %ne3A_230 = arith.cmpi ne, %sign3A_222, %sign3A_229 : i32
      %rem3A_231 = arith.remsi %add3A_213, %jit3A_214 : i32
      %ne3A_232 = arith.constant 0 : i32
      %ne3A_233 = arith.cmpi ne, %rem3A_231, %ne3A_232 : i32
      %and3A_234 = arith.andi %ne3A_230, %ne3A_233 : i1
      %sub3A_235 = arith.constant 1 : i32
      %sub3A_236 = arith.subi %div3A_215, %sub3A_235 : i32
      %select_n3A_237 = arith.select %and3A_234, %sub3A_236, %div3A_215 : i32
      %jit3A_238 = arith.constant 200 : i32
      %eq3A_239 = arith.constant 0 : i32
      %eq3A_240 = arith.cmpi eq, %jit3A_238, %eq3A_239 : i32
      %jit3A_241 = arith.constant 1 : i32
      %select_n3A_242 = arith.select %eq3A_240, %jit3A_241, %jit3A_238 : i32
      %rem3A_243 = arith.remsi %add3A_213, %select_n3A_242 : i32
      %ne3A_244 = arith.constant 0 : i32
      %ne3A_245 = arith.cmpi ne, %rem3A_243, %ne3A_244 : i32
      %lt3A_246 = arith.constant 0 : i32
      %lt3A_247 = arith.cmpi slt, %rem3A_243, %lt3A_246 : i32
      %lt3A_248 = arith.constant 0 : i32
      %lt3A_249 = arith.cmpi slt, %select_n3A_242, %lt3A_248 : i32
      %ne3A_250 = arith.xori %lt3A_247, %lt3A_249 : i1
      %and3A_251 = arith.andi %ne3A_250, %ne3A_245 : i1
      %add3A_252 = arith.addi %rem3A_243, %select_n3A_242 : i32
      %select_n3A_253 = arith.select %and3A_251, %add3A_252, %rem3A_243 : i32
      %dma_start3A_254 = arith.constant 0 : i32
      %dma_start3A_255 = arith.constant 0 : i32
      %dma_start3A_256 = tpu.memref_slice %arg7[%dma_start3A_254, %dma_start3A_255] : memref<40x1024xf32, #tpu.memory_space<vmem>> -> memref<40x896xf32, #tpu.memory_space<vmem>>
      %dma_start3A_257 = arith.constant 0 : i32
      %dma_start3A_258 = tpu.memref_slice %arg4[%select_n3A_237, %select_n3A_253, %dma_start3A_257] : memref<256x200x1000xf32, #tpu.memory_space<hbm>> -> memref<1x40x896xf32, #tpu.memory_space<hbm>>
      %dma_start3A_259 = tpu.memref_squeeze %dma_start3A_258 : memref<1x40x896xf32, #tpu.memory_space<hbm>> -> memref<40x896xf32, #tpu.memory_space<hbm>>
      %dma_start3A_260 = arith.constant 0 : i32
      %dma_start3A_261 = tpu.memref_slice %arg4[%select_n3A_237, %select_n3A_253, %dma_start3A_260] : memref<256x200x1000xf32, #tpu.memory_space<hbm>> -> memref<1x40x896xf32, #tpu.memory_space<hbm>>
      %dma_start3A_262 = tpu.memref_squeeze %dma_start3A_261 : memref<1x40x896xf32, #tpu.memory_space<hbm>> -> memref<40x896xf32, #tpu.memory_space<hbm>>
      %dma_start3A_263 = arith.constant 0 : i32
      %dma_start3A_264 = arith.constant 0 : i32
      %dma_start3A_265 = tpu.memref_slice %arg7[%dma_start3A_263, %dma_start3A_264] : memref<40x1024xf32, #tpu.memory_space<vmem>> -> memref<40x896xf32, #tpu.memory_space<vmem>>
      tpu.enqueue_dma source(%dma_start3A_265 : memref<40x896xf32, #tpu.memory_space<vmem>>) target(%dma_start3A_262 : memref<40x896xf32, #tpu.memory_space<hbm>>) target_semaphore(%arg13 : memref<!tpu.dma_semaphore, #tpu.memory_space<semaphore_mem>>)
      %scan3A_266 = arith.constant 0 : i32
      %scan3A_267 = arith.constant 0 : i32
      %scan3A_268 = arith.constant 40 : i32
      %scan3A_269 = arith.addi %scan3A_267, %scan3A_268 : i32
      %scan3A_270 = arith.constant 1 : i32
      scf.for %scan3A_321 = %scan3A_267 to %scan3A_269 step %scan3A_270  : i32 {
        %get3A = arith.index_cast %scan3A_321 : i32 to index
        %get3A_322 = arith.constant 896 : index
        %get3A_323 = tpu.vector_load %arg7[%get3A, %get3A_322] {strides = array<i32>} : memref<40x1024xf32, #tpu.memory_space<vmem>>, vector<1x16xf32>,
        %get3A_324 = vector.shape_cast %get3A_323 : vector<1x16xf32> to vector<16xf32>
        %swap3A = arith.index_cast %scan3A_321 : i32 to index
        %swap3A_325 = arith.constant 0 : index
        %swap3A_326 = tpu.vector_load %arg9[%swap3A, %swap3A_325] {strides = array<i32>} : memref<40x104xf32, #tpu.memory_space<vmem>>, vector<1x16xf32>,
        %swap3A_327 = vector.shape_cast %swap3A_326 : vector<1x16xf32> to vector<16xf32>
        %swap3A_328 = vector.shape_cast %get3A_324 : vector<16xf32> to vector<1x16xf32>
        tpu.vector_store %arg9[%swap3A, %swap3A_325], %swap3A_328 {strides = array<i32>} : memref<40x104xf32, #tpu.memory_space<vmem>>, vector<1x16xf32>,
        %get3A_329 = arith.index_cast %scan3A_321 : i32 to index
        %get3A_330 = arith.constant 912 : index
        %get3A_331 = tpu.vector_load %arg7[%get3A_329, %get3A_330] {strides = array<i32>} : memref<40x1024xf32, #tpu.memory_space<vmem>>, vector<1x16xf32>,
        %get3A_332 = vector.shape_cast %get3A_331 : vector<1x16xf32> to vector<16xf32>
        %swap3A_333 = arith.index_cast %scan3A_321 : i32 to index
        %swap3A_334 = arith.constant 16 : index
        %swap3A_335 = tpu.vector_load %arg9[%swap3A_333, %swap3A_334] {strides = array<i32>} : memref<40x104xf32, #tpu.memory_space<vmem>>, vector<1x16xf32>,
        %swap3A_336 = vector.shape_cast %swap3A_335 : vector<1x16xf32> to vector<16xf32>
        %swap3A_337 = vector.shape_cast %get3A_332 : vector<16xf32> to vector<1x16xf32>
        tpu.vector_store %arg9[%swap3A_333, %swap3A_334], %swap3A_337 {strides = array<i32>} : memref<40x104xf32, #tpu.memory_space<vmem>>, vector<1x16xf32>,
        %get3A_338 = arith.index_cast %scan3A_321 : i32 to index
        %get3A_339 = arith.constant 928 : index
        %get3A_340 = tpu.vector_load %arg7[%get3A_338, %get3A_339] {strides = array<i32>} : memref<40x1024xf32, #tpu.memory_space<vmem>>, vector<1x16xf32>,
        %get3A_341 = vector.shape_cast %get3A_340 : vector<1x16xf32> to vector<16xf32>
        %swap3A_342 = arith.index_cast %scan3A_321 : i32 to index
        %swap3A_343 = arith.constant 32 : index
        %swap3A_344 = tpu.vector_load %arg9[%swap3A_342, %swap3A_343] {strides = array<i32>} : memref<40x104xf32, #tpu.memory_space<vmem>>, vector<1x16xf32>,
        %swap3A_345 = vector.shape_cast %swap3A_344 : vector<1x16xf32> to vector<16xf32>
        %swap3A_346 = vector.shape_cast %get3A_341 : vector<16xf32> to vector<1x16xf32>
        tpu.vector_store %arg9[%swap3A_342, %swap3A_343], %swap3A_346 {strides = array<i32>} : memref<40x104xf32, #tpu.memory_space<vmem>>, vector<1x16xf32>,
        %get3A_347 = arith.index_cast %scan3A_321 : i32 to index
        %get3A_348 = arith.constant 944 : index
        %get3A_349 = tpu.vector_load %arg7[%get3A_347, %get3A_348] {strides = array<i32>} : memref<40x1024xf32, #tpu.memory_space<vmem>>, vector<1x16xf32>,
        %get3A_350 = vector.shape_cast %get3A_349 : vector<1x16xf32> to vector<16xf32>
        %swap3A_351 = arith.index_cast %scan3A_321 : i32 to index
        %swap3A_352 = arith.constant 48 : index
        %swap3A_353 = tpu.vector_load %arg9[%swap3A_351, %swap3A_352] {strides = array<i32>} : memref<40x104xf32, #tpu.memory_space<vmem>>, vector<1x16xf32>,
        %swap3A_354 = vector.shape_cast %swap3A_353 : vector<1x16xf32> to vector<16xf32>
        %swap3A_355 = vector.shape_cast %get3A_350 : vector<16xf32> to vector<1x16xf32>
        tpu.vector_store %arg9[%swap3A_351, %swap3A_352], %swap3A_355 {strides = array<i32>} : memref<40x104xf32, #tpu.memory_space<vmem>>, vector<1x16xf32>,
        %get3A_356 = arith.index_cast %scan3A_321 : i32 to index
        %get3A_357 = arith.constant 960 : index
        %get3A_358 = tpu.vector_load %arg7[%get3A_356, %get3A_357] {strides = array<i32>} : memref<40x1024xf32, #tpu.memory_space<vmem>>, vector<1x16xf32>,
        %get3A_359 = vector.shape_cast %get3A_358 : vector<1x16xf32> to vector<16xf32>
        %swap3A_360 = arith.index_cast %scan3A_321 : i32 to index
        %swap3A_361 = arith.constant 64 : index
        %swap3A_362 = tpu.vector_load %arg9[%swap3A_360, %swap3A_361] {strides = array<i32>} : memref<40x104xf32, #tpu.memory_space<vmem>>, vector<1x16xf32>,
        %swap3A_363 = vector.shape_cast %swap3A_362 : vector<1x16xf32> to vector<16xf32>
        %swap3A_364 = vector.shape_cast %get3A_359 : vector<16xf32> to vector<1x16xf32>
        tpu.vector_store %arg9[%swap3A_360, %swap3A_361], %swap3A_364 {strides = array<i32>} : memref<40x104xf32, #tpu.memory_space<vmem>>, vector<1x16xf32>,
        %get3A_365 = arith.index_cast %scan3A_321 : i32 to index
        %get3A_366 = arith.constant 976 : index
        %get3A_367 = tpu.vector_load %arg7[%get3A_365, %get3A_366] {strides = array<i32>} : memref<40x1024xf32, #tpu.memory_space<vmem>>, vector<1x16xf32>,
        %get3A_368 = vector.shape_cast %get3A_367 : vector<1x16xf32> to vector<16xf32>
        %swap3A_369 = arith.index_cast %scan3A_321 : i32 to index
        %swap3A_370 = arith.constant 80 : index
        %swap3A_371 = tpu.vector_load %arg9[%swap3A_369, %swap3A_370] {strides = array<i32>} : memref<40x104xf32, #tpu.memory_space<vmem>>, vector<1x16xf32>,
        %swap3A_372 = vector.shape_cast %swap3A_371 : vector<1x16xf32> to vector<16xf32>
        %swap3A_373 = vector.shape_cast %get3A_368 : vector<16xf32> to vector<1x16xf32>
        tpu.vector_store %arg9[%swap3A_369, %swap3A_370], %swap3A_373 {strides = array<i32>} : memref<40x104xf32, #tpu.memory_space<vmem>>, vector<1x16xf32>,
        %get3A_374 = arith.index_cast %scan3A_321 : i32 to index
        %get3A_375 = arith.constant 984 : index
        %get3A_376 = tpu.vector_load %arg7[%get3A_374, %get3A_375] {strides = array<i32>} : memref<40x1024xf32, #tpu.memory_space<vmem>>, vector<1x16xf32>,
        %get3A_377 = vector.shape_cast %get3A_376 : vector<1x16xf32> to vector<16xf32>
        %swap3A_378 = arith.index_cast %scan3A_321 : i32 to index
        %swap3A_379 = arith.constant 88 : index
        %swap3A_380 = tpu.vector_load %arg9[%swap3A_378, %swap3A_379] {strides = array<i32>} : memref<40x104xf32, #tpu.memory_space<vmem>>, vector<1x16xf32>,
        %swap3A_381 = vector.shape_cast %swap3A_380 : vector<1x16xf32> to vector<16xf32>
        %swap3A_382 = vector.shape_cast %get3A_377 : vector<16xf32> to vector<1x16xf32>
        tpu.vector_store %arg9[%swap3A_378, %swap3A_379], %swap3A_382 {strides = array<i32>} : memref<40x104xf32, #tpu.memory_space<vmem>>, vector<1x16xf32>,
      }
      %scan3A_271 = arith.constant 40 : i32
      %mul3A_272 = arith.constant 40 : i32
      %mul3A_273 = arith.muli %add3A_192, %mul3A_272 : i32
      %add3A_274 = arith.addi %mul3A_2, %mul3A_273 : i32
      %jit3A_275 = arith.constant 200 : i32
      %div3A_276 = arith.divsi %add3A_274, %jit3A_275 : i32
      %sign3A_277 = arith.constant 0 : i32
      %sign3A_278 = arith.cmpi sgt, %add3A_274, %sign3A_277 : i32
      %sign3A_279 = arith.extui %sign3A_278 : i1 to i32
      %sign3A_280 = arith.constant 0 : i32
      %sign3A_281 = arith.cmpi slt, %add3A_274, %sign3A_280 : i32
      %sign3A_282 = arith.extui %sign3A_281 : i1 to i32
      %sign3A_283 = arith.subi %sign3A_279, %sign3A_282 : i32
      %sign3A_284 = arith.constant 0 : i32
      %sign3A_285 = arith.cmpi sgt, %jit3A_275, %sign3A_284 : i32
      %sign3A_286 = arith.extui %sign3A_285 : i1 to i32
      %sign3A_287 = arith.constant 0 : i32
      %sign3A_288 = arith.cmpi slt, %jit3A_275, %sign3A_287 : i32
      %sign3A_289 = arith.extui %sign3A_288 : i1 to i32
      %sign3A_290 = arith.subi %sign3A_286, %sign3A_289 : i32
      %ne3A_291 = arith.cmpi ne, %sign3A_283, %sign3A_290 : i32
      %rem3A_292 = arith.remsi %add3A_274, %jit3A_275 : i32
      %ne3A_293 = arith.constant 0 : i32
      %ne3A_294 = arith.cmpi ne, %rem3A_292, %ne3A_293 : i32
      %and3A_295 = arith.andi %ne3A_291, %ne3A_294 : i1
      %sub3A_296 = arith.constant 1 : i32
      %sub3A_297 = arith.subi %div3A_276, %sub3A_296 : i32
      %select_n3A_298 = arith.select %and3A_295, %sub3A_297, %div3A_276 : i32
      %jit3A_299 = arith.constant 200 : i32
      %eq3A_300 = arith.constant 0 : i32
      %eq3A_301 = arith.cmpi eq, %jit3A_299, %eq3A_300 : i32
      %jit3A_302 = arith.constant 1 : i32
      %select_n3A_303 = arith.select %eq3A_301, %jit3A_302, %jit3A_299 : i32
      %rem3A_304 = arith.remsi %add3A_274, %select_n3A_303 : i32
      %ne3A_305 = arith.constant 0 : i32
      %ne3A_306 = arith.cmpi ne, %rem3A_304, %ne3A_305 : i32
      %lt3A_307 = arith.constant 0 : i32
      %lt3A_308 = arith.cmpi slt, %rem3A_304, %lt3A_307 : i32
      %lt3A_309 = arith.constant 0 : i32
      %lt3A_310 = arith.cmpi slt, %select_n3A_303, %lt3A_309 : i32
      %ne3A_311 = arith.xori %lt3A_308, %lt3A_310 : i1
      %and3A_312 = arith.andi %ne3A_311, %ne3A_306 : i1
      %add3A_313 = arith.addi %rem3A_304, %select_n3A_303 : i32
      %select_n3A_314 = arith.select %and3A_312, %add3A_313, %rem3A_304 : i32
      %dma_start3A_315 = arith.constant 896 : i32
      %dma_start3A_316 = tpu.memref_slice %arg4[%select_n3A_298, %select_n3A_314, %dma_start3A_315] : memref<256x200x1000xf32, #tpu.memory_space<hbm>> -> memref<1x40x104xf32, #tpu.memory_space<hbm>>
      %dma_start3A_317 = tpu.memref_squeeze %dma_start3A_316 : memref<1x40x104xf32, #tpu.memory_space<hbm>> -> memref<40x104xf32, #tpu.memory_space<hbm>>
      %dma_start3A_318 = arith.constant 896 : i32
      %dma_start3A_319 = tpu.memref_slice %arg4[%select_n3A_298, %select_n3A_314, %dma_start3A_318] : memref<256x200x1000xf32, #tpu.memory_space<hbm>> -> memref<1x40x104xf32, #tpu.memory_space<hbm>>
      %dma_start3A_320 = tpu.memref_squeeze %dma_start3A_319 : memref<1x40x104xf32, #tpu.memory_space<hbm>> -> memref<40x104xf32, #tpu.memory_space<hbm>>
      tpu.enqueue_dma source(%arg9 : memref<40x104xf32, #tpu.memory_space<vmem>>) target(%dma_start3A_320 : memref<40x104xf32, #tpu.memory_space<hbm>>) target_semaphore(%arg15 : memref<!tpu.dma_semaphore, #tpu.memory_space<semaphore_mem>>)
    }
    %scan3A_11 = arith.constant 20 : i32
    %add3A_12 = arith.constant 1560 : i32
    %add3A_13 = arith.addi %mul3A_2, %add3A_12 : i32
    %jit3A = arith.constant 200 : i32
    %div3A = arith.divsi %add3A_13, %jit3A : i32
    %sign3A = arith.constant 0 : i32
    %sign3A_14 = arith.cmpi sgt, %add3A_13, %sign3A : i32
    %sign3A_15 = arith.extui %sign3A_14 : i1 to i32
    %sign3A_16 = arith.constant 0 : i32
    %sign3A_17 = arith.cmpi slt, %add3A_13, %sign3A_16 : i32
    %sign3A_18 = arith.extui %sign3A_17 : i1 to i32
    %sign3A_19 = arith.subi %sign3A_15, %sign3A_18 : i32
    %sign3A_20 = arith.constant 0 : i32
    %sign3A_21 = arith.cmpi sgt, %jit3A, %sign3A_20 : i32
    %sign3A_22 = arith.extui %sign3A_21 : i1 to i32
    %sign3A_23 = arith.constant 0 : i32
    %sign3A_24 = arith.cmpi slt, %jit3A, %sign3A_23 : i32
    %sign3A_25 = arith.extui %sign3A_24 : i1 to i32
    %sign3A_26 = arith.subi %sign3A_22, %sign3A_25 : i32
    %ne3A = arith.cmpi ne, %sign3A_19, %sign3A_26 : i32
    %rem3A = arith.remsi %add3A_13, %jit3A : i32
    %ne3A_27 = arith.constant 0 : i32
    %ne3A_28 = arith.cmpi ne, %rem3A, %ne3A_27 : i32
    %and3A = arith.andi %ne3A, %ne3A_28 : i1
    %sub3A = arith.constant 1 : i32
    %sub3A_29 = arith.subi %div3A, %sub3A : i32
    %select_n3A = arith.select %and3A, %sub3A_29, %div3A : i32
    %jit3A_30 = arith.constant 200 : i32
    %eq3A = arith.constant 0 : i32
    %eq3A_31 = arith.cmpi eq, %jit3A_30, %eq3A : i32
    %jit3A_32 = arith.constant 1 : i32
    %select_n3A_33 = arith.select %eq3A_31, %jit3A_32, %jit3A_30 : i32
    %rem3A_34 = arith.remsi %add3A_13, %select_n3A_33 : i32
    %ne3A_35 = arith.constant 0 : i32
    %ne3A_36 = arith.cmpi ne, %rem3A_34, %ne3A_35 : i32
    %lt3A = arith.constant 0 : i32
    %lt3A_37 = arith.cmpi slt, %rem3A_34, %lt3A : i32
    %lt3A_38 = arith.constant 0 : i32
    %lt3A_39 = arith.cmpi slt, %select_n3A_33, %lt3A_38 : i32
    %ne3A_40 = arith.xori %lt3A_37, %lt3A_39 : i1
    %and3A_41 = arith.andi %ne3A_40, %ne3A_36 : i1
    %add3A_42 = arith.addi %rem3A_34, %select_n3A_33 : i32
    %select_n3A_43 = arith.select %and3A_41, %add3A_42, %rem3A_34 : i32
    %dma_wait3A = arith.constant 0 : i32
    %dma_wait3A_44 = arith.constant 0 : i32
    %dma_wait3A_45 = tpu.memref_slice %arg7[%dma_wait3A, %dma_wait3A_44] : memref<40x1024xf32, #tpu.memory_space<vmem>> -> memref<40x896xf32, #tpu.memory_space<vmem>>
    %dma_wait3A_46 = arith.constant 0 : i32
    %dma_wait3A_47 = tpu.memref_slice %arg4[%select_n3A, %select_n3A_43, %dma_wait3A_46] : memref<256x200x1000xf32, #tpu.memory_space<hbm>> -> memref<1x40x896xf32, #tpu.memory_space<hbm>>
    %dma_wait3A_48 = tpu.memref_squeeze %dma_wait3A_47 : memref<1x40x896xf32, #tpu.memory_space<hbm>> -> memref<40x896xf32, #tpu.memory_space<hbm>>
    %dma_wait3A_49 = arith.constant 0 : i32
    %dma_wait3A_50 = tpu.memref_slice %arg4[%select_n3A, %select_n3A_43, %dma_wait3A_49] : memref<256x200x1000xf32, #tpu.memory_space<hbm>> -> memref<1x40x896xf32, #tpu.memory_space<hbm>>
    %dma_wait3A_51 = tpu.memref_squeeze %dma_wait3A_50 : memref<1x40x896xf32, #tpu.memory_space<hbm>> -> memref<40x896xf32, #tpu.memory_space<hbm>>
    %dma_wait3A_52 = arith.constant 0 : i32
    %dma_wait3A_53 = arith.constant 0 : i32
    %dma_wait3A_54 = tpu.memref_slice %arg7[%dma_wait3A_52, %dma_wait3A_53] : memref<40x1024xf32, #tpu.memory_space<vmem>> -> memref<40x896xf32, #tpu.memory_space<vmem>>
    tpu.wait_dma2 semaphore(%arg13 : memref<!tpu.dma_semaphore, #tpu.memory_space<semaphore_mem>>) src(%dma_wait3A_54 : memref<40x896xf32, #tpu.memory_space<vmem>>) dst(%dma_wait3A_51 : memref<40x896xf32, #tpu.memory_space<hbm>>)
    %dma_wait3A_55 = arith.constant 896 : i32
    %dma_wait3A_56 = tpu.memref_slice %arg4[%select_n3A, %select_n3A_43, %dma_wait3A_55] : memref<256x200x1000xf32, #tpu.memory_space<hbm>> -> memref<1x40x104xf32, #tpu.memory_space<hbm>>
    %dma_wait3A_57 = tpu.memref_squeeze %dma_wait3A_56 : memref<1x40x104xf32, #tpu.memory_space<hbm>> -> memref<40x104xf32, #tpu.memory_space<hbm>>
    %dma_wait3A_58 = arith.constant 896 : i32
    %dma_wait3A_59 = tpu.memref_slice %arg4[%select_n3A, %select_n3A_43, %dma_wait3A_58] : memref<256x200x1000xf32, #tpu.memory_space<hbm>> -> memref<1x40x104xf32, #tpu.memory_space<hbm>>
    %dma_wait3A_60 = tpu.memref_squeeze %dma_wait3A_59 : memref<1x40x104xf32, #tpu.memory_space<hbm>> -> memref<40x104xf32, #tpu.memory_space<hbm>>
    tpu.wait_dma2 semaphore(%arg15 : memref<!tpu.dma_semaphore, #tpu.memory_space<semaphore_mem>>) src(%arg9 : memref<40x104xf32, #tpu.memory_space<vmem>>) dst(%dma_wait3A_60 : memref<40x104xf32, #tpu.memory_space<hbm>>)
    return
  }
}

#map = affine_map<(d0, d1) -> (0, 0)>
#map1 = affine_map<(d0, d1) -> (0)>
#map2 = affine_map<(d0, d1) -> (0, 0, 0)>
module attributes {stable_mosaic.version = 14 : i64} {
  func.func @_gather_body(%arg0: i32, %arg1: i32, %arg2: memref<1000x1024xf32, #tpu.memory_space<hbm>>, %arg3: memref<51200xi32, #tpu.memory_space<hbm>>, %arg4: memref<256x200x1000xf32, #tpu.memory_space<hbm>>, %arg5: memref<1600xi32, #tpu.memory_space<vmem>>, %arg6: memref<40x1024xf32, #tpu.memory_space<vmem>>, %arg7: memref<40x1024xf32, #tpu.memory_space<vmem>>, %arg8: memref<40x104xf32, #tpu.memory_space<vmem>>, %arg9: memref<40x104xf32, #tpu.memory_space<vmem>>, %arg10: memref<!tpu.dma_semaphore, #tpu.memory_space<semaphore_mem>>, %arg11: memref<!tpu.dma_semaphore, #tpu.memory_space<semaphore_mem>>, %arg12: memref<!tpu.dma_semaphore, #tpu.memory_space<semaphore_mem>>, %arg13: memref<!tpu.dma_semaphore, #tpu.memory_space<semaphore_mem>>, %arg14: memref<!tpu.dma_semaphore, #tpu.memory_space<semaphore_mem>>, %arg15: memref<!tpu.dma_semaphore, #tpu.memory_space<semaphore_mem>>) attributes {dimension_semantics = [#tpu.dimension_semantics<core_parallel>, #tpu.dimension_semantics<subcore_parallel>], iteration_bounds = array<i64: 2, 16>, scalar_prefetch = 0 : i64, scratch_operands = 11 : i64, tpu.core_type = #tpu.core_type<sc_vector_subcore>, window_params = [{transform_indices = #map}, {transform_indices = #map1}, {transform_indices = #map2}]} {
    %mul3A = arith.constant 2 : i32
    %mul3A_0 = arith.muli %arg1, %mul3A : i32
    %add3A = arith.addi %mul3A_0, %arg0 : i32
    %mul3A_1 = arith.constant 1600 : i32
    %mul3A_2 = arith.muli %add3A, %mul3A_1 : i32
    "tpu.region"() ({
      %run_scoped3A = tpu.sem_alloc : memref<!tpu.dma_semaphore, #tpu.memory_space<semaphore_mem>>
      %dma_start3A_61 = tpu.memref_slice %arg3[%mul3A_2] : memref<51200xi32, #tpu.memory_space<hbm>> -> memref<1600xi32, #tpu.memory_space<hbm>>
      %dma_start3A_62 = tpu.memref_slice %arg3[%mul3A_2] : memref<51200xi32, #tpu.memory_space<hbm>> -> memref<1600xi32, #tpu.memory_space<hbm>>
      tpu.enqueue_dma source(%dma_start3A_62 : memref<1600xi32, #tpu.memory_space<hbm>>) target(%arg5 : memref<1600xi32, #tpu.memory_space<vmem>>) target_semaphore(%run_scoped3A : memref<!tpu.dma_semaphore, #tpu.memory_space<semaphore_mem>>)
      %dma_wait3A_63 = tpu.memref_slice %arg3[%mul3A_2] : memref<51200xi32, #tpu.memory_space<hbm>> -> memref<1600xi32, #tpu.memory_space<hbm>>
      %dma_wait3A_64 = tpu.memref_slice %arg3[%mul3A_2] : memref<51200xi32, #tpu.memory_space<hbm>> -> memref<1600xi32, #tpu.memory_space<hbm>>
      tpu.wait_dma2 semaphore(%run_scoped3A : memref<!tpu.dma_semaphore, #tpu.memory_space<semaphore_mem>>) src(%dma_wait3A_64 : memref<1600xi32, #tpu.memory_space<hbm>>) dst(%arg5 : memref<1600xi32, #tpu.memory_space<vmem>>)
      tpu.yield
    }) : () -> ()
    %dma_start3A = arith.constant 0 : i32
    %dma_start3A_3 = tpu.memref_slice %arg5[%dma_start3A] : memref<1600xi32, #tpu.memory_space<vmem>> -> memref<40xi32, #tpu.memory_space<vmem>>
    %dma_start3A_4 = arith.constant 0 : i32
    %dma_start3A_5 = arith.constant 0 : i32
    %dma_start3A_6 = tpu.memref_slice %arg2[%dma_start3A_4, %dma_start3A_5] : memref<1000x1024xf32, #tpu.memory_space<hbm>> -> memref<1000x1024xf32, #tpu.memory_space<hbm>>
    tpu.enqueue_indirect_dma source(%dma_start3A_6 : memref<1000x1024xf32, #tpu.memory_space<hbm>>) target(%arg6 : memref<40x1024xf32, #tpu.memory_space<vmem>>) offsets(%dma_start3A_3 : memref<40xi32, #tpu.memory_space<vmem>>) semaphore(%arg10 : memref<!tpu.dma_semaphore, #tpu.memory_space<semaphore_mem>>)
    %scan3A = arith.constant 0 : i32
    %scan3A_7 = arith.constant 0 : i32
    %scan3A_8 = arith.constant 20 : i32
    %scan3A_9 = arith.addi %scan3A_7, %scan3A_8 : i32
    %scan3A_10 = arith.constant 1 : i32
    scf.for %scan3A_61 = %scan3A_7 to %scan3A_9 step %scan3A_10  : i32 {
      %mul3A_62 = arith.constant 2 : i32
      %mul3A_63 = arith.muli %mul3A_62, %scan3A_61 : i32
      %ge3A = arith.constant 1 : i32
      %ge3A_64 = arith.cmpi sge, %mul3A_63, %ge3A : i32
      %convert_element_type3A = arith.extui %ge3A_64 : i1 to i32
      %cond3A = arith.constant 0 : i32
      %cond3A_65 = arith.cmpi ne, %convert_element_type3A, %cond3A : i32
      scf.if %cond3A_65 {
        %sub3A_321 = arith.constant 1 : i32
        %sub3A_322 = arith.subi %mul3A_63, %sub3A_321 : i32
        %mul3A_323 = arith.constant 40 : i32
        %mul3A_324 = arith.muli %sub3A_322, %mul3A_323 : i32
        %add3A_325 = arith.addi %mul3A_2, %mul3A_324 : i32
        %jit3A_326 = arith.constant 200 : i32
        %div3A_327 = arith.divsi %add3A_325, %jit3A_326 : i32
        %sign3A_328 = arith.constant 0 : i32
        %sign3A_329 = arith.cmpi sgt, %add3A_325, %sign3A_328 : i32
        %sign3A_330 = arith.extui %sign3A_329 : i1 to i32
        %sign3A_331 = arith.constant 0 : i32
        %sign3A_332 = arith.cmpi slt, %add3A_325, %sign3A_331 : i32
        %sign3A_333 = arith.extui %sign3A_332 : i1 to i32
        %sign3A_334 = arith.subi %sign3A_330, %sign3A_333 : i32
        %sign3A_335 = arith.constant 0 : i32
        %sign3A_336 = arith.cmpi sgt, %jit3A_326, %sign3A_335 : i32
        %sign3A_337 = arith.extui %sign3A_336 : i1 to i32
        %sign3A_338 = arith.constant 0 : i32
        %sign3A_339 = arith.cmpi slt, %jit3A_326, %sign3A_338 : i32
        %sign3A_340 = arith.extui %sign3A_339 : i1 to i32
        %sign3A_341 = arith.subi %sign3A_337, %sign3A_340 : i32
        %ne3A_342 = arith.cmpi ne, %sign3A_334, %sign3A_341 : i32
        %rem3A_343 = arith.remsi %add3A_325, %jit3A_326 : i32
        %ne3A_344 = arith.constant 0 : i32
        %ne3A_345 = arith.cmpi ne, %rem3A_343, %ne3A_344 : i32
        %and3A_346 = arith.andi %ne3A_342, %ne3A_345 : i1
        %sub3A_347 = arith.constant 1 : i32
        %sub3A_348 = arith.subi %div3A_327, %sub3A_347 : i32
        %select_n3A_349 = arith.select %and3A_346, %sub3A_348, %div3A_327 : i32
        %jit3A_350 = arith.constant 200 : i32
        %eq3A_351 = arith.constant 0 : i32
        %eq3A_352 = arith.cmpi eq, %jit3A_350, %eq3A_351 : i32
        %jit3A_353 = arith.constant 1 : i32
        %select_n3A_354 = arith.select %eq3A_352, %jit3A_353, %jit3A_350 : i32
        %rem3A_355 = arith.remsi %add3A_325, %select_n3A_354 : i32
        %ne3A_356 = arith.constant 0 : i32
        %ne3A_357 = arith.cmpi ne, %rem3A_355, %ne3A_356 : i32
        %lt3A_358 = arith.constant 0 : i32
        %lt3A_359 = arith.cmpi slt, %rem3A_355, %lt3A_358 : i32
        %lt3A_360 = arith.constant 0 : i32
        %lt3A_361 = arith.cmpi slt, %select_n3A_354, %lt3A_360 : i32
        %ne3A_362 = arith.xori %lt3A_359, %lt3A_361 : i1
        %and3A_363 = arith.andi %ne3A_362, %ne3A_357 : i1
        %add3A_364 = arith.addi %rem3A_355, %select_n3A_354 : i32
        %select_n3A_365 = arith.select %and3A_363, %add3A_364, %rem3A_355 : i32
        %dma_wait3A_366 = arith.constant 0 : i32
        %dma_wait3A_367 = arith.constant 0 : i32
        %dma_wait3A_368 = tpu.memref_slice %arg7[%dma_wait3A_366, %dma_wait3A_367] : memref<40x1024xf32, #tpu.memory_space<vmem>> -> memref<40x896xf32, #tpu.memory_space<vmem>>
        %dma_wait3A_369 = arith.constant 0 : i32
        %dma_wait3A_370 = tpu.memref_slice %arg4[%select_n3A_349, %select_n3A_365, %dma_wait3A_369] : memref<256x200x1000xf32, #tpu.memory_space<hbm>> -> memref<1x40x896xf32, #tpu.memory_space<hbm>>
        %dma_wait3A_371 = tpu.memref_squeeze %dma_wait3A_370 : memref<1x40x896xf32, #tpu.memory_space<hbm>> -> memref<40x896xf32, #tpu.memory_space<hbm>>
        %dma_wait3A_372 = arith.constant 0 : i32
        %dma_wait3A_373 = tpu.memref_slice %arg4[%select_n3A_349, %select_n3A_365, %dma_wait3A_372] : memref<256x200x1000xf32, #tpu.memory_space<hbm>> -> memref<1x40x896xf32, #tpu.memory_space<hbm>>
        %dma_wait3A_374 = tpu.memref_squeeze %dma_wait3A_373 : memref<1x40x896xf32, #tpu.memory_space<hbm>> -> memref<40x896xf32, #tpu.memory_space<hbm>>
        %dma_wait3A_375 = arith.constant 0 : i32
        %dma_wait3A_376 = arith.constant 0 : i32
        %dma_wait3A_377 = tpu.memref_slice %arg7[%dma_wait3A_375, %dma_wait3A_376] : memref<40x1024xf32, #tpu.memory_space<vmem>> -> memref<40x896xf32, #tpu.memory_space<vmem>>
        tpu.wait_dma2 semaphore(%arg13 : memref<!tpu.dma_semaphore, #tpu.memory_space<semaphore_mem>>) src(%dma_wait3A_377 : memref<40x896xf32, #tpu.memory_space<vmem>>) dst(%dma_wait3A_374 : memref<40x896xf32, #tpu.memory_space<hbm>>)
        %dma_wait3A_378 = arith.constant 896 : i32
        %dma_wait3A_379 = tpu.memref_slice %arg4[%select_n3A_349, %select_n3A_365, %dma_wait3A_378] : memref<256x200x1000xf32, #tpu.memory_space<hbm>> -> memref<1x40x104xf32, #tpu.memory_space<hbm>>
        %dma_wait3A_380 = tpu.memref_squeeze %dma_wait3A_379 : memref<1x40x104xf32, #tpu.memory_space<hbm>> -> memref<40x104xf32, #tpu.memory_space<hbm>>
        %dma_wait3A_381 = arith.constant 896 : i32
        %dma_wait3A_382 = tpu.memref_slice %arg4[%select_n3A_349, %select_n3A_365, %dma_wait3A_381] : memref<256x200x1000xf32, #tpu.memory_space<hbm>> -> memref<1x40x104xf32, #tpu.memory_space<hbm>>
        %dma_wait3A_383 = tpu.memref_squeeze %dma_wait3A_382 : memref<1x40x104xf32, #tpu.memory_space<hbm>> -> memref<40x104xf32, #tpu.memory_space<hbm>>
        tpu.wait_dma2 semaphore(%arg15 : memref<!tpu.dma_semaphore, #tpu.memory_space<semaphore_mem>>) src(%arg9 : memref<40x104xf32, #tpu.memory_space<vmem>>) dst(%dma_wait3A_383 : memref<40x104xf32, #tpu.memory_space<hbm>>)
      } else {
      }
      %add3A_66 = arith.constant 1 : i32
      %add3A_67 = arith.addi %mul3A_63, %add3A_66 : i32
      %lt3A_68 = arith.constant 40 : i32
      %lt3A_69 = arith.cmpi slt, %add3A_67, %lt3A_68 : i32
      %convert_element_type3A_70 = arith.extui %lt3A_69 : i1 to i32
      %cond3A_71 = arith.constant 0 : i32
      %cond3A_72 = arith.cmpi ne, %convert_element_type3A_70, %cond3A_71 : i32
      scf.if %cond3A_72 {
        %add3A_321 = arith.constant 1 : i32
        %add3A_322 = arith.addi %mul3A_63, %add3A_321 : i32
        %mul3A_323 = arith.constant 40 : i32
        %mul3A_324 = arith.muli %add3A_322, %mul3A_323 : i32
        %dma_start3A_325 = tpu.memref_slice %arg5[%mul3A_324] : memref<1600xi32, #tpu.memory_space<vmem>> -> memref<40xi32, #tpu.memory_space<vmem>>
        %dma_start3A_326 = arith.constant 0 : i32
        %dma_start3A_327 = arith.constant 0 : i32
        %dma_start3A_328 = tpu.memref_slice %arg2[%dma_start3A_326, %dma_start3A_327] : memref<1000x1024xf32, #tpu.memory_space<hbm>> -> memref<1000x1024xf32, #tpu.memory_space<hbm>>
        tpu.enqueue_indirect_dma source(%dma_start3A_328 : memref<1000x1024xf32, #tpu.memory_space<hbm>>) target(%arg7 : memref<40x1024xf32, #tpu.memory_space<vmem>>) offsets(%dma_start3A_325 : memref<40xi32, #tpu.memory_space<vmem>>) semaphore(%arg11 : memref<!tpu.dma_semaphore, #tpu.memory_space<semaphore_mem>>)
      } else {
      }
      %mul3A_73 = arith.constant 40 : i32
      %mul3A_74 = arith.muli %mul3A_63, %mul3A_73 : i32
      %dma_wait3A_75 = tpu.memref_slice %arg5[%mul3A_74] : memref<1600xi32, #tpu.memory_space<vmem>> -> memref<40xi32, #tpu.memory_space<vmem>>
      %dma_wait3A_76 = arith.constant 0 : i32
      %dma_wait3A_77 = arith.constant 0 : i32
      %dma_wait3A_78 = tpu.memref_slice %arg2[%dma_wait3A_76, %dma_wait3A_77] : memref<1000x1024xf32, #tpu.memory_space<hbm>> -> memref<1000x1024xf32, #tpu.memory_space<hbm>>
      tpu.wait_indirect_dma semaphore(%arg10 : memref<!tpu.dma_semaphore, #tpu.memory_space<semaphore_mem>>) src(%dma_wait3A_78 : memref<1000x1024xf32, #tpu.memory_space<hbm>>) dst(%arg6 : memref<40x1024xf32, #tpu.memory_space<vmem>>)
      %mul3A_79 = arith.constant 40 : i32
      %mul3A_80 = arith.muli %mul3A_63, %mul3A_79 : i32
      %add3A_81 = arith.addi %mul3A_2, %mul3A_80 : i32
      %jit3A_82 = arith.constant 200 : i32
      %div3A_83 = arith.divsi %add3A_81, %jit3A_82 : i32
      %sign3A_84 = arith.constant 0 : i32
      %sign3A_85 = arith.cmpi sgt, %add3A_81, %sign3A_84 : i32
      %sign3A_86 = arith.extui %sign3A_85 : i1 to i32
      %sign3A_87 = arith.constant 0 : i32
      %sign3A_88 = arith.cmpi slt, %add3A_81, %sign3A_87 : i32
      %sign3A_89 = arith.extui %sign3A_88 : i1 to i32
      %sign3A_90 = arith.subi %sign3A_86, %sign3A_89 : i32
      %sign3A_91 = arith.constant 0 : i32
      %sign3A_92 = arith.cmpi sgt, %jit3A_82, %sign3A_91 : i32
      %sign3A_93 = arith.extui %sign3A_92 : i1 to i32
      %sign3A_94 = arith.constant 0 : i32
      %sign3A_95 = arith.cmpi slt, %jit3A_82, %sign3A_94 : i32
      %sign3A_96 = arith.extui %sign3A_95 : i1 to i32
      %sign3A_97 = arith.subi %sign3A_93, %sign3A_96 : i32
      %ne3A_98 = arith.cmpi ne, %sign3A_90, %sign3A_97 : i32
      %rem3A_99 = arith.remsi %add3A_81, %jit3A_82 : i32
      %ne3A_100 = arith.constant 0 : i32
      %ne3A_101 = arith.cmpi ne, %rem3A_99, %ne3A_100 : i32
      %and3A_102 = arith.andi %ne3A_98, %ne3A_101 : i1
      %sub3A_103 = arith.constant 1 : i32
      %sub3A_104 = arith.subi %div3A_83, %sub3A_103 : i32
      %select_n3A_105 = arith.select %and3A_102, %sub3A_104, %div3A_83 : i32
      %jit3A_106 = arith.constant 200 : i32
      %eq3A_107 = arith.constant 0 : i32
      %eq3A_108 = arith.cmpi eq, %jit3A_106, %eq3A_107 : i32
      %jit3A_109 = arith.constant 1 : i32
      %select_n3A_110 = arith.select %eq3A_108, %jit3A_109, %jit3A_106 : i32
      %rem3A_111 = arith.remsi %add3A_81, %select_n3A_110 : i32
      %ne3A_112 = arith.constant 0 : i32
      %ne3A_113 = arith.cmpi ne, %rem3A_111, %ne3A_112 : i32
      %lt3A_114 = arith.constant 0 : i32
      %lt3A_115 = arith.cmpi slt, %rem3A_111, %lt3A_114 : i32
      %lt3A_116 = arith.constant 0 : i32
      %lt3A_117 = arith.cmpi slt, %select_n3A_110, %lt3A_116 : i32
      %ne3A_118 = arith.xori %lt3A_115, %lt3A_117 : i1
      %and3A_119 = arith.andi %ne3A_118, %ne3A_113 : i1
      %add3A_120 = arith.addi %rem3A_111, %select_n3A_110 : i32
      %select_n3A_121 = arith.select %and3A_119, %add3A_120, %rem3A_111 : i32
      %dma_start3A_122 = arith.constant 0 : i32
      %dma_start3A_123 = arith.constant 0 : i32
      %dma_start3A_124 = tpu.memref_slice %arg6[%dma_start3A_122, %dma_start3A_123] : memref<40x1024xf32, #tpu.memory_space<vmem>> -> memref<40x896xf32, #tpu.memory_space<vmem>>
      %dma_start3A_125 = arith.constant 0 : i32
      %dma_start3A_126 = tpu.memref_slice %arg4[%select_n3A_105, %select_n3A_121, %dma_start3A_125] : memref<256x200x1000xf32, #tpu.memory_space<hbm>> -> memref<1x40x896xf32, #tpu.memory_space<hbm>>
      %dma_start3A_127 = tpu.memref_squeeze %dma_start3A_126 : memref<1x40x896xf32, #tpu.memory_space<hbm>> -> memref<40x896xf32, #tpu.memory_space<hbm>>
      %dma_start3A_128 = arith.constant 0 : i32
      %dma_start3A_129 = tpu.memref_slice %arg4[%select_n3A_105, %select_n3A_121, %dma_start3A_128] : memref<256x200x1000xf32, #tpu.memory_space<hbm>> -> memref<1x40x896xf32, #tpu.memory_space<hbm>>
      %dma_start3A_130 = tpu.memref_squeeze %dma_start3A_129 : memref<1x40x896xf32, #tpu.memory_space<hbm>> -> memref<40x896xf32, #tpu.memory_space<hbm>>
      %dma_start3A_131 = arith.constant 0 : i32
      %dma_start3A_132 = arith.constant 0 : i32
      %dma_start3A_133 = tpu.memref_slice %arg6[%dma_start3A_131, %dma_start3A_132] : memref<40x1024xf32, #tpu.memory_space<vmem>> -> memref<40x896xf32, #tpu.memory_space<vmem>>
      tpu.enqueue_dma source(%dma_start3A_133 : memref<40x896xf32, #tpu.memory_space<vmem>>) target(%dma_start3A_130 : memref<40x896xf32, #tpu.memory_space<hbm>>) target_semaphore(%arg12 : memref<!tpu.dma_semaphore, #tpu.memory_space<semaphore_mem>>)
      %scan3A_134 = arith.constant 0 : i32
      %scan3A_135 = arith.constant 0 : i32
      %scan3A_136 = arith.constant 40 : i32
      %scan3A_137 = arith.addi %scan3A_135, %scan3A_136 : i32
      %scan3A_138 = arith.constant 1 : i32
      scf.for %scan3A_321 = %scan3A_135 to %scan3A_137 step %scan3A_138  : i32 {
        %get3A = arith.index_cast %scan3A_321 : i32 to index
        %get3A_322 = arith.constant 896 : index
        %get3A_323 = tpu.vector_load %arg6[%get3A, %get3A_322] {strides = array<i32>} : memref<40x1024xf32, #tpu.memory_space<vmem>>, vector<1x16xf32>,
        %get3A_324 = vector.shape_cast %get3A_323 : vector<1x16xf32> to vector<16xf32>
        %swap3A = arith.index_cast %scan3A_321 : i32 to index
        %swap3A_325 = arith.constant 0 : index
        %swap3A_326 = tpu.vector_load %arg8[%swap3A, %swap3A_325] {strides = array<i32>} : memref<40x104xf32, #tpu.memory_space<vmem>>, vector<1x16xf32>,
        %swap3A_327 = vector.shape_cast %swap3A_326 : vector<1x16xf32> to vector<16xf32>
        %swap3A_328 = vector.shape_cast %get3A_324 : vector<16xf32> to vector<1x16xf32>
        tpu.vector_store %arg8[%swap3A, %swap3A_325], %swap3A_328 {strides = array<i32>} : memref<40x104xf32, #tpu.memory_space<vmem>>, vector<1x16xf32>,
        %get3A_329 = arith.index_cast %scan3A_321 : i32 to index
        %get3A_330 = arith.constant 912 : index
        %get3A_331 = tpu.vector_load %arg6[%get3A_329, %get3A_330] {strides = array<i32>} : memref<40x1024xf32, #tpu.memory_space<vmem>>, vector<1x16xf32>,
        %get3A_332 = vector.shape_cast %get3A_331 : vector<1x16xf32> to vector<16xf32>
        %swap3A_333 = arith.index_cast %scan3A_321 : i32 to index
        %swap3A_334 = arith.constant 16 : index
        %swap3A_335 = tpu.vector_load %arg8[%swap3A_333, %swap3A_334] {strides = array<i32>} : memref<40x104xf32, #tpu.memory_space<vmem>>, vector<1x16xf32>,
        %swap3A_336 = vector.shape_cast %swap3A_335 : vector<1x16xf32> to vector<16xf32>
        %swap3A_337 = vector.shape_cast %get3A_332 : vector<16xf32> to vector<1x16xf32>
        tpu.vector_store %arg8[%swap3A_333, %swap3A_334], %swap3A_337 {strides = array<i32>} : memref<40x104xf32, #tpu.memory_space<vmem>>, vector<1x16xf32>,
        %get3A_338 = arith.index_cast %scan3A_321 : i32 to index
        %get3A_339 = arith.constant 928 : index
        %get3A_340 = tpu.vector_load %arg6[%get3A_338, %get3A_339] {strides = array<i32>} : memref<40x1024xf32, #tpu.memory_space<vmem>>, vector<1x16xf32>,
        %get3A_341 = vector.shape_cast %get3A_340 : vector<1x16xf32> to vector<16xf32>
        %swap3A_342 = arith.index_cast %scan3A_321 : i32 to index
        %swap3A_343 = arith.constant 32 : index
        %swap3A_344 = tpu.vector_load %arg8[%swap3A_342, %swap3A_343] {strides = array<i32>} : memref<40x104xf32, #tpu.memory_space<vmem>>, vector<1x16xf32>,
        %swap3A_345 = vector.shape_cast %swap3A_344 : vector<1x16xf32> to vector<16xf32>
        %swap3A_346 = vector.shape_cast %get3A_341 : vector<16xf32> to vector<1x16xf32>
        tpu.vector_store %arg8[%swap3A_342, %swap3A_343], %swap3A_346 {strides = array<i32>} : memref<40x104xf32, #tpu.memory_space<vmem>>, vector<1x16xf32>,
        %get3A_347 = arith.index_cast %scan3A_321 : i32 to index
        %get3A_348 = arith.constant 944 : index
        %get3A_349 = tpu.vector_load %arg6[%get3A_347, %get3A_348] {strides = array<i32>} : memref<40x1024xf32, #tpu.memory_space<vmem>>, vector<1x16xf32>,
        %get3A_350 = vector.shape_cast %get3A_349 : vector<1x16xf32> to vector<16xf32>
        %swap3A_351 = arith.index_cast %scan3A_321 : i32 to index
        %swap3A_352 = arith.constant 48 : index
        %swap3A_353 = tpu.vector_load %arg8[%swap3A_351, %swap3A_352] {strides = array<i32>} : memref<40x104xf32, #tpu.memory_space<vmem>>, vector<1x16xf32>,
        %swap3A_354 = vector.shape_cast %swap3A_353 : vector<1x16xf32> to vector<16xf32>
        %swap3A_355 = vector.shape_cast %get3A_350 : vector<16xf32> to vector<1x16xf32>
        tpu.vector_store %arg8[%swap3A_351, %swap3A_352], %swap3A_355 {strides = array<i32>} : memref<40x104xf32, #tpu.memory_space<vmem>>, vector<1x16xf32>,
        %get3A_356 = arith.index_cast %scan3A_321 : i32 to index
        %get3A_357 = arith.constant 960 : index
        %get3A_358 = tpu.vector_load %arg6[%get3A_356, %get3A_357] {strides = array<i32>} : memref<40x1024xf32, #tpu.memory_space<vmem>>, vector<1x16xf32>,
        %get3A_359 = vector.shape_cast %get3A_358 : vector<1x16xf32> to vector<16xf32>
        %swap3A_360 = arith.index_cast %scan3A_321 : i32 to index
        %swap3A_361 = arith.constant 64 : index
        %swap3A_362 = tpu.vector_load %arg8[%swap3A_360, %swap3A_361] {strides = array<i32>} : memref<40x104xf32, #tpu.memory_space<vmem>>, vector<1x16xf32>,
        %swap3A_363 = vector.shape_cast %swap3A_362 : vector<1x16xf32> to vector<16xf32>
        %swap3A_364 = vector.shape_cast %get3A_359 : vector<16xf32> to vector<1x16xf32>
        tpu.vector_store %arg8[%swap3A_360, %swap3A_361], %swap3A_364 {strides = array<i32>} : memref<40x104xf32, #tpu.memory_space<vmem>>, vector<1x16xf32>,
        %get3A_365 = arith.index_cast %scan3A_321 : i32 to index
        %get3A_366 = arith.constant 976 : index
        %get3A_367 = tpu.vector_load %arg6[%get3A_365, %get3A_366] {strides = array<i32>} : memref<40x1024xf32, #tpu.memory_space<vmem>>, vector<1x16xf32>,
        %get3A_368 = vector.shape_cast %get3A_367 : vector<1x16xf32> to vector<16xf32>
        %swap3A_369 = arith.index_cast %scan3A_321 : i32 to index
        %swap3A_370 = arith.constant 80 : index
        %swap3A_371 = tpu.vector_load %arg8[%swap3A_369, %swap3A_370] {strides = array<i32>} : memref<40x104xf32, #tpu.memory_space<vmem>>, vector<1x16xf32>,
        %swap3A_372 = vector.shape_cast %swap3A_371 : vector<1x16xf32> to vector<16xf32>
        %swap3A_373 = vector.shape_cast %get3A_368 : vector<16xf32> to vector<1x16xf32>
        tpu.vector_store %arg8[%swap3A_369, %swap3A_370], %swap3A_373 {strides = array<i32>} : memref<40x104xf32, #tpu.memory_space<vmem>>, vector<1x16xf32>,
        %get3A_374 = arith.index_cast %scan3A_321 : i32 to index
        %get3A_375 = arith.constant 984 : index
        %get3A_376 = tpu.vector_load %arg6[%get3A_374, %get3A_375] {strides = array<i32>} : memref<40x1024xf32, #tpu.memory_space<vmem>>, vector<1x16xf32>,
        %get3A_377 = vector.shape_cast %get3A_376 : vector<1x16xf32> to vector<16xf32>
        %swap3A_378 = arith.index_cast %scan3A_321 : i32 to index
        %swap3A_379 = arith.constant 88 : index
        %swap3A_380 = tpu.vector_load %arg8[%swap3A_378, %swap3A_379] {strides = array<i32>} : memref<40x104xf32, #tpu.memory_space<vmem>>, vector<1x16xf32>,
        %swap3A_381 = vector.shape_cast %swap3A_380 : vector<1x16xf32> to vector<16xf32>
        %swap3A_382 = vector.shape_cast %get3A_377 : vector<16xf32> to vector<1x16xf32>
        tpu.vector_store %arg8[%swap3A_378, %swap3A_379], %swap3A_382 {strides = array<i32>} : memref<40x104xf32, #tpu.memory_space<vmem>>, vector<1x16xf32>,
      }
      %scan3A_139 = arith.constant 40 : i32
      %mul3A_140 = arith.constant 40 : i32
      %mul3A_141 = arith.muli %mul3A_63, %mul3A_140 : i32
      %add3A_142 = arith.addi %mul3A_2, %mul3A_141 : i32
      %jit3A_143 = arith.constant 200 : i32
      %div3A_144 = arith.divsi %add3A_142, %jit3A_143 : i32
      %sign3A_145 = arith.constant 0 : i32
      %sign3A_146 = arith.cmpi sgt, %add3A_142, %sign3A_145 : i32
      %sign3A_147 = arith.extui %sign3A_146 : i1 to i32
      %sign3A_148 = arith.constant 0 : i32
      %sign3A_149 = arith.cmpi slt, %add3A_142, %sign3A_148 : i32
      %sign3A_150 = arith.extui %sign3A_149 : i1 to i32
      %sign3A_151 = arith.subi %sign3A_147, %sign3A_150 : i32
      %sign3A_152 = arith.constant 0 : i32
      %sign3A_153 = arith.cmpi sgt, %jit3A_143, %sign3A_152 : i32
      %sign3A_154 = arith.extui %sign3A_153 : i1 to i32
      %sign3A_155 = arith.constant 0 : i32
      %sign3A_156 = arith.cmpi slt, %jit3A_143, %sign3A_155 : i32
      %sign3A_157 = arith.extui %sign3A_156 : i1 to i32
      %sign3A_158 = arith.subi %sign3A_154, %sign3A_157 : i32
      %ne3A_159 = arith.cmpi ne, %sign3A_151, %sign3A_158 : i32
      %rem3A_160 = arith.remsi %add3A_142, %jit3A_143 : i32
      %ne3A_161 = arith.constant 0 : i32
      %ne3A_162 = arith.cmpi ne, %rem3A_160, %ne3A_161 : i32
      %and3A_163 = arith.andi %ne3A_159, %ne3A_162 : i1
      %sub3A_164 = arith.constant 1 : i32
      %sub3A_165 = arith.subi %div3A_144, %sub3A_164 : i32
      %select_n3A_166 = arith.select %and3A_163, %sub3A_165, %div3A_144 : i32
      %jit3A_167 = arith.constant 200 : i32
      %eq3A_168 = arith.constant 0 : i32
      %eq3A_169 = arith.cmpi eq, %jit3A_167, %eq3A_168 : i32
      %jit3A_170 = arith.constant 1 : i32
      %select_n3A_171 = arith.select %eq3A_169, %jit3A_170, %jit3A_167 : i32
      %rem3A_172 = arith.remsi %add3A_142, %select_n3A_171 : i32
      %ne3A_173 = arith.constant 0 : i32
      %ne3A_174 = arith.cmpi ne, %rem3A_172, %ne3A_173 : i32
      %lt3A_175 = arith.constant 0 : i32
      %lt3A_176 = arith.cmpi slt, %rem3A_172, %lt3A_175 : i32
      %lt3A_177 = arith.constant 0 : i32
      %lt3A_178 = arith.cmpi slt, %select_n3A_171, %lt3A_177 : i32
      %ne3A_179 = arith.xori %lt3A_176, %lt3A_178 : i1
      %and3A_180 = arith.andi %ne3A_179, %ne3A_174 : i1
      %add3A_181 = arith.addi %rem3A_172, %select_n3A_171 : i32
      %select_n3A_182 = arith.select %and3A_180, %add3A_181, %rem3A_172 : i32
      %dma_start3A_183 = arith.constant 896 : i32
      %dma_start3A_184 = tpu.memref_slice %arg4[%select_n3A_166, %select_n3A_182, %dma_start3A_183] : memref<256x200x1000xf32, #tpu.memory_space<hbm>> -> memref<1x40x104xf32, #tpu.memory_space<hbm>>
      %dma_start3A_185 = tpu.memref_squeeze %dma_start3A_184 : memref<1x40x104xf32, #tpu.memory_space<hbm>> -> memref<40x104xf32, #tpu.memory_space<hbm>>
      %dma_start3A_186 = arith.constant 896 : i32
      %dma_start3A_187 = tpu.memref_slice %arg4[%select_n3A_166, %select_n3A_182, %dma_start3A_186] : memref<256x200x1000xf32, #tpu.memory_space<hbm>> -> memref<1x40x104xf32, #tpu.memory_space<hbm>>
      %dma_start3A_188 = tpu.memref_squeeze %dma_start3A_187 : memref<1x40x104xf32, #tpu.memory_space<hbm>> -> memref<40x104xf32, #tpu.memory_space<hbm>>
      tpu.enqueue_dma source(%arg8 : memref<40x104xf32, #tpu.memory_space<vmem>>) target(%dma_start3A_188 : memref<40x104xf32, #tpu.memory_space<hbm>>) target_semaphore(%arg14 : memref<!tpu.dma_semaphore, #tpu.memory_space<semaphore_mem>>)
      %mul3A_189 = arith.constant 2 : i32
      %mul3A_190 = arith.muli %mul3A_189, %scan3A_61 : i32
      %add3A_191 = arith.constant 1 : i32
      %add3A_192 = arith.addi %mul3A_190, %add3A_191 : i32
      %ge3A_193 = arith.constant 1 : i32
      %ge3A_194 = arith.cmpi sge, %add3A_192, %ge3A_193 : i32
      %convert_element_type3A_195 = arith.extui %ge3A_194 : i1 to i32
      %cond3A_196 = arith.constant 0 : i32
      %cond3A_197 = arith.cmpi ne, %convert_element_type3A_195, %cond3A_196 : i32
      scf.if %cond3A_197 {
        %sub3A_321 = arith.constant 1 : i32
        %sub3A_322 = arith.subi %add3A_192, %sub3A_321 : i32
        %mul3A_323 = arith.constant 40 : i32
        %mul3A_324 = arith.muli %sub3A_322, %mul3A_323 : i32
        %add3A_325 = arith.addi %mul3A_2, %mul3A_324 : i32
        %jit3A_326 = arith.constant 200 : i32
        %div3A_327 = arith.divsi %add3A_325, %jit3A_326 : i32
        %sign3A_328 = arith.constant 0 : i32
        %sign3A_329 = arith.cmpi sgt, %add3A_325, %sign3A_328 : i32
        %sign3A_330 = arith.extui %sign3A_329 : i1 to i32
        %sign3A_331 = arith.constant 0 : i32
        %sign3A_332 = arith.cmpi slt, %add3A_325, %sign3A_331 : i32
        %sign3A_333 = arith.extui %sign3A_332 : i1 to i32
        %sign3A_334 = arith.subi %sign3A_330, %sign3A_333 : i32
        %sign3A_335 = arith.constant 0 : i32
        %sign3A_336 = arith.cmpi sgt, %jit3A_326, %sign3A_335 : i32
        %sign3A_337 = arith.extui %sign3A_336 : i1 to i32
        %sign3A_338 = arith.constant 0 : i32
        %sign3A_339 = arith.cmpi slt, %jit3A_326, %sign3A_338 : i32
        %sign3A_340 = arith.extui %sign3A_339 : i1 to i32
        %sign3A_341 = arith.subi %sign3A_337, %sign3A_340 : i32
        %ne3A_342 = arith.cmpi ne, %sign3A_334, %sign3A_341 : i32
        %rem3A_343 = arith.remsi %add3A_325, %jit3A_326 : i32
        %ne3A_344 = arith.constant 0 : i32
        %ne3A_345 = arith.cmpi ne, %rem3A_343, %ne3A_344 : i32
        %and3A_346 = arith.andi %ne3A_342, %ne3A_345 : i1
        %sub3A_347 = arith.constant 1 : i32
        %sub3A_348 = arith.subi %div3A_327, %sub3A_347 : i32
        %select_n3A_349 = arith.select %and3A_346, %sub3A_348, %div3A_327 : i32
        %jit3A_350 = arith.constant 200 : i32
        %eq3A_351 = arith.constant 0 : i32
        %eq3A_352 = arith.cmpi eq, %jit3A_350, %eq3A_351 : i32
        %jit3A_353 = arith.constant 1 : i32
        %select_n3A_354 = arith.select %eq3A_352, %jit3A_353, %jit3A_350 : i32
        %rem3A_355 = arith.remsi %add3A_325, %select_n3A_354 : i32
        %ne3A_356 = arith.constant 0 : i32
        %ne3A_357 = arith.cmpi ne, %rem3A_355, %ne3A_356 : i32
        %lt3A_358 = arith.constant 0 : i32
        %lt3A_359 = arith.cmpi slt, %rem3A_355, %lt3A_358 : i32
        %lt3A_360 = arith.constant 0 : i32
        %lt3A_361 = arith.cmpi slt, %select_n3A_354, %lt3A_360 : i32
        %ne3A_362 = arith.xori %lt3A_359, %lt3A_361 : i1
        %and3A_363 = arith.andi %ne3A_362, %ne3A_357 : i1
        %add3A_364 = arith.addi %rem3A_355, %select_n3A_354 : i32
        %select_n3A_365 = arith.select %and3A_363, %add3A_364, %rem3A_355 : i32
        %dma_wait3A_366 = arith.constant 0 : i32
        %dma_wait3A_367 = arith.constant 0 : i32
        %dma_wait3A_368 = tpu.memref_slice %arg6[%dma_wait3A_366, %dma_wait3A_367] : memref<40x1024xf32, #tpu.memory_space<vmem>> -> memref<40x896xf32, #tpu.memory_space<vmem>>
        %dma_wait3A_369 = arith.constant 0 : i32
        %dma_wait3A_370 = tpu.memref_slice %arg4[%select_n3A_349, %select_n3A_365, %dma_wait3A_369] : memref<256x200x1000xf32, #tpu.memory_space<hbm>> -> memref<1x40x896xf32, #tpu.memory_space<hbm>>
        %dma_wait3A_371 = tpu.memref_squeeze %dma_wait3A_370 : memref<1x40x896xf32, #tpu.memory_space<hbm>> -> memref<40x896xf32, #tpu.memory_space<hbm>>
        %dma_wait3A_372 = arith.constant 0 : i32
        %dma_wait3A_373 = tpu.memref_slice %arg4[%select_n3A_349, %select_n3A_365, %dma_wait3A_372] : memref<256x200x1000xf32, #tpu.memory_space<hbm>> -> memref<1x40x896xf32, #tpu.memory_space<hbm>>
        %dma_wait3A_374 = tpu.memref_squeeze %dma_wait3A_373 : memref<1x40x896xf32, #tpu.memory_space<hbm>> -> memref<40x896xf32, #tpu.memory_space<hbm>>
        %dma_wait3A_375 = arith.constant 0 : i32
        %dma_wait3A_376 = arith.constant 0 : i32
        %dma_wait3A_377 = tpu.memref_slice %arg6[%dma_wait3A_375, %dma_wait3A_376] : memref<40x1024xf32, #tpu.memory_space<vmem>> -> memref<40x896xf32, #tpu.memory_space<vmem>>
        tpu.wait_dma2 semaphore(%arg12 : memref<!tpu.dma_semaphore, #tpu.memory_space<semaphore_mem>>) src(%dma_wait3A_377 : memref<40x896xf32, #tpu.memory_space<vmem>>) dst(%dma_wait3A_374 : memref<40x896xf32, #tpu.memory_space<hbm>>)
        %dma_wait3A_378 = arith.constant 896 : i32
        %dma_wait3A_379 = tpu.memref_slice %arg4[%select_n3A_349, %select_n3A_365, %dma_wait3A_378] : memref<256x200x1000xf32, #tpu.memory_space<hbm>> -> memref<1x40x104xf32, #tpu.memory_space<hbm>>
        %dma_wait3A_380 = tpu.memref_squeeze %dma_wait3A_379 : memref<1x40x104xf32, #tpu.memory_space<hbm>> -> memref<40x104xf32, #tpu.memory_space<hbm>>
        %dma_wait3A_381 = arith.constant 896 : i32
        %dma_wait3A_382 = tpu.memref_slice %arg4[%select_n3A_349, %select_n3A_365, %dma_wait3A_381] : memref<256x200x1000xf32, #tpu.memory_space<hbm>> -> memref<1x40x104xf32, #tpu.memory_space<hbm>>
        %dma_wait3A_383 = tpu.memref_squeeze %dma_wait3A_382 : memref<1x40x104xf32, #tpu.memory_space<hbm>> -> memref<40x104xf32, #tpu.memory_space<hbm>>
        tpu.wait_dma2 semaphore(%arg14 : memref<!tpu.dma_semaphore, #tpu.memory_space<semaphore_mem>>) src(%arg8 : memref<40x104xf32, #tpu.memory_space<vmem>>) dst(%dma_wait3A_383 : memref<40x104xf32, #tpu.memory_space<hbm>>)
      } else {
      }
      %add3A_198 = arith.constant 1 : i32
      %add3A_199 = arith.addi %add3A_192, %add3A_198 : i32
      %lt3A_200 = arith.constant 40 : i32
      %lt3A_201 = arith.cmpi slt, %add3A_199, %lt3A_200 : i32
      %convert_element_type3A_202 = arith.extui %lt3A_201 : i1 to i32
      %cond3A_203 = arith.constant 0 : i32
      %cond3A_204 = arith.cmpi ne, %convert_element_type3A_202, %cond3A_203 : i32
      scf.if %cond3A_204 {
        %add3A_321 = arith.constant 1 : i32
        %add3A_322 = arith.addi %add3A_192, %add3A_321 : i32
        %mul3A_323 = arith.constant 40 : i32
        %mul3A_324 = arith.muli %add3A_322, %mul3A_323 : i32
        %dma_start3A_325 = tpu.memref_slice %arg5[%mul3A_324] : memref<1600xi32, #tpu.memory_space<vmem>> -> memref<40xi32, #tpu.memory_space<vmem>>
        %dma_start3A_326 = arith.constant 0 : i32
        %dma_start3A_327 = arith.constant 0 : i32
        %dma_start3A_328 = tpu.memref_slice %arg2[%dma_start3A_326, %dma_start3A_327] : memref<1000x1024xf32, #tpu.memory_space<hbm>> -> memref<1000x1024xf32, #tpu.memory_space<hbm>>
        tpu.enqueue_indirect_dma source(%dma_start3A_328 : memref<1000x1024xf32, #tpu.memory_space<hbm>>) target(%arg6 : memref<40x1024xf32, #tpu.memory_space<vmem>>) offsets(%dma_start3A_325 : memref<40xi32, #tpu.memory_space<vmem>>) semaphore(%arg10 : memref<!tpu.dma_semaphore, #tpu.memory_space<semaphore_mem>>)
      } else {
      }
      %mul3A_205 = arith.constant 40 : i32
      %mul3A_206 = arith.muli %add3A_192, %mul3A_205 : i32
      %dma_wait3A_207 = tpu.memref_slice %arg5[%mul3A_206] : memref<1600xi32, #tpu.memory_space<vmem>> -> memref<40xi32, #tpu.memory_space<vmem>>
      %dma_wait3A_208 = arith.constant 0 : i32
      %dma_wait3A_209 = arith.constant 0 : i32
      %dma_wait3A_210 = tpu.memref_slice %arg2[%dma_wait3A_208, %dma_wait3A_209] : memref<1000x1024xf32, #tpu.memory_space<hbm>> -> memref<1000x1024xf32, #tpu.memory_space<hbm>>
      tpu.wait_indirect_dma semaphore(%arg11 : memref<!tpu.dma_semaphore, #tpu.memory_space<semaphore_mem>>) src(%dma_wait3A_210 : memref<1000x1024xf32, #tpu.memory_space<hbm>>) dst(%arg7 : memref<40x1024xf32, #tpu.memory_space<vmem>>)
      %mul3A_211 = arith.constant 40 : i32
      %mul3A_212 = arith.muli %add3A_192, %mul3A_211 : i32
      %add3A_213 = arith.addi %mul3A_2, %mul3A_212 : i32
      %jit3A_214 = arith.constant 200 : i32
      %div3A_215 = arith.divsi %add3A_213, %jit3A_214 : i32
      %sign3A_216 = arith.constant 0 : i32
      %sign3A_217 = arith.cmpi sgt, %add3A_213, %sign3A_216 : i32
      %sign3A_218 = arith.extui %sign3A_217 : i1 to i32
      %sign3A_219 = arith.constant 0 : i32
      %sign3A_220 = arith.cmpi slt, %add3A_213, %sign3A_219 : i32
      %sign3A_221 = arith.extui %sign3A_220 : i1 to i32
      %sign3A_222 = arith.subi %sign3A_218, %sign3A_221 : i32
      %sign3A_223 = arith.constant 0 : i32
      %sign3A_224 = arith.cmpi sgt, %jit3A_214, %sign3A_223 : i32
      %sign3A_225 = arith.extui %sign3A_224 : i1 to i32
      %sign3A_226 = arith.constant 0 : i32
      %sign3A_227 = arith.cmpi slt, %jit3A_214, %sign3A_226 : i32
      %sign3A_228 = arith.extui %sign3A_227 : i1 to i32
      %sign3A_229 = arith.subi %sign3A_225, %sign3A_228 : i32
      %ne3A_230 = arith.cmpi ne, %sign3A_222, %sign3A_229 : i32
      %rem3A_231 = arith.remsi %add3A_213, %jit3A_214 : i32
      %ne3A_232 = arith.constant 0 : i32
      %ne3A_233 = arith.cmpi ne, %rem3A_231, %ne3A_232 : i32
      %and3A_234 = arith.andi %ne3A_230, %ne3A_233 : i1
      %sub3A_235 = arith.constant 1 : i32
      %sub3A_236 = arith.subi %div3A_215, %sub3A_235 : i32
      %select_n3A_237 = arith.select %and3A_234, %sub3A_236, %div3A_215 : i32
      %jit3A_238 = arith.constant 200 : i32
      %eq3A_239 = arith.constant 0 : i32
      %eq3A_240 = arith.cmpi eq, %jit3A_238, %eq3A_239 : i32
      %jit3A_241 = arith.constant 1 : i32
      %select_n3A_242 = arith.select %eq3A_240, %jit3A_241, %jit3A_238 : i32
      %rem3A_243 = arith.remsi %add3A_213, %select_n3A_242 : i32
      %ne3A_244 = arith.constant 0 : i32
      %ne3A_245 = arith.cmpi ne, %rem3A_243, %ne3A_244 : i32
      %lt3A_246 = arith.constant 0 : i32
      %lt3A_247 = arith.cmpi slt, %rem3A_243, %lt3A_246 : i32
      %lt3A_248 = arith.constant 0 : i32
      %lt3A_249 = arith.cmpi slt, %select_n3A_242, %lt3A_248 : i32
      %ne3A_250 = arith.xori %lt3A_247, %lt3A_249 : i1
      %and3A_251 = arith.andi %ne3A_250, %ne3A_245 : i1
      %add3A_252 = arith.addi %rem3A_243, %select_n3A_242 : i32
      %select_n3A_253 = arith.select %and3A_251, %add3A_252, %rem3A_243 : i32
      %dma_start3A_254 = arith.constant 0 : i32
      %dma_start3A_255 = arith.constant 0 : i32
      %dma_start3A_256 = tpu.memref_slice %arg7[%dma_start3A_254, %dma_start3A_255] : memref<40x1024xf32, #tpu.memory_space<vmem>> -> memref<40x896xf32, #tpu.memory_space<vmem>>
      %dma_start3A_257 = arith.constant 0 : i32
      %dma_start3A_258 = tpu.memref_slice %arg4[%select_n3A_237, %select_n3A_253, %dma_start3A_257] : memref<256x200x1000xf32, #tpu.memory_space<hbm>> -> memref<1x40x896xf32, #tpu.memory_space<hbm>>
      %dma_start3A_259 = tpu.memref_squeeze %dma_start3A_258 : memref<1x40x896xf32, #tpu.memory_space<hbm>> -> memref<40x896xf32, #tpu.memory_space<hbm>>
      %dma_start3A_260 = arith.constant 0 : i32
      %dma_start3A_261 = tpu.memref_slice %arg4[%select_n3A_237, %select_n3A_253, %dma_start3A_260] : memref<256x200x1000xf32, #tpu.memory_space<hbm>> -> memref<1x40x896xf32, #tpu.memory_space<hbm>>
      %dma_start3A_262 = tpu.memref_squeeze %dma_start3A_261 : memref<1x40x896xf32, #tpu.memory_space<hbm>> -> memref<40x896xf32, #tpu.memory_space<hbm>>
      %dma_start3A_263 = arith.constant 0 : i32
      %dma_start3A_264 = arith.constant 0 : i32
      %dma_start3A_265 = tpu.memref_slice %arg7[%dma_start3A_263, %dma_start3A_264] : memref<40x1024xf32, #tpu.memory_space<vmem>> -> memref<40x896xf32, #tpu.memory_space<vmem>>
      tpu.enqueue_dma source(%dma_start3A_265 : memref<40x896xf32, #tpu.memory_space<vmem>>) target(%dma_start3A_262 : memref<40x896xf32, #tpu.memory_space<hbm>>) target_semaphore(%arg13 : memref<!tpu.dma_semaphore, #tpu.memory_space<semaphore_mem>>)
      %scan3A_266 = arith.constant 0 : i32
      %scan3A_267 = arith.constant 0 : i32
      %scan3A_268 = arith.constant 40 : i32
      %scan3A_269 = arith.addi %scan3A_267, %scan3A_268 : i32
      %scan3A_270 = arith.constant 1 : i32
      scf.for %scan3A_321 = %scan3A_267 to %scan3A_269 step %scan3A_270  : i32 {
        %get3A = arith.index_cast %scan3A_321 : i32 to index
        %get3A_322 = arith.constant 896 : index
        %get3A_323 = tpu.vector_load %arg7[%get3A, %get3A_322] {strides = array<i32>} : memref<40x1024xf32, #tpu.memory_space<vmem>>, vector<1x16xf32>,
        %get3A_324 = vector.shape_cast %get3A_323 : vector<1x16xf32> to vector<16xf32>
        %swap3A = arith.index_cast %scan3A_321 : i32 to index
        %swap3A_325 = arith.constant 0 : index
        %swap3A_326 = tpu.vector_load %arg9[%swap3A, %swap3A_325] {strides = array<i32>} : memref<40x104xf32, #tpu.memory_space<vmem>>, vector<1x16xf32>,
        %swap3A_327 = vector.shape_cast %swap3A_326 : vector<1x16xf32> to vector<16xf32>
        %swap3A_328 = vector.shape_cast %get3A_324 : vector<16xf32> to vector<1x16xf32>
        tpu.vector_store %arg9[%swap3A, %swap3A_325], %swap3A_328 {strides = array<i32>} : memref<40x104xf32, #tpu.memory_space<vmem>>, vector<1x16xf32>,
        %get3A_329 = arith.index_cast %scan3A_321 : i32 to index
        %get3A_330 = arith.constant 912 : index
        %get3A_331 = tpu.vector_load %arg7[%get3A_329, %get3A_330] {strides = array<i32>} : memref<40x1024xf32, #tpu.memory_space<vmem>>, vector<1x16xf32>,
        %get3A_332 = vector.shape_cast %get3A_331 : vector<1x16xf32> to vector<16xf32>
        %swap3A_333 = arith.index_cast %scan3A_321 : i32 to index
        %swap3A_334 = arith.constant 16 : index
        %swap3A_335 = tpu.vector_load %arg9[%swap3A_333, %swap3A_334] {strides = array<i32>} : memref<40x104xf32, #tpu.memory_space<vmem>>, vector<1x16xf32>,
        %swap3A_336 = vector.shape_cast %swap3A_335 : vector<1x16xf32> to vector<16xf32>
        %swap3A_337 = vector.shape_cast %get3A_332 : vector<16xf32> to vector<1x16xf32>
        tpu.vector_store %arg9[%swap3A_333, %swap3A_334], %swap3A_337 {strides = array<i32>} : memref<40x104xf32, #tpu.memory_space<vmem>>, vector<1x16xf32>,
        %get3A_338 = arith.index_cast %scan3A_321 : i32 to index
        %get3A_339 = arith.constant 928 : index
        %get3A_340 = tpu.vector_load %arg7[%get3A_338, %get3A_339] {strides = array<i32>} : memref<40x1024xf32, #tpu.memory_space<vmem>>, vector<1x16xf32>,
        %get3A_341 = vector.shape_cast %get3A_340 : vector<1x16xf32> to vector<16xf32>
        %swap3A_342 = arith.index_cast %scan3A_321 : i32 to index
        %swap3A_343 = arith.constant 32 : index
        %swap3A_344 = tpu.vector_load %arg9[%swap3A_342, %swap3A_343] {strides = array<i32>} : memref<40x104xf32, #tpu.memory_space<vmem>>, vector<1x16xf32>,
        %swap3A_345 = vector.shape_cast %swap3A_344 : vector<1x16xf32> to vector<16xf32>
        %swap3A_346 = vector.shape_cast %get3A_341 : vector<16xf32> to vector<1x16xf32>
        tpu.vector_store %arg9[%swap3A_342, %swap3A_343], %swap3A_346 {strides = array<i32>} : memref<40x104xf32, #tpu.memory_space<vmem>>, vector<1x16xf32>,
        %get3A_347 = arith.index_cast %scan3A_321 : i32 to index
        %get3A_348 = arith.constant 944 : index
        %get3A_349 = tpu.vector_load %arg7[%get3A_347, %get3A_348] {strides = array<i32>} : memref<40x1024xf32, #tpu.memory_space<vmem>>, vector<1x16xf32>,
        %get3A_350 = vector.shape_cast %get3A_349 : vector<1x16xf32> to vector<16xf32>
        %swap3A_351 = arith.index_cast %scan3A_321 : i32 to index
        %swap3A_352 = arith.constant 48 : index
        %swap3A_353 = tpu.vector_load %arg9[%swap3A_351, %swap3A_352] {strides = array<i32>} : memref<40x104xf32, #tpu.memory_space<vmem>>, vector<1x16xf32>,
        %swap3A_354 = vector.shape_cast %swap3A_353 : vector<1x16xf32> to vector<16xf32>
        %swap3A_355 = vector.shape_cast %get3A_350 : vector<16xf32> to vector<1x16xf32>
        tpu.vector_store %arg9[%swap3A_351, %swap3A_352], %swap3A_355 {strides = array<i32>} : memref<40x104xf32, #tpu.memory_space<vmem>>, vector<1x16xf32>,
        %get3A_356 = arith.index_cast %scan3A_321 : i32 to index
        %get3A_357 = arith.constant 960 : index
        %get3A_358 = tpu.vector_load %arg7[%get3A_356, %get3A_357] {strides = array<i32>} : memref<40x1024xf32, #tpu.memory_space<vmem>>, vector<1x16xf32>,
        %get3A_359 = vector.shape_cast %get3A_358 : vector<1x16xf32> to vector<16xf32>
        %swap3A_360 = arith.index_cast %scan3A_321 : i32 to index
        %swap3A_361 = arith.constant 64 : index
        %swap3A_362 = tpu.vector_load %arg9[%swap3A_360, %swap3A_361] {strides = array<i32>} : memref<40x104xf32, #tpu.memory_space<vmem>>, vector<1x16xf32>,
        %swap3A_363 = vector.shape_cast %swap3A_362 : vector<1x16xf32> to vector<16xf32>
        %swap3A_364 = vector.shape_cast %get3A_359 : vector<16xf32> to vector<1x16xf32>
        tpu.vector_store %arg9[%swap3A_360, %swap3A_361], %swap3A_364 {strides = array<i32>} : memref<40x104xf32, #tpu.memory_space<vmem>>, vector<1x16xf32>,
        %get3A_365 = arith.index_cast %scan3A_321 : i32 to index
        %get3A_366 = arith.constant 976 : index
        %get3A_367 = tpu.vector_load %arg7[%get3A_365, %get3A_366] {strides = array<i32>} : memref<40x1024xf32, #tpu.memory_space<vmem>>, vector<1x16xf32>,
        %get3A_368 = vector.shape_cast %get3A_367 : vector<1x16xf32> to vector<16xf32>
        %swap3A_369 = arith.index_cast %scan3A_321 : i32 to index
        %swap3A_370 = arith.constant 80 : index
        %swap3A_371 = tpu.vector_load %arg9[%swap3A_369, %swap3A_370] {strides = array<i32>} : memref<40x104xf32, #tpu.memory_space<vmem>>, vector<1x16xf32>,
        %swap3A_372 = vector.shape_cast %swap3A_371 : vector<1x16xf32> to vector<16xf32>
        %swap3A_373 = vector.shape_cast %get3A_368 : vector<16xf32> to vector<1x16xf32>
        tpu.vector_store %arg9[%swap3A_369, %swap3A_370], %swap3A_373 {strides = array<i32>} : memref<40x104xf32, #tpu.memory_space<vmem>>, vector<1x16xf32>,
        %get3A_374 = arith.index_cast %scan3A_321 : i32 to index
        %get3A_375 = arith.constant 984 : index
        %get3A_376 = tpu.vector_load %arg7[%get3A_374, %get3A_375] {strides = array<i32>} : memref<40x1024xf32, #tpu.memory_space<vmem>>, vector<1x16xf32>,
        %get3A_377 = vector.shape_cast %get3A_376 : vector<1x16xf32> to vector<16xf32>
        %swap3A_378 = arith.index_cast %scan3A_321 : i32 to index
        %swap3A_379 = arith.constant 88 : index
        %swap3A_380 = tpu.vector_load %arg9[%swap3A_378, %swap3A_379] {strides = array<i32>} : memref<40x104xf32, #tpu.memory_space<vmem>>, vector<1x16xf32>,
        %swap3A_381 = vector.shape_cast %swap3A_380 : vector<1x16xf32> to vector<16xf32>
        %swap3A_382 = vector.shape_cast %get3A_377 : vector<16xf32> to vector<1x16xf32>
        tpu.vector_store %arg9[%swap3A_378, %swap3A_379], %swap3A_382 {strides = array<i32>} : memref<40x104xf32, #tpu.memory_space<vmem>>, vector<1x16xf32>,
      }
      %scan3A_271 = arith.constant 40 : i32
      %mul3A_272 = arith.constant 40 : i32
      %mul3A_273 = arith.muli %add3A_192, %mul3A_272 : i32
      %add3A_274 = arith.addi %mul3A_2, %mul3A_273 : i32
      %jit3A_275 = arith.constant 200 : i32
      %div3A_276 = arith.divsi %add3A_274, %jit3A_275 : i32
      %sign3A_277 = arith.constant 0 : i32
      %sign3A_278 = arith.cmpi sgt, %add3A_274, %sign3A_277 : i32
      %sign3A_279 = arith.extui %sign3A_278 : i1 to i32
      %sign3A_280 = arith.constant 0 : i32
      %sign3A_281 = arith.cmpi slt, %add3A_274, %sign3A_280 : i32
      %sign3A_282 = arith.extui %sign3A_281 : i1 to i32
      %sign3A_283 = arith.subi %sign3A_279, %sign3A_282 : i32
      %sign3A_284 = arith.constant 0 : i32
      %sign3A_285 = arith.cmpi sgt, %jit3A_275, %sign3A_284 : i32
      %sign3A_286 = arith.extui %sign3A_285 : i1 to i32
      %sign3A_287 = arith.constant 0 : i32
      %sign3A_288 = arith.cmpi slt, %jit3A_275, %sign3A_287 : i32
      %sign3A_289 = arith.extui %sign3A_288 : i1 to i32
      %sign3A_290 = arith.subi %sign3A_286, %sign3A_289 : i32
      %ne3A_291 = arith.cmpi ne, %sign3A_283, %sign3A_290 : i32
      %rem3A_292 = arith.remsi %add3A_274, %jit3A_275 : i32
      %ne3A_293 = arith.constant 0 : i32
      %ne3A_294 = arith.cmpi ne, %rem3A_292, %ne3A_293 : i32
      %and3A_295 = arith.andi %ne3A_291, %ne3A_294 : i1
      %sub3A_296 = arith.constant 1 : i32
      %sub3A_297 = arith.subi %div3A_276, %sub3A_296 : i32
      %select_n3A_298 = arith.select %and3A_295, %sub3A_297, %div3A_276 : i32
      %jit3A_299 = arith.constant 200 : i32
      %eq3A_300 = arith.constant 0 : i32
      %eq3A_301 = arith.cmpi eq, %jit3A_299, %eq3A_300 : i32
      %jit3A_302 = arith.constant 1 : i32
      %select_n3A_303 = arith.select %eq3A_301, %jit3A_302, %jit3A_299 : i32
      %rem3A_304 = arith.remsi %add3A_274, %select_n3A_303 : i32
      %ne3A_305 = arith.constant 0 : i32
      %ne3A_306 = arith.cmpi ne, %rem3A_304, %ne3A_305 : i32
      %lt3A_307 = arith.constant 0 : i32
      %lt3A_308 = arith.cmpi slt, %rem3A_304, %lt3A_307 : i32
      %lt3A_309 = arith.constant 0 : i32
      %lt3A_310 = arith.cmpi slt, %select_n3A_303, %lt3A_309 : i32
      %ne3A_311 = arith.xori %lt3A_308, %lt3A_310 : i1
      %and3A_312 = arith.andi %ne3A_311, %ne3A_306 : i1
      %add3A_313 = arith.addi %rem3A_304, %select_n3A_303 : i32
      %select_n3A_314 = arith.select %and3A_312, %add3A_313, %rem3A_304 : i32
      %dma_start3A_315 = arith.constant 896 : i32
      %dma_start3A_316 = tpu.memref_slice %arg4[%select_n3A_298, %select_n3A_314, %dma_start3A_315] : memref<256x200x1000xf32, #tpu.memory_space<hbm>> -> memref<1x40x104xf32, #tpu.memory_space<hbm>>
      %dma_start3A_317 = tpu.memref_squeeze %dma_start3A_316 : memref<1x40x104xf32, #tpu.memory_space<hbm>> -> memref<40x104xf32, #tpu.memory_space<hbm>>
      %dma_start3A_318 = arith.constant 896 : i32
      %dma_start3A_319 = tpu.memref_slice %arg4[%select_n3A_298, %select_n3A_314, %dma_start3A_318] : memref<256x200x1000xf32, #tpu.memory_space<hbm>> -> memref<1x40x104xf32, #tpu.memory_space<hbm>>
      %dma_start3A_320 = tpu.memref_squeeze %dma_start3A_319 : memref<1x40x104xf32, #tpu.memory_space<hbm>> -> memref<40x104xf32, #tpu.memory_space<hbm>>
      tpu.enqueue_dma source(%arg9 : memref<40x104xf32, #tpu.memory_space<vmem>>) target(%dma_start3A_320 : memref<40x104xf32, #tpu.memory_space<hbm>>) target_semaphore(%arg15 : memref<!tpu.dma_semaphore, #tpu.memory_space<semaphore_mem>>)
    }
    %scan3A_11 = arith.constant 20 : i32
    %add3A_12 = arith.constant 1560 : i32
    %add3A_13 = arith.addi %mul3A_2, %add3A_12 : i32
    %jit3A = arith.constant 200 : i32
    %div3A = arith.divsi %add3A_13, %jit3A : i32
    %sign3A = arith.constant 0 : i32
    %sign3A_14 = arith.cmpi sgt, %add3A_13, %sign3A : i32
    %sign3A_15 = arith.extui %sign3A_14 : i1 to i32
    %sign3A_16 = arith.constant 0 : i32
    %sign3A_17 = arith.cmpi slt, %add3A_13, %sign3A_16 : i32
    %sign3A_18 = arith.extui %sign3A_17 : i1 to i32
    %sign3A_19 = arith.subi %sign3A_15, %sign3A_18 : i32
    %sign3A_20 = arith.constant 0 : i32
    %sign3A_21 = arith.cmpi sgt, %jit3A, %sign3A_20 : i32
    %sign3A_22 = arith.extui %sign3A_21 : i1 to i32
    %sign3A_23 = arith.constant 0 : i32
    %sign3A_24 = arith.cmpi slt, %jit3A, %sign3A_23 : i32
    %sign3A_25 = arith.extui %sign3A_24 : i1 to i32
    %sign3A_26 = arith.subi %sign3A_22, %sign3A_25 : i32
    %ne3A = arith.cmpi ne, %sign3A_19, %sign3A_26 : i32
    %rem3A = arith.remsi %add3A_13, %jit3A : i32
    %ne3A_27 = arith.constant 0 : i32
    %ne3A_28 = arith.cmpi ne, %rem3A, %ne3A_27 : i32
    %and3A = arith.andi %ne3A, %ne3A_28 : i1
    %sub3A = arith.constant 1 : i32
    %sub3A_29 = arith.subi %div3A, %sub3A : i32
    %select_n3A = arith.select %and3A, %sub3A_29, %div3A : i32
    %jit3A_30 = arith.constant 200 : i32
    %eq3A = arith.constant 0 : i32
    %eq3A_31 = arith.cmpi eq, %jit3A_30, %eq3A : i32
    %jit3A_32 = arith.constant 1 : i32
    %select_n3A_33 = arith.select %eq3A_31, %jit3A_32, %jit3A_30 : i32
    %rem3A_34 = arith.remsi %add3A_13, %select_n3A_33 : i32
    %ne3A_35 = arith.constant 0 : i32
    %ne3A_36 = arith.cmpi ne, %rem3A_34, %ne3A_35 : i32
    %lt3A = arith.constant 0 : i32
    %lt3A_37 = arith.cmpi slt, %rem3A_34, %lt3A : i32
    %lt3A_38 = arith.constant 0 : i32
    %lt3A_39 = arith.cmpi slt, %select_n3A_33, %lt3A_38 : i32
    %ne3A_40 = arith.xori %lt3A_37, %lt3A_39 : i1
    %and3A_41 = arith.andi %ne3A_40, %ne3A_36 : i1
    %add3A_42 = arith.addi %rem3A_34, %select_n3A_33 : i32
    %select_n3A_43 = arith.select %and3A_41, %add3A_42, %rem3A_34 : i32
    %dma_wait3A = arith.constant 0 : i32
    %dma_wait3A_44 = arith.constant 0 : i32
    %dma_wait3A_45 = tpu.memref_slice %arg7[%dma_wait3A, %dma_wait3A_44] : memref<40x1024xf32, #tpu.memory_space<vmem>> -> memref<40x896xf32, #tpu.memory_space<vmem>>
    %dma_wait3A_46 = arith.constant 0 : i32
    %dma_wait3A_47 = tpu.memref_slice %arg4[%select_n3A, %select_n3A_43, %dma_wait3A_46] : memref<256x200x1000xf32, #tpu.memory_space<hbm>> -> memref<1x40x896xf32, #tpu.memory_space<hbm>>
    %dma_wait3A_48 = tpu.memref_squeeze %dma_wait3A_47 : memref<1x40x896xf32, #tpu.memory_space<hbm>> -> memref<40x896xf32, #tpu.memory_space<hbm>>
    %dma_wait3A_49 = arith.constant 0 : i32
    %dma_wait3A_50 = tpu.memref_slice %arg4[%select_n3A, %select_n3A_43, %dma_wait3A_49] : memref<256x200x1000xf32, #tpu.memory_space<hbm>> -> memref<1x40x896xf32, #tpu.memory_space<hbm>>
    %dma_wait3A_51 = tpu.memref_squeeze %dma_wait3A_50 : memref<1x40x896xf32, #tpu.memory_space<hbm>> -> memref<40x896xf32, #tpu.memory_space<hbm>>
    %dma_wait3A_52 = arith.constant 0 : i32
    %dma_wait3A_53 = arith.constant 0 : i32
    %dma_wait3A_54 = tpu.memref_slice %arg7[%dma_wait3A_52, %dma_wait3A_53] : memref<40x1024xf32, #tpu.memory_space<vmem>> -> memref<40x896xf32, #tpu.memory_space<vmem>>
    tpu.wait_dma2 semaphore(%arg13 : memref<!tpu.dma_semaphore, #tpu.memory_space<semaphore_mem>>) src(%dma_wait3A_54 : memref<40x896xf32, #tpu.memory_space<vmem>>) dst(%dma_wait3A_51 : memref<40x896xf32, #tpu.memory_space<hbm>>)
    %dma_wait3A_55 = arith.constant 896 : i32
    %dma_wait3A_56 = tpu.memref_slice %arg4[%select_n3A, %select_n3A_43, %dma_wait3A_55] : memref<256x200x1000xf32, #tpu.memory_space<hbm>> -> memref<1x40x104xf32, #tpu.memory_space<hbm>>
    %dma_wait3A_57 = tpu.memref_squeeze %dma_wait3A_56 : memref<1x40x104xf32, #tpu.memory_space<hbm>> -> memref<40x104xf32, #tpu.memory_space<hbm>>
    %dma_wait3A_58 = arith.constant 896 : i32
    %dma_wait3A_59 = tpu.memref_slice %arg4[%select_n3A, %select_n3A_43, %dma_wait3A_58] : memref<256x200x1000xf32, #tpu.memory_space<hbm>> -> memref<1x40x104xf32, #tpu.memory_space<hbm>>
    %dma_wait3A_60 = tpu.memref_squeeze %dma_wait3A_59 : memref<1x40x104xf32, #tpu.memory_space<hbm>> -> memref<40x104xf32, #tpu.memory_space<hbm>>
    tpu.wait_dma2 semaphore(%arg15 : memref<!tpu.dma_semaphore, #tpu.memory_space<semaphore_mem>>) src(%arg9 : memref<40x104xf32, #tpu.memory_space<vmem>>) dst(%dma_wait3A_60 : memref<40x104xf32, #tpu.memory_space<hbm>>)
    return
  }
}

</mosaic_0001>

<sc_bundles>
// kernel: kernel.12.cloned.1.call-start
scs
__scs_entry_jumppad:
0x0: {  	(pc) =	sbr.rel $0x88, $3  }
0x1: {  	(tag) =	ssettag $0x0;
	lr =	simm.s32 $0x1  }
0x2: {  	[smem:$0x3F9F] =	sst lr;
	_ =	strace $0xD0000000  }
0x3: {  	_ = 	snop  }
0x4: {  	_ = 	snop  }
0x5: {  	_ = 	snop  }
0x6: {  	_ = 	snop  }
0x7: {  	_ = 	snop  }
__scs_overlays_trampoline_lowered:
0x8: {  	[smem:$0x3FAE] =	sst s0  }
0x9: {  	[smem:$0x3FAF] =	sst s1  }
0xa: {  	[smem:$0x3FB0] =	sst s2  }
0xb: {  	[smem:$0x3FB1] =	sst s3  }
0xc: {  	[smem:$0x3FB2] =	sst s4  }
0xd: {  	[smem:$0x3FB3] =	sst s5  }
0xe: {  	[smem:$0x3FB4] =	sst s6  }
0xf: {  	[smem:$0x3FB5] =	sst s7  }
0x10: {  	[smem:$0x3FB6] =	sst s8  }
0x11: {  	[smem:$0x3FB7] =	sst s9;
	s0 =	simm.s32 @!p0 $0x0  }
0x12: {  	s1 =	sld [smem:$0x3F9D];
	s0 =	simm.s32 @p0 $0x1  }
0x13: {  	[smem:$0x3FB8] =	sst s0;
	s0 =	simm.s32 @!p1 $0x0  }
0x14: {  	s2 =	sld [smem:$0x3F9C];
	s0 =	simm.s32 @p1 $0x1  }
0x15: {  	[smem:$0x3FB9] =	sst s0;
	s0 =	simm.s32 @!p2 $0x0  }
0x16: {  	s3 =	sld [smem:$0x3FDB];
	s0 =	simm.s32 @p2 $0x1  }
0x17: {  	s4 =	simm.s32 $0x1BF5;
	[smem:$0x3FBB] =	sst s0  }
0x18: {  	s0 =	sld [smem:$0x3F9E];
	_ =	swait.ge [sflag:s4], $0x0  }
0x19: {  	s7 =	sld [smem:$0x3F9F]  }
0x1a: {  	s8 =	sadd.s32 $0xFFFFE003, lr  }
0x1b: {  	s9 =	sadd.s32 $0xFFFFFEF7, lr;
	s5 =	simm.s32 $0xFFFFFFFF;
	p2 =	slt.u32 s8, $0xFFFFF086  }
0x1c: {  	p1 =	slt.u32 s9, $0xF7A;
	s5 =	simm.s32 @!p2 $0x0  }
0x1d: {  	s5 =	simm.s32 @p1 $0x1;
	p0 =	seq.s32 s7, s2  }
0x1e: {  	s7 =	smul.u32 @!p0 $0xF7A, s2;
	p2 =	seq.s32 @!p0 s5, $0x0  }
0x1f: {  	s9 =	smul.u32 $0xF7A, s1;
	s8 =	simm.s32 @!p0 $0x1BF5;
	p2 =	por !p2, p0  }
0x20: {  	[sflag:s8] =	ssyncset.s32 @!p0 $0xFFFFF086;
	s6 =	sadd.s32 @!p0 s3, s7;
	s7 =	simm.s32 @!p0 $0x108  }
0x21: {  	s3 =	sadd.s32 s3, s9;
	s6 =	sadd.s32 @!p0 $0x88, s6;
	s7 =	simm.s32 @p2 $0x1082  }
0x22: {  	[simem:s7], [sflag:s8] =	dma.local @!p0 [hbm:s6], $0xF7A  }
0x23: {  	s9 =	sor.u32 $0xD0000000, s2;
	s6 =	simm.s32 $0x108;
	_ =	swait.ge @!p0 [sflag:s8], $0x0  }
0x24: {  	s3 =	sadd.s32 $0x88, s3;
	s6 =	simm.s32 @!p1 $0x1082;
	[sflag:s4] =	ssyncset.s32 $0xFFFFF086  }
0x25: {  	[simem:s6], [sflag:s4] =	dma.local [hbm:s3], $0xF7A  }
0x26: {  	[smem:$0x3F9F] =	sst s1;
	(tag) =	ssettag s2;
	_ =	strace s9  }
0x27: {  	s1 =	sld [smem:$0x3FAF]  }
0x28: {  	s2 =	sld [smem:$0x3FB0]  }
0x29: {  	s4 =	sld [smem:$0x3FB2]  }
0x2a: {  	p0 =	seq.s32 s5, $0x0;
	s5 =	sld [smem:$0x3FB3]  }
0x2b: {  	s6 =	sld [smem:$0x3FB4]  }
0x2c: {  	s7 =	sld [smem:$0x3FB5]  }
0x2d: {  	s3 =	simm.s32 $0x108;
	s8 =	sld [smem:$0x3FB6]  }
0x2e: {  	s3 =	simm.s32 @!p0 $0x1082;
	s9 =	sld [smem:$0x3FB7]  }
0x2f: {  	lr =	sadd.s32 s0, s3;
	s0 =	sld [smem:$0x3FAE]  }
0x30: {  	s3 =	sld [smem:$0x3FB1]  }
0x31: {  	[smem:$0x3FBA] =	sst s10  }
0x32: {  	s10 =	sld [smem:$0x3FB8];
	_ =	sdelay $0x3  }
0x33: {  	p0 =	seq.s32 s10, $0x1;
	s10 =	sld [smem:$0x3FBA];
	_ =	sdelay $0x3  }
0x34: {  	[smem:$0x3FBA] =	sst s10  }
0x35: {  	s10 =	sld [smem:$0x3FB9];
	_ =	sdelay $0x3  }
0x36: {  	p1 =	seq.s32 s10, $0x1;
	s10 =	sld [smem:$0x3FBA];
	_ =	sdelay $0x3  }
0x37: {  	[smem:$0x3FBA] =	sst s10  }
0x38: {  	s10 =	sld [smem:$0x3FBB]  }
0x39: {  	_ = 	snop;
	(pc) =	sbr.ind lr, $3  }
0x3a: {  	_ = 	snop  }
0x3b: {  	_ = 	snop  }
0x3c: {  	p2 =	seq.s32 s10, $0x1;
	s10 =	sld [smem:$0x3FBA]  }
0x3d: {  	_ =	shalt  }
0x3e: {  	_ =	shalt  }
0x3f: {  	_ =	shalt  }
0x40: {  	_ =	shalt  }
0x41: {  	_ =	shalt  }
0x42: {  	_ =	shalt  }
0x43: {  	_ =	shalt  }
0x44: {  	_ =	shalt  }
0x45: {  	_ =	shalt  }
0x46: {  	_ =	shalt  }
0x47: {  	_ =	shalt  }
0x48: {  	_ =	shalt  }
0x49: {  	_ =	shalt  }
0x4a: {  	_ =	shalt  }
0x4b: {  	_ =	shalt  }
0x4c: {  	_ =	shalt  }
0x4d: {  	_ =	shalt  }
0x4e: {  	_ =	shalt  }
0x4f: {  	_ =	shalt  }
0x50: {  	_ =	shalt  }
0x51: {  	_ =	shalt  }
0x52: {  	_ =	shalt  }
0x53: {  	_ =	shalt  }
0x54: {  	_ =	shalt  }
0x55: {  	_ =	shalt  }
0x56: {  	_ =	shalt  }
0x57: {  	_ =	shalt  }
0x58: {  	_ =	shalt  }
0x59: {  	_ =	shalt  }
0x5a: {  	_ =	shalt  }
0x5b: {  	_ =	shalt  }
0x5c: {  	_ =	shalt  }
0x5d: {  	_ =	shalt  }
0x5e: {  	_ =	shalt  }
0x5f: {  	_ =	shalt  }
0x60: {  	_ =	shalt  }
0x61: {  	_ =	shalt  }
0x62: {  	_ =	shalt  }
0x63: {  	_ =	shalt  }
0x64: {  	_ =	shalt  }
0x65: {  	_ =	shalt  }
0x66: {  	_ =	shalt  }
0x67: {  	_ =	shalt  }
0x68: {  	_ =	shalt  }
0x69: {  	_ =	shalt  }
0x6a: {  	_ =	shalt  }
0x6b: {  	_ =	shalt  }
0x6c: {  	_ =	shalt  }
0x6d: {  	_ =	shalt  }
0x6e: {  	_ =	shalt  }
0x6f: {  	_ =	shalt  }
0x70: {  	_ =	shalt  }
0x71: {  	_ =	shalt  }
0x72: {  	_ =	shalt  }
0x73: {  	_ =	shalt  }
0x74: {  	_ =	shalt  }
0x75: {  	_ =	shalt  }
0x76: {  	_ =	shalt  }
0x77: {  	_ =	shalt  }
0x78: {  	_ =	shalt  }
0x79: {  	_ =	shalt  }
0x7a: {  	_ =	shalt  }
0x7b: {  	_ =	shalt  }
0x7c: {  	_ =	shalt  }
0x7d: {  	_ =	shalt  }
0x7e: {  	_ =	shalt  }
0x7f: {  	_ =	shalt  }
0x80: {  	_ =	shalt  }
0x81: {  	_ =	shalt  }
0x82: {  	_ =	shalt  }
0x83: {  	_ =	shalt  }
0x84: {  	_ =	shalt  }
0x85: {  	_ =	shalt  }
0x86: {  	_ =	shalt  }
0x87: {  	_ =	shalt  }
.Lfunc_end0:
.L_simem_size_0:
called_computation.3_lowered:
.L_overlay_start_0:
0x88: {  	s2 =	sld [smem:$0x3FD9]  }
0x89: {  	s3 =	sld [smem:$0x3FFE];
	_ =	sdelay $0x1  }
0x8a: {  	s1 =	srdreg.scid  }
0x8b: {  	s0 =	sand.u32 $0x1, s1  }
0x8c: {  	s17 =	sshll.u32 s0, $0xA;
	s2 =	sadd.s32 s3, s2  }
0x8d: {  	s2 =	sadd.s32 s2, s17  }
0x8e: {  	[smem:$0x3FC6] =	sst s2  }
0x8f: {  	_ = 	snop  }
0x90: {  	(tm) =	ssettm $0x1  }
0x91: {  	s18 =	sld [smem:$0x3FFB];
	_ =	sdelay $0x3  }
0x92: {  	_ =	strace s18  }
0x93: {  	s2 =	sld [smem:$0x3FFC];
	_ =	sdelay $0x3  }
0x94: {  	_ =	strace s2  }
0x95: {  	s2 =	sld [smem:$0x3FFD];
	_ =	sdelay $0x3  }
0x96: {  	_ =	strace s2  }
0x97: {  	_ =	strace $0x8FFFFFFF  }
0x98: {  	s19 =	sld [smem:$0x3FDB];
	_ =	sdelay $0x1  }
0x99: {  	s20 =	simm.s32 $_scs_section_size  }
0x9a: {  	s4 =	simm.s32 $_size__tile_overlayer_lowered;
	s5 =	simm.s32 $_tile_overlayer_lowered  }
0x9b: {  	s6 =	simm.s32 $0x1BFF;
	s21 =	sshll.u32 s5, $0x1;
	s3 =	sadd.s32 s20, s19  }
0x9c: {  	s22 =	simm.s32 $0x0;
	s4 =	sshll.u32 s4, $0x1;
	s5 =	sadd.s32 s21, s3  }
0x9d: {  	[timem:s22], [sflag:s6] =	dma.local [hbm:s5], s4  }
0x9e: {  	_ =	swait.ge [sflag:s6], s4  }
0x9f: {  	s4 =	ssub.s32 $0x0, s4;
	[sflag:s6] =	ssyncset.done $0x0  }
0xa0: {  	[sflag:s6] =	ssyncadd.s32 s4;
	_ =	sdelay $0x1  }
0xa1: {  	s23 =	simm.s32 $0x1B8B  }
0xa2: {  	_ =	swait.ge [sflag:s23], $0x1  }
0xa3: {  	[sflag:s23] =	ssyncset.done $0x0  }
0xa4: {  	[sflag:s23] =	ssyncadd.s32 $0xFFFFFFFF  }
0xa5: {  	s4 =	sld [smem:$0x0]  }
0xa6: {  	s5 =	sand.u32 $0xFFFFFFFE, s1  }
0xa7: {  	p0 =	sne.s32 s1, s5  }
0xa8: {  	s5 =	sshll.u32 @p0 s5, $0xE  }
0xa9: {  	s5 =	sadd.s32 @p0 $0x11B8D, s5;
	s6 =	sshll.u32 @p0 s4, $0x11  }
0xaa: {  	s5 =	sor.u32 @p0 s6, s5  }
0xab: {  	[sflag:s5] =	ssyncadd.remote.s32 @p0 $0x1;
	_ =	sdelay $0x1  }
0xac: {  	s5 =	simm.s32 @p0 $0x1B8D  }
0xad: {  	_ =	swait.eq @p0 [sflag:s5], $0x1  }
0xae: {  	[sflag:s5] =	ssyncadd.s32 @p0 $0xFFFFFFFF  }
0xaf: {  	s6 =	sshll.u32 @!p0 s1, $0xE  }
0xb0: {  	s6 =	sor.u32 @!p0 $0x4000, s6;
	s5 =	simm.s32 @!p0 $0x1B8D  }
0xb1: {  	s4 =	sshll.u32 @!p0 s4, $0x11;
	s6 =	sadd.s32 @!p0 $0x11B8D, s6;
	_ =	swait.eq @!p0 [sflag:s5], $0x1  }
0xb2: {  	s4 =	sor.u32 @!p0 s4, s6;
	[sflag:s5] =	ssyncadd.s32 @!p0 $0xFFFFFFFF  }
0xb3: {  	s25 =	simm.s32 $0x1B8E;
	s24 =	sld [smem:$0x3FFE];
	[sflag:s4] =	ssyncadd.remote.s32 @!p0 $0x1  }
0xb4: {  	s26 =	simm.s32 $execute0_lowered;
	[smem:$0x3FD2] =	sst s25  }
0xb5: {  	s5 =	sshll.u32 s26, $0x1;
	_ =	strace $0x8000004C;
	[dreg:$0x1] =	wrdreg $0xFFFFFFFF  }
0xb6: {  	s28 =	simm.s32 $_size_execute0_lowered;
	s3 =	sadd.s32 s3, s5;
	[dreg:$0x0] =	wrdreg $0x0  }
0xb7: {  	s5 =	sshll.u32 s28, $0x1;
	[dreg:$0x2] =	wrdreg s3  }
0xb8: {  	[dreg:$0x3] =	wrdreg s5  }
0xb9: {  	[dreg:$0x4] =	wrdreg $0xC0  }
0xba: {  	_ =	task [dreg:s22], $0x5FFFF  }
0xbb: {  	[dreg:$0x1] =	wrdreg $0xFFFFFFFF  }
0xbc: {  	[dreg:$0x0] =	wrdreg $0x60  }
0xbd: {  	[dreg:$0x2] =	wrdreg s24  }
0xbe: {  	[dreg:$0x3] =	wrdreg $0xB  }
0xbf: {  	_ =	task.clear_ibuf [dreg:s22], $0x4FFFF;
	_ =	strace $0x9000004C  }
0xc0: {  	s29 =	simm.s32 $0xB;
	_ =	strace $0x8000004E  }
0xc1: {  	_ =	swait.ge [sflag:s29], $0x1  }
0xc2: {  	[sflag:s29] =	ssyncadd.s32 $0xFFFFFFFF  }
0xc3: {  	_ =	strace $0x9000004E  }
0xc4: {  	_ =	sfence  }
0xc5: {  	s30 =	sld [smem:$0x0];
	_ =	sdelay $0x2  }
0xc6: {  	s31 =	sshll.u32 s1, $0xD;
	s1 =	sshrl.u32 s1, $0x2  }
0xc7: {  	s4 =	sand.u32 $0x4000, s31;
	s1 =	sadd.s32 s1, s30  }
0xc8: {  	s0 =	sor.u32 s4, s0;
	s1 =	sshll.u32 s1, $0x11  }
0xc9: {  	s0 =	sor.u32 s1, s0  }
0xca: {  	s0 =	sadd.s32 $0x8F2B, s0  }
0xcb: {  	[sflag:s0] =	ssyncadd.remote.s32 $0x1  }
0xcc: {  	_ =	sfence.sel $0xFFFF  }
0xcd: {  	[dreg:$0x0] =	wrdreg $0xFFFFFFFF;
	(pc) =	sbr.abs _section_cstart, $3  }
0xce: {  	[dreg:$0x1] =	wrdreg $0xFFFFFFFF  }
0xcf: {  	_ =	task.clear_ibuf [dreg:s22], $0x2FFFF;
	_ =	strace $0x9FFFFFFF  }
0xd0: {  	(tm) =	ssettm $0x7FFFFFFF  }
0xd1: {  	_ =	shalt  }
tec
execute0_lowered:
.L_overlay_start_1:
0x0: {  	(tag) =	ssettag $0x1  }
0x1: {  	s0 =	srdreg.scid  }
0x2: {  	s1 =	stileid.u32;
	s6 =	rddreg [dreg:$0x0];
	s2 =	simm.s32 $0x0  }
0x3: {  	s21 =	simm.s32 $0x4680;
	s25 =	simm.s32 $0x6680;
	s30 =	simm.s32 $0x8680  }
0x4: {  	s15 =	simm.s32 $0xC680;
	s20 =	simm.s32 $0xE680;
	s26 =	simm.s32 $0x10680  }
0x5: {  	s14 =	simm.s32 $0x1;
	s16 =	simm.s32 $0x400;
	s18 =	simm.s32 $0x2000  }
0x6: {  	s22 =	simm.s32 $0x3;
	s23 =	simm.s32 $0x5;
	s24 =	simm.s32 $0x2  }
0x7: {  	s12 =	simm.s32 $0x0;
	s0 =	sand.u32 $0x1, s0;
	s1 =	sshll.u32 s1, $0x1  }
0x8: {  	v0 =	vimm.s32 $0xFEDCBA98;
	[smem:$0x7FF] =	sst s2;
	s4 =	sadd.s32 $0x3200, s6;
	s1 =	sor.u32 s0, s1  }
0x9: {  	v1 =	vimm.s32 $0x76543210;
	s5 =	sadd.s32 $0xCA7400, s6;
	v0 =	vunpack.c.l.s4.s8 v0;
	s0 =	ssub.s32 $0x2, s0;
	s3 =	smul.u32 $0x640, s1  }
0xa: {  	s8 =	sadd.s32 $0x3400, s6;
	s9 =	sadd.s32 $0x3500, s6;
	v1 =	vunpack.c.l.s4.s8 v1;
	s7 =	sshrl.u32 s0, $0x1  }
0xb: {  	v2 =	vlaneseq.u32;
	s10 =	sadd.s32 $0xCA7780, s6;
	v3 =	vunpack.c.0.s8.s32 v0;
	s0 =	ssub.s32 s0, s7;
	s1 =	sshrl.u32 s3, $0x3  }
0xc: {  	vm0 =	vmmov $0xffff;
	vm1 =	vmmov $0xff;
	_ =	strace $0x8000004D;
	v5 =	vunpack.c.0.s8.s32 v1;
	s0 =	smax.u32 s0, $0x1;
	s1 =	sadd.s32 s1, s6  }
0xd: {  	v4 =	vshrl.u32 v2, $0x3;
	v0 =	vand.u32 $0x7, v2;
	s7 =	sadd.s32 $0x3300, s6;
	v3 =	vand.u32 $0xF, v3;
	[dreg:$0x3] =	wrdreg s0;
	s1 =	sadd.s32 $0x664000, s1  }
0xe: {  	v1 =	vmul.u32 $0x8, v4;
	v2 =	vor.u32 $0x8, v2;
	s6 =	simm.s32 $0xA680;
	v3 =	vcombine.low v3, v5;
	[dreg:$0x2] =	wrdreg s1;
	s1 =	simm.s32 $0x12680  }
.LBB2_1:
0xf: {  	[dreg:$0x4] =	wrdreg s12  }
0x10: {  	s0 =	rddreg [dreg:$0x2];
	s17 =	simm.s32 $0x7  }
0x11: {  	[tilespmem:s2], [sflag:$0x7] =	stream.linear.gather [hbm4b:s0+s2], $0x640, $0x38;
	[tilespmem:$0x16E80] =	vst v63  }
0x12: {  	_ =	swait.ge [sflag:s17], $0x640  }
0x13: {  	[sflag:s17] =	ssyncset.done $0x0  }
0x14: {  	[sflag:s17] =	ssyncadd.s32 $0xFFFFF9C0  }
0x15: {  	v4 =	vld [tilespmem:$0x0];
	_ =	sdelay $0x4  }
0x16: {  	v5 =	vshll.u32 v4, $0x3  }
0x17: {  	v4 =	vand.u32 $0x7, v4;
	v5 =	vand.u32 $0xFFFFFFC0, v5  }
0x18: {  	v4 =	vor.u32 v4, v5  }
0x19: {  	v5 =	vperm.xlane v4, v0;
	_ =	sdelay $0x1  }
0x1a: {  	v5 =	vadd.s32 v1, v5;
	_ =	sdelay $0x3  }
0x1b: {  	s19 =	simm.s32 $0x680  }
0x1c: {  	[tilespmem:s19], [sflag:$0x1] =	stream.indirect_vreg.gather [hbm4b:s4+s2], $0x80, v5, vm0, $0xb8;
	[tilespmem:$0x16E80] =	vst v63  }
0x1d: {  	s28 =	simm.s32 $0xE80;
	v4 =	vperm.xlane v4, v2  }
0x1e: {  	[tilespmem:s28], [sflag:$0x1] =	stream.indirect_vreg.gather [hbm4b:s7+s2], $0x80, v5, vm0, $0xb8;
	[tilespmem:$0x16E80] =	vst v63  }
0x1f: {  	s31 =	simm.s32 $0x1680;
	v4 =	vadd.s32 v1, v4  }
0x20: {  	[tilespmem:s31], [sflag:$0x1] =	stream.indirect_vreg.gather [hbm4b:s8+s2], $0x80, v5, vm0, $0xb8;
	[tilespmem:$0x16E80] =	vst v63  }
0x21: {  	s11 =	simm.s32 $0x1E80  }
0x22: {  	[tilespmem:s11], [sflag:$0x1] =	stream.indirect_vreg.gather [hbm4b:s9+s2], $0x80, v5, vm0, $0xb8;
	[tilespmem:$0x16E80] =	vst v63  }
0x23: {  	s12 =	simm.s32 $0x2680  }
0x24: {  	[tilespmem:s12], [sflag:$0x1] =	stream.indirect_vreg.gather [hbm4b:s4+s2], $0x80, v4, vm0, $0xb8;
	[tilespmem:$0x16E80] =	vst v63  }
0x25: {  	s13 =	simm.s32 $0x2E80  }
0x26: {  	[tilespmem:s13], [sflag:$0x1] =	stream.indirect_vreg.gather [hbm4b:s7+s2], $0x80, v4, vm0, $0xb8;
	[tilespmem:$0x16E80] =	vst v63  }
0x27: {  	s17 =	simm.s32 $0x3680  }
0x28: {  	[tilespmem:s17], [sflag:$0x1] =	stream.indirect_vreg.gather [hbm4b:s8+s2], $0x80, v4, vm0, $0xb8;
	[tilespmem:$0x16E80] =	vst v63  }
0x29: {  	s19 =	simm.s32 $0x3E80  }
0x2a: {  	[tilespmem:s19], [sflag:$0x1] =	stream.indirect_vreg.gather [hbm4b:s9+s2], $0x80, v4, vm0, $0xb8;
	[tilespmem:$0x16E80] =	vst v63  }
0x2b: {  	v4 =	vld [tilespmem:$0x10];
	_ =	sdelay $0x4  }
0x2c: {  	v5 =	vshll.u32 v4, $0x3  }
0x2d: {  	v4 =	vand.u32 $0x7, v4;
	v5 =	vand.u32 $0xFFFFFFC0, v5  }
0x2e: {  	v4 =	vor.u32 v4, v5  }
0x2f: {  	v5 =	vperm.xlane v4, v0;
	_ =	sdelay $0x1  }
0x30: {  	v5 =	vadd.s32 v1, v5;
	_ =	sdelay $0x4  }
0x31: {  	[tilespmem:s21], [sflag:$0x1] =	stream.indirect_vreg.gather [hbm4b:s4+s2], $0x80, v5, vm0, $0xb8;
	[tilespmem:$0x16E80] =	vst v63  }
0x32: {  	s28 =	simm.s32 $0x4E80;
	v4 =	vperm.xlane v4, v2  }
0x33: {  	[tilespmem:s28], [sflag:$0x1] =	stream.indirect_vreg.gather [hbm4b:s7+s2], $0x80, v5, vm0, $0xb8;
	[tilespmem:$0x16E80] =	vst v63  }
0x34: {  	s31 =	simm.s32 $0x5680;
	v4 =	vadd.s32 v1, v4  }
0x35: {  	[tilespmem:s31], [sflag:$0x1] =	stream.indirect_vreg.gather [hbm4b:s8+s2], $0x80, v5, vm0, $0xb8;
	[tilespmem:$0x16E80] =	vst v63  }
0x36: {  	s11 =	simm.s32 $0x5E80  }
0x37: {  	[tilespmem:s11], [sflag:$0x1] =	stream.indirect_vreg.gather [hbm4b:s9+s2], $0x80, v5, vm0, $0xb8;
	[tilespmem:$0x16E80] =	vst v63  }
0x38: {  	_ = 	snop  }
0x39: {  	[tilespmem:s25], [sflag:$0x1] =	stream.indirect_vreg.gather [hbm4b:s4+s2], $0x80, v4, vm0, $0xb8;
	[tilespmem:$0x16E80] =	vst v63  }
0x3a: {  	s12 =	simm.s32 $0x6E80  }
0x3b: {  	[tilespmem:s12], [sflag:$0x1] =	stream.indirect_vreg.gather [hbm4b:s7+s2], $0x80, v4, vm0, $0xb8;
	[tilespmem:$0x16E80] =	vst v63  }
0x3c: {  	s13 =	simm.s32 $0x7680  }
0x3d: {  	[tilespmem:s13], [sflag:$0x1] =	stream.indirect_vreg.gather [hbm4b:s8+s2], $0x80, v4, vm0, $0xb8;
	[tilespmem:$0x16E80] =	vst v63  }
0x3e: {  	s17 =	simm.s32 $0x7E80  }
0x3f: {  	[tilespmem:s17], [sflag:$0x1] =	stream.indirect_vreg.gather [hbm4b:s9+s2], $0x80, v4, vm0, $0xb8;
	[tilespmem:$0x16E80] =	vst v63  }
0x40: {  	v4 =	vld.msk [tilespmem:$0x20], $0xff;
	_ =	sdelay $0x4  }
0x41: {  	v5 =	vshll.u32 v4, $0x3  }
0x42: {  	v4 =	vand.u32 $0x7, v4;
	v5 =	vand.u32 $0xFFFFFFC0, v5  }
0x43: {  	v4 =	vor.u32 v4, v5  }
0x44: {  	v4 =	vperm.xlane v4, v0;
	_ =	sdelay $0x1  }
0x45: {  	v4 =	vadd.s32 v1, v4;
	_ =	sdelay $0x4  }
0x46: {  	[tilespmem:s30], [sflag:$0x1] =	stream.indirect_vreg.gather [hbm4b:s4+s2], $0x80, v4, vm0, $0xb8;
	[tilespmem:$0x16E80] =	vst v63  }
0x47: {  	s19 =	simm.s32 $0x8E80  }
0x48: {  	[tilespmem:s19], [sflag:$0x1] =	stream.indirect_vreg.gather [hbm4b:s7+s2], $0x80, v4, vm0, $0xb8;
	[tilespmem:$0x16E80] =	vst v63  }
0x49: {  	s28 =	simm.s32 $0x9680  }
0x4a: {  	[tilespmem:s28], [sflag:$0x1] =	stream.indirect_vreg.gather [hbm4b:s8+s2], $0x80, v4, vm0, $0xb8;
	[tilespmem:$0x16E80] =	vst v63  }
0x4b: {  	s29 =	simm.s32 $0x0;
	s31 =	simm.s32 $0x9E80  }
0x4c: {  	[tilespmem:s31], [sflag:$0x1] =	stream.indirect_vreg.gather [hbm4b:s9+s2], $0x80, v4, vm0, $0xb8;
	[tilespmem:$0x16E80] =	vst v63  }
.LBB2_2:
0x4d: {  	p0 =	seq.s32 s29, $0x0  }
0x4e: {  	s0 =	simm.s32 @!p0 $0x4  }
0x4f: {  	_ =	swait.ge @!p0 [sflag:s0], $0x8C00  }
0x50: {  	s11 =	sshll.u32 s29, $0x1;
	[sflag:s0] =	ssyncset.done @!p0 $0x0  }
0x51: {  	s31 =	sor.u32 $0x1, s11;
	[sflag:s0] =	ssyncadd.s32 @!p0 $0xFFFF7400;
	s0 =	simm.s32 @!p0 $0x6  }
0x52: {  	s11 =	smul.u32 $0xA0, s31;
	_ =	swait.ge @!p0 [sflag:s0], $0x1400  }
0x53: {  	[sflag:s0] =	ssyncset.done @!p0 $0x0  }
0x54: {  	s11 =	sshra.s32 s11, $0x2;
	[sflag:s0] =	ssyncadd.s32 @!p0 $0xFFFFEC00  }
0x55: {  	v4 =	vld [tilespmem:s11+$0x0];
	_ =	sdelay $0x4  }
0x56: {  	v5 =	vshll.u32 v4, $0x3  }
0x57: {  	v4 =	vand.u32 $0x7, v4;
	v5 =	vand.u32 $0xFFFFFFC0, v5  }
0x58: {  	v4 =	vor.u32 v4, v5  }
0x59: {  	v5 =	vperm.xlane v4, v0;
	_ =	sdelay $0x1  }
0x5a: {  	v5 =	vadd.s32 v1, v5;
	_ =	sdelay $0x3  }
0x5b: {  	s0 =	simm.s32 $0x0  }
0x5c: {  	[tilespmem:s6], [sflag:$0x2] =	stream.indirect_vreg.gather [hbm4b:s4+s0], $0x80, v5, vm0, $0xb8;
	[tilespmem:$0x16E80] =	vst v63  }
0x5d: {  	s12 =	simm.s32 $0xAE80;
	v4 =	vperm.xlane v4, v2  }
0x5e: {  	[tilespmem:s12], [sflag:$0x2] =	stream.indirect_vreg.gather [hbm4b:s7+s0], $0x80, v5, vm0, $0xb8;
	[tilespmem:$0x16E80] =	vst v63  }
0x5f: {  	s13 =	simm.s32 $0xB680;
	v4 =	vadd.s32 v1, v4  }
0x60: {  	[tilespmem:s13], [sflag:$0x2] =	stream.indirect_vreg.gather [hbm4b:s8+s0], $0x80, v5, vm0, $0xb8;
	[tilespmem:$0x16E80] =	vst v63  }
0x61: {  	s17 =	simm.s32 $0xBE80  }
0x62: {  	[tilespmem:s17], [sflag:$0x2] =	stream.indirect_vreg.gather [hbm4b:s9+s0], $0x80, v5, vm0, $0xb8;
	[tilespmem:$0x16E80] =	vst v63  }
0x63: {  	_ = 	snop  }
0x64: {  	[tilespmem:s15], [sflag:$0x2] =	stream.indirect_vreg.gather [hbm4b:s4+s0], $0x80, v4, vm0, $0xb8;
	[tilespmem:$0x16E80] =	vst v63  }
0x65: {  	s19 =	simm.s32 $0xCE80  }
0x66: {  	[tilespmem:s19], [sflag:$0x2] =	stream.indirect_vreg.gather [hbm4b:s7+s0], $0x80, v4, vm0, $0xb8;
	[tilespmem:$0x16E80] =	vst v63  }
0x67: {  	s13 =	simm.s32 $0xD680  }
0x68: {  	[tilespmem:s13], [sflag:$0x2] =	stream.indirect_vreg.gather [hbm4b:s8+s0], $0x80, v4, vm0, $0xb8;
	[tilespmem:$0x16E80] =	vst v63  }
0x69: {  	s17 =	simm.s32 $0xDE80  }
0x6a: {  	[tilespmem:s17], [sflag:$0x2] =	stream.indirect_vreg.gather [hbm4b:s9+s0], $0x80, v4, vm0, $0xb8;
	[tilespmem:$0x16E80] =	vst v63  }
0x6b: {  	v4 =	vld [tilespmem:s11+$0x10];
	_ =	sdelay $0x4  }
0x6c: {  	v5 =	vshll.u32 v4, $0x3  }
0x6d: {  	v4 =	vand.u32 $0x7, v4;
	v5 =	vand.u32 $0xFFFFFFC0, v5  }
0x6e: {  	v4 =	vor.u32 v4, v5  }
0x6f: {  	v5 =	vperm.xlane v4, v0;
	_ =	sdelay $0x1  }
0x70: {  	v5 =	vadd.s32 v1, v5;
	_ =	sdelay $0x4  }
0x71: {  	[tilespmem:s20], [sflag:$0x2] =	stream.indirect_vreg.gather [hbm4b:s4+s0], $0x80, v5, vm0, $0xb8;
	[tilespmem:$0x16E80] =	vst v63  }
0x72: {  	s19 =	simm.s32 $0xEE80;
	v4 =	vperm.xlane v4, v2  }
0x73: {  	[tilespmem:s19], [sflag:$0x2] =	stream.indirect_vreg.gather [hbm4b:s7+s0], $0x80, v5, vm0, $0xb8;
	[tilespmem:$0x16E80] =	vst v63  }
0x74: {  	s13 =	simm.s32 $0xF680;
	v4 =	vadd.s32 v1, v4  }
0x75: {  	[tilespmem:s13], [sflag:$0x2] =	stream.indirect_vreg.gather [hbm4b:s8+s0], $0x80, v5, vm0, $0xb8;
	[tilespmem:$0x16E80] =	vst v63  }
0x76: {  	s17 =	simm.s32 $0xFE80  }
0x77: {  	[tilespmem:s17], [sflag:$0x2] =	stream.indirect_vreg.gather [hbm4b:s9+s0], $0x80, v5, vm0, $0xb8;
	[tilespmem:$0x16E80] =	vst v63  }
0x78: {  	_ = 	snop  }
0x79: {  	[tilespmem:s26], [sflag:$0x2] =	stream.indirect_vreg.gather [hbm4b:s4+s0], $0x80, v4, vm0, $0xb8;
	[tilespmem:$0x16E80] =	vst v63  }
0x7a: {  	s19 =	simm.s32 $0x10E80  }
0x7b: {  	[tilespmem:s19], [sflag:$0x2] =	stream.indirect_vreg.gather [hbm4b:s7+s0], $0x80, v4, vm0, $0xb8;
	[tilespmem:$0x16E80] =	vst v63  }
0x7c: {  	s13 =	simm.s32 $0x11680  }
0x7d: {  	[tilespmem:s13], [sflag:$0x2] =	stream.indirect_vreg.gather [hbm4b:s8+s0], $0x80, v4, vm0, $0xb8;
	[tilespmem:$0x16E80] =	vst v63  }
0x7e: {  	s17 =	simm.s32 $0x11E80  }
0x7f: {  	[tilespmem:s17], [sflag:$0x2] =	stream.indirect_vreg.gather [hbm4b:s9+s0], $0x80, v4, vm0, $0xb8;
	[tilespmem:$0x16E80] =	vst v63  }
0x80: {  	v4 =	vld.msk [tilespmem:s11+$0x20], $0xff;
	_ =	sdelay $0x4  }
0x81: {  	v5 =	vshll.u32 v4, $0x3  }
0x82: {  	v4 =	vand.u32 $0x7, v4;
	v5 =	vand.u32 $0xFFFFFFC0, v5  }
0x83: {  	v4 =	vor.u32 v4, v5  }
0x84: {  	v4 =	vperm.xlane v4, v0  }
0x85: {  	s19 =	smul.u32 $0x50, s29  }
0x86: {  	v4 =	vadd.s32 v1, v4  }
0x87: {  	s11 =	sadd.s32 s3, s19  }
0x88: {  	s17 =	smulhi.u32 $0x51EB851F, s11;
	_ =	sdelay $0x1  }
0x89: {  	s12 =	sshrl.u32 s17, $0x6  }
0x8a: {  	[tilespmem:s1], [sflag:$0x2] =	stream.indirect_vreg.gather [hbm4b:s4+s0], $0x80, v4, vm0, $0xb8;
	[tilespmem:$0x16E80] =	vst v63  }
0x8b: {  	s13 =	simm.s32 $0x12E80;
	s19 =	smul.u32 $0xC8, s12  }
0x8c: {  	[tilespmem:s13], [sflag:$0x2] =	stream.indirect_vreg.gather [hbm4b:s7+s0], $0x80, v4, vm0, $0xb8;
	[tilespmem:$0x16E80] =	vst v63  }
0x8d: {  	s11 =	ssub.s32 s11, s19;
	s13 =	simm.s32 $0x13680  }
0x8e: {  	[tilespmem:s13], [sflag:$0x2] =	stream.indirect_vreg.gather [hbm4b:s8+s0], $0x80, v4, vm0, $0xb8;
	[tilespmem:$0x16E80] =	vst v63  }
0x8f: {  	s17 =	simm.s32 $0x13E80;
	s12 =	smul.u32 $0x32000, s12;
	s11 =	sshll.u32 s11, $0xA  }
0x90: {  	[tilespmem:s17], [sflag:$0x2] =	stream.indirect_vreg.gather [hbm4b:s9+s0], $0x80, v4, vm0, $0xb8;
	[tilespmem:$0x16E80] =	vst v63  }
0x91: {  	s11 =	sadd.s32 s11, s12;
	_ =	swait.ge [sflag:s14], $0xA000  }
0x92: {  	s11 =	sshrl.u32 s11, $0x3;
	[sflag:s14] =	ssyncset.done $0x0  }
0x93: {  	s19 =	simm.s32 $0x680;
	s12 =	sadd.s32 s5, s11;
	[sflag:s14] =	ssyncadd.s32 $0xFFFF6000  }
0x94: {  	[hbm4b:s12+s0] =	stream.linear.scatter [tilespmem:s19], [sflag:$0x3], $0x1C00, $0x38;
	[tilespmem:$0x16E80] =	vst v63  }
0x95: {  	s17 =	sadd.s32 $0x400, s12;
	s19 =	simm.s32 $0x2680  }
0x96: {  	[hbm4b:s17+s0] =	stream.linear.scatter [tilespmem:s19], [sflag:$0x3], $0x1C00, $0x38;
	[tilespmem:$0x16E80] =	vst v63  }
0x97: {  	s17 =	sadd.s32 $0x800, s12  }
0x98: {  	[hbm4b:s17+s0] =	stream.linear.scatter [tilespmem:s21], [sflag:$0x3], $0x1C00, $0x38;
	[tilespmem:$0x16E80] =	vst v63  }
0x99: {  	s19 =	sadd.s32 $0xC00, s12  }
0x9a: {  	[hbm4b:s19+s0] =	stream.linear.scatter [tilespmem:s25], [sflag:$0x3], $0x1C00, $0x38;
	[tilespmem:$0x16E80] =	vst v63  }
0x9b: {  	s13 =	sand.u32 $0x7, s0;
	s12 =	sadd.s32 $0x1000, s12  }
0x9c: {  	[hbm4b:s12+s0] =	stream.linear.scatter [tilespmem:s30], [sflag:$0x3], $0x1C00, $0x38;
	[tilespmem:$0x16E80] =	vst v63  }
0x9d: {  	s12 =	sshll.u32 s13, $0x7  }
0x9e: {  	s13 =	sadd.s32 $0x0, s12  }
0x9f: {  	s12 =	sor.u32 $0x1C00, s13  }
0xa0: {  	v4 =	vld [tilespmem:s12+$0x680];
	_ =	sdelay $0x3  }
0xa1: {  	s12 =	simm.s32 $0x146B0  }
0xa2: {  	s19 =	sor.u32 $0x1C10, s13;
	[tilespmem:s12+$0xFFFFFFD0] =	vst v4  }
0xa3: {  	v4 =	vld [tilespmem:s19+$0x680];
	_ =	sdelay $0x4  }
0xa4: {  	s17 =	sor.u32 $0x1C20, s13;
	[tilespmem:s12+$0xFFFFFFE0] =	vst v4  }
0xa5: {  	v4 =	vld [tilespmem:s17+$0x680];
	_ =	sdelay $0x4  }
0xa6: {  	s17 =	sor.u32 $0x1C30, s13;
	[tilespmem:s12+$0xFFFFFFF0] =	vst v4  }
0xa7: {  	v4 =	vld [tilespmem:s17+$0x680];
	_ =	sdelay $0x4  }
0xa8: {  	s17 =	sor.u32 $0x1C40, s13;
	[tilespmem:s12+$0x0] =	vst v4  }
0xa9: {  	v4 =	vld [tilespmem:s17+$0x680];
	_ =	sdelay $0x4  }
0xaa: {  	s17 =	sor.u32 $0x1C50, s13;
	[tilespmem:s12+$0x10] =	vst v4  }
0xab: {  	v4 =	vld [tilespmem:s17+$0x680];
	_ =	sdelay $0x4  }
0xac: {  	s13 =	sor.u32 $0x1C60, s13;
	[tilespmem:s12+$0x20] =	vst v4  }
0xad: {  	v5 =	vld.msk [tilespmem:s13+$0x680], $0xff;
	_ =	sdelay $0x3  }
0xae: {  	s19 =	simm.s32 $0x1  }
0xaf: {  	s28 =	simm.s32 $0x100;
	v4 =	vperm.xlane v4, v3;
	s13 =	sand.u32 $0x7, s19;
	v5 =	vperm.xlane v5, v3  }
.LBB2_3:
0xb0: {  	p0 =	sne.s32 s28, $0x1380;
	s13 =	sshll.u32 s13, $0x7;
	s0 =	sadd.s32 $0x400, s0  }
0xb1: {  	s13 =	sadd.s32 s13, s0;
	v4 =	vsel vm1, v4, v5  }
0xb2: {  	s17 =	sor.u32 $0x1C00, s13;
	[tilespmem:s12+$0x28] =	vst v4  }
0xb3: {  	v4 =	vld [tilespmem:s17+$0x680];
	_ =	sdelay $0x3  }
0xb4: {  	s12 =	sadd.s32 $0x80, s12  }
0xb5: {  	s17 =	sor.u32 $0x1C10, s13;
	[tilespmem:s12+$0xFFFFFFD0] =	vst v4  }
0xb6: {  	v4 =	vld [tilespmem:s17+$0x680];
	_ =	sdelay $0x4  }
0xb7: {  	s17 =	sor.u32 $0x1C20, s13;
	[tilespmem:s12+$0xFFFFFFE0] =	vst v4  }
0xb8: {  	v4 =	vld [tilespmem:s17+$0x680];
	_ =	sdelay $0x4  }
0xb9: {  	s17 =	sor.u32 $0x1C30, s13;
	[tilespmem:s12+$0xFFFFFFF0] =	vst v4  }
0xba: {  	v4 =	vld [tilespmem:s17+$0x680];
	_ =	sdelay $0x4  }
0xbb: {  	s17 =	sor.u32 $0x1C40, s13;
	[tilespmem:s12+$0x0] =	vst v4  }
0xbc: {  	v4 =	vld [tilespmem:s17+$0x680];
	_ =	sdelay $0x4  }
0xbd: {  	s17 =	sor.u32 $0x1C50, s13;
	[tilespmem:s12+$0x10] =	vst v4  }
0xbe: {  	v4 =	vld [tilespmem:s17+$0x680];
	_ =	sdelay $0x4  }
0xbf: {  	s13 =	sor.u32 $0x1C60, s13;
	[tilespmem:s12+$0x20] =	vst v4;
	v4 =	vperm.xlane v4, v3  }
0xc0: {  	v5 =	vld.msk [tilespmem:s13+$0x680], $0xff  }
.Ltmp0:
0xc1: {  	(pc) =	sbr.rel @p0 .LBB2_3-.Ltmp0, $3  }
0xc2: {  	_ =	sdelay $0x1  }
0xc3: {  	s19 =	sadd.s32 $0x1, s19  }
0xc4: {  	s28 =	sadd.s32 $0x80, s28;
	s13 =	sand.u32 $0x7, s19;
	v5 =	vperm.xlane v5, v3  }
0xc5: {  	s13 =	sshll.u32 s13, $0x7;
	s0 =	sadd.s32 $0x400, s0  }
0xc6: {  	s0 =	sadd.s32 s13, s0;
	v4 =	vsel vm1, v4, v5  }
0xc7: {  	s13 =	sor.u32 $0x1C00, s0;
	[tilespmem:s12+$0x28] =	vst v4  }
0xc8: {  	v4 =	vld [tilespmem:s13+$0x680];
	_ =	sdelay $0x3  }
0xc9: {  	s12 =	sadd.s32 $0x80, s12  }
0xca: {  	s28 =	sor.u32 $0x1C10, s0;
	[tilespmem:s12+$0xFFFFFFD0] =	vst v4  }
0xcb: {  	v4 =	vld [tilespmem:s28+$0x680];
	_ =	sdelay $0x4  }
0xcc: {  	s17 =	sor.u32 $0x1C20, s0;
	[tilespmem:s12+$0xFFFFFFE0] =	vst v4  }
0xcd: {  	v4 =	vld [tilespmem:s17+$0x680];
	_ =	sdelay $0x4  }
0xce: {  	s19 =	sor.u32 $0x1C30, s0;
	[tilespmem:s12+$0xFFFFFFF0] =	vst v4  }
0xcf: {  	v4 =	vld [tilespmem:s19+$0x680];
	_ =	sdelay $0x4  }
0xd0: {  	s28 =	sor.u32 $0x1C40, s0;
	[tilespmem:s12+$0x0] =	vst v4  }
0xd1: {  	v4 =	vld [tilespmem:s28+$0x680];
	_ =	sdelay $0x4  }
0xd2: {  	s17 =	sor.u32 $0x1C50, s0;
	[tilespmem:s12+$0x10] =	vst v4  }
0xd3: {  	v4 =	vld [tilespmem:s17+$0x680];
	_ =	sdelay $0x4  }
0xd4: {  	s0 =	sor.u32 $0x1C60, s0;
	[tilespmem:s12+$0x20] =	vst v4  }
0xd5: {  	v5 =	vld.msk [tilespmem:s0+$0x680], $0xff;
	_ =	sdelay $0x4  }
0xd6: {  	v4 =	vperm.xlane v4, v3;
	v5 =	vperm.xlane v5, v3;
	_ =	sdelay $0x1  }
0xd7: {  	v4 =	vsel vm1, v4, v5  }
0xd8: {  	s19 =	sadd.s32 s11, s10;
	s28 =	simm.s32 $0x14680;
	[tilespmem:s12+$0x28] =	vst v4  }
0xd9: {  	[hbm4b:s19+s16] =	stream.strided.scatter [tilespmem:s28], [sflag:$0x5], $0x1400, s18, s16, $0x38;
	[tilespmem:$0x16E80] =	vst v63  }
0xda: {  	p0 =	seq.s32 s29, $0x13;
	_ =	swait.ge [sflag:s22], $0x8C00  }
.Ltmp1:
0xdb: {  	[sflag:s22] =	ssyncset.done $0x0;
	(pc) =	sbr.rel @p0 .LBB2_6-.Ltmp1, $4  }
0xdc: {  	[sflag:s22] =	ssyncadd.s32 $0xFFFF7400  }
0xdd: {  	_ =	swait.ge [sflag:s23], $0x1400  }
0xde: {  	[sflag:s23] =	ssyncset.done $0x0  }
0xdf: {  	[sflag:s23] =	ssyncadd.s32 $0xFFFFEC00  }
0xe0: {  	s0 =	smul.u32 $0x140, s29;
	_ =	sdelay $0x1  }
0xe1: {  	s0 =	sshra.s32 s0, $0x2  }
0xe2: {  	v4 =	vld [tilespmem:s0+$0x50];
	_ =	sdelay $0x4  }
0xe3: {  	v5 =	vshll.u32 v4, $0x3  }
0xe4: {  	v4 =	vand.u32 $0x7, v4;
	v5 =	vand.u32 $0xFFFFFFC0, v5  }
0xe5: {  	v4 =	vor.u32 v4, v5  }
0xe6: {  	v5 =	vperm.xlane v4, v0;
	_ =	sdelay $0x1  }
0xe7: {  	v5 =	vadd.s32 v1, v5;
	_ =	sdelay $0x3  }
0xe8: {  	s11 =	simm.s32 $0x680  }
0xe9: {  	[tilespmem:s11], [sflag:$0x1] =	stream.indirect_vreg.gather [hbm4b:s4+s2], $0x80, v5, vm0, $0xb8;
	[tilespmem:$0x16E80] =	vst v63  }
0xea: {  	s28 =	simm.s32 $0xE80;
	v4 =	vperm.xlane v4, v2  }
0xeb: {  	[tilespmem:s28], [sflag:$0x1] =	stream.indirect_vreg.gather [hbm4b:s7+s2], $0x80, v5, vm0, $0xb8;
	[tilespmem:$0x16E80] =	vst v63  }
0xec: {  	s12 =	simm.s32 $0x1680;
	v4 =	vadd.s32 v1, v4  }
0xed: {  	[tilespmem:s12], [sflag:$0x1] =	stream.indirect_vreg.gather [hbm4b:s8+s2], $0x80, v5, vm0, $0xb8;
	[tilespmem:$0x16E80] =	vst v63  }
0xee: {  	s13 =	simm.s32 $0x1E80  }
0xef: {  	[tilespmem:s13], [sflag:$0x1] =	stream.indirect_vreg.gather [hbm4b:s9+s2], $0x80, v5, vm0, $0xb8;
	[tilespmem:$0x16E80] =	vst v63  }
0xf0: {  	s17 =	simm.s32 $0x2680  }
0xf1: {  	[tilespmem:s17], [sflag:$0x1] =	stream.indirect_vreg.gather [hbm4b:s4+s2], $0x80, v4, vm0, $0xb8;
	[tilespmem:$0x16E80] =	vst v63  }
0xf2: {  	s19 =	simm.s32 $0x2E80  }
0xf3: {  	[tilespmem:s19], [sflag:$0x1] =	stream.indirect_vreg.gather [hbm4b:s7+s2], $0x80, v4, vm0, $0xb8;
	[tilespmem:$0x16E80] =	vst v63  }
0xf4: {  	s28 =	simm.s32 $0x3680  }
0xf5: {  	[tilespmem:s28], [sflag:$0x1] =	stream.indirect_vreg.gather [hbm4b:s8+s2], $0x80, v4, vm0, $0xb8;
	[tilespmem:$0x16E80] =	vst v63  }
0xf6: {  	s12 =	simm.s32 $0x3E80  }
0xf7: {  	[tilespmem:s12], [sflag:$0x1] =	stream.indirect_vreg.gather [hbm4b:s9+s2], $0x80, v4, vm0, $0xb8;
	[tilespmem:$0x16E80] =	vst v63  }
0xf8: {  	v4 =	vld [tilespmem:s0+$0x60];
	_ =	sdelay $0x4  }
0xf9: {  	v5 =	vshll.u32 v4, $0x3  }
0xfa: {  	v4 =	vand.u32 $0x7, v4;
	v5 =	vand.u32 $0xFFFFFFC0, v5  }
0xfb: {  	v4 =	vor.u32 v4, v5  }
0xfc: {  	v5 =	vperm.xlane v4, v0;
	_ =	sdelay $0x1  }
0xfd: {  	v5 =	vadd.s32 v1, v5;
	_ =	sdelay $0x4  }
0xfe: {  	[tilespmem:s21], [sflag:$0x1] =	stream.indirect_vreg.gather [hbm4b:s4+s2], $0x80, v5, vm0, $0xb8;
	[tilespmem:$0x16E80] =	vst v63  }
0xff: {  	s13 =	simm.s32 $0x4E80;
	v4 =	vperm.xlane v4, v2  }
0x100: {  	[tilespmem:s13], [sflag:$0x1] =	stream.indirect_vreg.gather [hbm4b:s7+s2], $0x80, v5, vm0, $0xb8;
	[tilespmem:$0x16E80] =	vst v63  }
0x101: {  	s17 =	simm.s32 $0x5680;
	v4 =	vadd.s32 v1, v4  }
0x102: {  	[tilespmem:s17], [sflag:$0x1] =	stream.indirect_vreg.gather [hbm4b:s8+s2], $0x80, v5, vm0, $0xb8;
	[tilespmem:$0x16E80] =	vst v63  }
0x103: {  	s19 =	simm.s32 $0x5E80  }
0x104: {  	[tilespmem:s19], [sflag:$0x1] =	stream.indirect_vreg.gather [hbm4b:s9+s2], $0x80, v5, vm0, $0xb8;
	[tilespmem:$0x16E80] =	vst v63  }
0x105: {  	_ = 	snop  }
0x106: {  	[tilespmem:s25], [sflag:$0x1] =	stream.indirect_vreg.gather [hbm4b:s4+s2], $0x80, v4, vm0, $0xb8;
	[tilespmem:$0x16E80] =	vst v63  }
0x107: {  	s28 =	simm.s32 $0x6E80  }
0x108: {  	[tilespmem:s28], [sflag:$0x1] =	stream.indirect_vreg.gather [hbm4b:s7+s2], $0x80, v4, vm0, $0xb8;
	[tilespmem:$0x16E80] =	vst v63  }
0x109: {  	s12 =	simm.s32 $0x7680  }
0x10a: {  	[tilespmem:s12], [sflag:$0x1] =	stream.indirect_vreg.gather [hbm4b:s8+s2], $0x80, v4, vm0, $0xb8;
	[tilespmem:$0x16E80] =	vst v63  }
0x10b: {  	s13 =	simm.s32 $0x7E80  }
0x10c: {  	[tilespmem:s13], [sflag:$0x1] =	stream.indirect_vreg.gather [hbm4b:s9+s2], $0x80, v4, vm0, $0xb8;
	[tilespmem:$0x16E80] =	vst v63  }
0x10d: {  	v4 =	vld.msk [tilespmem:s0+$0x70], $0xff;
	_ =	sdelay $0x4  }
0x10e: {  	v5 =	vshll.u32 v4, $0x3  }
0x10f: {  	v4 =	vand.u32 $0x7, v4;
	v5 =	vand.u32 $0xFFFFFFC0, v5  }
0x110: {  	v4 =	vor.u32 v4, v5  }
0x111: {  	v4 =	vperm.xlane v4, v0;
	_ =	sdelay $0x1  }
0x112: {  	v4 =	vadd.s32 v1, v4;
	_ =	sdelay $0x4  }
0x113: {  	[tilespmem:s30], [sflag:$0x1] =	stream.indirect_vreg.gather [hbm4b:s4+s2], $0x80, v4, vm0, $0xb8;
	[tilespmem:$0x16E80] =	vst v63  }
0x114: {  	s17 =	simm.s32 $0x8E80  }
0x115: {  	[tilespmem:s17], [sflag:$0x1] =	stream.indirect_vreg.gather [hbm4b:s7+s2], $0x80, v4, vm0, $0xb8;
	[tilespmem:$0x16E80] =	vst v63  }
0x116: {  	s19 =	simm.s32 $0x9680  }
0x117: {  	[tilespmem:s19], [sflag:$0x1] =	stream.indirect_vreg.gather [hbm4b:s8+s2], $0x80, v4, vm0, $0xb8;
	[tilespmem:$0x16E80] =	vst v63  }
0x118: {  	s28 =	simm.s32 $0x9E80  }
0x119: {  	[tilespmem:s28], [sflag:$0x1] =	stream.indirect_vreg.gather [hbm4b:s9+s2], $0x80, v4, vm0, $0xb8;
	[tilespmem:$0x16E80] =	vst v63  }
.LBB2_6:
0x11a: {  	s0 =	smul.u32 $0x28, s31;
	_ =	sdelay $0x1  }
0x11b: {  	s0 =	sadd.s32 s3, s0  }
0x11c: {  	s11 =	smulhi.u32 $0x51EB851F, s0;
	_ =	sdelay $0x1  }
0x11d: {  	s11 =	sshrl.u32 s11, $0x6  }
0x11e: {  	s12 =	smul.u32 $0xC8, s11;
	_ =	sdelay $0x1  }
0x11f: {  	s11 =	smul.u32 $0x32000, s11;
	s0 =	ssub.s32 s0, s12  }
0x120: {  	s0 =	sshll.u32 s0, $0xA  }
0x121: {  	_ =	swait.ge [sflag:s24], $0xA000;
	s0 =	sadd.s32 s0, s11  }
0x122: {  	[sflag:s24] =	ssyncset.done $0x0;
	s0 =	sshrl.u32 s0, $0x3  }
0x123: {  	[sflag:s24] =	ssyncadd.s32 $0xFFFF6000;
	s11 =	simm.s32 $0x0;
	s17 =	sadd.s32 s5, s0  }
0x124: {  	[hbm4b:s17+s11] =	stream.linear.scatter [tilespmem:s6], [sflag:$0x4], $0x1C00, $0x38;
	[tilespmem:$0x16E80] =	vst v63  }
0x125: {  	s13 =	sadd.s32 $0x400, s17  }
0x126: {  	[hbm4b:s13+s11] =	stream.linear.scatter [tilespmem:s15], [sflag:$0x4], $0x1C00, $0x38;
	[tilespmem:$0x16E80] =	vst v63  }
0x127: {  	s19 =	sadd.s32 $0x800, s17  }
0x128: {  	[hbm4b:s19+s11] =	stream.linear.scatter [tilespmem:s20], [sflag:$0x4], $0x1C00, $0x38;
	[tilespmem:$0x16E80] =	vst v63  }
0x129: {  	s31 =	sadd.s32 $0xC00, s17  }
0x12a: {  	[hbm4b:s31+s11] =	stream.linear.scatter [tilespmem:s26], [sflag:$0x4], $0x1C00, $0x38;
	[tilespmem:$0x16E80] =	vst v63  }
0x12b: {  	s12 =	sadd.s32 $0x1000, s17;
	s17 =	sand.u32 $0x7, s11  }
0x12c: {  	[hbm4b:s12+s11] =	stream.linear.scatter [tilespmem:s1], [sflag:$0x4], $0x1C00, $0x38;
	[tilespmem:$0x16E80] =	vst v63  }
0x12d: {  	s12 =	sshll.u32 s17, $0x7  }
0x12e: {  	s13 =	sadd.s32 $0x0, s12  }
0x12f: {  	s12 =	sor.u32 $0x1C00, s13  }
0x130: {  	v4 =	vld [tilespmem:s12+$0xA680];
	_ =	sdelay $0x3  }
0x131: {  	s12 =	simm.s32 $0x15AB0  }
0x132: {  	s17 =	sor.u32 $0x1C10, s13;
	[tilespmem:s12+$0xFFFFFFD0] =	vst v4  }
0x133: {  	v4 =	vld [tilespmem:s17+$0xA680];
	_ =	sdelay $0x4  }
0x134: {  	s19 =	sor.u32 $0x1C20, s13;
	[tilespmem:s12+$0xFFFFFFE0] =	vst v4  }
0x135: {  	v4 =	vld [tilespmem:s19+$0xA680];
	_ =	sdelay $0x4  }
0x136: {  	s31 =	sor.u32 $0x1C30, s13;
	[tilespmem:s12+$0xFFFFFFF0] =	vst v4  }
0x137: {  	v4 =	vld [tilespmem:s31+$0xA680];
	_ =	sdelay $0x4  }
0x138: {  	s19 =	sor.u32 $0x1C40, s13;
	[tilespmem:s12+$0x0] =	vst v4  }
0x139: {  	v4 =	vld [tilespmem:s19+$0xA680];
	_ =	sdelay $0x4  }
0x13a: {  	s31 =	sor.u32 $0x1C50, s13;
	[tilespmem:s12+$0x10] =	vst v4  }
0x13b: {  	v4 =	vld [tilespmem:s31+$0xA680];
	_ =	sdelay $0x4  }
0x13c: {  	s13 =	sor.u32 $0x1C60, s13;
	[tilespmem:s12+$0x20] =	vst v4  }
0x13d: {  	v5 =	vld.msk [tilespmem:s13+$0xA680], $0xff;
	_ =	sdelay $0x3  }
0x13e: {  	s19 =	simm.s32 $0x1  }
0x13f: {  	s28 =	simm.s32 $0x100;
	v4 =	vperm.xlane v4, v3;
	s13 =	sand.u32 $0x7, s19;
	v5 =	vperm.xlane v5, v3  }
.LBB2_7:
0x140: {  	p0 =	sne.s32 s28, $0x1380;
	s13 =	sshll.u32 s13, $0x7;
	s11 =	sadd.s32 $0x400, s11  }
0x141: {  	s13 =	sadd.s32 s13, s11;
	v4 =	vsel vm1, v4, v5  }
0x142: {  	s17 =	sor.u32 $0x1C00, s13;
	[tilespmem:s12+$0x28] =	vst v4  }
0x143: {  	v4 =	vld [tilespmem:s17+$0xA680];
	_ =	sdelay $0x3  }
0x144: {  	s12 =	sadd.s32 $0x80, s12  }
0x145: {  	s17 =	sor.u32 $0x1C10, s13;
	[tilespmem:s12+$0xFFFFFFD0] =	vst v4  }
0x146: {  	v4 =	vld [tilespmem:s17+$0xA680];
	_ =	sdelay $0x4  }
0x147: {  	s17 =	sor.u32 $0x1C20, s13;
	[tilespmem:s12+$0xFFFFFFE0] =	vst v4  }
0x148: {  	v4 =	vld [tilespmem:s17+$0xA680];
	_ =	sdelay $0x4  }
0x149: {  	s17 =	sor.u32 $0x1C30, s13;
	[tilespmem:s12+$0xFFFFFFF0] =	vst v4  }
0x14a: {  	v4 =	vld [tilespmem:s17+$0xA680];
	_ =	sdelay $0x4  }
0x14b: {  	s17 =	sor.u32 $0x1C40, s13;
	[tilespmem:s12+$0x0] =	vst v4  }
0x14c: {  	v4 =	vld [tilespmem:s17+$0xA680];
	_ =	sdelay $0x4  }
0x14d: {  	s17 =	sor.u32 $0x1C50, s13;
	[tilespmem:s12+$0x10] =	vst v4  }
0x14e: {  	v4 =	vld [tilespmem:s17+$0xA680];
	_ =	sdelay $0x4  }
0x14f: {  	s13 =	sor.u32 $0x1C60, s13;
	[tilespmem:s12+$0x20] =	vst v4;
	v4 =	vperm.xlane v4, v3  }
0x150: {  	v5 =	vld.msk [tilespmem:s13+$0xA680], $0xff  }
.Ltmp2:
0x151: {  	(pc) =	sbr.rel @p0 .LBB2_7-.Ltmp2, $3  }
0x152: {  	_ =	sdelay $0x1  }
0x153: {  	s19 =	sadd.s32 $0x1, s19  }
0x154: {  	s28 =	sadd.s32 $0x80, s28;
	s13 =	sand.u32 $0x7, s19;
	v5 =	vperm.xlane v5, v3  }
0x155: {  	s13 =	sshll.u32 s13, $0x7;
	s11 =	sadd.s32 $0x400, s11  }
0x156: {  	s11 =	sadd.s32 s13, s11;
	v4 =	vsel vm1, v4, v5  }
0x157: {  	s13 =	sor.u32 $0x1C00, s11;
	[tilespmem:s12+$0x28] =	vst v4  }
0x158: {  	v4 =	vld [tilespmem:s13+$0xA680];
	_ =	sdelay $0x3  }
0x159: {  	s12 =	sadd.s32 $0x80, s12  }
0x15a: {  	s28 =	sor.u32 $0x1C10, s11;
	[tilespmem:s12+$0xFFFFFFD0] =	vst v4  }
0x15b: {  	v4 =	vld [tilespmem:s28+$0xA680];
	_ =	sdelay $0x4  }
0x15c: {  	s31 =	sor.u32 $0x1C20, s11;
	[tilespmem:s12+$0xFFFFFFE0] =	vst v4  }
0x15d: {  	v4 =	vld [tilespmem:s31+$0xA680];
	_ =	sdelay $0x4  }
0x15e: {  	s17 =	sor.u32 $0x1C30, s11;
	[tilespmem:s12+$0xFFFFFFF0] =	vst v4  }
0x15f: {  	v4 =	vld [tilespmem:s17+$0xA680];
	_ =	sdelay $0x4  }
0x160: {  	s19 =	sor.u32 $0x1C40, s11;
	[tilespmem:s12+$0x0] =	vst v4  }
0x161: {  	v4 =	vld [tilespmem:s19+$0xA680];
	_ =	sdelay $0x4  }
0x162: {  	s28 =	sor.u32 $0x1C50, s11;
	[tilespmem:s12+$0x10] =	vst v4  }
0x163: {  	v4 =	vld [tilespmem:s28+$0xA680];
	_ =	sdelay $0x4  }
0x164: {  	s11 =	sor.u32 $0x1C60, s11;
	[tilespmem:s12+$0x20] =	vst v4  }
0x165: {  	v5 =	vld.msk [tilespmem:s11+$0xA680], $0xff;
	_ =	sdelay $0x2  }
0x166: {  	s29 =	sadd.s32 $0x1, s29  }
0x167: {  	p0 =	sne.s32 s29, $0x14  }
.Ltmp3:
0x168: {  	v4 =	vperm.xlane v4, v3;
	v5 =	vperm.xlane v5, v3;
	(pc) =	sbr.rel @p0 .LBB2_2-.Ltmp3, $4  }
0x169: {  	_ = 	snop  }
0x16a: {  	v4 =	vsel vm1, v4, v5  }
0x16b: {  	s0 =	sadd.s32 s0, s10;
	s31 =	simm.s32 $0x15A80;
	[tilespmem:s12+$0x28] =	vst v4  }
0x16c: {  	[hbm4b:s0+s16] =	stream.strided.scatter [tilespmem:s31], [sflag:$0x6], $0x1400, s18, s16, $0x38;
	[tilespmem:$0x16E80] =	vst v63  }
0x16d: {  	s0 =	simm.s32 $0x4  }
0x16e: {  	_ =	swait.ge [sflag:s0], $0x8C00  }
0x16f: {  	[sflag:s0] =	ssyncset.done $0x0  }
0x170: {  	s11 =	simm.s32 $0x6;
	[sflag:s0] =	ssyncadd.s32 $0xFFFF7400  }
0x171: {  	_ =	swait.ge [sflag:s11], $0x1400  }
0x172: {  	s12 =	rddreg [dreg:$0x4]  }
0x173: {  	s31 =	rddreg [dreg:$0x3];
	s12 =	sadd.s32 $0x1, s12  }
0x174: {  	p0 =	sne.s32 s12, s31  }
.Ltmp4:
0x175: {  	_ = 	snop;
	(pc) =	sbr.rel @p0 .LBB2_1-.Ltmp4, $3  }
0x176: {  	_ =	sdelay $0x1  }
0x177: {  	[sflag:s11] =	ssyncset.done $0x0  }
0x178: {  	[sflag:s11] =	ssyncadd.s32 $0xFFFFEC00  }
0x179: {  	_ =	sfence.sel $0x180000  }
0x17a: {  	[bflag:$0x0] =	sbarrier.arrive $0xFFFF  }
0x17b: {  	_ =	strace $0x9000004D  }
0x17c: {  	s0 =	stileid.u32;
	[bflag:$0x2] =	sbarrier.arrive $0xFFFF  }
0x17d: {  	p0 =	sne.s32 s0, $0x0;
	s0 =	rddreg [dreg:$0x1]  }
0x17e: {  	s0 =	sadd.s32 @!p0 $0x100000, s0  }
0x17f: {  	[sflag:s0] =	ssyncadd.tile.s32 @!p0 $0x1;
	_ =	shalt  }
.Lfunc_end2:
_tile_overlayer_lowered:
.L_overlay_start_2:
0x180: {  	(tag) =	ssettag $0x2  }
0x181: {  	s0 =	rddreg [dreg:$0x0];
	s2 =	stileid.u32  }
0x182: {  	s1 =	rddreg [dreg:$0x1];
	p0 =	sne.s32 s2, $0x0  }
0x183: {  	s3 =	rddreg [dreg:$0x2];
	[bflag:$0x3] =	sbarrier.arrive $0xFFFF;
	s2 =	simm.s32 @!p0 $0x1C07  }
0x184: {  	[timem:s3], [sflag:s2] =	dma.local @!p0 [hbm:s0], s1  }
0x185: {  	s0 =	simm.s32 @!p0 $0x7  }
0x186: {  	_ =	swait.ge @!p0 [sflag:s0], s1  }
0x187: {  	s1 =	ssub.s32 @!p0 $0x0, s1;
	[sflag:s0] =	ssyncset.done @!p0 $0x0  }
0x188: {  	[sflag:s0] =	ssyncadd.s32 @!p0 s1  }
0x189: {  	[bflag:$0x3] =	sbarrier.arrive $0xFFFF  }
0x18a: {  	_ =	shalt  }

// kernel: kernel.15.cloned.1.call-start
scs
__scs_entry_jumppad:
0x0: {  	(pc) =	sbr.rel $0x88, $3  }
0x1: {  	(tag) =	ssettag $0x0;
	lr =	simm.s32 $0x1  }
0x2: {  	[smem:$0x3F9F] =	sst lr;
	_ =	strace $0xD0000000  }
0x3: {  	_ = 	snop  }
0x4: {  	_ = 	snop  }
0x5: {  	_ = 	snop  }
0x6: {  	_ = 	snop  }
0x7: {  	_ = 	snop  }
__scs_overlays_trampoline_lowered:
0x8: {  	[smem:$0x3FAE] =	sst s0  }
0x9: {  	[smem:$0x3FAF] =	sst s1  }
0xa: {  	[smem:$0x3FB0] =	sst s2  }
0xb: {  	[smem:$0x3FB1] =	sst s3  }
0xc: {  	[smem:$0x3FB2] =	sst s4  }
0xd: {  	[smem:$0x3FB3] =	sst s5  }
0xe: {  	[smem:$0x3FB4] =	sst s6  }
0xf: {  	[smem:$0x3FB5] =	sst s7  }
0x10: {  	[smem:$0x3FB6] =	sst s8  }
0x11: {  	[smem:$0x3FB7] =	sst s9;
	s0 =	simm.s32 @!p0 $0x0  }
0x12: {  	s1 =	sld [smem:$0x3F9D];
	s0 =	simm.s32 @p0 $0x1  }
0x13: {  	[smem:$0x3FB8] =	sst s0;
	s0 =	simm.s32 @!p1 $0x0  }
0x14: {  	s2 =	sld [smem:$0x3F9C];
	s0 =	simm.s32 @p1 $0x1  }
0x15: {  	[smem:$0x3FB9] =	sst s0;
	s0 =	simm.s32 @!p2 $0x0  }
0x16: {  	s3 =	sld [smem:$0x3FDB];
	s0 =	simm.s32 @p2 $0x1  }
0x17: {  	s4 =	simm.s32 $0x1BF5;
	[smem:$0x3FBB] =	sst s0  }
0x18: {  	s0 =	sld [smem:$0x3F9E];
	_ =	swait.ge [sflag:s4], $0x0  }
0x19: {  	s7 =	sld [smem:$0x3F9F]  }
0x1a: {  	s8 =	sadd.s32 $0xFFFFE003, lr  }
0x1b: {  	s9 =	sadd.s32 $0xFFFFFEF7, lr;
	s5 =	simm.s32 $0xFFFFFFFF;
	p2 =	slt.u32 s8, $0xFFFFF086  }
0x1c: {  	p1 =	slt.u32 s9, $0xF7A;
	s5 =	simm.s32 @!p2 $0x0  }
0x1d: {  	s5 =	simm.s32 @p1 $0x1;
	p0 =	seq.s32 s7, s2  }
0x1e: {  	s7 =	smul.u32 @!p0 $0xF7A, s2;
	p2 =	seq.s32 @!p0 s5, $0x0  }
0x1f: {  	s9 =	smul.u32 $0xF7A, s1;
	s8 =	simm.s32 @!p0 $0x1BF5;
	p2 =	por !p2, p0  }
0x20: {  	[sflag:s8] =	ssyncset.s32 @!p0 $0xFFFFF086;
	s6 =	sadd.s32 @!p0 s3, s7;
	s7 =	simm.s32 @!p0 $0x108  }
0x21: {  	s3 =	sadd.s32 s3, s9;
	s6 =	sadd.s32 @!p0 $0x88, s6;
	s7 =	simm.s32 @p2 $0x1082  }
0x22: {  	[simem:s7], [sflag:s8] =	dma.local @!p0 [hbm:s6], $0xF7A  }
0x23: {  	s9 =	sor.u32 $0xD0000000, s2;
	s6 =	simm.s32 $0x108;
	_ =	swait.ge @!p0 [sflag:s8], $0x0  }
0x24: {  	s3 =	sadd.s32 $0x88, s3;
	s6 =	simm.s32 @!p1 $0x1082;
	[sflag:s4] =	ssyncset.s32 $0xFFFFF086  }
0x25: {  	[simem:s6], [sflag:s4] =	dma.local [hbm:s3], $0xF7A  }
0x26: {  	[smem:$0x3F9F] =	sst s1;
	(tag) =	ssettag s2;
	_ =	strace s9  }
0x27: {  	s1 =	sld [smem:$0x3FAF]  }
0x28: {  	s2 =	sld [smem:$0x3FB0]  }
0x29: {  	s4 =	sld [smem:$0x3FB2]  }
0x2a: {  	p0 =	seq.s32 s5, $0x0;
	s5 =	sld [smem:$0x3FB3]  }
0x2b: {  	s6 =	sld [smem:$0x3FB4]  }
0x2c: {  	s7 =	sld [smem:$0x3FB5]  }
0x2d: {  	s3 =	simm.s32 $0x108;
	s8 =	sld [smem:$0x3FB6]  }
0x2e: {  	s3 =	simm.s32 @!p0 $0x1082;
	s9 =	sld [smem:$0x3FB7]  }
0x2f: {  	lr =	sadd.s32 s0, s3;
	s0 =	sld [smem:$0x3FAE]  }
0x30: {  	s3 =	sld [smem:$0x3FB1]  }
0x31: {  	[smem:$0x3FBA] =	sst s10  }
0x32: {  	s10 =	sld [smem:$0x3FB8];
	_ =	sdelay $0x3  }
0x33: {  	p0 =	seq.s32 s10, $0x1;
	s10 =	sld [smem:$0x3FBA];
	_ =	sdelay $0x3  }
0x34: {  	[smem:$0x3FBA] =	sst s10  }
0x35: {  	s10 =	sld [smem:$0x3FB9];
	_ =	sdelay $0x3  }
0x36: {  	p1 =	seq.s32 s10, $0x1;
	s10 =	sld [smem:$0x3FBA];
	_ =	sdelay $0x3  }
0x37: {  	[smem:$0x3FBA] =	sst s10  }
0x38: {  	s10 =	sld [smem:$0x3FBB]  }
0x39: {  	_ = 	snop;
	(pc) =	sbr.ind lr, $3  }
0x3a: {  	_ = 	snop  }
0x3b: {  	_ = 	snop  }
0x3c: {  	p2 =	seq.s32 s10, $0x1;
	s10 =	sld [smem:$0x3FBA]  }
0x3d: {  	_ =	shalt  }
0x3e: {  	_ =	shalt  }
0x3f: {  	_ =	shalt  }
0x40: {  	_ =	shalt  }
0x41: {  	_ =	shalt  }
0x42: {  	_ =	shalt  }
0x43: {  	_ =	shalt  }
0x44: {  	_ =	shalt  }
0x45: {  	_ =	shalt  }
0x46: {  	_ =	shalt  }
0x47: {  	_ =	shalt  }
0x48: {  	_ =	shalt  }
0x49: {  	_ =	shalt  }
0x4a: {  	_ =	shalt  }
0x4b: {  	_ =	shalt  }
0x4c: {  	_ =	shalt  }
0x4d: {  	_ =	shalt  }
0x4e: {  	_ =	shalt  }
0x4f: {  	_ =	shalt  }
0x50: {  	_ =	shalt  }
0x51: {  	_ =	shalt  }
0x52: {  	_ =	shalt  }
0x53: {  	_ =	shalt  }
0x54: {  	_ =	shalt  }
0x55: {  	_ =	shalt  }
0x56: {  	_ =	shalt  }
0x57: {  	_ =	shalt  }
0x58: {  	_ =	shalt  }
0x59: {  	_ =	shalt  }
0x5a: {  	_ =	shalt  }
0x5b: {  	_ =	shalt  }
0x5c: {  	_ =	shalt  }
0x5d: {  	_ =	shalt  }
0x5e: {  	_ =	shalt  }
0x5f: {  	_ =	shalt  }
0x60: {  	_ =	shalt  }
0x61: {  	_ =	shalt  }
0x62: {  	_ =	shalt  }
0x63: {  	_ =	shalt  }
0x64: {  	_ =	shalt  }
0x65: {  	_ =	shalt  }
0x66: {  	_ =	shalt  }
0x67: {  	_ =	shalt  }
0x68: {  	_ =	shalt  }
0x69: {  	_ =	shalt  }
0x6a: {  	_ =	shalt  }
0x6b: {  	_ =	shalt  }
0x6c: {  	_ =	shalt  }
0x6d: {  	_ =	shalt  }
0x6e: {  	_ =	shalt  }
0x6f: {  	_ =	shalt  }
0x70: {  	_ =	shalt  }
0x71: {  	_ =	shalt  }
0x72: {  	_ =	shalt  }
0x73: {  	_ =	shalt  }
0x74: {  	_ =	shalt  }
0x75: {  	_ =	shalt  }
0x76: {  	_ =	shalt  }
0x77: {  	_ =	shalt  }
0x78: {  	_ =	shalt  }
0x79: {  	_ =	shalt  }
0x7a: {  	_ =	shalt  }
0x7b: {  	_ =	shalt  }
0x7c: {  	_ =	shalt  }
0x7d: {  	_ =	shalt  }
0x7e: {  	_ =	shalt  }
0x7f: {  	_ =	shalt  }
0x80: {  	_ =	shalt  }
0x81: {  	_ =	shalt  }
0x82: {  	_ =	shalt  }
0x83: {  	_ =	shalt  }
0x84: {  	_ =	shalt  }
0x85: {  	_ =	shalt  }
0x86: {  	_ =	shalt  }
0x87: {  	_ =	shalt  }
.Lfunc_end0:
.L_simem_size_0:
called_computation.4_lowered:
.L_overlay_start_0:
0x88: {  	s2 =	sld [smem:$0x3FD9]  }
0x89: {  	s3 =	sld [smem:$0x3FFE];
	_ =	sdelay $0x1  }
0x8a: {  	s1 =	srdreg.scid  }
0x8b: {  	s0 =	sand.u32 $0x1, s1  }
0x8c: {  	s17 =	sshll.u32 s0, $0xA;
	s2 =	sadd.s32 s3, s2  }
0x8d: {  	s2 =	sadd.s32 s2, s17  }
0x8e: {  	[smem:$0x3FC6] =	sst s2  }
0x8f: {  	_ = 	snop  }
0x90: {  	s18 =	sld [smem:$0x3FD0];
	(tm) =	ssettm $0x1  }
0x91: {  	s19 =	sld [smem:$0x3FFB];
	_ =	sdelay $0x3  }
0x92: {  	_ =	strace s19  }
0x93: {  	s2 =	sld [smem:$0x3FFC];
	_ =	sdelay $0x3  }
0x94: {  	_ =	strace s2  }
0x95: {  	s2 =	sld [smem:$0x3FFD];
	_ =	sdelay $0x3  }
0x96: {  	_ =	strace s2  }
0x97: {  	_ =	strace $0x8FFFFFFF  }
0x98: {  	s20 =	sld [smem:$0x3FDB];
	_ =	sdelay $0x1  }
0x99: {  	s4 =	simm.s32 $_scs_section_size  }
0x9a: {  	s5 =	simm.s32 $_size__tile_overlayer_lowered;
	s6 =	simm.s32 $_tile_overlayer_lowered  }
0x9b: {  	s7 =	simm.s32 $0x1BFF;
	s21 =	sshll.u32 s6, $0x1;
	s4 =	sadd.s32 s4, s20  }
0x9c: {  	s22 =	simm.s32 $0x0;
	s5 =	sshll.u32 s5, $0x1;
	s6 =	sadd.s32 s21, s4  }
0x9d: {  	[timem:s22], [sflag:s7] =	dma.local [hbm:s6], s5  }
0x9e: {  	_ =	swait.ge [sflag:s7], s5  }
0x9f: {  	s5 =	ssub.s32 $0x0, s5;
	[sflag:s7] =	ssyncset.done $0x0  }
0xa0: {  	[sflag:s7] =	ssyncadd.s32 s5;
	_ =	sdelay $0x1  }
0xa1: {  	s23 =	simm.s32 $0x1B8B  }
0xa2: {  	_ =	swait.ge [sflag:s23], $0x1  }
0xa3: {  	[sflag:s23] =	ssyncset.done $0x0  }
0xa4: {  	[sflag:s23] =	ssyncadd.s32 $0xFFFFFFFF  }
0xa5: {  	s5 =	sld [smem:$0x0]  }
0xa6: {  	s6 =	sand.u32 $0xFFFFFFFE, s1  }
0xa7: {  	p0 =	sne.s32 s1, s6  }
0xa8: {  	s6 =	sshll.u32 @p0 s6, $0xE  }
0xa9: {  	s6 =	sadd.s32 @p0 $0x11B8D, s6;
	s7 =	sshll.u32 @p0 s5, $0x11  }
0xaa: {  	s6 =	sor.u32 @p0 s7, s6  }
0xab: {  	[sflag:s6] =	ssyncadd.remote.s32 @p0 $0x1;
	_ =	sdelay $0x1  }
0xac: {  	s6 =	simm.s32 @p0 $0x1B8D  }
0xad: {  	_ =	swait.eq @p0 [sflag:s6], $0x1  }
0xae: {  	[sflag:s6] =	ssyncadd.s32 @p0 $0xFFFFFFFF  }
0xaf: {  	s7 =	sshll.u32 @!p0 s1, $0xE  }
0xb0: {  	s7 =	sor.u32 @!p0 $0x4000, s7;
	s6 =	simm.s32 @!p0 $0x1B8D  }
0xb1: {  	s5 =	sshll.u32 @!p0 s5, $0x11;
	s7 =	sadd.s32 @!p0 $0x11B8D, s7;
	_ =	swait.eq @!p0 [sflag:s6], $0x1  }
0xb2: {  	s5 =	sor.u32 @!p0 s5, s7;
	[sflag:s6] =	ssyncadd.s32 @!p0 $0xFFFFFFFF  }
0xb3: {  	s25 =	simm.s32 $0x1B8E;
	s24 =	sld [smem:$0x3FFE];
	[sflag:s5] =	ssyncadd.remote.s32 @!p0 $0x1  }
0xb4: {  	s26 =	simm.s32 $execute0_lowered;
	[smem:$0x3FD2] =	sst s25  }
0xb5: {  	s6 =	sshll.u32 s26, $0x1;
	_ =	strace $0x8000004F;
	[dreg:$0x1] =	wrdreg $0xFFFFFFFF  }
0xb6: {  	s28 =	simm.s32 $_size_execute0_lowered;
	s4 =	sadd.s32 s4, s6;
	[dreg:$0x0] =	wrdreg $0x0  }
0xb7: {  	s6 =	sshll.u32 s28, $0x1;
	[dreg:$0x2] =	wrdreg s4  }
0xb8: {  	[dreg:$0x3] =	wrdreg s6  }
0xb9: {  	[dreg:$0x4] =	wrdreg $0xC0  }
0xba: {  	_ =	task [dreg:s22], $0x5FFFF  }
0xbb: {  	[dreg:$0x1] =	wrdreg $0xFFFFFFFF  }
0xbc: {  	[dreg:$0x0] =	wrdreg $0x60  }
0xbd: {  	[dreg:$0x2] =	wrdreg s24  }
0xbe: {  	[dreg:$0x3] =	wrdreg s18  }
0xbf: {  	[dreg:$0x4] =	wrdreg $0xC  }
0xc0: {  	_ =	task.clear_ibuf [dreg:s22], $0x5FFFF;
	_ =	strace $0x9000004F  }
0xc1: {  	s29 =	simm.s32 $0xC;
	_ =	strace $0x80000051  }
0xc2: {  	_ =	swait.ge [sflag:s29], $0x1  }
0xc3: {  	[sflag:s29] =	ssyncadd.s32 $0xFFFFFFFF  }
0xc4: {  	_ =	strace $0x90000051  }
0xc5: {  	_ =	sfence  }
0xc6: {  	s30 =	sld [smem:$0x0];
	_ =	sdelay $0x2  }
0xc7: {  	s31 =	sshll.u32 s1, $0xD;
	s1 =	sshrl.u32 s1, $0x2  }
0xc8: {  	s4 =	sand.u32 $0x4000, s31;
	s1 =	sadd.s32 s1, s30  }
0xc9: {  	s0 =	sor.u32 s4, s0;
	s1 =	sshll.u32 s1, $0x11  }
0xca: {  	s0 =	sor.u32 s1, s0  }
0xcb: {  	s0 =	sadd.s32 $0x8F2B, s0  }
0xcc: {  	[sflag:s0] =	ssyncadd.remote.s32 $0x1  }
0xcd: {  	_ =	sfence.sel $0xFFFF  }
0xce: {  	[dreg:$0x0] =	wrdreg $0xFFFFFFFF;
	(pc) =	sbr.abs _section_cstart, $3  }
0xcf: {  	[dreg:$0x1] =	wrdreg $0xFFFFFFFF  }
0xd0: {  	_ =	task.clear_ibuf [dreg:s22], $0x2FFFF;
	_ =	strace $0x9FFFFFFF  }
0xd1: {  	(tm) =	ssettm $0x7FFFFFFF  }
tec
execute0_lowered:
.L_overlay_start_1:
0x0: {  	(tag) =	ssettag $0x1  }
0x1: {  	s0 =	srdreg.scid;
	s6 =	rddreg [dreg:$0x0]  }
0x2: {  	s1 =	stileid.u32;
	s2 =	rddreg [dreg:$0x1]  }
0x3: {  	s4 =	simm.s32 $0x0;
	s21 =	simm.s32 $0x4680;
	s25 =	simm.s32 $0x6680  }
0x4: {  	s30 =	simm.s32 $0x8680;
	s15 =	simm.s32 $0xC680;
	s20 =	simm.s32 $0xE680  }
0x5: {  	s26 =	simm.s32 $0x10680;
	s14 =	simm.s32 $0x1;
	s16 =	simm.s32 $0x400  }
0x6: {  	s18 =	simm.s32 $0x2000;
	s22 =	simm.s32 $0x3;
	s23 =	simm.s32 $0x5  }
0x7: {  	s24 =	simm.s32 $0x2;
	s0 =	sand.u32 $0x1, s0;
	s1 =	sshll.u32 s1, $0x1  }
0x8: {  	v0 =	vimm.s32 $0xFEDCBA98;
	s12 =	simm.s32 $0x0;
	[smem:$0x7FF] =	sst s4;
	s1 =	sor.u32 s0, s1  }
0x9: {  	v1 =	vimm.s32 $0x76543210;
	s5 =	sadd.s32 $0x3200, s6;
	v0 =	vunpack.c.l.s4.s8 v0;
	s0 =	ssub.s32 $0x2, s0;
	s3 =	smul.u32 $0x640, s1  }
0xa: {  	s8 =	sadd.s32 $0x3400, s6;
	s9 =	sadd.s32 $0x3500, s6;
	v1 =	vunpack.c.l.s4.s8 v1;
	s7 =	sshrl.u32 s0, $0x1  }
0xb: {  	v2 =	vlaneseq.u32;
	s10 =	sadd.s32 $0x380, s2;
	v3 =	vunpack.c.0.s8.s32 v0;
	s0 =	ssub.s32 s0, s7;
	s1 =	sshrl.u32 s3, $0x3  }
0xc: {  	vm0 =	vmmov $0xffff;
	vm1 =	vmmov $0xff;
	_ =	strace $0x80000050;
	v5 =	vunpack.c.0.s8.s32 v1;
	s0 =	smax.u32 s0, $0x1;
	s1 =	sadd.s32 s1, s6  }
0xd: {  	v4 =	vshrl.u32 v2, $0x3;
	v0 =	vand.u32 $0x7, v2;
	s7 =	sadd.s32 $0x3300, s6;
	v3 =	vand.u32 $0xF, v3;
	[dreg:$0x4] =	wrdreg s0;
	s1 =	sadd.s32 $0x665A00, s1  }
0xe: {  	v1 =	vmul.u32 $0x8, v4;
	v2 =	vor.u32 $0x8, v2;
	s6 =	simm.s32 $0xA680;
	v3 =	vcombine.low v3, v5;
	[dreg:$0x3] =	wrdreg s1;
	s1 =	simm.s32 $0x12680  }
.LBB2_1:
0xf: {  	[dreg:$0x5] =	wrdreg s12  }
0x10: {  	s0 =	rddreg [dreg:$0x3];
	s17 =	simm.s32 $0x7  }
0x11: {  	[tilespmem:s4], [sflag:$0x7] =	stream.linear.gather [hbm4b:s0+s4], $0x640, $0x38;
	[tilespmem:$0x16E80] =	vst v63  }
0x12: {  	_ =	swait.ge [sflag:s17], $0x640  }
0x13: {  	[sflag:s17] =	ssyncset.done $0x0  }
0x14: {  	[sflag:s17] =	ssyncadd.s32 $0xFFFFF9C0  }
0x15: {  	v4 =	vld [tilespmem:$0x0];
	_ =	sdelay $0x4  }
0x16: {  	v5 =	vshll.u32 v4, $0x3  }
0x17: {  	v4 =	vand.u32 $0x7, v4;
	v5 =	vand.u32 $0xFFFFFFC0, v5  }
0x18: {  	v4 =	vor.u32 v4, v5  }
0x19: {  	v5 =	vperm.xlane v4, v0;
	_ =	sdelay $0x1  }
0x1a: {  	v5 =	vadd.s32 v1, v5;
	_ =	sdelay $0x3  }
0x1b: {  	s19 =	simm.s32 $0x680  }
0x1c: {  	[tilespmem:s19], [sflag:$0x1] =	stream.indirect_vreg.gather [hbm4b:s5+s4], $0x80, v5, vm0, $0xb8;
	[tilespmem:$0x16E80] =	vst v63  }
0x1d: {  	s28 =	simm.s32 $0xE80;
	v4 =	vperm.xlane v4, v2  }
0x1e: {  	[tilespmem:s28], [sflag:$0x1] =	stream.indirect_vreg.gather [hbm4b:s7+s4], $0x80, v5, vm0, $0xb8;
	[tilespmem:$0x16E80] =	vst v63  }
0x1f: {  	s31 =	simm.s32 $0x1680;
	v4 =	vadd.s32 v1, v4  }
0x20: {  	[tilespmem:s31], [sflag:$0x1] =	stream.indirect_vreg.gather [hbm4b:s8+s4], $0x80, v5, vm0, $0xb8;
	[tilespmem:$0x16E80] =	vst v63  }
0x21: {  	s11 =	simm.s32 $0x1E80  }
0x22: {  	[tilespmem:s11], [sflag:$0x1] =	stream.indirect_vreg.gather [hbm4b:s9+s4], $0x80, v5, vm0, $0xb8;
	[tilespmem:$0x16E80] =	vst v63  }
0x23: {  	s12 =	simm.s32 $0x2680  }
0x24: {  	[tilespmem:s12], [sflag:$0x1] =	stream.indirect_vreg.gather [hbm4b:s5+s4], $0x80, v4, vm0, $0xb8;
	[tilespmem:$0x16E80] =	vst v63  }
0x25: {  	s13 =	simm.s32 $0x2E80  }
0x26: {  	[tilespmem:s13], [sflag:$0x1] =	stream.indirect_vreg.gather [hbm4b:s7+s4], $0x80, v4, vm0, $0xb8;
	[tilespmem:$0x16E80] =	vst v63  }
0x27: {  	s17 =	simm.s32 $0x3680  }
0x28: {  	[tilespmem:s17], [sflag:$0x1] =	stream.indirect_vreg.gather [hbm4b:s8+s4], $0x80, v4, vm0, $0xb8;
	[tilespmem:$0x16E80] =	vst v63  }
0x29: {  	s19 =	simm.s32 $0x3E80  }
0x2a: {  	[tilespmem:s19], [sflag:$0x1] =	stream.indirect_vreg.gather [hbm4b:s9+s4], $0x80, v4, vm0, $0xb8;
	[tilespmem:$0x16E80] =	vst v63  }
0x2b: {  	v4 =	vld [tilespmem:$0x10];
	_ =	sdelay $0x4  }
0x2c: {  	v5 =	vshll.u32 v4, $0x3  }
0x2d: {  	v4 =	vand.u32 $0x7, v4;
	v5 =	vand.u32 $0xFFFFFFC0, v5  }
0x2e: {  	v4 =	vor.u32 v4, v5  }
0x2f: {  	v5 =	vperm.xlane v4, v0;
	_ =	sdelay $0x1  }
0x30: {  	v5 =	vadd.s32 v1, v5;
	_ =	sdelay $0x4  }
0x31: {  	[tilespmem:s21], [sflag:$0x1] =	stream.indirect_vreg.gather [hbm4b:s5+s4], $0x80, v5, vm0, $0xb8;
	[tilespmem:$0x16E80] =	vst v63  }
0x32: {  	s28 =	simm.s32 $0x4E80;
	v4 =	vperm.xlane v4, v2  }
0x33: {  	[tilespmem:s28], [sflag:$0x1] =	stream.indirect_vreg.gather [hbm4b:s7+s4], $0x80, v5, vm0, $0xb8;
	[tilespmem:$0x16E80] =	vst v63  }
0x34: {  	s31 =	simm.s32 $0x5680;
	v4 =	vadd.s32 v1, v4  }
0x35: {  	[tilespmem:s31], [sflag:$0x1] =	stream.indirect_vreg.gather [hbm4b:s8+s4], $0x80, v5, vm0, $0xb8;
	[tilespmem:$0x16E80] =	vst v63  }
0x36: {  	s11 =	simm.s32 $0x5E80  }
0x37: {  	[tilespmem:s11], [sflag:$0x1] =	stream.indirect_vreg.gather [hbm4b:s9+s4], $0x80, v5, vm0, $0xb8;
	[tilespmem:$0x16E80] =	vst v63  }
0x38: {  	_ = 	snop  }
0x39: {  	[tilespmem:s25], [sflag:$0x1] =	stream.indirect_vreg.gather [hbm4b:s5+s4], $0x80, v4, vm0, $0xb8;
	[tilespmem:$0x16E80] =	vst v63  }
0x3a: {  	s12 =	simm.s32 $0x6E80  }
0x3b: {  	[tilespmem:s12], [sflag:$0x1] =	stream.indirect_vreg.gather [hbm4b:s7+s4], $0x80, v4, vm0, $0xb8;
	[tilespmem:$0x16E80] =	vst v63  }
0x3c: {  	s13 =	simm.s32 $0x7680  }
0x3d: {  	[tilespmem:s13], [sflag:$0x1] =	stream.indirect_vreg.gather [hbm4b:s8+s4], $0x80, v4, vm0, $0xb8;
	[tilespmem:$0x16E80] =	vst v63  }
0x3e: {  	s17 =	simm.s32 $0x7E80  }
0x3f: {  	[tilespmem:s17], [sflag:$0x1] =	stream.indirect_vreg.gather [hbm4b:s9+s4], $0x80, v4, vm0, $0xb8;
	[tilespmem:$0x16E80] =	vst v63  }
0x40: {  	v4 =	vld.msk [tilespmem:$0x20], $0xff;
	_ =	sdelay $0x4  }
0x41: {  	v5 =	vshll.u32 v4, $0x3  }
0x42: {  	v4 =	vand.u32 $0x7, v4;
	v5 =	vand.u32 $0xFFFFFFC0, v5  }
0x43: {  	v4 =	vor.u32 v4, v5  }
0x44: {  	v4 =	vperm.xlane v4, v0;
	_ =	sdelay $0x1  }
0x45: {  	v4 =	vadd.s32 v1, v4;
	_ =	sdelay $0x4  }
0x46: {  	[tilespmem:s30], [sflag:$0x1] =	stream.indirect_vreg.gather [hbm4b:s5+s4], $0x80, v4, vm0, $0xb8;
	[tilespmem:$0x16E80] =	vst v63  }
0x47: {  	s19 =	simm.s32 $0x8E80  }
0x48: {  	[tilespmem:s19], [sflag:$0x1] =	stream.indirect_vreg.gather [hbm4b:s7+s4], $0x80, v4, vm0, $0xb8;
	[tilespmem:$0x16E80] =	vst v63  }
0x49: {  	s28 =	simm.s32 $0x9680  }
0x4a: {  	[tilespmem:s28], [sflag:$0x1] =	stream.indirect_vreg.gather [hbm4b:s8+s4], $0x80, v4, vm0, $0xb8;
	[tilespmem:$0x16E80] =	vst v63  }
0x4b: {  	s29 =	simm.s32 $0x0;
	s31 =	simm.s32 $0x9E80  }
0x4c: {  	[tilespmem:s31], [sflag:$0x1] =	stream.indirect_vreg.gather [hbm4b:s9+s4], $0x80, v4, vm0, $0xb8;
	[tilespmem:$0x16E80] =	vst v63  }
.LBB2_2:
0x4d: {  	p0 =	seq.s32 s29, $0x0  }
0x4e: {  	s0 =	simm.s32 @!p0 $0x4  }
0x4f: {  	_ =	swait.ge @!p0 [sflag:s0], $0x8C00  }
0x50: {  	s11 =	sshll.u32 s29, $0x1;
	[sflag:s0] =	ssyncset.done @!p0 $0x0  }
0x51: {  	s31 =	sor.u32 $0x1, s11;
	[sflag:s0] =	ssyncadd.s32 @!p0 $0xFFFF7400;
	s0 =	simm.s32 @!p0 $0x6  }
0x52: {  	s11 =	smul.u32 $0xA0, s31;
	_ =	swait.ge @!p0 [sflag:s0], $0x1400  }
0x53: {  	[sflag:s0] =	ssyncset.done @!p0 $0x0  }
0x54: {  	s11 =	sshra.s32 s11, $0x2;
	[sflag:s0] =	ssyncadd.s32 @!p0 $0xFFFFEC00  }
0x55: {  	v4 =	vld [tilespmem:s11+$0x0];
	_ =	sdelay $0x4  }
0x56: {  	v5 =	vshll.u32 v4, $0x3  }
0x57: {  	v4 =	vand.u32 $0x7, v4;
	v5 =	vand.u32 $0xFFFFFFC0, v5  }
0x58: {  	v4 =	vor.u32 v4, v5  }
0x59: {  	v5 =	vperm.xlane v4, v0;
	_ =	sdelay $0x1  }
0x5a: {  	v5 =	vadd.s32 v1, v5;
	_ =	sdelay $0x3  }
0x5b: {  	s0 =	simm.s32 $0x0  }
0x5c: {  	[tilespmem:s6], [sflag:$0x2] =	stream.indirect_vreg.gather [hbm4b:s5+s0], $0x80, v5, vm0, $0xb8;
	[tilespmem:$0x16E80] =	vst v63  }
0x5d: {  	s12 =	simm.s32 $0xAE80;
	v4 =	vperm.xlane v4, v2  }
0x5e: {  	[tilespmem:s12], [sflag:$0x2] =	stream.indirect_vreg.gather [hbm4b:s7+s0], $0x80, v5, vm0, $0xb8;
	[tilespmem:$0x16E80] =	vst v63  }
0x5f: {  	s13 =	simm.s32 $0xB680;
	v4 =	vadd.s32 v1, v4  }
0x60: {  	[tilespmem:s13], [sflag:$0x2] =	stream.indirect_vreg.gather [hbm4b:s8+s0], $0x80, v5, vm0, $0xb8;
	[tilespmem:$0x16E80] =	vst v63  }
0x61: {  	s17 =	simm.s32 $0xBE80  }
0x62: {  	[tilespmem:s17], [sflag:$0x2] =	stream.indirect_vreg.gather [hbm4b:s9+s0], $0x80, v5, vm0, $0xb8;
	[tilespmem:$0x16E80] =	vst v63  }
0x63: {  	_ = 	snop  }
0x64: {  	[tilespmem:s15], [sflag:$0x2] =	stream.indirect_vreg.gather [hbm4b:s5+s0], $0x80, v4, vm0, $0xb8;
	[tilespmem:$0x16E80] =	vst v63  }
0x65: {  	s19 =	simm.s32 $0xCE80  }
0x66: {  	[tilespmem:s19], [sflag:$0x2] =	stream.indirect_vreg.gather [hbm4b:s7+s0], $0x80, v4, vm0, $0xb8;
	[tilespmem:$0x16E80] =	vst v63  }
0x67: {  	s13 =	simm.s32 $0xD680  }
0x68: {  	[tilespmem:s13], [sflag:$0x2] =	stream.indirect_vreg.gather [hbm4b:s8+s0], $0x80, v4, vm0, $0xb8;
	[tilespmem:$0x16E80] =	vst v63  }
0x69: {  	s17 =	simm.s32 $0xDE80  }
0x6a: {  	[tilespmem:s17], [sflag:$0x2] =	stream.indirect_vreg.gather [hbm4b:s9+s0], $0x80, v4, vm0, $0xb8;
	[tilespmem:$0x16E80] =	vst v63  }
0x6b: {  	v4 =	vld [tilespmem:s11+$0x10];
	_ =	sdelay $0x4  }
0x6c: {  	v5 =	vshll.u32 v4, $0x3  }
0x6d: {  	v4 =	vand.u32 $0x7, v4;
	v5 =	vand.u32 $0xFFFFFFC0, v5  }
0x6e: {  	v4 =	vor.u32 v4, v5  }
0x6f: {  	v5 =	vperm.xlane v4, v0;
	_ =	sdelay $0x1  }
0x70: {  	v5 =	vadd.s32 v1, v5;
	_ =	sdelay $0x4  }
0x71: {  	[tilespmem:s20], [sflag:$0x2] =	stream.indirect_vreg.gather [hbm4b:s5+s0], $0x80, v5, vm0, $0xb8;
	[tilespmem:$0x16E80] =	vst v63  }
0x72: {  	s19 =	simm.s32 $0xEE80;
	v4 =	vperm.xlane v4, v2  }
0x73: {  	[tilespmem:s19], [sflag:$0x2] =	stream.indirect_vreg.gather [hbm4b:s7+s0], $0x80, v5, vm0, $0xb8;
	[tilespmem:$0x16E80] =	vst v63  }
0x74: {  	s13 =	simm.s32 $0xF680;
	v4 =	vadd.s32 v1, v4  }
0x75: {  	[tilespmem:s13], [sflag:$0x2] =	stream.indirect_vreg.gather [hbm4b:s8+s0], $0x80, v5, vm0, $0xb8;
	[tilespmem:$0x16E80] =	vst v63  }
0x76: {  	s17 =	simm.s32 $0xFE80  }
0x77: {  	[tilespmem:s17], [sflag:$0x2] =	stream.indirect_vreg.gather [hbm4b:s9+s0], $0x80, v5, vm0, $0xb8;
	[tilespmem:$0x16E80] =	vst v63  }
0x78: {  	_ = 	snop  }
0x79: {  	[tilespmem:s26], [sflag:$0x2] =	stream.indirect_vreg.gather [hbm4b:s5+s0], $0x80, v4, vm0, $0xb8;
	[tilespmem:$0x16E80] =	vst v63  }
0x7a: {  	s19 =	simm.s32 $0x10E80  }
0x7b: {  	[tilespmem:s19], [sflag:$0x2] =	stream.indirect_vreg.gather [hbm4b:s7+s0], $0x80, v4, vm0, $0xb8;
	[tilespmem:$0x16E80] =	vst v63  }
0x7c: {  	s13 =	simm.s32 $0x11680  }
0x7d: {  	[tilespmem:s13], [sflag:$0x2] =	stream.indirect_vreg.gather [hbm4b:s8+s0], $0x80, v4, vm0, $0xb8;
	[tilespmem:$0x16E80] =	vst v63  }
0x7e: {  	s17 =	simm.s32 $0x11E80  }
0x7f: {  	[tilespmem:s17], [sflag:$0x2] =	stream.indirect_vreg.gather [hbm4b:s9+s0], $0x80, v4, vm0, $0xb8;
	[tilespmem:$0x16E80] =	vst v63  }
0x80: {  	v4 =	vld.msk [tilespmem:s11+$0x20], $0xff;
	_ =	sdelay $0x4  }
0x81: {  	v5 =	vshll.u32 v4, $0x3  }
0x82: {  	v4 =	vand.u32 $0x7, v4;
	v5 =	vand.u32 $0xFFFFFFC0, v5  }
0x83: {  	v4 =	vor.u32 v4, v5  }
0x84: {  	v4 =	vperm.xlane v4, v0  }
0x85: {  	s19 =	smul.u32 $0x50, s29  }
0x86: {  	v4 =	vadd.s32 v1, v4  }
0x87: {  	s11 =	sadd.s32 s3, s19  }
0x88: {  	s17 =	smulhi.u32 $0x51EB851F, s11;
	_ =	sdelay $0x1  }
0x89: {  	s12 =	sshrl.u32 s17, $0x6  }
0x8a: {  	[tilespmem:s1], [sflag:$0x2] =	stream.indirect_vreg.gather [hbm4b:s5+s0], $0x80, v4, vm0, $0xb8;
	[tilespmem:$0x16E80] =	vst v63  }
0x8b: {  	s13 =	simm.s32 $0x12E80;
	s19 =	smul.u32 $0xC8, s12  }
0x8c: {  	[tilespmem:s13], [sflag:$0x2] =	stream.indirect_vreg.gather [hbm4b:s7+s0], $0x80, v4, vm0, $0xb8;
	[tilespmem:$0x16E80] =	vst v63  }
0x8d: {  	s11 =	ssub.s32 s11, s19;
	s13 =	simm.s32 $0x13680  }
0x8e: {  	[tilespmem:s13], [sflag:$0x2] =	stream.indirect_vreg.gather [hbm4b:s8+s0], $0x80, v4, vm0, $0xb8;
	[tilespmem:$0x16E80] =	vst v63  }
0x8f: {  	s17 =	simm.s32 $0x13E80;
	s12 =	smul.u32 $0x32000, s12;
	s11 =	sshll.u32 s11, $0xA  }
0x90: {  	[tilespmem:s17], [sflag:$0x2] =	stream.indirect_vreg.gather [hbm4b:s9+s0], $0x80, v4, vm0, $0xb8;
	[tilespmem:$0x16E80] =	vst v63  }
0x91: {  	s11 =	sadd.s32 s11, s12;
	_ =	swait.ge [sflag:s14], $0xA000  }
0x92: {  	s11 =	sshrl.u32 s11, $0x3;
	[sflag:s14] =	ssyncset.done $0x0  }
0x93: {  	s19 =	simm.s32 $0x680;
	s12 =	sadd.s32 s2, s11;
	[sflag:s14] =	ssyncadd.s32 $0xFFFF6000  }
0x94: {  	[hbm4b:s12+s0] =	stream.linear.scatter [tilespmem:s19], [sflag:$0x3], $0x1C00, $0x38;
	[tilespmem:$0x16E80] =	vst v63  }
0x95: {  	s17 =	sadd.s32 $0x400, s12;
	s19 =	simm.s32 $0x2680  }
0x96: {  	[hbm4b:s17+s0] =	stream.linear.scatter [tilespmem:s19], [sflag:$0x3], $0x1C00, $0x38;
	[tilespmem:$0x16E80] =	vst v63  }
0x97: {  	s17 =	sadd.s32 $0x800, s12  }
0x98: {  	[hbm4b:s17+s0] =	stream.linear.scatter [tilespmem:s21], [sflag:$0x3], $0x1C00, $0x38;
	[tilespmem:$0x16E80] =	vst v63  }
0x99: {  	s19 =	sadd.s32 $0xC00, s12  }
0x9a: {  	[hbm4b:s19+s0] =	stream.linear.scatter [tilespmem:s25], [sflag:$0x3], $0x1C00, $0x38;
	[tilespmem:$0x16E80] =	vst v63  }
0x9b: {  	s13 =	sand.u32 $0x7, s0;
	s12 =	sadd.s32 $0x1000, s12  }
0x9c: {  	[hbm4b:s12+s0] =	stream.linear.scatter [tilespmem:s30], [sflag:$0x3], $0x1C00, $0x38;
	[tilespmem:$0x16E80] =	vst v63  }
0x9d: {  	s12 =	sshll.u32 s13, $0x7  }
0x9e: {  	s13 =	sadd.s32 $0x0, s12  }
0x9f: {  	s12 =	sor.u32 $0x1C00, s13  }
0xa0: {  	v4 =	vld [tilespmem:s12+$0x680];
	_ =	sdelay $0x3  }
0xa1: {  	s12 =	simm.s32 $0x146B0  }
0xa2: {  	s19 =	sor.u32 $0x1C10, s13;
	[tilespmem:s12+$0xFFFFFFD0] =	vst v4  }
0xa3: {  	v4 =	vld [tilespmem:s19+$0x680];
	_ =	sdelay $0x4  }
0xa4: {  	s17 =	sor.u32 $0x1C20, s13;
	[tilespmem:s12+$0xFFFFFFE0] =	vst v4  }
0xa5: {  	v4 =	vld [tilespmem:s17+$0x680];
	_ =	sdelay $0x4  }
0xa6: {  	s17 =	sor.u32 $0x1C30, s13;
	[tilespmem:s12+$0xFFFFFFF0] =	vst v4  }
0xa7: {  	v4 =	vld [tilespmem:s17+$0x680];
	_ =	sdelay $0x4  }
0xa8: {  	s17 =	sor.u32 $0x1C40, s13;
	[tilespmem:s12+$0x0] =	vst v4  }
0xa9: {  	v4 =	vld [tilespmem:s17+$0x680];
	_ =	sdelay $0x4  }
0xaa: {  	s17 =	sor.u32 $0x1C50, s13;
	[tilespmem:s12+$0x10] =	vst v4  }
0xab: {  	v4 =	vld [tilespmem:s17+$0x680];
	_ =	sdelay $0x4  }
0xac: {  	s13 =	sor.u32 $0x1C60, s13;
	[tilespmem:s12+$0x20] =	vst v4  }
0xad: {  	v5 =	vld.msk [tilespmem:s13+$0x680], $0xff;
	_ =	sdelay $0x3  }
0xae: {  	s19 =	simm.s32 $0x1  }
0xaf: {  	s28 =	simm.s32 $0x100;
	v4 =	vperm.xlane v4, v3;
	s13 =	sand.u32 $0x7, s19;
	v5 =	vperm.xlane v5, v3  }
.LBB2_3:
0xb0: {  	p0 =	sne.s32 s28, $0x1380;
	s13 =	sshll.u32 s13, $0x7;
	s0 =	sadd.s32 $0x400, s0  }
0xb1: {  	s13 =	sadd.s32 s13, s0;
	v4 =	vsel vm1, v4, v5  }
0xb2: {  	s17 =	sor.u32 $0x1C00, s13;
	[tilespmem:s12+$0x28] =	vst v4  }
0xb3: {  	v4 =	vld [tilespmem:s17+$0x680];
	_ =	sdelay $0x3  }
0xb4: {  	s12 =	sadd.s32 $0x80, s12  }
0xb5: {  	s17 =	sor.u32 $0x1C10, s13;
	[tilespmem:s12+$0xFFFFFFD0] =	vst v4  }
0xb6: {  	v4 =	vld [tilespmem:s17+$0x680];
	_ =	sdelay $0x4  }
0xb7: {  	s17 =	sor.u32 $0x1C20, s13;
	[tilespmem:s12+$0xFFFFFFE0] =	vst v4  }
0xb8: {  	v4 =	vld [tilespmem:s17+$0x680];
	_ =	sdelay $0x4  }
0xb9: {  	s17 =	sor.u32 $0x1C30, s13;
	[tilespmem:s12+$0xFFFFFFF0] =	vst v4  }
0xba: {  	v4 =	vld [tilespmem:s17+$0x680];
	_ =	sdelay $0x4  }
0xbb: {  	s17 =	sor.u32 $0x1C40, s13;
	[tilespmem:s12+$0x0] =	vst v4  }
0xbc: {  	v4 =	vld [tilespmem:s17+$0x680];
	_ =	sdelay $0x4  }
0xbd: {  	s17 =	sor.u32 $0x1C50, s13;
	[tilespmem:s12+$0x10] =	vst v4  }
0xbe: {  	v4 =	vld [tilespmem:s17+$0x680];
	_ =	sdelay $0x4  }
0xbf: {  	s13 =	sor.u32 $0x1C60, s13;
	[tilespmem:s12+$0x20] =	vst v4;
	v4 =	vperm.xlane v4, v3  }
0xc0: {  	v5 =	vld.msk [tilespmem:s13+$0x680], $0xff  }
.Ltmp0:
0xc1: {  	(pc) =	sbr.rel @p0 .LBB2_3-.Ltmp0, $3  }
0xc2: {  	_ =	sdelay $0x1  }
0xc3: {  	s19 =	sadd.s32 $0x1, s19  }
0xc4: {  	s28 =	sadd.s32 $0x80, s28;
	s13 =	sand.u32 $0x7, s19;
	v5 =	vperm.xlane v5, v3  }
0xc5: {  	s13 =	sshll.u32 s13, $0x7;
	s0 =	sadd.s32 $0x400, s0  }
0xc6: {  	s0 =	sadd.s32 s13, s0;
	v4 =	vsel vm1, v4, v5  }
0xc7: {  	s13 =	sor.u32 $0x1C00, s0;
	[tilespmem:s12+$0x28] =	vst v4  }
0xc8: {  	v4 =	vld [tilespmem:s13+$0x680];
	_ =	sdelay $0x3  }
0xc9: {  	s12 =	sadd.s32 $0x80, s12  }
0xca: {  	s28 =	sor.u32 $0x1C10, s0;
	[tilespmem:s12+$0xFFFFFFD0] =	vst v4  }
0xcb: {  	v4 =	vld [tilespmem:s28+$0x680];
	_ =	sdelay $0x4  }
0xcc: {  	s17 =	sor.u32 $0x1C20, s0;
	[tilespmem:s12+$0xFFFFFFE0] =	vst v4  }
0xcd: {  	v4 =	vld [tilespmem:s17+$0x680];
	_ =	sdelay $0x4  }
0xce: {  	s19 =	sor.u32 $0x1C30, s0;
	[tilespmem:s12+$0xFFFFFFF0] =	vst v4  }
0xcf: {  	v4 =	vld [tilespmem:s19+$0x680];
	_ =	sdelay $0x4  }
0xd0: {  	s28 =	sor.u32 $0x1C40, s0;
	[tilespmem:s12+$0x0] =	vst v4  }
0xd1: {  	v4 =	vld [tilespmem:s28+$0x680];
	_ =	sdelay $0x4  }
0xd2: {  	s17 =	sor.u32 $0x1C50, s0;
	[tilespmem:s12+$0x10] =	vst v4  }
0xd3: {  	v4 =	vld [tilespmem:s17+$0x680];
	_ =	sdelay $0x4  }
0xd4: {  	s0 =	sor.u32 $0x1C60, s0;
	[tilespmem:s12+$0x20] =	vst v4  }
0xd5: {  	v5 =	vld.msk [tilespmem:s0+$0x680], $0xff;
	_ =	sdelay $0x4  }
0xd6: {  	v4 =	vperm.xlane v4, v3;
	v5 =	vperm.xlane v5, v3;
	_ =	sdelay $0x1  }
0xd7: {  	v4 =	vsel vm1, v4, v5  }
0xd8: {  	s19 =	sadd.s32 s11, s10;
	s28 =	simm.s32 $0x14680;
	[tilespmem:s12+$0x28] =	vst v4  }
0xd9: {  	[hbm4b:s19+s16] =	stream.strided.scatter [tilespmem:s28], [sflag:$0x5], $0x1400, s18, s16, $0x38;
	[tilespmem:$0x16E80] =	vst v63  }
0xda: {  	p0 =	seq.s32 s29, $0x13;
	_ =	swait.ge [sflag:s22], $0x8C00  }
.Ltmp1:
0xdb: {  	[sflag:s22] =	ssyncset.done $0x0;
	(pc) =	sbr.rel @p0 .LBB2_6-.Ltmp1, $4  }
0xdc: {  	[sflag:s22] =	ssyncadd.s32 $0xFFFF7400  }
0xdd: {  	_ =	swait.ge [sflag:s23], $0x1400  }
0xde: {  	[sflag:s23] =	ssyncset.done $0x0  }
0xdf: {  	[sflag:s23] =	ssyncadd.s32 $0xFFFFEC00  }
0xe0: {  	s0 =	smul.u32 $0x140, s29;
	_ =	sdelay $0x1  }
0xe1: {  	s0 =	sshra.s32 s0, $0x2  }
0xe2: {  	v4 =	vld [tilespmem:s0+$0x50];
	_ =	sdelay $0x4  }
0xe3: {  	v5 =	vshll.u32 v4, $0x3  }
0xe4: {  	v4 =	vand.u32 $0x7, v4;
	v5 =	vand.u32 $0xFFFFFFC0, v5  }
0xe5: {  	v4 =	vor.u32 v4, v5  }
0xe6: {  	v5 =	vperm.xlane v4, v0;
	_ =	sdelay $0x1  }
0xe7: {  	v5 =	vadd.s32 v1, v5;
	_ =	sdelay $0x3  }
0xe8: {  	s11 =	simm.s32 $0x680  }
0xe9: {  	[tilespmem:s11], [sflag:$0x1] =	stream.indirect_vreg.gather [hbm4b:s5+s4], $0x80, v5, vm0, $0xb8;
	[tilespmem:$0x16E80] =	vst v63  }
0xea: {  	s28 =	simm.s32 $0xE80;
	v4 =	vperm.xlane v4, v2  }
0xeb: {  	[tilespmem:s28], [sflag:$0x1] =	stream.indirect_vreg.gather [hbm4b:s7+s4], $0x80, v5, vm0, $0xb8;
	[tilespmem:$0x16E80] =	vst v63  }
0xec: {  	s12 =	simm.s32 $0x1680;
	v4 =	vadd.s32 v1, v4  }
0xed: {  	[tilespmem:s12], [sflag:$0x1] =	stream.indirect_vreg.gather [hbm4b:s8+s4], $0x80, v5, vm0, $0xb8;
	[tilespmem:$0x16E80] =	vst v63  }
0xee: {  	s13 =	simm.s32 $0x1E80  }
0xef: {  	[tilespmem:s13], [sflag:$0x1] =	stream.indirect_vreg.gather [hbm4b:s9+s4], $0x80, v5, vm0, $0xb8;
	[tilespmem:$0x16E80] =	vst v63  }
0xf0: {  	s17 =	simm.s32 $0x2680  }
0xf1: {  	[tilespmem:s17], [sflag:$0x1] =	stream.indirect_vreg.gather [hbm4b:s5+s4], $0x80, v4, vm0, $0xb8;
	[tilespmem:$0x16E80] =	vst v63  }
0xf2: {  	s19 =	simm.s32 $0x2E80  }
0xf3: {  	[tilespmem:s19], [sflag:$0x1] =	stream.indirect_vreg.gather [hbm4b:s7+s4], $0x80, v4, vm0, $0xb8;
	[tilespmem:$0x16E80] =	vst v63  }
0xf4: {  	s28 =	simm.s32 $0x3680  }
0xf5: {  	[tilespmem:s28], [sflag:$0x1] =	stream.indirect_vreg.gather [hbm4b:s8+s4], $0x80, v4, vm0, $0xb8;
	[tilespmem:$0x16E80] =	vst v63  }
0xf6: {  	s12 =	simm.s32 $0x3E80  }
0xf7: {  	[tilespmem:s12], [sflag:$0x1] =	stream.indirect_vreg.gather [hbm4b:s9+s4], $0x80, v4, vm0, $0xb8;
	[tilespmem:$0x16E80] =	vst v63  }
0xf8: {  	v4 =	vld [tilespmem:s0+$0x60];
	_ =	sdelay $0x4  }
0xf9: {  	v5 =	vshll.u32 v4, $0x3  }
0xfa: {  	v4 =	vand.u32 $0x7, v4;
	v5 =	vand.u32 $0xFFFFFFC0, v5  }
0xfb: {  	v4 =	vor.u32 v4, v5  }
0xfc: {  	v5 =	vperm.xlane v4, v0;
	_ =	sdelay $0x1  }
0xfd: {  	v5 =	vadd.s32 v1, v5;
	_ =	sdelay $0x4  }
0xfe: {  	[tilespmem:s21], [sflag:$0x1] =	stream.indirect_vreg.gather [hbm4b:s5+s4], $0x80, v5, vm0, $0xb8;
	[tilespmem:$0x16E80] =	vst v63  }
0xff: {  	s13 =	simm.s32 $0x4E80;
	v4 =	vperm.xlane v4, v2  }
0x100: {  	[tilespmem:s13], [sflag:$0x1] =	stream.indirect_vreg.gather [hbm4b:s7+s4], $0x80, v5, vm0, $0xb8;
	[tilespmem:$0x16E80] =	vst v63  }
0x101: {  	s17 =	simm.s32 $0x5680;
	v4 =	vadd.s32 v1, v4  }
0x102: {  	[tilespmem:s17], [sflag:$0x1] =	stream.indirect_vreg.gather [hbm4b:s8+s4], $0x80, v5, vm0, $0xb8;
	[tilespmem:$0x16E80] =	vst v63  }
0x103: {  	s19 =	simm.s32 $0x5E80  }
0x104: {  	[tilespmem:s19], [sflag:$0x1] =	stream.indirect_vreg.gather [hbm4b:s9+s4], $0x80, v5, vm0, $0xb8;
	[tilespmem:$0x16E80] =	vst v63  }
0x105: {  	_ = 	snop  }
0x106: {  	[tilespmem:s25], [sflag:$0x1] =	stream.indirect_vreg.gather [hbm4b:s5+s4], $0x80, v4, vm0, $0xb8;
	[tilespmem:$0x16E80] =	vst v63  }
0x107: {  	s28 =	simm.s32 $0x6E80  }
0x108: {  	[tilespmem:s28], [sflag:$0x1] =	stream.indirect_vreg.gather [hbm4b:s7+s4], $0x80, v4, vm0, $0xb8;
	[tilespmem:$0x16E80] =	vst v63  }
0x109: {  	s12 =	simm.s32 $0x7680  }
0x10a: {  	[tilespmem:s12], [sflag:$0x1] =	stream.indirect_vreg.gather [hbm4b:s8+s4], $0x80, v4, vm0, $0xb8;
	[tilespmem:$0x16E80] =	vst v63  }
0x10b: {  	s13 =	simm.s32 $0x7E80  }
0x10c: {  	[tilespmem:s13], [sflag:$0x1] =	stream.indirect_vreg.gather [hbm4b:s9+s4], $0x80, v4, vm0, $0xb8;
	[tilespmem:$0x16E80] =	vst v63  }
0x10d: {  	v4 =	vld.msk [tilespmem:s0+$0x70], $0xff;
	_ =	sdelay $0x4  }
0x10e: {  	v5 =	vshll.u32 v4, $0x3  }
0x10f: {  	v4 =	vand.u32 $0x7, v4;
	v5 =	vand.u32 $0xFFFFFFC0, v5  }
0x110: {  	v4 =	vor.u32 v4, v5  }
0x111: {  	v4 =	vperm.xlane v4, v0;
	_ =	sdelay $0x1  }
0x112: {  	v4 =	vadd.s32 v1, v4;
	_ =	sdelay $0x4  }
0x113: {  	[tilespmem:s30], [sflag:$0x1] =	stream.indirect_vreg.gather [hbm4b:s5+s4], $0x80, v4, vm0, $0xb8;
	[tilespmem:$0x16E80] =	vst v63  }
0x114: {  	s17 =	simm.s32 $0x8E80  }
0x115: {  	[tilespmem:s17], [sflag:$0x1] =	stream.indirect_vreg.gather [hbm4b:s7+s4], $0x80, v4, vm0, $0xb8;
	[tilespmem:$0x16E80] =	vst v63  }
0x116: {  	s19 =	simm.s32 $0x9680  }
0x117: {  	[tilespmem:s19], [sflag:$0x1] =	stream.indirect_vreg.gather [hbm4b:s8+s4], $0x80, v4, vm0, $0xb8;
	[tilespmem:$0x16E80] =	vst v63  }
0x118: {  	s28 =	simm.s32 $0x9E80  }
0x119: {  	[tilespmem:s28], [sflag:$0x1] =	stream.indirect_vreg.gather [hbm4b:s9+s4], $0x80, v4, vm0, $0xb8;
	[tilespmem:$0x16E80] =	vst v63  }
.LBB2_6:
0x11a: {  	s0 =	smul.u32 $0x28, s31;
	_ =	sdelay $0x1  }
0x11b: {  	s0 =	sadd.s32 s3, s0  }
0x11c: {  	s11 =	smulhi.u32 $0x51EB851F, s0;
	_ =	sdelay $0x1  }
0x11d: {  	s11 =	sshrl.u32 s11, $0x6  }
0x11e: {  	s12 =	smul.u32 $0xC8, s11;
	_ =	sdelay $0x1  }
0x11f: {  	s11 =	smul.u32 $0x32000, s11;
	s0 =	ssub.s32 s0, s12  }
0x120: {  	s0 =	sshll.u32 s0, $0xA  }
0x121: {  	_ =	swait.ge [sflag:s24], $0xA000;
	s0 =	sadd.s32 s0, s11  }
0x122: {  	[sflag:s24] =	ssyncset.done $0x0;
	s0 =	sshrl.u32 s0, $0x3  }
0x123: {  	[sflag:s24] =	ssyncadd.s32 $0xFFFF6000;
	s11 =	simm.s32 $0x0;
	s17 =	sadd.s32 s2, s0  }
0x124: {  	[hbm4b:s17+s11] =	stream.linear.scatter [tilespmem:s6], [sflag:$0x4], $0x1C00, $0x38;
	[tilespmem:$0x16E80] =	vst v63  }
0x125: {  	s13 =	sadd.s32 $0x400, s17  }
0x126: {  	[hbm4b:s13+s11] =	stream.linear.scatter [tilespmem:s15], [sflag:$0x4], $0x1C00, $0x38;
	[tilespmem:$0x16E80] =	vst v63  }
0x127: {  	s19 =	sadd.s32 $0x800, s17  }
0x128: {  	[hbm4b:s19+s11] =	stream.linear.scatter [tilespmem:s20], [sflag:$0x4], $0x1C00, $0x38;
	[tilespmem:$0x16E80] =	vst v63  }
0x129: {  	s31 =	sadd.s32 $0xC00, s17  }
0x12a: {  	[hbm4b:s31+s11] =	stream.linear.scatter [tilespmem:s26], [sflag:$0x4], $0x1C00, $0x38;
	[tilespmem:$0x16E80] =	vst v63  }
0x12b: {  	s12 =	sadd.s32 $0x1000, s17;
	s17 =	sand.u32 $0x7, s11  }
0x12c: {  	[hbm4b:s12+s11] =	stream.linear.scatter [tilespmem:s1], [sflag:$0x4], $0x1C00, $0x38;
	[tilespmem:$0x16E80] =	vst v63  }
0x12d: {  	s12 =	sshll.u32 s17, $0x7  }
0x12e: {  	s13 =	sadd.s32 $0x0, s12  }
0x12f: {  	s12 =	sor.u32 $0x1C00, s13  }
0x130: {  	v4 =	vld [tilespmem:s12+$0xA680];
	_ =	sdelay $0x3  }
0x131: {  	s12 =	simm.s32 $0x15AB0  }
0x132: {  	s17 =	sor.u32 $0x1C10, s13;
	[tilespmem:s12+$0xFFFFFFD0] =	vst v4  }
0x133: {  	v4 =	vld [tilespmem:s17+$0xA680];
	_ =	sdelay $0x4  }
0x134: {  	s19 =	sor.u32 $0x1C20, s13;
	[tilespmem:s12+$0xFFFFFFE0] =	vst v4  }
0x135: {  	v4 =	vld [tilespmem:s19+$0xA680];
	_ =	sdelay $0x4  }
0x136: {  	s31 =	sor.u32 $0x1C30, s13;
	[tilespmem:s12+$0xFFFFFFF0] =	vst v4  }
0x137: {  	v4 =	vld [tilespmem:s31+$0xA680];
	_ =	sdelay $0x4  }
0x138: {  	s19 =	sor.u32 $0x1C40, s13;
	[tilespmem:s12+$0x0] =	vst v4  }
0x139: {  	v4 =	vld [tilespmem:s19+$0xA680];
	_ =	sdelay $0x4  }
0x13a: {  	s31 =	sor.u32 $0x1C50, s13;
	[tilespmem:s12+$0x10] =	vst v4  }
0x13b: {  	v4 =	vld [tilespmem:s31+$0xA680];
	_ =	sdelay $0x4  }
0x13c: {  	s13 =	sor.u32 $0x1C60, s13;
	[tilespmem:s12+$0x20] =	vst v4  }
0x13d: {  	v5 =	vld.msk [tilespmem:s13+$0xA680], $0xff;
	_ =	sdelay $0x3  }
0x13e: {  	s19 =	simm.s32 $0x1  }
0x13f: {  	s28 =	simm.s32 $0x100;
	v4 =	vperm.xlane v4, v3;
	s13 =	sand.u32 $0x7, s19;
	v5 =	vperm.xlane v5, v3  }
.LBB2_7:
0x140: {  	p0 =	sne.s32 s28, $0x1380;
	s13 =	sshll.u32 s13, $0x7;
	s11 =	sadd.s32 $0x400, s11  }
0x141: {  	s13 =	sadd.s32 s13, s11;
	v4 =	vsel vm1, v4, v5  }
0x142: {  	s17 =	sor.u32 $0x1C00, s13;
	[tilespmem:s12+$0x28] =	vst v4  }
0x143: {  	v4 =	vld [tilespmem:s17+$0xA680];
	_ =	sdelay $0x3  }
0x144: {  	s12 =	sadd.s32 $0x80, s12  }
0x145: {  	s17 =	sor.u32 $0x1C10, s13;
	[tilespmem:s12+$0xFFFFFFD0] =	vst v4  }
0x146: {  	v4 =	vld [tilespmem:s17+$0xA680];
	_ =	sdelay $0x4  }
0x147: {  	s17 =	sor.u32 $0x1C20, s13;
	[tilespmem:s12+$0xFFFFFFE0] =	vst v4  }
0x148: {  	v4 =	vld [tilespmem:s17+$0xA680];
	_ =	sdelay $0x4  }
0x149: {  	s17 =	sor.u32 $0x1C30, s13;
	[tilespmem:s12+$0xFFFFFFF0] =	vst v4  }
0x14a: {  	v4 =	vld [tilespmem:s17+$0xA680];
	_ =	sdelay $0x4  }
0x14b: {  	s17 =	sor.u32 $0x1C40, s13;
	[tilespmem:s12+$0x0] =	vst v4  }
0x14c: {  	v4 =	vld [tilespmem:s17+$0xA680];
	_ =	sdelay $0x4  }
0x14d: {  	s17 =	sor.u32 $0x1C50, s13;
	[tilespmem:s12+$0x10] =	vst v4  }
0x14e: {  	v4 =	vld [tilespmem:s17+$0xA680];
	_ =	sdelay $0x4  }
0x14f: {  	s13 =	sor.u32 $0x1C60, s13;
	[tilespmem:s12+$0x20] =	vst v4;
	v4 =	vperm.xlane v4, v3  }
0x150: {  	v5 =	vld.msk [tilespmem:s13+$0xA680], $0xff  }
.Ltmp2:
0x151: {  	(pc) =	sbr.rel @p0 .LBB2_7-.Ltmp2, $3  }
0x152: {  	_ =	sdelay $0x1  }
0x153: {  	s19 =	sadd.s32 $0x1, s19  }
0x154: {  	s28 =	sadd.s32 $0x80, s28;
	s13 =	sand.u32 $0x7, s19;
	v5 =	vperm.xlane v5, v3  }
0x155: {  	s13 =	sshll.u32 s13, $0x7;
	s11 =	sadd.s32 $0x400, s11  }
0x156: {  	s11 =	sadd.s32 s13, s11;
	v4 =	vsel vm1, v4, v5  }
0x157: {  	s13 =	sor.u32 $0x1C00, s11;
	[tilespmem:s12+$0x28] =	vst v4  }
0x158: {  	v4 =	vld [tilespmem:s13+$0xA680];
	_ =	sdelay $0x3  }
0x159: {  	s12 =	sadd.s32 $0x80, s12  }
0x15a: {  	s28 =	sor.u32 $0x1C10, s11;
	[tilespmem:s12+$0xFFFFFFD0] =	vst v4  }
0x15b: {  	v4 =	vld [tilespmem:s28+$0xA680];
	_ =	sdelay $0x4  }
0x15c: {  	s31 =	sor.u32 $0x1C20, s11;
	[tilespmem:s12+$0xFFFFFFE0] =	vst v4  }
0x15d: {  	v4 =	vld [tilespmem:s31+$0xA680];
	_ =	sdelay $0x4  }
0x15e: {  	s17 =	sor.u32 $0x1C30, s11;
	[tilespmem:s12+$0xFFFFFFF0] =	vst v4  }
0x15f: {  	v4 =	vld [tilespmem:s17+$0xA680];
	_ =	sdelay $0x4  }
0x160: {  	s19 =	sor.u32 $0x1C40, s11;
	[tilespmem:s12+$0x0] =	vst v4  }
0x161: {  	v4 =	vld [tilespmem:s19+$0xA680];
	_ =	sdelay $0x4  }
0x162: {  	s28 =	sor.u32 $0x1C50, s11;
	[tilespmem:s12+$0x10] =	vst v4  }
0x163: {  	v4 =	vld [tilespmem:s28+$0xA680];
	_ =	sdelay $0x4  }
0x164: {  	s11 =	sor.u32 $0x1C60, s11;
	[tilespmem:s12+$0x20] =	vst v4  }
0x165: {  	v5 =	vld.msk [tilespmem:s11+$0xA680], $0xff;
	_ =	sdelay $0x2  }
0x166: {  	s29 =	sadd.s32 $0x1, s29  }
0x167: {  	p0 =	sne.s32 s29, $0x14  }
.Ltmp3:
0x168: {  	v4 =	vperm.xlane v4, v3;
	v5 =	vperm.xlane v5, v3;
	(pc) =	sbr.rel @p0 .LBB2_2-.Ltmp3, $4  }
0x169: {  	_ = 	snop  }
0x16a: {  	v4 =	vsel vm1, v4, v5  }
0x16b: {  	s0 =	sadd.s32 s0, s10;
	s31 =	simm.s32 $0x15A80;
	[tilespmem:s12+$0x28] =	vst v4  }
0x16c: {  	[hbm4b:s0+s16] =	stream.strided.scatter [tilespmem:s31], [sflag:$0x6], $0x1400, s18, s16, $0x38;
	[tilespmem:$0x16E80] =	vst v63  }
0x16d: {  	s0 =	simm.s32 $0x4  }
0x16e: {  	_ =	swait.ge [sflag:s0], $0x8C00  }
0x16f: {  	[sflag:s0] =	ssyncset.done $0x0  }
0x170: {  	s11 =	simm.s32 $0x6;
	[sflag:s0] =	ssyncadd.s32 $0xFFFF7400  }
0x171: {  	_ =	swait.ge [sflag:s11], $0x1400  }
0x172: {  	s12 =	rddreg [dreg:$0x5]  }
0x173: {  	s31 =	rddreg [dreg:$0x4];
	s12 =	sadd.s32 $0x1, s12  }
0x174: {  	p0 =	sne.s32 s12, s31  }
.Ltmp4:
0x175: {  	_ = 	snop;
	(pc) =	sbr.rel @p0 .LBB2_1-.Ltmp4, $3  }
0x176: {  	_ =	sdelay $0x1  }
0x177: {  	[sflag:s11] =	ssyncset.done $0x0  }
0x178: {  	[sflag:s11] =	ssyncadd.s32 $0xFFFFEC00  }
0x179: {  	_ =	sfence.sel $0x180000  }
0x17a: {  	[bflag:$0x0] =	sbarrier.arrive $0xFFFF  }
0x17b: {  	_ =	strace $0x90000050  }
0x17c: {  	s0 =	stileid.u32;
	[bflag:$0x2] =	sbarrier.arrive $0xFFFF  }
0x17d: {  	p0 =	sne.s32 s0, $0x0;
	s0 =	rddreg [dreg:$0x2]  }
0x17e: {  	s0 =	sadd.s32 @!p0 $0x100000, s0  }
0x17f: {  	[sflag:s0] =	ssyncadd.tile.s32 @!p0 $0x1;
	_ =	shalt  }
.Lfunc_end2:
_tile_overlayer_lowered:
.L_overlay_start_2:
0x180: {  	(tag) =	ssettag $0x2  }
0x181: {  	s0 =	rddreg [dreg:$0x0];
	s2 =	stileid.u32  }
0x182: {  	s1 =	rddreg [dreg:$0x1];
	p0 =	sne.s32 s2, $0x0  }
0x183: {  	s3 =	rddreg [dreg:$0x2];
	[bflag:$0x3] =	sbarrier.arrive $0xFFFF;
	s2 =	simm.s32 @!p0 $0x1C07  }
0x184: {  	[timem:s3], [sflag:s2] =	dma.local @!p0 [hbm:s0], s1  }
0x185: {  	s0 =	simm.s32 @!p0 $0x7  }
0x186: {  	_ =	swait.ge @!p0 [sflag:s0], s1  }
0x187: {  	s1 =	ssub.s32 @!p0 $0x0, s1;
	[sflag:s0] =	ssyncset.done @!p0 $0x0  }
0x188: {  	[sflag:s0] =	ssyncadd.s32 @!p0 s1  }
0x189: {  	[bflag:$0x3] =	sbarrier.arrive $0xFFFF  }
0x18a: {  	_ =	shalt  }

// kernel: kernel.6.cloned.1.call-start
scs
__scs_entry_jumppad:
0x0: {  	(pc) =	sbr.rel $0x88, $3  }
0x1: {  	(tag) =	ssettag $0x0;
	lr =	simm.s32 $0x1  }
0x2: {  	[smem:$0x3F9F] =	sst lr;
	_ =	strace $0xD0000000  }
0x3: {  	_ = 	snop  }
0x4: {  	_ = 	snop  }
0x5: {  	_ = 	snop  }
0x6: {  	_ = 	snop  }
0x7: {  	_ = 	snop  }
__scs_overlays_trampoline_lowered:
0x8: {  	[smem:$0x3FAE] =	sst s0  }
0x9: {  	[smem:$0x3FAF] =	sst s1  }
0xa: {  	[smem:$0x3FB0] =	sst s2  }
0xb: {  	[smem:$0x3FB1] =	sst s3  }
0xc: {  	[smem:$0x3FB2] =	sst s4  }
0xd: {  	[smem:$0x3FB3] =	sst s5  }
0xe: {  	[smem:$0x3FB4] =	sst s6  }
0xf: {  	[smem:$0x3FB5] =	sst s7  }
0x10: {  	[smem:$0x3FB6] =	sst s8  }
0x11: {  	[smem:$0x3FB7] =	sst s9;
	s0 =	simm.s32 @!p0 $0x0  }
0x12: {  	s1 =	sld [smem:$0x3F9D];
	s0 =	simm.s32 @p0 $0x1  }
0x13: {  	[smem:$0x3FB8] =	sst s0;
	s0 =	simm.s32 @!p1 $0x0  }
0x14: {  	s2 =	sld [smem:$0x3F9C];
	s0 =	simm.s32 @p1 $0x1  }
0x15: {  	[smem:$0x3FB9] =	sst s0;
	s0 =	simm.s32 @!p2 $0x0  }
0x16: {  	s3 =	sld [smem:$0x3FDB];
	s0 =	simm.s32 @p2 $0x1  }
0x17: {  	s4 =	simm.s32 $0x1BF5;
	[smem:$0x3FBB] =	sst s0  }
0x18: {  	s0 =	sld [smem:$0x3F9E];
	_ =	swait.ge [sflag:s4], $0x0  }
0x19: {  	s7 =	sld [smem:$0x3F9F]  }
0x1a: {  	s8 =	sadd.s32 $0xFFFFE003, lr  }
0x1b: {  	s9 =	sadd.s32 $0xFFFFFEF7, lr;
	s5 =	simm.s32 $0xFFFFFFFF;
	p2 =	slt.u32 s8, $0xFFFFF086  }
0x1c: {  	p1 =	slt.u32 s9, $0xF7A;
	s5 =	simm.s32 @!p2 $0x0  }
0x1d: {  	s5 =	simm.s32 @p1 $0x1;
	p0 =	seq.s32 s7, s2  }
0x1e: {  	s7 =	smul.u32 @!p0 $0xF7A, s2;
	p2 =	seq.s32 @!p0 s5, $0x0  }
0x1f: {  	s9 =	smul.u32 $0xF7A, s1;
	s8 =	simm.s32 @!p0 $0x1BF5;
	p2 =	por !p2, p0  }
0x20: {  	[sflag:s8] =	ssyncset.s32 @!p0 $0xFFFFF086;
	s6 =	sadd.s32 @!p0 s3, s7;
	s7 =	simm.s32 @!p0 $0x108  }
0x21: {  	s3 =	sadd.s32 s3, s9;
	s6 =	sadd.s32 @!p0 $0x88, s6;
	s7 =	simm.s32 @p2 $0x1082  }
0x22: {  	[simem:s7], [sflag:s8] =	dma.local @!p0 [hbm:s6], $0xF7A  }
0x23: {  	s9 =	sor.u32 $0xD0000000, s2;
	s6 =	simm.s32 $0x108;
	_ =	swait.ge @!p0 [sflag:s8], $0x0  }
0x24: {  	s3 =	sadd.s32 $0x88, s3;
	s6 =	simm.s32 @!p1 $0x1082;
	[sflag:s4] =	ssyncset.s32 $0xFFFFF086  }
0x25: {  	[simem:s6], [sflag:s4] =	dma.local [hbm:s3], $0xF7A  }
0x26: {  	[smem:$0x3F9F] =	sst s1;
	(tag) =	ssettag s2;
	_ =	strace s9  }
0x27: {  	s1 =	sld [smem:$0x3FAF]  }
0x28: {  	s2 =	sld [smem:$0x3FB0]  }
0x29: {  	s4 =	sld [smem:$0x3FB2]  }
0x2a: {  	p0 =	seq.s32 s5, $0x0;
	s5 =	sld [smem:$0x3FB3]  }
0x2b: {  	s6 =	sld [smem:$0x3FB4]  }
0x2c: {  	s7 =	sld [smem:$0x3FB5]  }
0x2d: {  	s3 =	simm.s32 $0x108;
	s8 =	sld [smem:$0x3FB6]  }
0x2e: {  	s3 =	simm.s32 @!p0 $0x1082;
	s9 =	sld [smem:$0x3FB7]  }
0x2f: {  	lr =	sadd.s32 s0, s3;
	s0 =	sld [smem:$0x3FAE]  }
0x30: {  	s3 =	sld [smem:$0x3FB1]  }
0x31: {  	[smem:$0x3FBA] =	sst s10  }
0x32: {  	s10 =	sld [smem:$0x3FB8];
	_ =	sdelay $0x3  }
0x33: {  	p0 =	seq.s32 s10, $0x1;
	s10 =	sld [smem:$0x3FBA];
	_ =	sdelay $0x3  }
0x34: {  	[smem:$0x3FBA] =	sst s10  }
0x35: {  	s10 =	sld [smem:$0x3FB9];
	_ =	sdelay $0x3  }
0x36: {  	p1 =	seq.s32 s10, $0x1;
	s10 =	sld [smem:$0x3FBA];
	_ =	sdelay $0x3  }
0x37: {  	[smem:$0x3FBA] =	sst s10  }
0x38: {  	s10 =	sld [smem:$0x3FBB]  }
0x39: {  	_ = 	snop;
	(pc) =	sbr.ind lr, $3  }
0x3a: {  	_ = 	snop  }
0x3b: {  	_ = 	snop  }
0x3c: {  	p2 =	seq.s32 s10, $0x1;
	s10 =	sld [smem:$0x3FBA]  }
0x3d: {  	_ =	shalt  }
0x3e: {  	_ =	shalt  }
0x3f: {  	_ =	shalt  }
0x40: {  	_ =	shalt  }
0x41: {  	_ =	shalt  }
0x42: {  	_ =	shalt  }
0x43: {  	_ =	shalt  }
0x44: {  	_ =	shalt  }
0x45: {  	_ =	shalt  }
0x46: {  	_ =	shalt  }
0x47: {  	_ =	shalt  }
0x48: {  	_ =	shalt  }
0x49: {  	_ =	shalt  }
0x4a: {  	_ =	shalt  }
0x4b: {  	_ =	shalt  }
0x4c: {  	_ =	shalt  }
0x4d: {  	_ =	shalt  }
0x4e: {  	_ =	shalt  }
0x4f: {  	_ =	shalt  }
0x50: {  	_ =	shalt  }
0x51: {  	_ =	shalt  }
0x52: {  	_ =	shalt  }
0x53: {  	_ =	shalt  }
0x54: {  	_ =	shalt  }
0x55: {  	_ =	shalt  }
0x56: {  	_ =	shalt  }
0x57: {  	_ =	shalt  }
0x58: {  	_ =	shalt  }
0x59: {  	_ =	shalt  }
0x5a: {  	_ =	shalt  }
0x5b: {  	_ =	shalt  }
0x5c: {  	_ =	shalt  }
0x5d: {  	_ =	shalt  }
0x5e: {  	_ =	shalt  }
0x5f: {  	_ =	shalt  }
0x60: {  	_ =	shalt  }
0x61: {  	_ =	shalt  }
0x62: {  	_ =	shalt  }
0x63: {  	_ =	shalt  }
0x64: {  	_ =	shalt  }
0x65: {  	_ =	shalt  }
0x66: {  	_ =	shalt  }
0x67: {  	_ =	shalt  }
0x68: {  	_ =	shalt  }
0x69: {  	_ =	shalt  }
0x6a: {  	_ =	shalt  }
0x6b: {  	_ =	shalt  }
0x6c: {  	_ =	shalt  }
0x6d: {  	_ =	shalt  }
0x6e: {  	_ =	shalt  }
0x6f: {  	_ =	shalt  }
0x70: {  	_ =	shalt  }
0x71: {  	_ =	shalt  }
0x72: {  	_ =	shalt  }
0x73: {  	_ =	shalt  }
0x74: {  	_ =	shalt  }
0x75: {  	_ =	shalt  }
0x76: {  	_ =	shalt  }
0x77: {  	_ =	shalt  }
0x78: {  	_ =	shalt  }
0x79: {  	_ =	shalt  }
0x7a: {  	_ =	shalt  }
0x7b: {  	_ =	shalt  }
0x7c: {  	_ =	shalt  }
0x7d: {  	_ =	shalt  }
0x7e: {  	_ =	shalt  }
0x7f: {  	_ =	shalt  }
0x80: {  	_ =	shalt  }
0x81: {  	_ =	shalt  }
0x82: {  	_ =	shalt  }
0x83: {  	_ =	shalt  }
0x84: {  	_ =	shalt  }
0x85: {  	_ =	shalt  }
0x86: {  	_ =	shalt  }
0x87: {  	_ =	shalt  }
.Lfunc_end0:
.L_simem_size_0:
called_computation.1_lowered:
.L_overlay_start_0:
0x88: {  	s2 =	sld [smem:$0x3FD9]  }
0x89: {  	s3 =	sld [smem:$0x3FFE];
	_ =	sdelay $0x1  }
0x8a: {  	s1 =	srdreg.scid  }
0x8b: {  	s0 =	sand.u32 $0x1, s1  }
0x8c: {  	s16 =	sshll.u32 s0, $0xA;
	s2 =	sadd.s32 s3, s2  }
0x8d: {  	s2 =	sadd.s32 s2, s16  }
0x8e: {  	[smem:$0x3FC6] =	sst s2  }
0x8f: {  	_ = 	snop  }
0x90: {  	(tm) =	ssettm $0x1  }
0x91: {  	s17 =	sld [smem:$0x3FFB];
	_ =	sdelay $0x3  }
0x92: {  	_ =	strace s17  }
0x93: {  	s2 =	sld [smem:$0x3FFC];
	_ =	sdelay $0x3  }
0x94: {  	_ =	strace s2  }
0x95: {  	s2 =	sld [smem:$0x3FFD];
	_ =	sdelay $0x3  }
0x96: {  	_ =	strace s2  }
0x97: {  	_ =	strace $0x8FFFFFFF  }
0x98: {  	s18 =	sld [smem:$0x3FDB];
	_ =	sdelay $0x1  }
0x99: {  	s19 =	simm.s32 $_scs_section_size  }
0x9a: {  	s4 =	simm.s32 $_size__tile_overlayer_lowered;
	s5 =	simm.s32 $_tile_overlayer_lowered  }
0x9b: {  	s22 =	simm.s32 $0x1BFF;
	s21 =	sshll.u32 s5, $0x1;
	s2 =	sadd.s32 s19, s18  }
0x9c: {  	s6 =	simm.s32 $0x0;
	s20 =	sshll.u32 s4, $0x1;
	s4 =	sadd.s32 s21, s2  }
0x9d: {  	[timem:s6], [sflag:s22] =	dma.local [hbm:s4], s20  }
0x9e: {  	_ =	swait.ge [sflag:s22], s20  }
0x9f: {  	s3 =	ssub.s32 $0x0, s20;
	[sflag:s22] =	ssyncset.done $0x0  }
0xa0: {  	[sflag:s22] =	ssyncadd.s32 s3;
	_ =	sdelay $0x1  }
0xa1: {  	s23 =	simm.s32 $0x1B8B  }
0xa2: {  	_ =	swait.ge [sflag:s23], $0x1  }
0xa3: {  	[sflag:s23] =	ssyncset.done $0x0  }
0xa4: {  	s25 =	simm.s32 $0x1B8E;
	s24 =	sld [smem:$0x3FFE];
	[sflag:s23] =	ssyncadd.s32 $0xFFFFFFFF  }
0xa5: {  	s26 =	simm.s32 $execute0_lowered;
	[smem:$0x3FD2] =	sst s25  }
0xa6: {  	s4 =	sshll.u32 s26, $0x1;
	_ =	strace $0x80000046;
	[dreg:$0x1] =	wrdreg $0xFFFFFFFF  }
0xa7: {  	s28 =	simm.s32 $_size_execute0_lowered;
	s2 =	sadd.s32 s2, s4;
	[dreg:$0x0] =	wrdreg $0x0  }
0xa8: {  	s4 =	sshll.u32 s28, $0x1;
	[dreg:$0x2] =	wrdreg s2  }
0xa9: {  	[dreg:$0x3] =	wrdreg s4  }
0xaa: {  	[dreg:$0x4] =	wrdreg $0xC0  }
0xab: {  	_ =	task [dreg:s6], $0x5FFFF  }
0xac: {  	[dreg:$0x1] =	wrdreg $0xFFFFFFFF  }
0xad: {  	[dreg:$0x0] =	wrdreg $0x60  }
0xae: {  	[dreg:$0x2] =	wrdreg s24  }
0xaf: {  	[dreg:$0x3] =	wrdreg $0x9  }
0xb0: {  	_ =	task.clear_ibuf [dreg:s6], $0x4FFFF;
	_ =	strace $0x90000046  }
0xb1: {  	s29 =	simm.s32 $0x9;
	_ =	strace $0x80000048  }
0xb2: {  	_ =	swait.ge [sflag:s29], $0x1  }
0xb3: {  	[sflag:s29] =	ssyncadd.s32 $0xFFFFFFFF  }
0xb4: {  	_ =	strace $0x90000048  }
0xb5: {  	_ =	sfence  }
0xb6: {  	s30 =	sld [smem:$0x0];
	_ =	sdelay $0x2  }
0xb7: {  	s31 =	sshll.u32 s1, $0xD;
	s1 =	sshrl.u32 s1, $0x2  }
0xb8: {  	s3 =	sand.u32 $0x4000, s31;
	s1 =	sadd.s32 s1, s30  }
0xb9: {  	s0 =	sor.u32 s3, s0;
	s1 =	sshll.u32 s1, $0x11  }
0xba: {  	s0 =	sor.u32 s1, s0  }
0xbb: {  	s0 =	sadd.s32 $0x8F2B, s0  }
0xbc: {  	[sflag:s0] =	ssyncadd.remote.s32 $0x1  }
0xbd: {  	_ =	sfence.sel $0xFFFF  }
0xbe: {  	[dreg:$0x0] =	wrdreg $0xFFFFFFFF;
	(pc) =	sbr.abs _section_cstart, $3  }
0xbf: {  	[dreg:$0x1] =	wrdreg $0xFFFFFFFF  }
0xc0: {  	_ =	task.clear_ibuf [dreg:s6], $0x2FFFF;
	_ =	strace $0x9FFFFFFF  }
0xc1: {  	(tm) =	ssettm $0x7FFFFFFF  }
tec
execute0_lowered:
.L_overlay_start_1:
0x0: {  	(tag) =	ssettag $0x1  }
0x1: {  	s0 =	srdreg.scid  }
0x2: {  	s1 =	stileid.u32;
	s6 =	rddreg [dreg:$0x0];
	s2 =	simm.s32 $0x0  }
0x3: {  	s21 =	simm.s32 $0x4680;
	s25 =	simm.s32 $0x6680;
	s30 =	simm.s32 $0x8680  }
0x4: {  	s15 =	simm.s32 $0xC680;
	s20 =	simm.s32 $0xE680;
	s26 =	simm.s32 $0x10680  }
0x5: {  	s14 =	simm.s32 $0x1;
	s16 =	simm.s32 $0x400;
	s18 =	simm.s32 $0x2000  }
0x6: {  	s22 =	simm.s32 $0x3;
	s23 =	simm.s32 $0x5;
	s24 =	simm.s32 $0x2  }
0x7: {  	s12 =	simm.s32 $0x0;
	s0 =	sand.u32 $0x1, s0;
	s1 =	sshll.u32 s1, $0x1  }
0x8: {  	v0 =	vimm.s32 $0xFEDCBA98;
	[smem:$0x7FF] =	sst s2;
	s4 =	sadd.s32 $0x3200, s6;
	s1 =	sor.u32 s0, s1  }
0x9: {  	v1 =	vimm.s32 $0x76543210;
	s5 =	sadd.s32 $0x22600, s6;
	v0 =	vunpack.c.l.s4.s8 v0;
	s0 =	ssub.s32 $0x2, s0;
	s3 =	smul.u32 $0x640, s1  }
0xa: {  	s8 =	sadd.s32 $0x3400, s6;
	s9 =	sadd.s32 $0x3500, s6;
	v1 =	vunpack.c.l.s4.s8 v1;
	s7 =	sshrl.u32 s0, $0x1  }
0xb: {  	v2 =	vlaneseq.u32;
	s10 =	sadd.s32 $0x22980, s6;
	v3 =	vunpack.c.0.s8.s32 v0;
	s0 =	ssub.s32 s0, s7;
	s1 =	sshrl.u32 s3, $0x3  }
0xc: {  	vm0 =	vmmov $0xffff;
	vm1 =	vmmov $0xff;
	_ =	strace $0x80000047;
	v5 =	vunpack.c.0.s8.s32 v1;
	s0 =	smax.u32 s0, $0x1;
	s1 =	sadd.s32 s1, s6  }
0xd: {  	v4 =	vshrl.u32 v2, $0x3;
	v0 =	vand.u32 $0x7, v2;
	s7 =	sadd.s32 $0x3300, s6;
	v3 =	vand.u32 $0xF, v3;
	[dreg:$0x3] =	wrdreg s0;
	s1 =	sadd.s32 $0x1800, s1  }
0xe: {  	v1 =	vmul.u32 $0x8, v4;
	v2 =	vor.u32 $0x8, v2;
	s6 =	simm.s32 $0xA680;
	v3 =	vcombine.low v3, v5;
	[dreg:$0x2] =	wrdreg s1;
	s1 =	simm.s32 $0x12680  }
.LBB2_1:
0xf: {  	[dreg:$0x4] =	wrdreg s12  }
0x10: {  	s0 =	rddreg [dreg:$0x2];
	s17 =	simm.s32 $0x7  }
0x11: {  	[tilespmem:s2], [sflag:$0x7] =	stream.linear.gather [hbm4b:s0+s2], $0x640, $0x38;
	[tilespmem:$0x16E80] =	vst v63  }
0x12: {  	_ =	swait.ge [sflag:s17], $0x640  }
0x13: {  	[sflag:s17] =	ssyncset.done $0x0  }
0x14: {  	[sflag:s17] =	ssyncadd.s32 $0xFFFFF9C0  }
0x15: {  	v4 =	vld [tilespmem:$0x0];
	_ =	sdelay $0x4  }
0x16: {  	v5 =	vshll.u32 v4, $0x3  }
0x17: {  	v4 =	vand.u32 $0x7, v4;
	v5 =	vand.u32 $0xFFFFFFC0, v5  }
0x18: {  	v4 =	vor.u32 v4, v5  }
0x19: {  	v5 =	vperm.xlane v4, v0;
	_ =	sdelay $0x1  }
0x1a: {  	v5 =	vadd.s32 v1, v5;
	_ =	sdelay $0x3  }
0x1b: {  	s19 =	simm.s32 $0x680  }
0x1c: {  	[tilespmem:s19], [sflag:$0x1] =	stream.indirect_vreg.gather [hbm4b:s4+s2], $0x80, v5, vm0, $0xb8;
	[tilespmem:$0x16E80] =	vst v63  }
0x1d: {  	s28 =	simm.s32 $0xE80;
	v4 =	vperm.xlane v4, v2  }
0x1e: {  	[tilespmem:s28], [sflag:$0x1] =	stream.indirect_vreg.gather [hbm4b:s7+s2], $0x80, v5, vm0, $0xb8;
	[tilespmem:$0x16E80] =	vst v63  }
0x1f: {  	s31 =	simm.s32 $0x1680;
	v4 =	vadd.s32 v1, v4  }
0x20: {  	[tilespmem:s31], [sflag:$0x1] =	stream.indirect_vreg.gather [hbm4b:s8+s2], $0x80, v5, vm0, $0xb8;
	[tilespmem:$0x16E80] =	vst v63  }
0x21: {  	s11 =	simm.s32 $0x1E80  }
0x22: {  	[tilespmem:s11], [sflag:$0x1] =	stream.indirect_vreg.gather [hbm4b:s9+s2], $0x80, v5, vm0, $0xb8;
	[tilespmem:$0x16E80] =	vst v63  }
0x23: {  	s12 =	simm.s32 $0x2680  }
0x24: {  	[tilespmem:s12], [sflag:$0x1] =	stream.indirect_vreg.gather [hbm4b:s4+s2], $0x80, v4, vm0, $0xb8;
	[tilespmem:$0x16E80] =	vst v63  }
0x25: {  	s13 =	simm.s32 $0x2E80  }
0x26: {  	[tilespmem:s13], [sflag:$0x1] =	stream.indirect_vreg.gather [hbm4b:s7+s2], $0x80, v4, vm0, $0xb8;
	[tilespmem:$0x16E80] =	vst v63  }
0x27: {  	s17 =	simm.s32 $0x3680  }
0x28: {  	[tilespmem:s17], [sflag:$0x1] =	stream.indirect_vreg.gather [hbm4b:s8+s2], $0x80, v4, vm0, $0xb8;
	[tilespmem:$0x16E80] =	vst v63  }
0x29: {  	s19 =	simm.s32 $0x3E80  }
0x2a: {  	[tilespmem:s19], [sflag:$0x1] =	stream.indirect_vreg.gather [hbm4b:s9+s2], $0x80, v4, vm0, $0xb8;
	[tilespmem:$0x16E80] =	vst v63  }
0x2b: {  	v4 =	vld [tilespmem:$0x10];
	_ =	sdelay $0x4  }
0x2c: {  	v5 =	vshll.u32 v4, $0x3  }
0x2d: {  	v4 =	vand.u32 $0x7, v4;
	v5 =	vand.u32 $0xFFFFFFC0, v5  }
0x2e: {  	v4 =	vor.u32 v4, v5  }
0x2f: {  	v5 =	vperm.xlane v4, v0;
	_ =	sdelay $0x1  }
0x30: {  	v5 =	vadd.s32 v1, v5;
	_ =	sdelay $0x4  }
0x31: {  	[tilespmem:s21], [sflag:$0x1] =	stream.indirect_vreg.gather [hbm4b:s4+s2], $0x80, v5, vm0, $0xb8;
	[tilespmem:$0x16E80] =	vst v63  }
0x32: {  	s28 =	simm.s32 $0x4E80;
	v4 =	vperm.xlane v4, v2  }
0x33: {  	[tilespmem:s28], [sflag:$0x1] =	stream.indirect_vreg.gather [hbm4b:s7+s2], $0x80, v5, vm0, $0xb8;
	[tilespmem:$0x16E80] =	vst v63  }
0x34: {  	s31 =	simm.s32 $0x5680;
	v4 =	vadd.s32 v1, v4  }
0x35: {  	[tilespmem:s31], [sflag:$0x1] =	stream.indirect_vreg.gather [hbm4b:s8+s2], $0x80, v5, vm0, $0xb8;
	[tilespmem:$0x16E80] =	vst v63  }
0x36: {  	s11 =	simm.s32 $0x5E80  }
0x37: {  	[tilespmem:s11], [sflag:$0x1] =	stream.indirect_vreg.gather [hbm4b:s9+s2], $0x80, v5, vm0, $0xb8;
	[tilespmem:$0x16E80] =	vst v63  }
0x38: {  	_ = 	snop  }
0x39: {  	[tilespmem:s25], [sflag:$0x1] =	stream.indirect_vreg.gather [hbm4b:s4+s2], $0x80, v4, vm0, $0xb8;
	[tilespmem:$0x16E80] =	vst v63  }
0x3a: {  	s12 =	simm.s32 $0x6E80  }
0x3b: {  	[tilespmem:s12], [sflag:$0x1] =	stream.indirect_vreg.gather [hbm4b:s7+s2], $0x80, v4, vm0, $0xb8;
	[tilespmem:$0x16E80] =	vst v63  }
0x3c: {  	s13 =	simm.s32 $0x7680  }
0x3d: {  	[tilespmem:s13], [sflag:$0x1] =	stream.indirect_vreg.gather [hbm4b:s8+s2], $0x80, v4, vm0, $0xb8;
	[tilespmem:$0x16E80] =	vst v63  }
0x3e: {  	s17 =	simm.s32 $0x7E80  }
0x3f: {  	[tilespmem:s17], [sflag:$0x1] =	stream.indirect_vreg.gather [hbm4b:s9+s2], $0x80, v4, vm0, $0xb8;
	[tilespmem:$0x16E80] =	vst v63  }
0x40: {  	v4 =	vld.msk [tilespmem:$0x20], $0xff;
	_ =	sdelay $0x4  }
0x41: {  	v5 =	vshll.u32 v4, $0x3  }
0x42: {  	v4 =	vand.u32 $0x7, v4;
	v5 =	vand.u32 $0xFFFFFFC0, v5  }
0x43: {  	v4 =	vor.u32 v4, v5  }
0x44: {  	v4 =	vperm.xlane v4, v0;
	_ =	sdelay $0x1  }
0x45: {  	v4 =	vadd.s32 v1, v4;
	_ =	sdelay $0x4  }
0x46: {  	[tilespmem:s30], [sflag:$0x1] =	stream.indirect_vreg.gather [hbm4b:s4+s2], $0x80, v4, vm0, $0xb8;
	[tilespmem:$0x16E80] =	vst v63  }
0x47: {  	s19 =	simm.s32 $0x8E80  }
0x48: {  	[tilespmem:s19], [sflag:$0x1] =	stream.indirect_vreg.gather [hbm4b:s7+s2], $0x80, v4, vm0, $0xb8;
	[tilespmem:$0x16E80] =	vst v63  }
0x49: {  	s28 =	simm.s32 $0x9680  }
0x4a: {  	[tilespmem:s28], [sflag:$0x1] =	stream.indirect_vreg.gather [hbm4b:s8+s2], $0x80, v4, vm0, $0xb8;
	[tilespmem:$0x16E80] =	vst v63  }
0x4b: {  	s29 =	simm.s32 $0x0;
	s31 =	simm.s32 $0x9E80  }
0x4c: {  	[tilespmem:s31], [sflag:$0x1] =	stream.indirect_vreg.gather [hbm4b:s9+s2], $0x80, v4, vm0, $0xb8;
	[tilespmem:$0x16E80] =	vst v63  }
.LBB2_2:
0x4d: {  	p0 =	seq.s32 s29, $0x0  }
0x4e: {  	s0 =	simm.s32 @!p0 $0x4  }
0x4f: {  	_ =	swait.ge @!p0 [sflag:s0], $0x8C00  }
0x50: {  	s11 =	sshll.u32 s29, $0x1;
	[sflag:s0] =	ssyncset.done @!p0 $0x0  }
0x51: {  	s31 =	sor.u32 $0x1, s11;
	[sflag:s0] =	ssyncadd.s32 @!p0 $0xFFFF7400;
	s0 =	simm.s32 @!p0 $0x6  }
0x52: {  	s11 =	smul.u32 $0xA0, s31;
	_ =	swait.ge @!p0 [sflag:s0], $0x1400  }
0x53: {  	[sflag:s0] =	ssyncset.done @!p0 $0x0  }
0x54: {  	s11 =	sshra.s32 s11, $0x2;
	[sflag:s0] =	ssyncadd.s32 @!p0 $0xFFFFEC00  }
0x55: {  	v4 =	vld [tilespmem:s11+$0x0];
	_ =	sdelay $0x4  }
0x56: {  	v5 =	vshll.u32 v4, $0x3  }
0x57: {  	v4 =	vand.u32 $0x7, v4;
	v5 =	vand.u32 $0xFFFFFFC0, v5  }
0x58: {  	v4 =	vor.u32 v4, v5  }
0x59: {  	v5 =	vperm.xlane v4, v0;
	_ =	sdelay $0x1  }
0x5a: {  	v5 =	vadd.s32 v1, v5;
	_ =	sdelay $0x3  }
0x5b: {  	s0 =	simm.s32 $0x0  }
0x5c: {  	[tilespmem:s6], [sflag:$0x2] =	stream.indirect_vreg.gather [hbm4b:s4+s0], $0x80, v5, vm0, $0xb8;
	[tilespmem:$0x16E80] =	vst v63  }
0x5d: {  	s12 =	simm.s32 $0xAE80;
	v4 =	vperm.xlane v4, v2  }
0x5e: {  	[tilespmem:s12], [sflag:$0x2] =	stream.indirect_vreg.gather [hbm4b:s7+s0], $0x80, v5, vm0, $0xb8;
	[tilespmem:$0x16E80] =	vst v63  }
0x5f: {  	s13 =	simm.s32 $0xB680;
	v4 =	vadd.s32 v1, v4  }
0x60: {  	[tilespmem:s13], [sflag:$0x2] =	stream.indirect_vreg.gather [hbm4b:s8+s0], $0x80, v5, vm0, $0xb8;
	[tilespmem:$0x16E80] =	vst v63  }
0x61: {  	s17 =	simm.s32 $0xBE80  }
0x62: {  	[tilespmem:s17], [sflag:$0x2] =	stream.indirect_vreg.gather [hbm4b:s9+s0], $0x80, v5, vm0, $0xb8;
	[tilespmem:$0x16E80] =	vst v63  }
0x63: {  	_ = 	snop  }
0x64: {  	[tilespmem:s15], [sflag:$0x2] =	stream.indirect_vreg.gather [hbm4b:s4+s0], $0x80, v4, vm0, $0xb8;
	[tilespmem:$0x16E80] =	vst v63  }
0x65: {  	s19 =	simm.s32 $0xCE80  }
0x66: {  	[tilespmem:s19], [sflag:$0x2] =	stream.indirect_vreg.gather [hbm4b:s7+s0], $0x80, v4, vm0, $0xb8;
	[tilespmem:$0x16E80] =	vst v63  }
0x67: {  	s13 =	simm.s32 $0xD680  }
0x68: {  	[tilespmem:s13], [sflag:$0x2] =	stream.indirect_vreg.gather [hbm4b:s8+s0], $0x80, v4, vm0, $0xb8;
	[tilespmem:$0x16E80] =	vst v63  }
0x69: {  	s17 =	simm.s32 $0xDE80  }
0x6a: {  	[tilespmem:s17], [sflag:$0x2] =	stream.indirect_vreg.gather [hbm4b:s9+s0], $0x80, v4, vm0, $0xb8;
	[tilespmem:$0x16E80] =	vst v63  }
0x6b: {  	v4 =	vld [tilespmem:s11+$0x10];
	_ =	sdelay $0x4  }
0x6c: {  	v5 =	vshll.u32 v4, $0x3  }
0x6d: {  	v4 =	vand.u32 $0x7, v4;
	v5 =	vand.u32 $0xFFFFFFC0, v5  }
0x6e: {  	v4 =	vor.u32 v4, v5  }
0x6f: {  	v5 =	vperm.xlane v4, v0;
	_ =	sdelay $0x1  }
0x70: {  	v5 =	vadd.s32 v1, v5;
	_ =	sdelay $0x4  }
0x71: {  	[tilespmem:s20], [sflag:$0x2] =	stream.indirect_vreg.gather [hbm4b:s4+s0], $0x80, v5, vm0, $0xb8;
	[tilespmem:$0x16E80] =	vst v63  }
0x72: {  	s19 =	simm.s32 $0xEE80;
	v4 =	vperm.xlane v4, v2  }
0x73: {  	[tilespmem:s19], [sflag:$0x2] =	stream.indirect_vreg.gather [hbm4b:s7+s0], $0x80, v5, vm0, $0xb8;
	[tilespmem:$0x16E80] =	vst v63  }
0x74: {  	s13 =	simm.s32 $0xF680;
	v4 =	vadd.s32 v1, v4  }
0x75: {  	[tilespmem:s13], [sflag:$0x2] =	stream.indirect_vreg.gather [hbm4b:s8+s0], $0x80, v5, vm0, $0xb8;
	[tilespmem:$0x16E80] =	vst v63  }
0x76: {  	s17 =	simm.s32 $0xFE80  }
0x77: {  	[tilespmem:s17], [sflag:$0x2] =	stream.indirect_vreg.gather [hbm4b:s9+s0], $0x80, v5, vm0, $0xb8;
	[tilespmem:$0x16E80] =	vst v63  }
0x78: {  	_ = 	snop  }
0x79: {  	[tilespmem:s26], [sflag:$0x2] =	stream.indirect_vreg.gather [hbm4b:s4+s0], $0x80, v4, vm0, $0xb8;
	[tilespmem:$0x16E80] =	vst v63  }
0x7a: {  	s19 =	simm.s32 $0x10E80  }
0x7b: {  	[tilespmem:s19], [sflag:$0x2] =	stream.indirect_vreg.gather [hbm4b:s7+s0], $0x80, v4, vm0, $0xb8;
	[tilespmem:$0x16E80] =	vst v63  }
0x7c: {  	s13 =	simm.s32 $0x11680  }
0x7d: {  	[tilespmem:s13], [sflag:$0x2] =	stream.indirect_vreg.gather [hbm4b:s8+s0], $0x80, v4, vm0, $0xb8;
	[tilespmem:$0x16E80] =	vst v63  }
0x7e: {  	s17 =	simm.s32 $0x11E80  }
0x7f: {  	[tilespmem:s17], [sflag:$0x2] =	stream.indirect_vreg.gather [hbm4b:s9+s0], $0x80, v4, vm0, $0xb8;
	[tilespmem:$0x16E80] =	vst v63  }
0x80: {  	v4 =	vld.msk [tilespmem:s11+$0x20], $0xff;
	_ =	sdelay $0x4  }
0x81: {  	v5 =	vshll.u32 v4, $0x3  }
0x82: {  	v4 =	vand.u32 $0x7, v4;
	v5 =	vand.u32 $0xFFFFFFC0, v5  }
0x83: {  	v4 =	vor.u32 v4, v5  }
0x84: {  	v4 =	vperm.xlane v4, v0  }
0x85: {  	s19 =	smul.u32 $0x50, s29  }
0x86: {  	v4 =	vadd.s32 v1, v4  }
0x87: {  	s11 =	sadd.s32 s3, s19  }
0x88: {  	s17 =	smulhi.u32 $0x51EB851F, s11;
	_ =	sdelay $0x1  }
0x89: {  	s12 =	sshrl.u32 s17, $0x6  }
0x8a: {  	[tilespmem:s1], [sflag:$0x2] =	stream.indirect_vreg.gather [hbm4b:s4+s0], $0x80, v4, vm0, $0xb8;
	[tilespmem:$0x16E80] =	vst v63  }
0x8b: {  	s13 =	simm.s32 $0x12E80;
	s19 =	smul.u32 $0xC8, s12  }
0x8c: {  	[tilespmem:s13], [sflag:$0x2] =	stream.indirect_vreg.gather [hbm4b:s7+s0], $0x80, v4, vm0, $0xb8;
	[tilespmem:$0x16E80] =	vst v63  }
0x8d: {  	s11 =	ssub.s32 s11, s19;
	s13 =	simm.s32 $0x13680  }
0x8e: {  	[tilespmem:s13], [sflag:$0x2] =	stream.indirect_vreg.gather [hbm4b:s8+s0], $0x80, v4, vm0, $0xb8;
	[tilespmem:$0x16E80] =	vst v63  }
0x8f: {  	s17 =	simm.s32 $0x13E80;
	s12 =	smul.u32 $0x32000, s12;
	s11 =	sshll.u32 s11, $0xA  }
0x90: {  	[tilespmem:s17], [sflag:$0x2] =	stream.indirect_vreg.gather [hbm4b:s9+s0], $0x80, v4, vm0, $0xb8;
	[tilespmem:$0x16E80] =	vst v63  }
0x91: {  	s11 =	sadd.s32 s11, s12;
	_ =	swait.ge [sflag:s14], $0xA000  }
0x92: {  	s11 =	sshrl.u32 s11, $0x3;
	[sflag:s14] =	ssyncset.done $0x0  }
0x93: {  	s19 =	simm.s32 $0x680;
	s12 =	sadd.s32 s5, s11;
	[sflag:s14] =	ssyncadd.s32 $0xFFFF6000  }
0x94: {  	[hbm4b:s12+s0] =	stream.linear.scatter [tilespmem:s19], [sflag:$0x3], $0x1C00, $0x38;
	[tilespmem:$0x16E80] =	vst v63  }
0x95: {  	s17 =	sadd.s32 $0x400, s12;
	s19 =	simm.s32 $0x2680  }
0x96: {  	[hbm4b:s17+s0] =	stream.linear.scatter [tilespmem:s19], [sflag:$0x3], $0x1C00, $0x38;
	[tilespmem:$0x16E80] =	vst v63  }
0x97: {  	s17 =	sadd.s32 $0x800, s12  }
0x98: {  	[hbm4b:s17+s0] =	stream.linear.scatter [tilespmem:s21], [sflag:$0x3], $0x1C00, $0x38;
	[tilespmem:$0x16E80] =	vst v63  }
0x99: {  	s19 =	sadd.s32 $0xC00, s12  }
0x9a: {  	[hbm4b:s19+s0] =	stream.linear.scatter [tilespmem:s25], [sflag:$0x3], $0x1C00, $0x38;
	[tilespmem:$0x16E80] =	vst v63  }
0x9b: {  	s13 =	sand.u32 $0x7, s0;
	s12 =	sadd.s32 $0x1000, s12  }
0x9c: {  	[hbm4b:s12+s0] =	stream.linear.scatter [tilespmem:s30], [sflag:$0x3], $0x1C00, $0x38;
	[tilespmem:$0x16E80] =	vst v63  }
0x9d: {  	s12 =	sshll.u32 s13, $0x7  }
0x9e: {  	s13 =	sadd.s32 $0x0, s12  }
0x9f: {  	s12 =	sor.u32 $0x1C00, s13  }
0xa0: {  	v4 =	vld [tilespmem:s12+$0x680];
	_ =	sdelay $0x3  }
0xa1: {  	s12 =	simm.s32 $0x146B0  }
0xa2: {  	s19 =	sor.u32 $0x1C10, s13;
	[tilespmem:s12+$0xFFFFFFD0] =	vst v4  }
0xa3: {  	v4 =	vld [tilespmem:s19+$0x680];
	_ =	sdelay $0x4  }
0xa4: {  	s17 =	sor.u32 $0x1C20, s13;
	[tilespmem:s12+$0xFFFFFFE0] =	vst v4  }
0xa5: {  	v4 =	vld [tilespmem:s17+$0x680];
	_ =	sdelay $0x4  }
0xa6: {  	s17 =	sor.u32 $0x1C30, s13;
	[tilespmem:s12+$0xFFFFFFF0] =	vst v4  }
0xa7: {  	v4 =	vld [tilespmem:s17+$0x680];
	_ =	sdelay $0x4  }
0xa8: {  	s17 =	sor.u32 $0x1C40, s13;
	[tilespmem:s12+$0x0] =	vst v4  }
0xa9: {  	v4 =	vld [tilespmem:s17+$0x680];
	_ =	sdelay $0x4  }
0xaa: {  	s17 =	sor.u32 $0x1C50, s13;
	[tilespmem:s12+$0x10] =	vst v4  }
0xab: {  	v4 =	vld [tilespmem:s17+$0x680];
	_ =	sdelay $0x4  }
0xac: {  	s13 =	sor.u32 $0x1C60, s13;
	[tilespmem:s12+$0x20] =	vst v4  }
0xad: {  	v5 =	vld.msk [tilespmem:s13+$0x680], $0xff;
	_ =	sdelay $0x3  }
0xae: {  	s19 =	simm.s32 $0x1  }
0xaf: {  	s28 =	simm.s32 $0x100;
	v4 =	vperm.xlane v4, v3;
	s13 =	sand.u32 $0x7, s19;
	v5 =	vperm.xlane v5, v3  }
.LBB2_3:
0xb0: {  	p0 =	sne.s32 s28, $0x1380;
	s13 =	sshll.u32 s13, $0x7;
	s0 =	sadd.s32 $0x400, s0  }
0xb1: {  	s13 =	sadd.s32 s13, s0;
	v4 =	vsel vm1, v4, v5  }
0xb2: {  	s17 =	sor.u32 $0x1C00, s13;
	[tilespmem:s12+$0x28] =	vst v4  }
0xb3: {  	v4 =	vld [tilespmem:s17+$0x680];
	_ =	sdelay $0x3  }
0xb4: {  	s12 =	sadd.s32 $0x80, s12  }
0xb5: {  	s17 =	sor.u32 $0x1C10, s13;
	[tilespmem:s12+$0xFFFFFFD0] =	vst v4  }
0xb6: {  	v4 =	vld [tilespmem:s17+$0x680];
	_ =	sdelay $0x4  }
0xb7: {  	s17 =	sor.u32 $0x1C20, s13;
	[tilespmem:s12+$0xFFFFFFE0] =	vst v4  }
0xb8: {  	v4 =	vld [tilespmem:s17+$0x680];
	_ =	sdelay $0x4  }
0xb9: {  	s17 =	sor.u32 $0x1C30, s13;
	[tilespmem:s12+$0xFFFFFFF0] =	vst v4  }
0xba: {  	v4 =	vld [tilespmem:s17+$0x680];
	_ =	sdelay $0x4  }
0xbb: {  	s17 =	sor.u32 $0x1C40, s13;
	[tilespmem:s12+$0x0] =	vst v4  }
0xbc: {  	v4 =	vld [tilespmem:s17+$0x680];
	_ =	sdelay $0x4  }
0xbd: {  	s17 =	sor.u32 $0x1C50, s13;
	[tilespmem:s12+$0x10] =	vst v4  }
0xbe: {  	v4 =	vld [tilespmem:s17+$0x680];
	_ =	sdelay $0x4  }
0xbf: {  	s13 =	sor.u32 $0x1C60, s13;
	[tilespmem:s12+$0x20] =	vst v4;
	v4 =	vperm.xlane v4, v3  }
0xc0: {  	v5 =	vld.msk [tilespmem:s13+$0x680], $0xff  }
.Ltmp0:
0xc1: {  	(pc) =	sbr.rel @p0 .LBB2_3-.Ltmp0, $3  }
0xc2: {  	_ =	sdelay $0x1  }
0xc3: {  	s19 =	sadd.s32 $0x1, s19  }
0xc4: {  	s28 =	sadd.s32 $0x80, s28;
	s13 =	sand.u32 $0x7, s19;
	v5 =	vperm.xlane v5, v3  }
0xc5: {  	s13 =	sshll.u32 s13, $0x7;
	s0 =	sadd.s32 $0x400, s0  }
0xc6: {  	s0 =	sadd.s32 s13, s0;
	v4 =	vsel vm1, v4, v5  }
0xc7: {  	s13 =	sor.u32 $0x1C00, s0;
	[tilespmem:s12+$0x28] =	vst v4  }
0xc8: {  	v4 =	vld [tilespmem:s13+$0x680];
	_ =	sdelay $0x3  }
0xc9: {  	s12 =	sadd.s32 $0x80, s12  }
0xca: {  	s28 =	sor.u32 $0x1C10, s0;
	[tilespmem:s12+$0xFFFFFFD0] =	vst v4  }
0xcb: {  	v4 =	vld [tilespmem:s28+$0x680];
	_ =	sdelay $0x4  }
0xcc: {  	s17 =	sor.u32 $0x1C20, s0;
	[tilespmem:s12+$0xFFFFFFE0] =	vst v4  }
0xcd: {  	v4 =	vld [tilespmem:s17+$0x680];
	_ =	sdelay $0x4  }
0xce: {  	s19 =	sor.u32 $0x1C30, s0;
	[tilespmem:s12+$0xFFFFFFF0] =	vst v4  }
0xcf: {  	v4 =	vld [tilespmem:s19+$0x680];
	_ =	sdelay $0x4  }
0xd0: {  	s28 =	sor.u32 $0x1C40, s0;
	[tilespmem:s12+$0x0] =	vst v4  }
0xd1: {  	v4 =	vld [tilespmem:s28+$0x680];
	_ =	sdelay $0x4  }
0xd2: {  	s17 =	sor.u32 $0x1C50, s0;
	[tilespmem:s12+$0x10] =	vst v4  }
0xd3: {  	v4 =	vld [tilespmem:s17+$0x680];
	_ =	sdelay $0x4  }
0xd4: {  	s0 =	sor.u32 $0x1C60, s0;
	[tilespmem:s12+$0x20] =	vst v4  }
0xd5: {  	v5 =	vld.msk [tilespmem:s0+$0x680], $0xff;
	_ =	sdelay $0x4  }
0xd6: {  	v4 =	vperm.xlane v4, v3;
	v5 =	vperm.xlane v5, v3;
	_ =	sdelay $0x1  }
0xd7: {  	v4 =	vsel vm1, v4, v5  }
0xd8: {  	s19 =	sadd.s32 s11, s10;
	s28 =	simm.s32 $0x14680;
	[tilespmem:s12+$0x28] =	vst v4  }
0xd9: {  	[hbm4b:s19+s16] =	stream.strided.scatter [tilespmem:s28], [sflag:$0x5], $0x1400, s18, s16, $0x38;
	[tilespmem:$0x16E80] =	vst v63  }
0xda: {  	p0 =	seq.s32 s29, $0x13;
	_ =	swait.ge [sflag:s22], $0x8C00  }
.Ltmp1:
0xdb: {  	[sflag:s22] =	ssyncset.done $0x0;
	(pc) =	sbr.rel @p0 .LBB2_6-.Ltmp1, $4  }
0xdc: {  	[sflag:s22] =	ssyncadd.s32 $0xFFFF7400  }
0xdd: {  	_ =	swait.ge [sflag:s23], $0x1400  }
0xde: {  	[sflag:s23] =	ssyncset.done $0x0  }
0xdf: {  	[sflag:s23] =	ssyncadd.s32 $0xFFFFEC00  }
0xe0: {  	s0 =	smul.u32 $0x140, s29;
	_ =	sdelay $0x1  }
0xe1: {  	s0 =	sshra.s32 s0, $0x2  }
0xe2: {  	v4 =	vld [tilespmem:s0+$0x50];
	_ =	sdelay $0x4  }
0xe3: {  	v5 =	vshll.u32 v4, $0x3  }
0xe4: {  	v4 =	vand.u32 $0x7, v4;
	v5 =	vand.u32 $0xFFFFFFC0, v5  }
0xe5: {  	v4 =	vor.u32 v4, v5  }
0xe6: {  	v5 =	vperm.xlane v4, v0;
	_ =	sdelay $0x1  }
0xe7: {  	v5 =	vadd.s32 v1, v5;
	_ =	sdelay $0x3  }
0xe8: {  	s11 =	simm.s32 $0x680  }
0xe9: {  	[tilespmem:s11], [sflag:$0x1] =	stream.indirect_vreg.gather [hbm4b:s4+s2], $0x80, v5, vm0, $0xb8;
	[tilespmem:$0x16E80] =	vst v63  }
0xea: {  	s28 =	simm.s32 $0xE80;
	v4 =	vperm.xlane v4, v2  }
0xeb: {  	[tilespmem:s28], [sflag:$0x1] =	stream.indirect_vreg.gather [hbm4b:s7+s2], $0x80, v5, vm0, $0xb8;
	[tilespmem:$0x16E80] =	vst v63  }
0xec: {  	s12 =	simm.s32 $0x1680;
	v4 =	vadd.s32 v1, v4  }
0xed: {  	[tilespmem:s12], [sflag:$0x1] =	stream.indirect_vreg.gather [hbm4b:s8+s2], $0x80, v5, vm0, $0xb8;
	[tilespmem:$0x16E80] =	vst v63  }
0xee: {  	s13 =	simm.s32 $0x1E80  }
0xef: {  	[tilespmem:s13], [sflag:$0x1] =	stream.indirect_vreg.gather [hbm4b:s9+s2], $0x80, v5, vm0, $0xb8;
	[tilespmem:$0x16E80] =	vst v63  }
0xf0: {  	s17 =	simm.s32 $0x2680  }
0xf1: {  	[tilespmem:s17], [sflag:$0x1] =	stream.indirect_vreg.gather [hbm4b:s4+s2], $0x80, v4, vm0, $0xb8;
	[tilespmem:$0x16E80] =	vst v63  }
0xf2: {  	s19 =	simm.s32 $0x2E80  }
0xf3: {  	[tilespmem:s19], [sflag:$0x1] =	stream.indirect_vreg.gather [hbm4b:s7+s2], $0x80, v4, vm0, $0xb8;
	[tilespmem:$0x16E80] =	vst v63  }
0xf4: {  	s28 =	simm.s32 $0x3680  }
0xf5: {  	[tilespmem:s28], [sflag:$0x1] =	stream.indirect_vreg.gather [hbm4b:s8+s2], $0x80, v4, vm0, $0xb8;
	[tilespmem:$0x16E80] =	vst v63  }
0xf6: {  	s12 =	simm.s32 $0x3E80  }
0xf7: {  	[tilespmem:s12], [sflag:$0x1] =	stream.indirect_vreg.gather [hbm4b:s9+s2], $0x80, v4, vm0, $0xb8;
	[tilespmem:$0x16E80] =	vst v63  }
0xf8: {  	v4 =	vld [tilespmem:s0+$0x60];
	_ =	sdelay $0x4  }
0xf9: {  	v5 =	vshll.u32 v4, $0x3  }
0xfa: {  	v4 =	vand.u32 $0x7, v4;
	v5 =	vand.u32 $0xFFFFFFC0, v5  }
0xfb: {  	v4 =	vor.u32 v4, v5  }
0xfc: {  	v5 =	vperm.xlane v4, v0;
	_ =	sdelay $0x1  }
0xfd: {  	v5 =	vadd.s32 v1, v5;
	_ =	sdelay $0x4  }
0xfe: {  	[tilespmem:s21], [sflag:$0x1] =	stream.indirect_vreg.gather [hbm4b:s4+s2], $0x80, v5, vm0, $0xb8;
	[tilespmem:$0x16E80] =	vst v63  }
0xff: {  	s13 =	simm.s32 $0x4E80;
	v4 =	vperm.xlane v4, v2  }
0x100: {  	[tilespmem:s13], [sflag:$0x1] =	stream.indirect_vreg.gather [hbm4b:s7+s2], $0x80, v5, vm0, $0xb8;
	[tilespmem:$0x16E80] =	vst v63  }
0x101: {  	s17 =	simm.s32 $0x5680;
	v4 =	vadd.s32 v1, v4  }
0x102: {  	[tilespmem:s17], [sflag:$0x1] =	stream.indirect_vreg.gather [hbm4b:s8+s2], $0x80, v5, vm0, $0xb8;
	[tilespmem:$0x16E80] =	vst v63  }
0x103: {  	s19 =	simm.s32 $0x5E80  }
0x104: {  	[tilespmem:s19], [sflag:$0x1] =	stream.indirect_vreg.gather [hbm4b:s9+s2], $0x80, v5, vm0, $0xb8;
	[tilespmem:$0x16E80] =	vst v63  }
0x105: {  	_ = 	snop  }
0x106: {  	[tilespmem:s25], [sflag:$0x1] =	stream.indirect_vreg.gather [hbm4b:s4+s2], $0x80, v4, vm0, $0xb8;
	[tilespmem:$0x16E80] =	vst v63  }
0x107: {  	s28 =	simm.s32 $0x6E80  }
0x108: {  	[tilespmem:s28], [sflag:$0x1] =	stream.indirect_vreg.gather [hbm4b:s7+s2], $0x80, v4, vm0, $0xb8;
	[tilespmem:$0x16E80] =	vst v63  }
0x109: {  	s12 =	simm.s32 $0x7680  }
0x10a: {  	[tilespmem:s12], [sflag:$0x1] =	stream.indirect_vreg.gather [hbm4b:s8+s2], $0x80, v4, vm0, $0xb8;
	[tilespmem:$0x16E80] =	vst v63  }
0x10b: {  	s13 =	simm.s32 $0x7E80  }
0x10c: {  	[tilespmem:s13], [sflag:$0x1] =	stream.indirect_vreg.gather [hbm4b:s9+s2], $0x80, v4, vm0, $0xb8;
	[tilespmem:$0x16E80] =	vst v63  }
0x10d: {  	v4 =	vld.msk [tilespmem:s0+$0x70], $0xff;
	_ =	sdelay $0x4  }
0x10e: {  	v5 =	vshll.u32 v4, $0x3  }
0x10f: {  	v4 =	vand.u32 $0x7, v4;
	v5 =	vand.u32 $0xFFFFFFC0, v5  }
0x110: {  	v4 =	vor.u32 v4, v5  }
0x111: {  	v4 =	vperm.xlane v4, v0;
	_ =	sdelay $0x1  }
0x112: {  	v4 =	vadd.s32 v1, v4;
	_ =	sdelay $0x4  }
0x113: {  	[tilespmem:s30], [sflag:$0x1] =	stream.indirect_vreg.gather [hbm4b:s4+s2], $0x80, v4, vm0, $0xb8;
	[tilespmem:$0x16E80] =	vst v63  }
0x114: {  	s17 =	simm.s32 $0x8E80  }
0x115: {  	[tilespmem:s17], [sflag:$0x1] =	stream.indirect_vreg.gather [hbm4b:s7+s2], $0x80, v4, vm0, $0xb8;
	[tilespmem:$0x16E80] =	vst v63  }
0x116: {  	s19 =	simm.s32 $0x9680  }
0x117: {  	[tilespmem:s19], [sflag:$0x1] =	stream.indirect_vreg.gather [hbm4b:s8+s2], $0x80, v4, vm0, $0xb8;
	[tilespmem:$0x16E80] =	vst v63  }
0x118: {  	s28 =	simm.s32 $0x9E80  }
0x119: {  	[tilespmem:s28], [sflag:$0x1] =	stream.indirect_vreg.gather [hbm4b:s9+s2], $0x80, v4, vm0, $0xb8;
	[tilespmem:$0x16E80] =	vst v63  }
.LBB2_6:
0x11a: {  	s0 =	smul.u32 $0x28, s31;
	_ =	sdelay $0x1  }
0x11b: {  	s0 =	sadd.s32 s3, s0  }
0x11c: {  	s11 =	smulhi.u32 $0x51EB851F, s0;
	_ =	sdelay $0x1  }
0x11d: {  	s11 =	sshrl.u32 s11, $0x6  }
0x11e: {  	s12 =	smul.u32 $0xC8, s11;
	_ =	sdelay $0x1  }
0x11f: {  	s11 =	smul.u32 $0x32000, s11;
	s0 =	ssub.s32 s0, s12  }
0x120: {  	s0 =	sshll.u32 s0, $0xA  }
0x121: {  	_ =	swait.ge [sflag:s24], $0xA000;
	s0 =	sadd.s32 s0, s11  }
0x122: {  	[sflag:s24] =	ssyncset.done $0x0;
	s0 =	sshrl.u32 s0, $0x3  }
0x123: {  	[sflag:s24] =	ssyncadd.s32 $0xFFFF6000;
	s11 =	simm.s32 $0x0;
	s17 =	sadd.s32 s5, s0  }
0x124: {  	[hbm4b:s17+s11] =	stream.linear.scatter [tilespmem:s6], [sflag:$0x4], $0x1C00, $0x38;
	[tilespmem:$0x16E80] =	vst v63  }
0x125: {  	s13 =	sadd.s32 $0x400, s17  }
0x126: {  	[hbm4b:s13+s11] =	stream.linear.scatter [tilespmem:s15], [sflag:$0x4], $0x1C00, $0x38;
	[tilespmem:$0x16E80] =	vst v63  }
0x127: {  	s19 =	sadd.s32 $0x800, s17  }
0x128: {  	[hbm4b:s19+s11] =	stream.linear.scatter [tilespmem:s20], [sflag:$0x4], $0x1C00, $0x38;
	[tilespmem:$0x16E80] =	vst v63  }
0x129: {  	s31 =	sadd.s32 $0xC00, s17  }
0x12a: {  	[hbm4b:s31+s11] =	stream.linear.scatter [tilespmem:s26], [sflag:$0x4], $0x1C00, $0x38;
	[tilespmem:$0x16E80] =	vst v63  }
0x12b: {  	s12 =	sadd.s32 $0x1000, s17;
	s17 =	sand.u32 $0x7, s11  }
0x12c: {  	[hbm4b:s12+s11] =	stream.linear.scatter [tilespmem:s1], [sflag:$0x4], $0x1C00, $0x38;
	[tilespmem:$0x16E80] =	vst v63  }
0x12d: {  	s12 =	sshll.u32 s17, $0x7  }
0x12e: {  	s13 =	sadd.s32 $0x0, s12  }
0x12f: {  	s12 =	sor.u32 $0x1C00, s13  }
0x130: {  	v4 =	vld [tilespmem:s12+$0xA680];
	_ =	sdelay $0x3  }
0x131: {  	s12 =	simm.s32 $0x15AB0  }
0x132: {  	s17 =	sor.u32 $0x1C10, s13;
	[tilespmem:s12+$0xFFFFFFD0] =	vst v4  }
0x133: {  	v4 =	vld [tilespmem:s17+$0xA680];
	_ =	sdelay $0x4  }
0x134: {  	s19 =	sor.u32 $0x1C20, s13;
	[tilespmem:s12+$0xFFFFFFE0] =	vst v4  }
0x135: {  	v4 =	vld [tilespmem:s19+$0xA680];
	_ =	sdelay $0x4  }
0x136: {  	s31 =	sor.u32 $0x1C30, s13;
	[tilespmem:s12+$0xFFFFFFF0] =	vst v4  }
0x137: {  	v4 =	vld [tilespmem:s31+$0xA680];
	_ =	sdelay $0x4  }
0x138: {  	s19 =	sor.u32 $0x1C40, s13;
	[tilespmem:s12+$0x0] =	vst v4  }
0x139: {  	v4 =	vld [tilespmem:s19+$0xA680];
	_ =	sdelay $0x4  }
0x13a: {  	s31 =	sor.u32 $0x1C50, s13;
	[tilespmem:s12+$0x10] =	vst v4  }
0x13b: {  	v4 =	vld [tilespmem:s31+$0xA680];
	_ =	sdelay $0x4  }
0x13c: {  	s13 =	sor.u32 $0x1C60, s13;
	[tilespmem:s12+$0x20] =	vst v4  }
0x13d: {  	v5 =	vld.msk [tilespmem:s13+$0xA680], $0xff;
	_ =	sdelay $0x3  }
0x13e: {  	s19 =	simm.s32 $0x1  }
0x13f: {  	s28 =	simm.s32 $0x100;
	v4 =	vperm.xlane v4, v3;
	s13 =	sand.u32 $0x7, s19;
	v5 =	vperm.xlane v5, v3  }
.LBB2_7:
0x140: {  	p0 =	sne.s32 s28, $0x1380;
	s13 =	sshll.u32 s13, $0x7;
	s11 =	sadd.s32 $0x400, s11  }
0x141: {  	s13 =	sadd.s32 s13, s11;
	v4 =	vsel vm1, v4, v5  }
0x142: {  	s17 =	sor.u32 $0x1C00, s13;
	[tilespmem:s12+$0x28] =	vst v4  }
0x143: {  	v4 =	vld [tilespmem:s17+$0xA680];
	_ =	sdelay $0x3  }
0x144: {  	s12 =	sadd.s32 $0x80, s12  }
0x145: {  	s17 =	sor.u32 $0x1C10, s13;
	[tilespmem:s12+$0xFFFFFFD0] =	vst v4  }
0x146: {  	v4 =	vld [tilespmem:s17+$0xA680];
	_ =	sdelay $0x4  }
0x147: {  	s17 =	sor.u32 $0x1C20, s13;
	[tilespmem:s12+$0xFFFFFFE0] =	vst v4  }
0x148: {  	v4 =	vld [tilespmem:s17+$0xA680];
	_ =	sdelay $0x4  }
0x149: {  	s17 =	sor.u32 $0x1C30, s13;
	[tilespmem:s12+$0xFFFFFFF0] =	vst v4  }
0x14a: {  	v4 =	vld [tilespmem:s17+$0xA680];
	_ =	sdelay $0x4  }
0x14b: {  	s17 =	sor.u32 $0x1C40, s13;
	[tilespmem:s12+$0x0] =	vst v4  }
0x14c: {  	v4 =	vld [tilespmem:s17+$0xA680];
	_ =	sdelay $0x4  }
0x14d: {  	s17 =	sor.u32 $0x1C50, s13;
	[tilespmem:s12+$0x10] =	vst v4  }
0x14e: {  	v4 =	vld [tilespmem:s17+$0xA680];
	_ =	sdelay $0x4  }
0x14f: {  	s13 =	sor.u32 $0x1C60, s13;
	[tilespmem:s12+$0x20] =	vst v4;
	v4 =	vperm.xlane v4, v3  }
0x150: {  	v5 =	vld.msk [tilespmem:s13+$0xA680], $0xff  }
.Ltmp2:
0x151: {  	(pc) =	sbr.rel @p0 .LBB2_7-.Ltmp2, $3  }
0x152: {  	_ =	sdelay $0x1  }
0x153: {  	s19 =	sadd.s32 $0x1, s19  }
0x154: {  	s28 =	sadd.s32 $0x80, s28;
	s13 =	sand.u32 $0x7, s19;
	v5 =	vperm.xlane v5, v3  }
0x155: {  	s13 =	sshll.u32 s13, $0x7;
	s11 =	sadd.s32 $0x400, s11  }
0x156: {  	s11 =	sadd.s32 s13, s11;
	v4 =	vsel vm1, v4, v5  }
0x157: {  	s13 =	sor.u32 $0x1C00, s11;
	[tilespmem:s12+$0x28] =	vst v4  }
0x158: {  	v4 =	vld [tilespmem:s13+$0xA680];
	_ =	sdelay $0x3  }
0x159: {  	s12 =	sadd.s32 $0x80, s12  }
0x15a: {  	s28 =	sor.u32 $0x1C10, s11;
	[tilespmem:s12+$0xFFFFFFD0] =	vst v4  }
0x15b: {  	v4 =	vld [tilespmem:s28+$0xA680];
	_ =	sdelay $0x4  }
0x15c: {  	s31 =	sor.u32 $0x1C20, s11;
	[tilespmem:s12+$0xFFFFFFE0] =	vst v4  }
0x15d: {  	v4 =	vld [tilespmem:s31+$0xA680];
	_ =	sdelay $0x4  }
0x15e: {  	s17 =	sor.u32 $0x1C30, s11;
	[tilespmem:s12+$0xFFFFFFF0] =	vst v4  }
0x15f: {  	v4 =	vld [tilespmem:s17+$0xA680];
	_ =	sdelay $0x4  }
0x160: {  	s19 =	sor.u32 $0x1C40, s11;
	[tilespmem:s12+$0x0] =	vst v4  }
0x161: {  	v4 =	vld [tilespmem:s19+$0xA680];
	_ =	sdelay $0x4  }
0x162: {  	s28 =	sor.u32 $0x1C50, s11;
	[tilespmem:s12+$0x10] =	vst v4  }
0x163: {  	v4 =	vld [tilespmem:s28+$0xA680];
	_ =	sdelay $0x4  }
0x164: {  	s11 =	sor.u32 $0x1C60, s11;
	[tilespmem:s12+$0x20] =	vst v4  }
0x165: {  	v5 =	vld.msk [tilespmem:s11+$0xA680], $0xff;
	_ =	sdelay $0x2  }
0x166: {  	s29 =	sadd.s32 $0x1, s29  }
0x167: {  	p0 =	sne.s32 s29, $0x14  }
.Ltmp3:
0x168: {  	v4 =	vperm.xlane v4, v3;
	v5 =	vperm.xlane v5, v3;
	(pc) =	sbr.rel @p0 .LBB2_2-.Ltmp3, $4  }
0x169: {  	_ = 	snop  }
0x16a: {  	v4 =	vsel vm1, v4, v5  }
0x16b: {  	s0 =	sadd.s32 s0, s10;
	s31 =	simm.s32 $0x15A80;
	[tilespmem:s12+$0x28] =	vst v4  }
0x16c: {  	[hbm4b:s0+s16] =	stream.strided.scatter [tilespmem:s31], [sflag:$0x6], $0x1400, s18, s16, $0x38;
	[tilespmem:$0x16E80] =	vst v63  }
0x16d: {  	s0 =	simm.s32 $0x4  }
0x16e: {  	_ =	swait.ge [sflag:s0], $0x8C00  }
0x16f: {  	[sflag:s0] =	ssyncset.done $0x0  }
0x170: {  	s11 =	simm.s32 $0x6;
	[sflag:s0] =	ssyncadd.s32 $0xFFFF7400  }
0x171: {  	_ =	swait.ge [sflag:s11], $0x1400  }
0x172: {  	s12 =	rddreg [dreg:$0x4]  }
0x173: {  	s31 =	rddreg [dreg:$0x3];
	s12 =	sadd.s32 $0x1, s12  }
0x174: {  	p0 =	sne.s32 s12, s31  }
.Ltmp4:
0x175: {  	_ = 	snop;
	(pc) =	sbr.rel @p0 .LBB2_1-.Ltmp4, $3  }
0x176: {  	_ =	sdelay $0x1  }
0x177: {  	[sflag:s11] =	ssyncset.done $0x0  }
0x178: {  	[sflag:s11] =	ssyncadd.s32 $0xFFFFEC00  }
0x179: {  	_ =	sfence.sel $0x180000  }
0x17a: {  	[bflag:$0x0] =	sbarrier.arrive $0xFFFF  }
0x17b: {  	_ =	strace $0x90000047  }
0x17c: {  	s0 =	stileid.u32;
	[bflag:$0x2] =	sbarrier.arrive $0xFFFF  }
0x17d: {  	p0 =	sne.s32 s0, $0x0;
	s0 =	rddreg [dreg:$0x1]  }
0x17e: {  	s0 =	sadd.s32 @!p0 $0x100000, s0  }
0x17f: {  	[sflag:s0] =	ssyncadd.tile.s32 @!p0 $0x1;
	_ =	shalt  }
.Lfunc_end2:
_tile_overlayer_lowered:
.L_overlay_start_2:
0x180: {  	(tag) =	ssettag $0x2  }
0x181: {  	s0 =	rddreg [dreg:$0x0];
	s2 =	stileid.u32  }
0x182: {  	s1 =	rddreg [dreg:$0x1];
	p0 =	sne.s32 s2, $0x0  }
0x183: {  	s3 =	rddreg [dreg:$0x2];
	[bflag:$0x3] =	sbarrier.arrive $0xFFFF;
	s2 =	simm.s32 @!p0 $0x1C07  }
0x184: {  	[timem:s3], [sflag:s2] =	dma.local @!p0 [hbm:s0], s1  }
0x185: {  	s0 =	simm.s32 @!p0 $0x7  }
0x186: {  	_ =	swait.ge @!p0 [sflag:s0], s1  }
0x187: {  	s1 =	ssub.s32 @!p0 $0x0, s1;
	[sflag:s0] =	ssyncset.done @!p0 $0x0  }
0x188: {  	[sflag:s0] =	ssyncadd.s32 @!p0 s1  }
0x189: {  	[bflag:$0x3] =	sbarrier.arrive $0xFFFF  }
0x18a: {  	_ =	shalt  }

// kernel: kernel.9.cloned.1.call-start
scs
__scs_entry_jumppad:
0x0: {  	(pc) =	sbr.rel $0x88, $3  }
0x1: {  	(tag) =	ssettag $0x0;
	lr =	simm.s32 $0x1  }
0x2: {  	[smem:$0x3F9F] =	sst lr;
	_ =	strace $0xD0000000  }
0x3: {  	_ = 	snop  }
0x4: {  	_ = 	snop  }
0x5: {  	_ = 	snop  }
0x6: {  	_ = 	snop  }
0x7: {  	_ = 	snop  }
__scs_overlays_trampoline_lowered:
0x8: {  	[smem:$0x3FAE] =	sst s0  }
0x9: {  	[smem:$0x3FAF] =	sst s1  }
0xa: {  	[smem:$0x3FB0] =	sst s2  }
0xb: {  	[smem:$0x3FB1] =	sst s3  }
0xc: {  	[smem:$0x3FB2] =	sst s4  }
0xd: {  	[smem:$0x3FB3] =	sst s5  }
0xe: {  	[smem:$0x3FB4] =	sst s6  }
0xf: {  	[smem:$0x3FB5] =	sst s7  }
0x10: {  	[smem:$0x3FB6] =	sst s8  }
0x11: {  	[smem:$0x3FB7] =	sst s9;
	s0 =	simm.s32 @!p0 $0x0  }
0x12: {  	s1 =	sld [smem:$0x3F9D];
	s0 =	simm.s32 @p0 $0x1  }
0x13: {  	[smem:$0x3FB8] =	sst s0;
	s0 =	simm.s32 @!p1 $0x0  }
0x14: {  	s2 =	sld [smem:$0x3F9C];
	s0 =	simm.s32 @p1 $0x1  }
0x15: {  	[smem:$0x3FB9] =	sst s0;
	s0 =	simm.s32 @!p2 $0x0  }
0x16: {  	s3 =	sld [smem:$0x3FDB];
	s0 =	simm.s32 @p2 $0x1  }
0x17: {  	s4 =	simm.s32 $0x1BF5;
	[smem:$0x3FBB] =	sst s0  }
0x18: {  	s0 =	sld [smem:$0x3F9E];
	_ =	swait.ge [sflag:s4], $0x0  }
0x19: {  	s7 =	sld [smem:$0x3F9F]  }
0x1a: {  	s8 =	sadd.s32 $0xFFFFE003, lr  }
0x1b: {  	s9 =	sadd.s32 $0xFFFFFEF7, lr;
	s5 =	simm.s32 $0xFFFFFFFF;
	p2 =	slt.u32 s8, $0xFFFFF086  }
0x1c: {  	p1 =	slt.u32 s9, $0xF7A;
	s5 =	simm.s32 @!p2 $0x0  }
0x1d: {  	s5 =	simm.s32 @p1 $0x1;
	p0 =	seq.s32 s7, s2  }
0x1e: {  	s7 =	smul.u32 @!p0 $0xF7A, s2;
	p2 =	seq.s32 @!p0 s5, $0x0  }
0x1f: {  	s9 =	smul.u32 $0xF7A, s1;
	s8 =	simm.s32 @!p0 $0x1BF5;
	p2 =	por !p2, p0  }
0x20: {  	[sflag:s8] =	ssyncset.s32 @!p0 $0xFFFFF086;
	s6 =	sadd.s32 @!p0 s3, s7;
	s7 =	simm.s32 @!p0 $0x108  }
0x21: {  	s3 =	sadd.s32 s3, s9;
	s6 =	sadd.s32 @!p0 $0x88, s6;
	s7 =	simm.s32 @p2 $0x1082  }
0x22: {  	[simem:s7], [sflag:s8] =	dma.local @!p0 [hbm:s6], $0xF7A  }
0x23: {  	s9 =	sor.u32 $0xD0000000, s2;
	s6 =	simm.s32 $0x108;
	_ =	swait.ge @!p0 [sflag:s8], $0x0  }
0x24: {  	s3 =	sadd.s32 $0x88, s3;
	s6 =	simm.s32 @!p1 $0x1082;
	[sflag:s4] =	ssyncset.s32 $0xFFFFF086  }
0x25: {  	[simem:s6], [sflag:s4] =	dma.local [hbm:s3], $0xF7A  }
0x26: {  	[smem:$0x3F9F] =	sst s1;
	(tag) =	ssettag s2;
	_ =	strace s9  }
0x27: {  	s1 =	sld [smem:$0x3FAF]  }
0x28: {  	s2 =	sld [smem:$0x3FB0]  }
0x29: {  	s4 =	sld [smem:$0x3FB2]  }
0x2a: {  	p0 =	seq.s32 s5, $0x0;
	s5 =	sld [smem:$0x3FB3]  }
0x2b: {  	s6 =	sld [smem:$0x3FB4]  }
0x2c: {  	s7 =	sld [smem:$0x3FB5]  }
0x2d: {  	s3 =	simm.s32 $0x108;
	s8 =	sld [smem:$0x3FB6]  }
0x2e: {  	s3 =	simm.s32 @!p0 $0x1082;
	s9 =	sld [smem:$0x3FB7]  }
0x2f: {  	lr =	sadd.s32 s0, s3;
	s0 =	sld [smem:$0x3FAE]  }
0x30: {  	s3 =	sld [smem:$0x3FB1]  }
0x31: {  	[smem:$0x3FBA] =	sst s10  }
0x32: {  	s10 =	sld [smem:$0x3FB8];
	_ =	sdelay $0x3  }
0x33: {  	p0 =	seq.s32 s10, $0x1;
	s10 =	sld [smem:$0x3FBA];
	_ =	sdelay $0x3  }
0x34: {  	[smem:$0x3FBA] =	sst s10  }
0x35: {  	s10 =	sld [smem:$0x3FB9];
	_ =	sdelay $0x3  }
0x36: {  	p1 =	seq.s32 s10, $0x1;
	s10 =	sld [smem:$0x3FBA];
	_ =	sdelay $0x3  }
0x37: {  	[smem:$0x3FBA] =	sst s10  }
0x38: {  	s10 =	sld [smem:$0x3FBB]  }
0x39: {  	_ = 	snop;
	(pc) =	sbr.ind lr, $3  }
0x3a: {  	_ = 	snop  }
0x3b: {  	_ = 	snop  }
0x3c: {  	p2 =	seq.s32 s10, $0x1;
	s10 =	sld [smem:$0x3FBA]  }
0x3d: {  	_ =	shalt  }
0x3e: {  	_ =	shalt  }
0x3f: {  	_ =	shalt  }
0x40: {  	_ =	shalt  }
0x41: {  	_ =	shalt  }
0x42: {  	_ =	shalt  }
0x43: {  	_ =	shalt  }
0x44: {  	_ =	shalt  }
0x45: {  	_ =	shalt  }
0x46: {  	_ =	shalt  }
0x47: {  	_ =	shalt  }
0x48: {  	_ =	shalt  }
0x49: {  	_ =	shalt  }
0x4a: {  	_ =	shalt  }
0x4b: {  	_ =	shalt  }
0x4c: {  	_ =	shalt  }
0x4d: {  	_ =	shalt  }
0x4e: {  	_ =	shalt  }
0x4f: {  	_ =	shalt  }
0x50: {  	_ =	shalt  }
0x51: {  	_ =	shalt  }
0x52: {  	_ =	shalt  }
0x53: {  	_ =	shalt  }
0x54: {  	_ =	shalt  }
0x55: {  	_ =	shalt  }
0x56: {  	_ =	shalt  }
0x57: {  	_ =	shalt  }
0x58: {  	_ =	shalt  }
0x59: {  	_ =	shalt  }
0x5a: {  	_ =	shalt  }
0x5b: {  	_ =	shalt  }
0x5c: {  	_ =	shalt  }
0x5d: {  	_ =	shalt  }
0x5e: {  	_ =	shalt  }
0x5f: {  	_ =	shalt  }
0x60: {  	_ =	shalt  }
0x61: {  	_ =	shalt  }
0x62: {  	_ =	shalt  }
0x63: {  	_ =	shalt  }
0x64: {  	_ =	shalt  }
0x65: {  	_ =	shalt  }
0x66: {  	_ =	shalt  }
0x67: {  	_ =	shalt  }
0x68: {  	_ =	shalt  }
0x69: {  	_ =	shalt  }
0x6a: {  	_ =	shalt  }
0x6b: {  	_ =	shalt  }
0x6c: {  	_ =	shalt  }
0x6d: {  	_ =	shalt  }
0x6e: {  	_ =	shalt  }
0x6f: {  	_ =	shalt  }
0x70: {  	_ =	shalt  }
0x71: {  	_ =	shalt  }
0x72: {  	_ =	shalt  }
0x73: {  	_ =	shalt  }
0x74: {  	_ =	shalt  }
0x75: {  	_ =	shalt  }
0x76: {  	_ =	shalt  }
0x77: {  	_ =	shalt  }
0x78: {  	_ =	shalt  }
0x79: {  	_ =	shalt  }
0x7a: {  	_ =	shalt  }
0x7b: {  	_ =	shalt  }
0x7c: {  	_ =	shalt  }
0x7d: {  	_ =	shalt  }
0x7e: {  	_ =	shalt  }
0x7f: {  	_ =	shalt  }
0x80: {  	_ =	shalt  }
0x81: {  	_ =	shalt  }
0x82: {  	_ =	shalt  }
0x83: {  	_ =	shalt  }
0x84: {  	_ =	shalt  }
0x85: {  	_ =	shalt  }
0x86: {  	_ =	shalt  }
0x87: {  	_ =	shalt  }
.Lfunc_end0:
.L_simem_size_0:
called_computation.2_lowered:
.L_overlay_start_0:
0x88: {  	s2 =	sld [smem:$0x3FD9]  }
0x89: {  	s3 =	sld [smem:$0x3FFE];
	_ =	sdelay $0x1  }
0x8a: {  	s1 =	srdreg.scid  }
0x8b: {  	s0 =	sand.u32 $0x1, s1  }
0x8c: {  	s17 =	sshll.u32 s0, $0xA;
	s2 =	sadd.s32 s3, s2  }
0x8d: {  	s2 =	sadd.s32 s2, s17  }
0x8e: {  	[smem:$0x3FC6] =	sst s2  }
0x8f: {  	_ = 	snop  }
0x90: {  	(tm) =	ssettm $0x1  }
0x91: {  	s18 =	sld [smem:$0x3FFB];
	_ =	sdelay $0x3  }
0x92: {  	_ =	strace s18  }
0x93: {  	s2 =	sld [smem:$0x3FFC];
	_ =	sdelay $0x3  }
0x94: {  	_ =	strace s2  }
0x95: {  	s2 =	sld [smem:$0x3FFD];
	_ =	sdelay $0x3  }
0x96: {  	_ =	strace s2  }
0x97: {  	_ =	strace $0x8FFFFFFF  }
0x98: {  	s19 =	sld [smem:$0x3FDB];
	_ =	sdelay $0x1  }
0x99: {  	s20 =	simm.s32 $_scs_section_size  }
0x9a: {  	s4 =	simm.s32 $_size__tile_overlayer_lowered;
	s5 =	simm.s32 $_tile_overlayer_lowered  }
0x9b: {  	s6 =	simm.s32 $0x1BFF;
	s21 =	sshll.u32 s5, $0x1;
	s3 =	sadd.s32 s20, s19  }
0x9c: {  	s22 =	simm.s32 $0x0;
	s4 =	sshll.u32 s4, $0x1;
	s5 =	sadd.s32 s21, s3  }
0x9d: {  	[timem:s22], [sflag:s6] =	dma.local [hbm:s5], s4  }
0x9e: {  	_ =	swait.ge [sflag:s6], s4  }
0x9f: {  	s4 =	ssub.s32 $0x0, s4;
	[sflag:s6] =	ssyncset.done $0x0  }
0xa0: {  	[sflag:s6] =	ssyncadd.s32 s4;
	_ =	sdelay $0x1  }
0xa1: {  	s23 =	simm.s32 $0x1B8B  }
0xa2: {  	_ =	swait.ge [sflag:s23], $0x1  }
0xa3: {  	[sflag:s23] =	ssyncset.done $0x0  }
0xa4: {  	[sflag:s23] =	ssyncadd.s32 $0xFFFFFFFF  }
0xa5: {  	s4 =	sld [smem:$0x0]  }
0xa6: {  	s5 =	sand.u32 $0xFFFFFFFE, s1  }
0xa7: {  	p0 =	sne.s32 s1, s5  }
0xa8: {  	s5 =	sshll.u32 @p0 s5, $0xE  }
0xa9: {  	s5 =	sadd.s32 @p0 $0x11B8D, s5;
	s6 =	sshll.u32 @p0 s4, $0x11  }
0xaa: {  	s5 =	sor.u32 @p0 s6, s5  }
0xab: {  	[sflag:s5] =	ssyncadd.remote.s32 @p0 $0x1;
	_ =	sdelay $0x1  }
0xac: {  	s5 =	simm.s32 @p0 $0x1B8D  }
0xad: {  	_ =	swait.eq @p0 [sflag:s5], $0x1  }
0xae: {  	[sflag:s5] =	ssyncadd.s32 @p0 $0xFFFFFFFF  }
0xaf: {  	s6 =	sshll.u32 @!p0 s1, $0xE  }
0xb0: {  	s6 =	sor.u32 @!p0 $0x4000, s6;
	s5 =	simm.s32 @!p0 $0x1B8D  }
0xb1: {  	s4 =	sshll.u32 @!p0 s4, $0x11;
	s6 =	sadd.s32 @!p0 $0x11B8D, s6;
	_ =	swait.eq @!p0 [sflag:s5], $0x1  }
0xb2: {  	s4 =	sor.u32 @!p0 s4, s6;
	[sflag:s5] =	ssyncadd.s32 @!p0 $0xFFFFFFFF  }
0xb3: {  	s25 =	simm.s32 $0x1B8E;
	s24 =	sld [smem:$0x3FFE];
	[sflag:s4] =	ssyncadd.remote.s32 @!p0 $0x1  }
0xb4: {  	s26 =	simm.s32 $execute0_lowered;
	[smem:$0x3FD2] =	sst s25  }
0xb5: {  	s5 =	sshll.u32 s26, $0x1;
	_ =	strace $0x80000049;
	[dreg:$0x1] =	wrdreg $0xFFFFFFFF  }
0xb6: {  	s28 =	simm.s32 $_size_execute0_lowered;
	s3 =	sadd.s32 s3, s5;
	[dreg:$0x0] =	wrdreg $0x0  }
0xb7: {  	s5 =	sshll.u32 s28, $0x1;
	[dreg:$0x2] =	wrdreg s3  }
0xb8: {  	[dreg:$0x3] =	wrdreg s5  }
0xb9: {  	[dreg:$0x4] =	wrdreg $0xC0  }
0xba: {  	_ =	task [dreg:s22], $0x5FFFF  }
0xbb: {  	[dreg:$0x1] =	wrdreg $0xFFFFFFFF  }
0xbc: {  	[dreg:$0x0] =	wrdreg $0x60  }
0xbd: {  	[dreg:$0x2] =	wrdreg s24  }
0xbe: {  	[dreg:$0x3] =	wrdreg $0xA  }
0xbf: {  	_ =	task.clear_ibuf [dreg:s22], $0x4FFFF;
	_ =	strace $0x90000049  }
0xc0: {  	s29 =	simm.s32 $0xA;
	_ =	strace $0x8000004B  }
0xc1: {  	_ =	swait.ge [sflag:s29], $0x1  }
0xc2: {  	[sflag:s29] =	ssyncadd.s32 $0xFFFFFFFF  }
0xc3: {  	_ =	strace $0x9000004B  }
0xc4: {  	_ =	sfence  }
0xc5: {  	s30 =	sld [smem:$0x0];
	_ =	sdelay $0x2  }
0xc6: {  	s31 =	sshll.u32 s1, $0xD;
	s1 =	sshrl.u32 s1, $0x2  }
0xc7: {  	s4 =	sand.u32 $0x4000, s31;
	s1 =	sadd.s32 s1, s30  }
0xc8: {  	s0 =	sor.u32 s4, s0;
	s1 =	sshll.u32 s1, $0x11  }
0xc9: {  	s0 =	sor.u32 s1, s0  }
0xca: {  	s0 =	sadd.s32 $0x8F2B, s0  }
0xcb: {  	[sflag:s0] =	ssyncadd.remote.s32 $0x1  }
0xcc: {  	_ =	sfence.sel $0xFFFF  }
0xcd: {  	[dreg:$0x0] =	wrdreg $0xFFFFFFFF;
	(pc) =	sbr.abs _section_cstart, $3  }
0xce: {  	[dreg:$0x1] =	wrdreg $0xFFFFFFFF  }
0xcf: {  	_ =	task.clear_ibuf [dreg:s22], $0x2FFFF;
	_ =	strace $0x9FFFFFFF  }
0xd0: {  	(tm) =	ssettm $0x7FFFFFFF  }
0xd1: {  	_ =	shalt  }
tec
execute0_lowered:
.L_overlay_start_1:
0x0: {  	(tag) =	ssettag $0x1  }
0x1: {  	s0 =	srdreg.scid  }
0x2: {  	s1 =	stileid.u32;
	s6 =	rddreg [dreg:$0x0];
	s2 =	simm.s32 $0x0  }
0x3: {  	s21 =	simm.s32 $0x4680;
	s25 =	simm.s32 $0x6680;
	s30 =	simm.s32 $0x8680  }
0x4: {  	s15 =	simm.s32 $0xC680;
	s20 =	simm.s32 $0xE680;
	s26 =	simm.s32 $0x10680  }
0x5: {  	s14 =	simm.s32 $0x1;
	s16 =	simm.s32 $0x400;
	s18 =	simm.s32 $0x2000  }
0x6: {  	s22 =	simm.s32 $0x3;
	s23 =	simm.s32 $0x5;
	s24 =	simm.s32 $0x2  }
0x7: {  	s12 =	simm.s32 $0x0;
	s0 =	sand.u32 $0x1, s0;
	s1 =	sshll.u32 s1, $0x1  }
0x8: {  	v0 =	vimm.s32 $0xFEDCBA98;
	[smem:$0x7FF] =	sst s2;
	s4 =	sadd.s32 $0x3200, s6;
	s1 =	sor.u32 s0, s1  }
0x9: {  	v1 =	vimm.s32 $0x76543210;
	s5 =	sadd.s32 $0x667400, s6;
	v0 =	vunpack.c.l.s4.s8 v0;
	s0 =	ssub.s32 $0x2, s0;
	s3 =	smul.u32 $0x640, s1  }
0xa: {  	s8 =	sadd.s32 $0x3400, s6;
	s9 =	sadd.s32 $0x3500, s6;
	v1 =	vunpack.c.l.s4.s8 v1;
	s7 =	sshrl.u32 s0, $0x1  }
0xb: {  	v2 =	vlaneseq.u32;
	s10 =	sadd.s32 $0x667780, s6;
	v3 =	vunpack.c.0.s8.s32 v0;
	s0 =	ssub.s32 s0, s7;
	s1 =	sshrl.u32 s3, $0x3  }
0xc: {  	vm0 =	vmmov $0xffff;
	vm1 =	vmmov $0xff;
	_ =	strace $0x8000004A;
	v5 =	vunpack.c.0.s8.s32 v1;
	s0 =	smax.u32 s0, $0x1;
	s1 =	sadd.s32 s1, s6  }
0xd: {  	v4 =	vshrl.u32 v2, $0x3;
	v0 =	vand.u32 $0x7, v2;
	s7 =	sadd.s32 $0x3300, s6;
	v3 =	vand.u32 $0xF, v3;
	[dreg:$0x3] =	wrdreg s0;
	s1 =	sadd.s32 $0x662600, s1  }
0xe: {  	v1 =	vmul.u32 $0x8, v4;
	v2 =	vor.u32 $0x8, v2;
	s6 =	simm.s32 $0xA680;
	v3 =	vcombine.low v3, v5;
	[dreg:$0x2] =	wrdreg s1;
	s1 =	simm.s32 $0x12680  }
.LBB2_1:
0xf: {  	[dreg:$0x4] =	wrdreg s12  }
0x10: {  	s0 =	rddreg [dreg:$0x2];
	s17 =	simm.s32 $0x7  }
0x11: {  	[tilespmem:s2], [sflag:$0x7] =	stream.linear.gather [hbm4b:s0+s2], $0x640, $0x38;
	[tilespmem:$0x16E80] =	vst v63  }
0x12: {  	_ =	swait.ge [sflag:s17], $0x640  }
0x13: {  	[sflag:s17] =	ssyncset.done $0x0  }
0x14: {  	[sflag:s17] =	ssyncadd.s32 $0xFFFFF9C0  }
0x15: {  	v4 =	vld [tilespmem:$0x0];
	_ =	sdelay $0x4  }
0x16: {  	v5 =	vshll.u32 v4, $0x3  }
0x17: {  	v4 =	vand.u32 $0x7, v4;
	v5 =	vand.u32 $0xFFFFFFC0, v5  }
0x18: {  	v4 =	vor.u32 v4, v5  }
0x19: {  	v5 =	vperm.xlane v4, v0;
	_ =	sdelay $0x1  }
0x1a: {  	v5 =	vadd.s32 v1, v5;
	_ =	sdelay $0x3  }
0x1b: {  	s19 =	simm.s32 $0x680  }
0x1c: {  	[tilespmem:s19], [sflag:$0x1] =	stream.indirect_vreg.gather [hbm4b:s4+s2], $0x80, v5, vm0, $0xb8;
	[tilespmem:$0x16E80] =	vst v63  }
0x1d: {  	s28 =	simm.s32 $0xE80;
	v4 =	vperm.xlane v4, v2  }
0x1e: {  	[tilespmem:s28], [sflag:$0x1] =	stream.indirect_vreg.gather [hbm4b:s7+s2], $0x80, v5, vm0, $0xb8;
	[tilespmem:$0x16E80] =	vst v63  }
0x1f: {  	s31 =	simm.s32 $0x1680;
	v4 =	vadd.s32 v1, v4  }
0x20: {  	[tilespmem:s31], [sflag:$0x1] =	stream.indirect_vreg.gather [hbm4b:s8+s2], $0x80, v5, vm0, $0xb8;
	[tilespmem:$0x16E80] =	vst v63  }
0x21: {  	s11 =	simm.s32 $0x1E80  }
0x22: {  	[tilespmem:s11], [sflag:$0x1] =	stream.indirect_vreg.gather [hbm4b:s9+s2], $0x80, v5, vm0, $0xb8;
	[tilespmem:$0x16E80] =	vst v63  }
0x23: {  	s12 =	simm.s32 $0x2680  }
0x24: {  	[tilespmem:s12], [sflag:$0x1] =	stream.indirect_vreg.gather [hbm4b:s4+s2], $0x80, v4, vm0, $0xb8;
	[tilespmem:$0x16E80] =	vst v63  }
0x25: {  	s13 =	simm.s32 $0x2E80  }
0x26: {  	[tilespmem:s13], [sflag:$0x1] =	stream.indirect_vreg.gather [hbm4b:s7+s2], $0x80, v4, vm0, $0xb8;
	[tilespmem:$0x16E80] =	vst v63  }
0x27: {  	s17 =	simm.s32 $0x3680  }
0x28: {  	[tilespmem:s17], [sflag:$0x1] =	stream.indirect_vreg.gather [hbm4b:s8+s2], $0x80, v4, vm0, $0xb8;
	[tilespmem:$0x16E80] =	vst v63  }
0x29: {  	s19 =	simm.s32 $0x3E80  }
0x2a: {  	[tilespmem:s19], [sflag:$0x1] =	stream.indirect_vreg.gather [hbm4b:s9+s2], $0x80, v4, vm0, $0xb8;
	[tilespmem:$0x16E80] =	vst v63  }
0x2b: {  	v4 =	vld [tilespmem:$0x10];
	_ =	sdelay $0x4  }
0x2c: {  	v5 =	vshll.u32 v4, $0x3  }
0x2d: {  	v4 =	vand.u32 $0x7, v4;
	v5 =	vand.u32 $0xFFFFFFC0, v5  }
0x2e: {  	v4 =	vor.u32 v4, v5  }
0x2f: {  	v5 =	vperm.xlane v4, v0;
	_ =	sdelay $0x1  }
0x30: {  	v5 =	vadd.s32 v1, v5;
	_ =	sdelay $0x4  }
0x31: {  	[tilespmem:s21], [sflag:$0x1] =	stream.indirect_vreg.gather [hbm4b:s4+s2], $0x80, v5, vm0, $0xb8;
	[tilespmem:$0x16E80] =	vst v63  }
0x32: {  	s28 =	simm.s32 $0x4E80;
	v4 =	vperm.xlane v4, v2  }
0x33: {  	[tilespmem:s28], [sflag:$0x1] =	stream.indirect_vreg.gather [hbm4b:s7+s2], $0x80, v5, vm0, $0xb8;
	[tilespmem:$0x16E80] =	vst v63  }
0x34: {  	s31 =	simm.s32 $0x5680;
	v4 =	vadd.s32 v1, v4  }
0x35: {  	[tilespmem:s31], [sflag:$0x1] =	stream.indirect_vreg.gather [hbm4b:s8+s2], $0x80, v5, vm0, $0xb8;
	[tilespmem:$0x16E80] =	vst v63  }
0x36: {  	s11 =	simm.s32 $0x5E80  }
0x37: {  	[tilespmem:s11], [sflag:$0x1] =	stream.indirect_vreg.gather [hbm4b:s9+s2], $0x80, v5, vm0, $0xb8;
	[tilespmem:$0x16E80] =	vst v63  }
0x38: {  	_ = 	snop  }
0x39: {  	[tilespmem:s25], [sflag:$0x1] =	stream.indirect_vreg.gather [hbm4b:s4+s2], $0x80, v4, vm0, $0xb8;
	[tilespmem:$0x16E80] =	vst v63  }
0x3a: {  	s12 =	simm.s32 $0x6E80  }
0x3b: {  	[tilespmem:s12], [sflag:$0x1] =	stream.indirect_vreg.gather [hbm4b:s7+s2], $0x80, v4, vm0, $0xb8;
	[tilespmem:$0x16E80] =	vst v63  }
0x3c: {  	s13 =	simm.s32 $0x7680  }
0x3d: {  	[tilespmem:s13], [sflag:$0x1] =	stream.indirect_vreg.gather [hbm4b:s8+s2], $0x80, v4, vm0, $0xb8;
	[tilespmem:$0x16E80] =	vst v63  }
0x3e: {  	s17 =	simm.s32 $0x7E80  }
0x3f: {  	[tilespmem:s17], [sflag:$0x1] =	stream.indirect_vreg.gather [hbm4b:s9+s2], $0x80, v4, vm0, $0xb8;
	[tilespmem:$0x16E80] =	vst v63  }
0x40: {  	v4 =	vld.msk [tilespmem:$0x20], $0xff;
	_ =	sdelay $0x4  }
0x41: {  	v5 =	vshll.u32 v4, $0x3  }
0x42: {  	v4 =	vand.u32 $0x7, v4;
	v5 =	vand.u32 $0xFFFFFFC0, v5  }
0x43: {  	v4 =	vor.u32 v4, v5  }
0x44: {  	v4 =	vperm.xlane v4, v0;
	_ =	sdelay $0x1  }
0x45: {  	v4 =	vadd.s32 v1, v4;
	_ =	sdelay $0x4  }
0x46: {  	[tilespmem:s30], [sflag:$0x1] =	stream.indirect_vreg.gather [hbm4b:s4+s2], $0x80, v4, vm0, $0xb8;
	[tilespmem:$0x16E80] =	vst v63  }
0x47: {  	s19 =	simm.s32 $0x8E80  }
0x48: {  	[tilespmem:s19], [sflag:$0x1] =	stream.indirect_vreg.gather [hbm4b:s7+s2], $0x80, v4, vm0, $0xb8;
	[tilespmem:$0x16E80] =	vst v63  }
0x49: {  	s28 =	simm.s32 $0x9680  }
0x4a: {  	[tilespmem:s28], [sflag:$0x1] =	stream.indirect_vreg.gather [hbm4b:s8+s2], $0x80, v4, vm0, $0xb8;
	[tilespmem:$0x16E80] =	vst v63  }
0x4b: {  	s29 =	simm.s32 $0x0;
	s31 =	simm.s32 $0x9E80  }
0x4c: {  	[tilespmem:s31], [sflag:$0x1] =	stream.indirect_vreg.gather [hbm4b:s9+s2], $0x80, v4, vm0, $0xb8;
	[tilespmem:$0x16E80] =	vst v63  }
.LBB2_2:
0x4d: {  	p0 =	seq.s32 s29, $0x0  }
0x4e: {  	s0 =	simm.s32 @!p0 $0x4  }
0x4f: {  	_ =	swait.ge @!p0 [sflag:s0], $0x8C00  }
0x50: {  	s11 =	sshll.u32 s29, $0x1;
	[sflag:s0] =	ssyncset.done @!p0 $0x0  }
0x51: {  	s31 =	sor.u32 $0x1, s11;
	[sflag:s0] =	ssyncadd.s32 @!p0 $0xFFFF7400;
	s0 =	simm.s32 @!p0 $0x6  }
0x52: {  	s11 =	smul.u32 $0xA0, s31;
	_ =	swait.ge @!p0 [sflag:s0], $0x1400  }
0x53: {  	[sflag:s0] =	ssyncset.done @!p0 $0x0  }
0x54: {  	s11 =	sshra.s32 s11, $0x2;
	[sflag:s0] =	ssyncadd.s32 @!p0 $0xFFFFEC00  }
0x55: {  	v4 =	vld [tilespmem:s11+$0x0];
	_ =	sdelay $0x4  }
0x56: {  	v5 =	vshll.u32 v4, $0x3  }
0x57: {  	v4 =	vand.u32 $0x7, v4;
	v5 =	vand.u32 $0xFFFFFFC0, v5  }
0x58: {  	v4 =	vor.u32 v4, v5  }
0x59: {  	v5 =	vperm.xlane v4, v0;
	_ =	sdelay $0x1  }
0x5a: {  	v5 =	vadd.s32 v1, v5;
	_ =	sdelay $0x3  }
0x5b: {  	s0 =	simm.s32 $0x0  }
0x5c: {  	[tilespmem:s6], [sflag:$0x2] =	stream.indirect_vreg.gather [hbm4b:s4+s0], $0x80, v5, vm0, $0xb8;
	[tilespmem:$0x16E80] =	vst v63  }
0x5d: {  	s12 =	simm.s32 $0xAE80;
	v4 =	vperm.xlane v4, v2  }
0x5e: {  	[tilespmem:s12], [sflag:$0x2] =	stream.indirect_vreg.gather [hbm4b:s7+s0], $0x80, v5, vm0, $0xb8;
	[tilespmem:$0x16E80] =	vst v63  }
0x5f: {  	s13 =	simm.s32 $0xB680;
	v4 =	vadd.s32 v1, v4  }
0x60: {  	[tilespmem:s13], [sflag:$0x2] =	stream.indirect_vreg.gather [hbm4b:s8+s0], $0x80, v5, vm0, $0xb8;
	[tilespmem:$0x16E80] =	vst v63  }
0x61: {  	s17 =	simm.s32 $0xBE80  }
0x62: {  	[tilespmem:s17], [sflag:$0x2] =	stream.indirect_vreg.gather [hbm4b:s9+s0], $0x80, v5, vm0, $0xb8;
	[tilespmem:$0x16E80] =	vst v63  }
0x63: {  	_ = 	snop  }
0x64: {  	[tilespmem:s15], [sflag:$0x2] =	stream.indirect_vreg.gather [hbm4b:s4+s0], $0x80, v4, vm0, $0xb8;
	[tilespmem:$0x16E80] =	vst v63  }
0x65: {  	s19 =	simm.s32 $0xCE80  }
0x66: {  	[tilespmem:s19], [sflag:$0x2] =	stream.indirect_vreg.gather [hbm4b:s7+s0], $0x80, v4, vm0, $0xb8;
	[tilespmem:$0x16E80] =	vst v63  }
0x67: {  	s13 =	simm.s32 $0xD680  }
0x68: {  	[tilespmem:s13], [sflag:$0x2] =	stream.indirect_vreg.gather [hbm4b:s8+s0], $0x80, v4, vm0, $0xb8;
	[tilespmem:$0x16E80] =	vst v63  }
0x69: {  	s17 =	simm.s32 $0xDE80  }
0x6a: {  	[tilespmem:s17], [sflag:$0x2] =	stream.indirect_vreg.gather [hbm4b:s9+s0], $0x80, v4, vm0, $0xb8;
	[tilespmem:$0x16E80] =	vst v63  }
0x6b: {  	v4 =	vld [tilespmem:s11+$0x10];
	_ =	sdelay $0x4  }
0x6c: {  	v5 =	vshll.u32 v4, $0x3  }
0x6d: {  	v4 =	vand.u32 $0x7, v4;
	v5 =	vand.u32 $0xFFFFFFC0, v5  }
0x6e: {  	v4 =	vor.u32 v4, v5  }
0x6f: {  	v5 =	vperm.xlane v4, v0;
	_ =	sdelay $0x1  }
0x70: {  	v5 =	vadd.s32 v1, v5;
	_ =	sdelay $0x4  }
0x71: {  	[tilespmem:s20], [sflag:$0x2] =	stream.indirect_vreg.gather [hbm4b:s4+s0], $0x80, v5, vm0, $0xb8;
	[tilespmem:$0x16E80] =	vst v63  }
0x72: {  	s19 =	simm.s32 $0xEE80;
	v4 =	vperm.xlane v4, v2  }
0x73: {  	[tilespmem:s19], [sflag:$0x2] =	stream.indirect_vreg.gather [hbm4b:s7+s0], $0x80, v5, vm0, $0xb8;
	[tilespmem:$0x16E80] =	vst v63  }
0x74: {  	s13 =	simm.s32 $0xF680;
	v4 =	vadd.s32 v1, v4  }
0x75: {  	[tilespmem:s13], [sflag:$0x2] =	stream.indirect_vreg.gather [hbm4b:s8+s0], $0x80, v5, vm0, $0xb8;
	[tilespmem:$0x16E80] =	vst v63  }
0x76: {  	s17 =	simm.s32 $0xFE80  }
0x77: {  	[tilespmem:s17], [sflag:$0x2] =	stream.indirect_vreg.gather [hbm4b:s9+s0], $0x80, v5, vm0, $0xb8;
	[tilespmem:$0x16E80] =	vst v63  }
0x78: {  	_ = 	snop  }
0x79: {  	[tilespmem:s26], [sflag:$0x2] =	stream.indirect_vreg.gather [hbm4b:s4+s0], $0x80, v4, vm0, $0xb8;
	[tilespmem:$0x16E80] =	vst v63  }
0x7a: {  	s19 =	simm.s32 $0x10E80  }
0x7b: {  	[tilespmem:s19], [sflag:$0x2] =	stream.indirect_vreg.gather [hbm4b:s7+s0], $0x80, v4, vm0, $0xb8;
	[tilespmem:$0x16E80] =	vst v63  }
0x7c: {  	s13 =	simm.s32 $0x11680  }
0x7d: {  	[tilespmem:s13], [sflag:$0x2] =	stream.indirect_vreg.gather [hbm4b:s8+s0], $0x80, v4, vm0, $0xb8;
	[tilespmem:$0x16E80] =	vst v63  }
0x7e: {  	s17 =	simm.s32 $0x11E80  }
0x7f: {  	[tilespmem:s17], [sflag:$0x2] =	stream.indirect_vreg.gather [hbm4b:s9+s0], $0x80, v4, vm0, $0xb8;
	[tilespmem:$0x16E80] =	vst v63  }
0x80: {  	v4 =	vld.msk [tilespmem:s11+$0x20], $0xff;
	_ =	sdelay $0x4  }
0x81: {  	v5 =	vshll.u32 v4, $0x3  }
0x82: {  	v4 =	vand.u32 $0x7, v4;
	v5 =	vand.u32 $0xFFFFFFC0, v5  }
0x83: {  	v4 =	vor.u32 v4, v5  }
0x84: {  	v4 =	vperm.xlane v4, v0  }
0x85: {  	s19 =	smul.u32 $0x50, s29  }
0x86: {  	v4 =	vadd.s32 v1, v4  }
0x87: {  	s11 =	sadd.s32 s3, s19  }
0x88: {  	s17 =	smulhi.u32 $0x51EB851F, s11;
	_ =	sdelay $0x1  }
0x89: {  	s12 =	sshrl.u32 s17, $0x6  }
0x8a: {  	[tilespmem:s1], [sflag:$0x2] =	stream.indirect_vreg.gather [hbm4b:s4+s0], $0x80, v4, vm0, $0xb8;
	[tilespmem:$0x16E80] =	vst v63  }
0x8b: {  	s13 =	simm.s32 $0x12E80;
	s19 =	smul.u32 $0xC8, s12  }
0x8c: {  	[tilespmem:s13], [sflag:$0x2] =	stream.indirect_vreg.gather [hbm4b:s7+s0], $0x80, v4, vm0, $0xb8;
	[tilespmem:$0x16E80] =	vst v63  }
0x8d: {  	s11 =	ssub.s32 s11, s19;
	s13 =	simm.s32 $0x13680  }
0x8e: {  	[tilespmem:s13], [sflag:$0x2] =	stream.indirect_vreg.gather [hbm4b:s8+s0], $0x80, v4, vm0, $0xb8;
	[tilespmem:$0x16E80] =	vst v63  }
0x8f: {  	s17 =	simm.s32 $0x13E80;
	s12 =	smul.u32 $0x32000, s12;
	s11 =	sshll.u32 s11, $0xA  }
0x90: {  	[tilespmem:s17], [sflag:$0x2] =	stream.indirect_vreg.gather [hbm4b:s9+s0], $0x80, v4, vm0, $0xb8;
	[tilespmem:$0x16E80] =	vst v63  }
0x91: {  	s11 =	sadd.s32 s11, s12;
	_ =	swait.ge [sflag:s14], $0xA000  }
0x92: {  	s11 =	sshrl.u32 s11, $0x3;
	[sflag:s14] =	ssyncset.done $0x0  }
0x93: {  	s19 =	simm.s32 $0x680;
	s12 =	sadd.s32 s5, s11;
	[sflag:s14] =	ssyncadd.s32 $0xFFFF6000  }
0x94: {  	[hbm4b:s12+s0] =	stream.linear.scatter [tilespmem:s19], [sflag:$0x3], $0x1C00, $0x38;
	[tilespmem:$0x16E80] =	vst v63  }
0x95: {  	s17 =	sadd.s32 $0x400, s12;
	s19 =	simm.s32 $0x2680  }
0x96: {  	[hbm4b:s17+s0] =	stream.linear.scatter [tilespmem:s19], [sflag:$0x3], $0x1C00, $0x38;
	[tilespmem:$0x16E80] =	vst v63  }
0x97: {  	s17 =	sadd.s32 $0x800, s12  }
0x98: {  	[hbm4b:s17+s0] =	stream.linear.scatter [tilespmem:s21], [sflag:$0x3], $0x1C00, $0x38;
	[tilespmem:$0x16E80] =	vst v63  }
0x99: {  	s19 =	sadd.s32 $0xC00, s12  }
0x9a: {  	[hbm4b:s19+s0] =	stream.linear.scatter [tilespmem:s25], [sflag:$0x3], $0x1C00, $0x38;
	[tilespmem:$0x16E80] =	vst v63  }
0x9b: {  	s13 =	sand.u32 $0x7, s0;
	s12 =	sadd.s32 $0x1000, s12  }
0x9c: {  	[hbm4b:s12+s0] =	stream.linear.scatter [tilespmem:s30], [sflag:$0x3], $0x1C00, $0x38;
	[tilespmem:$0x16E80] =	vst v63  }
0x9d: {  	s12 =	sshll.u32 s13, $0x7  }
0x9e: {  	s13 =	sadd.s32 $0x0, s12  }
0x9f: {  	s12 =	sor.u32 $0x1C00, s13  }
0xa0: {  	v4 =	vld [tilespmem:s12+$0x680];
	_ =	sdelay $0x3  }
0xa1: {  	s12 =	simm.s32 $0x146B0  }
0xa2: {  	s19 =	sor.u32 $0x1C10, s13;
	[tilespmem:s12+$0xFFFFFFD0] =	vst v4  }
0xa3: {  	v4 =	vld [tilespmem:s19+$0x680];
	_ =	sdelay $0x4  }
0xa4: {  	s17 =	sor.u32 $0x1C20, s13;
	[tilespmem:s12+$0xFFFFFFE0] =	vst v4  }
0xa5: {  	v4 =	vld [tilespmem:s17+$0x680];
	_ =	sdelay $0x4  }
0xa6: {  	s17 =	sor.u32 $0x1C30, s13;
	[tilespmem:s12+$0xFFFFFFF0] =	vst v4  }
0xa7: {  	v4 =	vld [tilespmem:s17+$0x680];
	_ =	sdelay $0x4  }
0xa8: {  	s17 =	sor.u32 $0x1C40, s13;
	[tilespmem:s12+$0x0] =	vst v4  }
0xa9: {  	v4 =	vld [tilespmem:s17+$0x680];
	_ =	sdelay $0x4  }
0xaa: {  	s17 =	sor.u32 $0x1C50, s13;
	[tilespmem:s12+$0x10] =	vst v4  }
0xab: {  	v4 =	vld [tilespmem:s17+$0x680];
	_ =	sdelay $0x4  }
0xac: {  	s13 =	sor.u32 $0x1C60, s13;
	[tilespmem:s12+$0x20] =	vst v4  }
0xad: {  	v5 =	vld.msk [tilespmem:s13+$0x680], $0xff;
	_ =	sdelay $0x3  }
0xae: {  	s19 =	simm.s32 $0x1  }
0xaf: {  	s28 =	simm.s32 $0x100;
	v4 =	vperm.xlane v4, v3;
	s13 =	sand.u32 $0x7, s19;
	v5 =	vperm.xlane v5, v3  }
.LBB2_3:
0xb0: {  	p0 =	sne.s32 s28, $0x1380;
	s13 =	sshll.u32 s13, $0x7;
	s0 =	sadd.s32 $0x400, s0  }
0xb1: {  	s13 =	sadd.s32 s13, s0;
	v4 =	vsel vm1, v4, v5  }
0xb2: {  	s17 =	sor.u32 $0x1C00, s13;
	[tilespmem:s12+$0x28] =	vst v4  }
0xb3: {  	v4 =	vld [tilespmem:s17+$0x680];
	_ =	sdelay $0x3  }
0xb4: {  	s12 =	sadd.s32 $0x80, s12  }
0xb5: {  	s17 =	sor.u32 $0x1C10, s13;
	[tilespmem:s12+$0xFFFFFFD0] =	vst v4  }
0xb6: {  	v4 =	vld [tilespmem:s17+$0x680];
	_ =	sdelay $0x4  }
0xb7: {  	s17 =	sor.u32 $0x1C20, s13;
	[tilespmem:s12+$0xFFFFFFE0] =	vst v4  }
0xb8: {  	v4 =	vld [tilespmem:s17+$0x680];
	_ =	sdelay $0x4  }
0xb9: {  	s17 =	sor.u32 $0x1C30, s13;
	[tilespmem:s12+$0xFFFFFFF0] =	vst v4  }
0xba: {  	v4 =	vld [tilespmem:s17+$0x680];
	_ =	sdelay $0x4  }
0xbb: {  	s17 =	sor.u32 $0x1C40, s13;
	[tilespmem:s12+$0x0] =	vst v4  }
0xbc: {  	v4 =	vld [tilespmem:s17+$0x680];
	_ =	sdelay $0x4  }
0xbd: {  	s17 =	sor.u32 $0x1C50, s13;
	[tilespmem:s12+$0x10] =	vst v4  }
0xbe: {  	v4 =	vld [tilespmem:s17+$0x680];
	_ =	sdelay $0x4  }
0xbf: {  	s13 =	sor.u32 $0x1C60, s13;
	[tilespmem:s12+$0x20] =	vst v4;
	v4 =	vperm.xlane v4, v3  }
0xc0: {  	v5 =	vld.msk [tilespmem:s13+$0x680], $0xff  }
.Ltmp0:
0xc1: {  	(pc) =	sbr.rel @p0 .LBB2_3-.Ltmp0, $3  }
0xc2: {  	_ =	sdelay $0x1  }
0xc3: {  	s19 =	sadd.s32 $0x1, s19  }
0xc4: {  	s28 =	sadd.s32 $0x80, s28;
	s13 =	sand.u32 $0x7, s19;
	v5 =	vperm.xlane v5, v3  }
0xc5: {  	s13 =	sshll.u32 s13, $0x7;
	s0 =	sadd.s32 $0x400, s0  }
0xc6: {  	s0 =	sadd.s32 s13, s0;
	v4 =	vsel vm1, v4, v5  }
0xc7: {  	s13 =	sor.u32 $0x1C00, s0;
	[tilespmem:s12+$0x28] =	vst v4  }
0xc8: {  	v4 =	vld [tilespmem:s13+$0x680];
	_ =	sdelay $0x3  }
0xc9: {  	s12 =	sadd.s32 $0x80, s12  }
0xca: {  	s28 =	sor.u32 $0x1C10, s0;
	[tilespmem:s12+$0xFFFFFFD0] =	vst v4  }
0xcb: {  	v4 =	vld [tilespmem:s28+$0x680];
	_ =	sdelay $0x4  }
0xcc: {  	s17 =	sor.u32 $0x1C20, s0;
	[tilespmem:s12+$0xFFFFFFE0] =	vst v4  }
0xcd: {  	v4 =	vld [tilespmem:s17+$0x680];
	_ =	sdelay $0x4  }
0xce: {  	s19 =	sor.u32 $0x1C30, s0;
	[tilespmem:s12+$0xFFFFFFF0] =	vst v4  }
0xcf: {  	v4 =	vld [tilespmem:s19+$0x680];
	_ =	sdelay $0x4  }
0xd0: {  	s28 =	sor.u32 $0x1C40, s0;
	[tilespmem:s12+$0x0] =	vst v4  }
0xd1: {  	v4 =	vld [tilespmem:s28+$0x680];
	_ =	sdelay $0x4  }
0xd2: {  	s17 =	sor.u32 $0x1C50, s0;
	[tilespmem:s12+$0x10] =	vst v4  }
0xd3: {  	v4 =	vld [tilespmem:s17+$0x680];
	_ =	sdelay $0x4  }
0xd4: {  	s0 =	sor.u32 $0x1C60, s0;
	[tilespmem:s12+$0x20] =	vst v4  }
0xd5: {  	v5 =	vld.msk [tilespmem:s0+$0x680], $0xff;
	_ =	sdelay $0x4  }
0xd6: {  	v4 =	vperm.xlane v4, v3;
	v5 =	vperm.xlane v5, v3;
	_ =	sdelay $0x1  }
0xd7: {  	v4 =	vsel vm1, v4, v5  }
0xd8: {  	s19 =	sadd.s32 s11, s10;
	s28 =	simm.s32 $0x14680;
	[tilespmem:s12+$0x28] =	vst v4  }
0xd9: {  	[hbm4b:s19+s16] =	stream.strided.scatter [tilespmem:s28], [sflag:$0x5], $0x1400, s18, s16, $0x38;
	[tilespmem:$0x16E80] =	vst v63  }
0xda: {  	p0 =	seq.s32 s29, $0x13;
	_ =	swait.ge [sflag:s22], $0x8C00  }
.Ltmp1:
0xdb: {  	[sflag:s22] =	ssyncset.done $0x0;
	(pc) =	sbr.rel @p0 .LBB2_6-.Ltmp1, $4  }
0xdc: {  	[sflag:s22] =	ssyncadd.s32 $0xFFFF7400  }
0xdd: {  	_ =	swait.ge [sflag:s23], $0x1400  }
0xde: {  	[sflag:s23] =	ssyncset.done $0x0  }
0xdf: {  	[sflag:s23] =	ssyncadd.s32 $0xFFFFEC00  }
0xe0: {  	s0 =	smul.u32 $0x140, s29;
	_ =	sdelay $0x1  }
0xe1: {  	s0 =	sshra.s32 s0, $0x2  }
0xe2: {  	v4 =	vld [tilespmem:s0+$0x50];
	_ =	sdelay $0x4  }
0xe3: {  	v5 =	vshll.u32 v4, $0x3  }
0xe4: {  	v4 =	vand.u32 $0x7, v4;
	v5 =	vand.u32 $0xFFFFFFC0, v5  }
0xe5: {  	v4 =	vor.u32 v4, v5  }
0xe6: {  	v5 =	vperm.xlane v4, v0;
	_ =	sdelay $0x1  }
0xe7: {  	v5 =	vadd.s32 v1, v5;
	_ =	sdelay $0x3  }
0xe8: {  	s11 =	simm.s32 $0x680  }
0xe9: {  	[tilespmem:s11], [sflag:$0x1] =	stream.indirect_vreg.gather [hbm4b:s4+s2], $0x80, v5, vm0, $0xb8;
	[tilespmem:$0x16E80] =	vst v63  }
0xea: {  	s28 =	simm.s32 $0xE80;
	v4 =	vperm.xlane v4, v2  }
0xeb: {  	[tilespmem:s28], [sflag:$0x1] =	stream.indirect_vreg.gather [hbm4b:s7+s2], $0x80, v5, vm0, $0xb8;
	[tilespmem:$0x16E80] =	vst v63  }
0xec: {  	s12 =	simm.s32 $0x1680;
	v4 =	vadd.s32 v1, v4  }
0xed: {  	[tilespmem:s12], [sflag:$0x1] =	stream.indirect_vreg.gather [hbm4b:s8+s2], $0x80, v5, vm0, $0xb8;
	[tilespmem:$0x16E80] =	vst v63  }
0xee: {  	s13 =	simm.s32 $0x1E80  }
0xef: {  	[tilespmem:s13], [sflag:$0x1] =	stream.indirect_vreg.gather [hbm4b:s9+s2], $0x80, v5, vm0, $0xb8;
	[tilespmem:$0x16E80] =	vst v63  }
0xf0: {  	s17 =	simm.s32 $0x2680  }
0xf1: {  	[tilespmem:s17], [sflag:$0x1] =	stream.indirect_vreg.gather [hbm4b:s4+s2], $0x80, v4, vm0, $0xb8;
	[tilespmem:$0x16E80] =	vst v63  }
0xf2: {  	s19 =	simm.s32 $0x2E80  }
0xf3: {  	[tilespmem:s19], [sflag:$0x1] =	stream.indirect_vreg.gather [hbm4b:s7+s2], $0x80, v4, vm0, $0xb8;
	[tilespmem:$0x16E80] =	vst v63  }
0xf4: {  	s28 =	simm.s32 $0x3680  }
0xf5: {  	[tilespmem:s28], [sflag:$0x1] =	stream.indirect_vreg.gather [hbm4b:s8+s2], $0x80, v4, vm0, $0xb8;
	[tilespmem:$0x16E80] =	vst v63  }
0xf6: {  	s12 =	simm.s32 $0x3E80  }
0xf7: {  	[tilespmem:s12], [sflag:$0x1] =	stream.indirect_vreg.gather [hbm4b:s9+s2], $0x80, v4, vm0, $0xb8;
	[tilespmem:$0x16E80] =	vst v63  }
0xf8: {  	v4 =	vld [tilespmem:s0+$0x60];
	_ =	sdelay $0x4  }
0xf9: {  	v5 =	vshll.u32 v4, $0x3  }
0xfa: {  	v4 =	vand.u32 $0x7, v4;
	v5 =	vand.u32 $0xFFFFFFC0, v5  }
0xfb: {  	v4 =	vor.u32 v4, v5  }
0xfc: {  	v5 =	vperm.xlane v4, v0;
	_ =	sdelay $0x1  }
0xfd: {  	v5 =	vadd.s32 v1, v5;
	_ =	sdelay $0x4  }
0xfe: {  	[tilespmem:s21], [sflag:$0x1] =	stream.indirect_vreg.gather [hbm4b:s4+s2], $0x80, v5, vm0, $0xb8;
	[tilespmem:$0x16E80] =	vst v63  }
0xff: {  	s13 =	simm.s32 $0x4E80;
	v4 =	vperm.xlane v4, v2  }
0x100: {  	[tilespmem:s13], [sflag:$0x1] =	stream.indirect_vreg.gather [hbm4b:s7+s2], $0x80, v5, vm0, $0xb8;
	[tilespmem:$0x16E80] =	vst v63  }
0x101: {  	s17 =	simm.s32 $0x5680;
	v4 =	vadd.s32 v1, v4  }
0x102: {  	[tilespmem:s17], [sflag:$0x1] =	stream.indirect_vreg.gather [hbm4b:s8+s2], $0x80, v5, vm0, $0xb8;
	[tilespmem:$0x16E80] =	vst v63  }
0x103: {  	s19 =	simm.s32 $0x5E80  }
0x104: {  	[tilespmem:s19], [sflag:$0x1] =	stream.indirect_vreg.gather [hbm4b:s9+s2], $0x80, v5, vm0, $0xb8;
	[tilespmem:$0x16E80] =	vst v63  }
0x105: {  	_ = 	snop  }
0x106: {  	[tilespmem:s25], [sflag:$0x1] =	stream.indirect_vreg.gather [hbm4b:s4+s2], $0x80, v4, vm0, $0xb8;
	[tilespmem:$0x16E80] =	vst v63  }
0x107: {  	s28 =	simm.s32 $0x6E80  }
0x108: {  	[tilespmem:s28], [sflag:$0x1] =	stream.indirect_vreg.gather [hbm4b:s7+s2], $0x80, v4, vm0, $0xb8;
	[tilespmem:$0x16E80] =	vst v63  }
0x109: {  	s12 =	simm.s32 $0x7680  }
0x10a: {  	[tilespmem:s12], [sflag:$0x1] =	stream.indirect_vreg.gather [hbm4b:s8+s2], $0x80, v4, vm0, $0xb8;
	[tilespmem:$0x16E80] =	vst v63  }
0x10b: {  	s13 =	simm.s32 $0x7E80  }
0x10c: {  	[tilespmem:s13], [sflag:$0x1] =	stream.indirect_vreg.gather [hbm4b:s9+s2], $0x80, v4, vm0, $0xb8;
	[tilespmem:$0x16E80] =	vst v63  }
0x10d: {  	v4 =	vld.msk [tilespmem:s0+$0x70], $0xff;
	_ =	sdelay $0x4  }
0x10e: {  	v5 =	vshll.u32 v4, $0x3  }
0x10f: {  	v4 =	vand.u32 $0x7, v4;
	v5 =	vand.u32 $0xFFFFFFC0, v5  }
0x110: {  	v4 =	vor.u32 v4, v5  }
0x111: {  	v4 =	vperm.xlane v4, v0;
	_ =	sdelay $0x1  }
0x112: {  	v4 =	vadd.s32 v1, v4;
	_ =	sdelay $0x4  }
0x113: {  	[tilespmem:s30], [sflag:$0x1] =	stream.indirect_vreg.gather [hbm4b:s4+s2], $0x80, v4, vm0, $0xb8;
	[tilespmem:$0x16E80] =	vst v63  }
0x114: {  	s17 =	simm.s32 $0x8E80  }
0x115: {  	[tilespmem:s17], [sflag:$0x1] =	stream.indirect_vreg.gather [hbm4b:s7+s2], $0x80, v4, vm0, $0xb8;
	[tilespmem:$0x16E80] =	vst v63  }
0x116: {  	s19 =	simm.s32 $0x9680  }
0x117: {  	[tilespmem:s19], [sflag:$0x1] =	stream.indirect_vreg.gather [hbm4b:s8+s2], $0x80, v4, vm0, $0xb8;
	[tilespmem:$0x16E80] =	vst v63  }
0x118: {  	s28 =	simm.s32 $0x9E80  }
0x119: {  	[tilespmem:s28], [sflag:$0x1] =	stream.indirect_vreg.gather [hbm4b:s9+s2], $0x80, v4, vm0, $0xb8;
	[tilespmem:$0x16E80] =	vst v63  }
.LBB2_6:
0x11a: {  	s0 =	smul.u32 $0x28, s31;
	_ =	sdelay $0x1  }
0x11b: {  	s0 =	sadd.s32 s3, s0  }
0x11c: {  	s11 =	smulhi.u32 $0x51EB851F, s0;
	_ =	sdelay $0x1  }
0x11d: {  	s11 =	sshrl.u32 s11, $0x6  }
0x11e: {  	s12 =	smul.u32 $0xC8, s11;
	_ =	sdelay $0x1  }
0x11f: {  	s11 =	smul.u32 $0x32000, s11;
	s0 =	ssub.s32 s0, s12  }
0x120: {  	s0 =	sshll.u32 s0, $0xA  }
0x121: {  	_ =	swait.ge [sflag:s24], $0xA000;
	s0 =	sadd.s32 s0, s11  }
0x122: {  	[sflag:s24] =	ssyncset.done $0x0;
	s0 =	sshrl.u32 s0, $0x3  }
0x123: {  	[sflag:s24] =	ssyncadd.s32 $0xFFFF6000;
	s11 =	simm.s32 $0x0;
	s17 =	sadd.s32 s5, s0  }
0x124: {  	[hbm4b:s17+s11] =	stream.linear.scatter [tilespmem:s6], [sflag:$0x4], $0x1C00, $0x38;
	[tilespmem:$0x16E80] =	vst v63  }
0x125: {  	s13 =	sadd.s32 $0x400, s17  }
0x126: {  	[hbm4b:s13+s11] =	stream.linear.scatter [tilespmem:s15], [sflag:$0x4], $0x1C00, $0x38;
	[tilespmem:$0x16E80] =	vst v63  }
0x127: {  	s19 =	sadd.s32 $0x800, s17  }
0x128: {  	[hbm4b:s19+s11] =	stream.linear.scatter [tilespmem:s20], [sflag:$0x4], $0x1C00, $0x38;
	[tilespmem:$0x16E80] =	vst v63  }
0x129: {  	s31 =	sadd.s32 $0xC00, s17  }
0x12a: {  	[hbm4b:s31+s11] =	stream.linear.scatter [tilespmem:s26], [sflag:$0x4], $0x1C00, $0x38;
	[tilespmem:$0x16E80] =	vst v63  }
0x12b: {  	s12 =	sadd.s32 $0x1000, s17;
	s17 =	sand.u32 $0x7, s11  }
0x12c: {  	[hbm4b:s12+s11] =	stream.linear.scatter [tilespmem:s1], [sflag:$0x4], $0x1C00, $0x38;
	[tilespmem:$0x16E80] =	vst v63  }
0x12d: {  	s12 =	sshll.u32 s17, $0x7  }
0x12e: {  	s13 =	sadd.s32 $0x0, s12  }
0x12f: {  	s12 =	sor.u32 $0x1C00, s13  }
0x130: {  	v4 =	vld [tilespmem:s12+$0xA680];
	_ =	sdelay $0x3  }
0x131: {  	s12 =	simm.s32 $0x15AB0  }
0x132: {  	s17 =	sor.u32 $0x1C10, s13;
	[tilespmem:s12+$0xFFFFFFD0] =	vst v4  }
0x133: {  	v4 =	vld [tilespmem:s17+$0xA680];
	_ =	sdelay $0x4  }
0x134: {  	s19 =	sor.u32 $0x1C20, s13;
	[tilespmem:s12+$0xFFFFFFE0] =	vst v4  }
0x135: {  	v4 =	vld [tilespmem:s19+$0xA680];
	_ =	sdelay $0x4  }
0x136: {  	s31 =	sor.u32 $0x1C30, s13;
	[tilespmem:s12+$0xFFFFFFF0] =	vst v4  }
0x137: {  	v4 =	vld [tilespmem:s31+$0xA680];
	_ =	sdelay $0x4  }
0x138: {  	s19 =	sor.u32 $0x1C40, s13;
	[tilespmem:s12+$0x0] =	vst v4  }
0x139: {  	v4 =	vld [tilespmem:s19+$0xA680];
	_ =	sdelay $0x4  }
0x13a: {  	s31 =	sor.u32 $0x1C50, s13;
	[tilespmem:s12+$0x10] =	vst v4  }
0x13b: {  	v4 =	vld [tilespmem:s31+$0xA680];
	_ =	sdelay $0x4  }
0x13c: {  	s13 =	sor.u32 $0x1C60, s13;
	[tilespmem:s12+$0x20] =	vst v4  }
0x13d: {  	v5 =	vld.msk [tilespmem:s13+$0xA680], $0xff;
	_ =	sdelay $0x3  }
0x13e: {  	s19 =	simm.s32 $0x1  }
0x13f: {  	s28 =	simm.s32 $0x100;
	v4 =	vperm.xlane v4, v3;
	s13 =	sand.u32 $0x7, s19;
	v5 =	vperm.xlane v5, v3  }
.LBB2_7:
0x140: {  	p0 =	sne.s32 s28, $0x1380;
	s13 =	sshll.u32 s13, $0x7;
	s11 =	sadd.s32 $0x400, s11  }
0x141: {  	s13 =	sadd.s32 s13, s11;
	v4 =	vsel vm1, v4, v5  }
0x142: {  	s17 =	sor.u32 $0x1C00, s13;
	[tilespmem:s12+$0x28] =	vst v4  }
0x143: {  	v4 =	vld [tilespmem:s17+$0xA680];
	_ =	sdelay $0x3  }
0x144: {  	s12 =	sadd.s32 $0x80, s12  }
0x145: {  	s17 =	sor.u32 $0x1C10, s13;
	[tilespmem:s12+$0xFFFFFFD0] =	vst v4  }
0x146: {  	v4 =	vld [tilespmem:s17+$0xA680];
	_ =	sdelay $0x4  }
0x147: {  	s17 =	sor.u32 $0x1C20, s13;
	[tilespmem:s12+$0xFFFFFFE0] =	vst v4  }
0x148: {  	v4 =	vld [tilespmem:s17+$0xA680];
	_ =	sdelay $0x4  }
0x149: {  	s17 =	sor.u32 $0x1C30, s13;
	[tilespmem:s12+$0xFFFFFFF0] =	vst v4  }
0x14a: {  	v4 =	vld [tilespmem:s17+$0xA680];
	_ =	sdelay $0x4  }
0x14b: {  	s17 =	sor.u32 $0x1C40, s13;
	[tilespmem:s12+$0x0] =	vst v4  }
0x14c: {  	v4 =	vld [tilespmem:s17+$0xA680];
	_ =	sdelay $0x4  }
0x14d: {  	s17 =	sor.u32 $0x1C50, s13;
	[tilespmem:s12+$0x10] =	vst v4  }
0x14e: {  	v4 =	vld [tilespmem:s17+$0xA680];
	_ =	sdelay $0x4  }
0x14f: {  	s13 =	sor.u32 $0x1C60, s13;
	[tilespmem:s12+$0x20] =	vst v4;
	v4 =	vperm.xlane v4, v3  }
0x150: {  	v5 =	vld.msk [tilespmem:s13+$0xA680], $0xff  }
.Ltmp2:
0x151: {  	(pc) =	sbr.rel @p0 .LBB2_7-.Ltmp2, $3  }
0x152: {  	_ =	sdelay $0x1  }
0x153: {  	s19 =	sadd.s32 $0x1, s19  }
0x154: {  	s28 =	sadd.s32 $0x80, s28;
	s13 =	sand.u32 $0x7, s19;
	v5 =	vperm.xlane v5, v3  }
0x155: {  	s13 =	sshll.u32 s13, $0x7;
	s11 =	sadd.s32 $0x400, s11  }
0x156: {  	s11 =	sadd.s32 s13, s11;
	v4 =	vsel vm1, v4, v5  }
0x157: {  	s13 =	sor.u32 $0x1C00, s11;
	[tilespmem:s12+$0x28] =	vst v4  }
0x158: {  	v4 =	vld [tilespmem:s13+$0xA680];
	_ =	sdelay $0x3  }
0x159: {  	s12 =	sadd.s32 $0x80, s12  }
0x15a: {  	s28 =	sor.u32 $0x1C10, s11;
	[tilespmem:s12+$0xFFFFFFD0] =	vst v4  }
0x15b: {  	v4 =	vld [tilespmem:s28+$0xA680];
	_ =	sdelay $0x4  }
0x15c: {  	s31 =	sor.u32 $0x1C20, s11;
	[tilespmem:s12+$0xFFFFFFE0] =	vst v4  }
0x15d: {  	v4 =	vld [tilespmem:s31+$0xA680];
	_ =	sdelay $0x4  }
0x15e: {  	s17 =	sor.u32 $0x1C30, s11;
	[tilespmem:s12+$0xFFFFFFF0] =	vst v4  }
0x15f: {  	v4 =	vld [tilespmem:s17+$0xA680];
	_ =	sdelay $0x4  }
0x160: {  	s19 =	sor.u32 $0x1C40, s11;
	[tilespmem:s12+$0x0] =	vst v4  }
0x161: {  	v4 =	vld [tilespmem:s19+$0xA680];
	_ =	sdelay $0x4  }
0x162: {  	s28 =	sor.u32 $0x1C50, s11;
	[tilespmem:s12+$0x10] =	vst v4  }
0x163: {  	v4 =	vld [tilespmem:s28+$0xA680];
	_ =	sdelay $0x4  }
0x164: {  	s11 =	sor.u32 $0x1C60, s11;
	[tilespmem:s12+$0x20] =	vst v4  }
0x165: {  	v5 =	vld.msk [tilespmem:s11+$0xA680], $0xff;
	_ =	sdelay $0x2  }
0x166: {  	s29 =	sadd.s32 $0x1, s29  }
0x167: {  	p0 =	sne.s32 s29, $0x14  }
.Ltmp3:
0x168: {  	v4 =	vperm.xlane v4, v3;
	v5 =	vperm.xlane v5, v3;
	(pc) =	sbr.rel @p0 .LBB2_2-.Ltmp3, $4  }
0x169: {  	_ = 	snop  }
0x16a: {  	v4 =	vsel vm1, v4, v5  }
0x16b: {  	s0 =	sadd.s32 s0, s10;
	s31 =	simm.s32 $0x15A80;
	[tilespmem:s12+$0x28] =	vst v4  }
0x16c: {  	[hbm4b:s0+s16] =	stream.strided.scatter [tilespmem:s31], [sflag:$0x6], $0x1400, s18, s16, $0x38;
	[tilespmem:$0x16E80] =	vst v63  }
0x16d: {  	s0 =	simm.s32 $0x4  }
0x16e: {  	_ =	swait.ge [sflag:s0], $0x8C00  }
0x16f: {  	[sflag:s0] =	ssyncset.done $0x0  }
0x170: {  	s11 =	simm.s32 $0x6;
	[sflag:s0] =	ssyncadd.s32 $0xFFFF7400  }
0x171: {  	_ =	swait.ge [sflag:s11], $0x1400  }
0x172: {  	s12 =	rddreg [dreg:$0x4]  }
0x173: {  	s31 =	rddreg [dreg:$0x3];
	s12 =	sadd.s32 $0x1, s12  }
0x174: {  	p0 =	sne.s32 s12, s31  }
.Ltmp4:
0x175: {  	_ = 	snop;
	(pc) =	sbr.rel @p0 .LBB2_1-.Ltmp4, $3  }
0x176: {  	_ =	sdelay $0x1  }
0x177: {  	[sflag:s11] =	ssyncset.done $0x0  }
0x178: {  	[sflag:s11] =	ssyncadd.s32 $0xFFFFEC00  }
0x179: {  	_ =	sfence.sel $0x180000  }
0x17a: {  	[bflag:$0x0] =	sbarrier.arrive $0xFFFF  }
0x17b: {  	_ =	strace $0x9000004A  }
0x17c: {  	s0 =	stileid.u32;
	[bflag:$0x2] =	sbarrier.arrive $0xFFFF  }
0x17d: {  	p0 =	sne.s32 s0, $0x0;
	s0 =	rddreg [dreg:$0x1]  }
0x17e: {  	s0 =	sadd.s32 @!p0 $0x100000, s0  }
0x17f: {  	[sflag:s0] =	ssyncadd.tile.s32 @!p0 $0x1;
	_ =	shalt  }
.Lfunc_end2:
_tile_overlayer_lowered:
.L_overlay_start_2:
0x180: {  	(tag) =	ssettag $0x2  }
0x181: {  	s0 =	rddreg [dreg:$0x0];
	s2 =	stileid.u32  }
0x182: {  	s1 =	rddreg [dreg:$0x1];
	p0 =	sne.s32 s2, $0x0  }
0x183: {  	s3 =	rddreg [dreg:$0x2];
	[bflag:$0x3] =	sbarrier.arrive $0xFFFF;
	s2 =	simm.s32 @!p0 $0x1C07  }
0x184: {  	[timem:s3], [sflag:s2] =	dma.local @!p0 [hbm:s0], s1  }
0x185: {  	s0 =	simm.s32 @!p0 $0x7  }
0x186: {  	_ =	swait.ge @!p0 [sflag:s0], s1  }
0x187: {  	s1 =	ssub.s32 @!p0 $0x0, s1;
	[sflag:s0] =	ssyncset.done @!p0 $0x0  }
0x188: {  	[sflag:s0] =	ssyncadd.s32 @!p0 s1  }
0x189: {  	[bflag:$0x3] =	sbarrier.arrive $0xFFFF  }
0x18a: {  	_ =	shalt  }

// kernel: sparse-core-data-format-call.cloned.1.call-start
scs
called_computation_lowered:
.L_overlay_start_0:
0x0: {  	s2 =	sld [smem:$0x3FD9]  }
0x1: {  	s3 =	sld [smem:$0x3FFE];
	_ =	sdelay $0x1  }
0x2: {  	s1 =	srdreg.scid  }
0x3: {  	s0 =	sand.u32 $0x1, s1  }
0x4: {  	s18 =	sshll.u32 s0, $0xA;
	s2 =	sadd.s32 s3, s2  }
0x5: {  	s2 =	sadd.s32 s2, s18  }
0x6: {  	[smem:$0x3FC6] =	sst s2  }
0x7: {  	_ = 	snop  }
0x8: {  	s2 =	sld [smem:$0x3FD0];
	(tm) =	ssettm $0x1  }
0x9: {  	s19 =	sld [smem:$0x3FFB];
	_ =	sdelay $0x3  }
0xa: {  	_ =	strace s19  }
0xb: {  	s3 =	sld [smem:$0x3FFC];
	_ =	sdelay $0x3  }
0xc: {  	_ =	strace s3  }
0xd: {  	s3 =	sld [smem:$0x3FFD];
	_ =	sdelay $0x3  }
0xe: {  	_ =	strace s3  }
0xf: {  	_ =	strace $0x8FFFFFFF  }
0x10: {  	s20 =	sld [smem:$0x3FDB];
	_ =	sdelay $0x1  }
0x11: {  	s4 =	simm.s32 $_scs_section_size  }
0x12: {  	s5 =	simm.s32 $_size__tile_overlayer_lowered;
	s6 =	simm.s32 $_tile_overlayer_lowered  }
0x13: {  	s23 =	simm.s32 $0x1BFF;
	s22 =	sshll.u32 s6, $0x1;
	s3 =	sadd.s32 s4, s20  }
0x14: {  	s7 =	simm.s32 $0x0;
	s21 =	sshll.u32 s5, $0x1;
	s5 =	sadd.s32 s22, s3  }
0x15: {  	[timem:s7], [sflag:s23] =	dma.local [hbm:s5], s21  }
0x16: {  	_ =	swait.ge [sflag:s23], s21  }
0x17: {  	s4 =	ssub.s32 $0x0, s21;
	[sflag:s23] =	ssyncset.done $0x0  }
0x18: {  	[sflag:s23] =	ssyncadd.s32 s4;
	_ =	sdelay $0x1  }
0x19: {  	s24 =	simm.s32 $0x1B8B  }
0x1a: {  	_ =	swait.ge [sflag:s24], $0x1  }
0x1b: {  	[sflag:s24] =	ssyncset.done $0x0  }
0x1c: {  	s26 =	simm.s32 $0x1B8E;
	s25 =	sld [smem:$0x3FFE];
	[sflag:s24] =	ssyncadd.s32 $0xFFFFFFFF  }
0x1d: {  	s27 =	simm.s32 $execute0_lowered;
	[smem:$0x3FD2] =	sst s26  }
0x1e: {  	s5 =	sshll.u32 s27, $0x1;
	_ =	strace $0x80000052;
	[dreg:$0x1] =	wrdreg $0xFFFFFFFF  }
0x1f: {  	s28 =	simm.s32 $_size_execute0_lowered;
	s3 =	sadd.s32 s3, s5;
	[dreg:$0x0] =	wrdreg $0x0  }
0x20: {  	s5 =	sshll.u32 s28, $0x1;
	[dreg:$0x2] =	wrdreg s3  }
0x21: {  	[dreg:$0x3] =	wrdreg s5  }
0x22: {  	[dreg:$0x4] =	wrdreg $0xC0  }
0x23: {  	_ =	task [dreg:s7], $0x5FFFF  }
0x24: {  	[dreg:$0x1] =	wrdreg $0xFFFFFFFF  }
0x25: {  	[dreg:$0x0] =	wrdreg $0x60  }
0x26: {  	[dreg:$0x2] =	wrdreg s25  }
0x27: {  	[dreg:$0x3] =	wrdreg s2  }
0x28: {  	[dreg:$0x4] =	wrdreg $0x9  }
0x29: {  	_ =	task.clear_ibuf [dreg:s7], $0x5FFFF;
	_ =	strace $0x90000052  }
0x2a: {  	s29 =	simm.s32 $0x9;
	_ =	strace $0x80000054  }
0x2b: {  	_ =	swait.ge [sflag:s29], $0x1  }
0x2c: {  	[sflag:s29] =	ssyncadd.s32 $0xFFFFFFFF  }
0x2d: {  	_ =	strace $0x90000054  }
0x2e: {  	_ =	sfence  }
0x2f: {  	s30 =	sld [smem:$0x0];
	_ =	sdelay $0x2  }
0x30: {  	s31 =	sshll.u32 s1, $0xD;
	s1 =	sshrl.u32 s1, $0x2  }
0x31: {  	s3 =	sand.u32 $0x4000, s31;
	s1 =	sadd.s32 s1, s30  }
0x32: {  	s0 =	sor.u32 s3, s0;
	s1 =	sshll.u32 s1, $0x11  }
0x33: {  	s0 =	sor.u32 s1, s0  }
0x34: {  	s0 =	sadd.s32 $0x8F2B, s0  }
0x35: {  	[sflag:s0] =	ssyncadd.remote.s32 $0x1  }
0x36: {  	_ =	sfence.sel $0xFFFF  }
0x37: {  	[dreg:$0x0] =	wrdreg $0xFFFFFFFF;
	(pc) =	sbr.abs _section_cstart, $3  }
0x38: {  	[dreg:$0x1] =	wrdreg $0xFFFFFFFF  }
0x39: {  	_ =	task.clear_ibuf [dreg:s7], $0x2FFFF;
	_ =	strace $0x9FFFFFFF  }
0x3a: {  	(tm) =	ssettm $0x7FFFFFFF  }
0x3b: {  	_ =	shalt  }
tec
execute0_lowered:
.L_overlay_start_1:
0x0: {  	(tag) =	ssettag $0x1  }
0x1: {  	s4 =	rddreg [dreg:$0x0]  }
0x2: {  	s0 =	stileid.u32;
	s2 =	rddreg [dreg:$0x1]  }
0x3: {  	s7 =	srdreg.scid;
	s31 =	simm.s32 $0x2;
	s17 =	simm.s32 $0x0  }
0x4: {  	s9 =	simm.s32 $0x2000;
	s19 =	simm.s32 $0x0;
	s18 =	simm.s32 $0x0  }
0x5: {  	s10 =	simm.s32 $0x0;
	s11 =	simm.s32 $0x0;
	s1 =	sshll.u32 s0, $0x7  }
0x6: {  	s12 =	simm.s32 $0x0;
	s14 =	simm.s32 $0x0;
	s3 =	sand.u32 $0x380, s1  }
0x7: {  	s16 =	simm.s32 $0x0;
	s4 =	sadd.s32 $0x12E7400, s4;
	s5 =	ssub.s32 $0x400, s3  }
0x8: {  	s8 =	sshll.u32 s0, $0x4;
	s7 =	sshll.u32 s7, $0x8;
	s6 =	sand.u32 $0x380, s5  }
0x9: {  	s1 =	rddreg [dreg:$0x2];
	p0 =	sne.s32 s6, $0x0;
	s6 =	simm.s32 $0x1  }
.Ltmp0:
0xa: {  	s5 =	sshrl.u32 s5, $0xA;
	s6 =	simm.s32 @!p0 $0x0;
	(pc) =	sbr.rel .LBB1_1-.Ltmp0, $4  }
0xb: {  	_ =	strace $0x80000053;
	s7 =	sor.u32 s8, s7;
	s6 =	sadd.s32 s6, s5  }
0xc: {  	s7 =	sand.u32 $0x180, s7;
	s5 =	simm.s32 $0x1;
	s6 =	smul.u32 $0x190, s6  }
0xd: {  	s15 =	smov.u32 s3;
	s13 =	smov.u32 s7;
	[sflag:s5] =	ssyncpa.u1 $0x0  }
0xe: {  	p0 =	por $0x0, $0x0;
	[sflag:s31] =	ssyncpa.u1 $0x0;
	s8 =	sor.u32 $0x1, s6  }
.LBB1_4:
0xf: {  	s25 =	sshll.u32 s10, $0xA;
	s24 =	sshra.s32 s24, $0x2;
	s26 =	sshll.u32 s12, $0x3  }
0x10: {  	p1 =	sgt.s32 s11, $0xC7;
	s27 =	smov.u32 s11;
	s28 =	sshra.s32 s11, $0x1F  }
0x11: {  	p2 =	sgt.s32 s12, $0x380;
	s31 =	sshra.s32 s12, $0x1F;
	s25 =	sand.u32 $0xFFFFE000, s25  }
0x12: {  	s26 =	sand.u32 $0xFFFFFC00, s26;
	s27 =	simm.s32 @!p1 $0xC7;
	s28 =	sand.u32 s28, s11  }
0x13: {  	[tilespmem:s22+$0x2040 ss:$0x81] =	vst.msk $0xffff, v4;
	s23 =	sadd.s32 s24, s23;
	s29 =	sadd.s32 s26, s25;
	s25 =	ssub.s32 s27, s28  }
0x14: {  	[tilespmem:s22+$0x2850 ss:$0x81] =	vst.msk $0xffff, v3;
	s27 =	smov.u32 s12;
	s28 =	smov.u32 s10;
	s26 =	sand.u32 s31, s12  }
0x15: {  	[tilespmem:s22+$0x3060 ss:$0x81] =	vst.msk $0xffff, v2;
	s24 =	sshrl.u32 s29, $0xA;
	s30 =	sadd.s32 $0xFFFFFF39, s25;
	s27 =	simm.s32 @!p2 $0x380  }
0x16: {  	v5 =	vld [tilespmem:s21+$0xFFFFFFD0];
	[tilespmem:s22+$0x0 ss:$0x81] =	vst.msk $0xffff, v1;
	p2 =	sgt.s32 s10, $0x368;
	s29 =	sshra.s32 s10, $0x1F;
	s22 =	ssub.s32 $0xC8, s25  }
0x17: {  	v58 =	vld [tilespmem:s21+$0xFFFFFFE0];
	p1 =	sgt.s32 s30, $0x0;
	s28 =	simm.s32 @!p2 $0x368;
	s29 =	sand.u32 s29, s10  }
0x18: {  	v59 =	vld [tilespmem:s21+$0xFFFFFFF0];
	s26 =	ssub.s32 s27, s26;
	s27 =	smulhi.u32 $0x418938, s24;
	s28 =	ssub.s32 s28, s29  }
0x19: {  	v60 =	vld [tilespmem:s21+$0x0];
	s30 =	sadd.s32 $0xFFFFFC80, s26;
	s25 =	ssub.s32 $0x400, s26;
	s22 =	simm.s32 @p1 $0x0  }
0x1a: {  	v61 =	vld [tilespmem:s21+$0x10];
	[tilespmem:s23+$0x3870 ss:$0x81] =	vst.msk $0xffff, v0;
	s29 =	sand.u32 $0x78, s12;
	p2 =	sgt.s32 s30, $0x7F;
	s31 =	sadd.s32 $0xFFFFFC98, s28  }
0x1b: {  	v62 =	vld [tilespmem:s21+$0x20];
	[tilespmem:s23+$0x810 ss:$0x81] =	vst.msk $0xffff, v5;
	s27 =	smul.u32 $0x3E8, s27;
	s30 =	sshll.u32 s10, $0x7;
	s28 =	ssub.s32 $0x3E8, s28  }
0x1c: {  	v63 =	vld [tilespmem:s21+$0xFFFFFFC0];
	[tilespmem:s23+$0x1020 ss:$0x81] =	vst.msk $0xffff, v58;
	s25 =	simm.s32 @p2 $0x0;
	p1 =	sgt.s32 s31, $0x7F;
	s31 =	smul.u32 $0x1F400, s11  }
0x1d: {  	[tilespmem:s23+$0x1830 ss:$0x81] =	vst.msk $0xffff, v59;
	s21 =	sand.u32 $0x380, s30;
	s22 =	smul.u32 s25, s22;
	s28 =	simm.s32 @p1 $0x0  }
0x1e: {  	[tilespmem:s23+$0x2040 ss:$0x81] =	vst.msk $0xffff, v60;
	s21 =	sor.u32 s29, s21;
	s24 =	ssub.s32 s24, s27;
	s29 =	sand.u32 $0x7, s12  }
0x1f: {  	[tilespmem:s23+$0x2850 ss:$0x81] =	vst.msk $0xffff, v61;
	s21 =	sshrl.u32 s21, $0x3;
	s25 =	sadd.s32 s2, s31;
	s22 =	smul.u32 s28, s22  }
0x20: {  	[tilespmem:s23+$0x3060 ss:$0x81] =	vst.msk $0xffff, v62;
	s24 =	sshll.u32 s24, $0x7;
	s30 =	sshll.u32 s29, $0x12;
	s21 =	sadd.s32 s21, s25  }
0x21: {  	[tilespmem:s23+$0x0 ss:$0x81] =	vst.msk $0xffff, v63;
	s31 =	sor.u32 $0x400, s30;
	s21 =	sadd.s32 s24, s21;
	s22 =	sand.u32 $0x3FFFFFFF, s22  }
0x22: {  	[hbm4b:s21+s31] =	stream.strided.scatter [tilespmem:s20], [sflag:$0x2], s22, s9, s31, $0x20;
	[tilespmem:$0x10100] =	vst v63  }
.LBB1_5:
0x23: {  	p1 =	slt.u32 s16, $0x2  }
0x24: {  	p2 =	sgt.s32 @!p1 s19, $0xC7  }
0x25: {  	s20 =	smov.u32 s19;
	s21 =	sshra.s32 @!p1 s19, $0x1F;
	p2 =	por !p2, p1  }
0x26: {  	s19 =	sand.u32 @!p1 s21, s19;
	s20 =	simm.s32 @p2 $0xC7  }
0x27: {  	p3 =	sgt.s32 @!p1 s17, $0x368;
	s19 =	ssub.s32 @!p1 s20, s19  }
0x28: {  	p4 =	sgt.s32 @!p1 s18, $0x380;
	s22 =	sshra.s32 @!p1 s18, $0x1F;
	s20 =	sadd.s32 @!p1 $0xFFFFFF39, s19  }
0x29: {  	s21 =	smov.u32 s17;
	p2 =	sgt.s32 @!p1 s20, $0x0;
	s20 =	sshra.s32 @!p1 s17, $0x1F  }
0x2a: {  	p4 =	por !p4, p1;
	s17 =	sand.u32 @!p1 s20, s17;
	s20 =	smov.u32 s18  }
0x2b: {  	p3 =	por !p3, p1;
	s18 =	sand.u32 @!p1 s22, s18;
	s20 =	simm.s32 @p4 $0x380  }
0x2c: {  	s21 =	simm.s32 @p3 $0x368;
	s19 =	ssub.s32 @!p1 $0xC8, s19;
	s18 =	ssub.s32 @!p1 s20, s18  }
0x2d: {  	p2 =	por !p2, p1;
	s17 =	ssub.s32 @!p1 s21, s17;
	s21 =	sadd.s32 @!p1 $0xFFFFFC80, s18  }
0x2e: {  	s19 =	simm.s32 @!p2 $0x0;
	p3 =	sgt.s32 @!p1 s21, $0x7F  }
0x2f: {  	s20 =	sadd.s32 @!p1 $0xFFFFFC98, s17;
	s18 =	ssub.s32 @!p1 $0x400, s18;
	p3 =	por !p3, p1  }
0x30: {  	p2 =	sgt.s32 @!p1 s20, $0x7F;
	s20 =	sadd.s32 $0x200, s13;
	s18 =	simm.s32 @!p3 $0x0  }
0x31: {  	p3 =	sgt.s32 s20, $0x3E7;
	s18 =	smul.u32 @!p1 s18, s19;
	s19 =	simm.s32 $0x1  }
0x32: {  	s17 =	ssub.s32 @!p1 $0x3E8, s17;
	p2 =	por !p2, p1;
	s19 =	simm.s32 @!p3 $0x0  }
0x33: {  	s22 =	smov.u32 s15;
	s17 =	simm.s32 @!p2 $0x0;
	s21 =	sadd.s32 s19, s14  }
0x34: {  	s17 =	smul.u32 @!p1 s17, s18;
	s18 =	sadd.s32 $0x400, s15;
	p2 =	sgt.s32 s21, $0xC7  }
0x35: {  	p0 =	por !p0, !p0;
	s23 =	simm.s32 @!p1 $0x2;
	s22 =	smov.u32 @p2 s18  }
0x36: {  	s20 =	smov.u32 @p3 s7;
	s21 =	simm.s32 @p2 $0x0;
	p2 =	sgt.s32 s22, $0x3FF  }
0x37: {  	s19 =	smov.u32 s11;
	s22 =	smov.u32 @p2 s3;
	p2 =	sne.s32 s16, s8  }
.Ltmp1:
0x38: {  	s11 =	smov.u32 s14;
	s17 =	sand.u32 @!p1 $0x3FFFFFFF, s17;
	(pc) =	sbr.rel @!p2 .LBB1_6-.Ltmp1, $4  }
0x39: {  	s18 =	smov.u32 s12;
	s12 =	smov.u32 s15;
	_ =	swait.ge @!p1 [sflag:s23], s17  }
0x3a: {  	s24 =	ssub.s32 @!p1 $0x0, s17;
	s17 =	smov.u32 s10;
	s10 =	smov.u32 s13  }
0x3b: {  	s13 =	smov.u32 s20;
	s14 =	smov.u32 s21;
	[sflag:s23] =	ssyncset.done @!p1 $0x0  }
0x3c: {  	s16 =	sadd.s32 $0x1, s16;
	[sflag:s23] =	ssyncadd.s32 @!p1 s24;
	s15 =	smov.u32 s22  }
.LBB1_1:
0x3d: {  	p1 =	sge.u32 s16, s6  }
0x3e: {  	s20 =	sshll.u32 @!p1 s14, $0xA  }
0x3f: {  	s21 =	sshll.u32 @!p1 s13, $0x3;
	s20 =	sand.u32 @!p1 $0xFFFFE000, s20  }
0x40: {  	s20 =	sadd.s32 @!p1 s20, s21  }
0x41: {  	s20 =	sshrl.u32 @!p1 s20, $0xA  }
0x42: {  	s21 =	smulhi.u32 @!p1 $0x147AE15, s20  }
0x43: {  	s22 =	sshll.u32 @!p1 s14, $0x7;
	s24 =	smul.u32 @!p1 $0x6400, s15  }
0x44: {  	s23 =	sand.u32 @!p1 $0x78, s13;
	s22 =	sand.u32 @!p1 $0x380, s22;
	s21 =	smul.u32 @!p1 $0xC8, s21  }
0x45: {  	s31 =	sadd.s32 $0xFFFFFFFF, s16;
	s22 =	sor.u32 @!p1 s23, s22;
	s23 =	sadd.s32 @!p1 s4, s24  }
0x46: {  	s22 =	sshrl.u32 @!p1 s22, $0x3;
	s20 =	ssub.s32 @!p1 s20, s21;
	s21 =	sxor.u32 @!p1 $0xFFFFFFFF, s16  }
0x47: {  	s22 =	sadd.s32 @!p1 s22, s23;
	s23 =	sand.u32 @!p1 $0x7, s13;
	s21 =	sshll.u32 @!p1 s21, $0xE  }
0x48: {  	s23 =	sshll.u32 @!p1 s23, $0x12;
	s20 =	sshll.u32 @!p1 s20, $0x7;
	s21 =	sand.u32 @!p1 $0x4000, s21  }
0x49: {  	s20 =	sadd.s32 @!p1 s20, s22;
	s22 =	sor.u32 @!p1 $0x80, s23;
	s23 =	simm.s32 @!p1 $0x32000  }
0x4a: {  	[tilespmem:s21], [sflag:$0x1] =	stream.strided.gather @!p1 [hbm4b:s20+s22], $0x4000, s23, s22, $0x38;
	[tilespmem:$0x10100] =	vst v63  }
0x4b: {  	p1 =	sge.u32 s31, s6  }
.Ltmp2:
0x4c: {  	_ = 	snop;
	(pc) =	sbr.rel @p1 .LBB1_5-.Ltmp2, $1  }
0x4d: {  	_ =	sdelay $0x3  }
0x4e: {  	s20 =	simm.s32 $0x1  }
0x4f: {  	_ =	swait.ge [sflag:s5], $0x4000;
	s20 =	simm.s32 @!p0 $0x0  }
0x50: {  	[sflag:s5] =	ssyncset.done $0x0;
	s21 =	sshll.u32 s20, $0xE  }
0x51: {  	[sflag:s5] =	ssyncadd.s32 $0xFFFFC000;
	s21 =	sor.u32 $0x40, s21  }
0x52: {  	s20 =	smul.u32 $0x10200, s20;
	v0 =	vld [tilespmem:s21+$0x30]  }
0x53: {  	v1 =	vld [tilespmem:s21+$0xFFFFFFD0]  }
0x54: {  	s20 =	sshrl.u32 s20, $0x2;
	v5 =	vld [tilespmem:s21+$0xFFFFFFE0]  }
0x55: {  	v6 =	vld [tilespmem:s21+$0xFFFFFFF0];
	s23 =	sor.u32 $0x8000, s20  }
0x56: {  	s31 =	sand.u32 $0x1, s16;
	v4 =	vld [tilespmem:s21+$0x0];
	s22 =	sadd.s32 $0x0, s23  }
0x57: {  	v3 =	vld [tilespmem:s21+$0x10];
	s20 =	smul.u32 $0x10200, s31;
	[tilespmem:s22+$0x3870 ss:$0x81] =	vst.msk $0xffff, v0  }
0x58: {  	v2 =	vld [tilespmem:s21+$0x20];
	[tilespmem:s22+$0x810 ss:$0x81] =	vst.msk $0xffff, v1  }
0x59: {  	s20 =	sshrl.u32 s20, $0x2;
	v1 =	vld [tilespmem:s21+$0xFFFFFFC0];
	[tilespmem:s22+$0x1020 ss:$0x81] =	vst.msk $0xffff, v5;
	s21 =	sadd.s32 $0x80, s21  }
0x5a: {  	s24 =	simm.s32 $0x4;
	s25 =	simm.s32 $0x8;
	s20 =	sor.u32 $0x8000, s20;
	[tilespmem:s22+$0x1830 ss:$0x81] =	vst.msk $0xffff, v6;
	v0 =	vld [tilespmem:s21+$0x30]  }
.LBB1_3:
0x5b: {  	p1 =	sne.s32 s25, $0x1FC;
	v5 =	vld [tilespmem:s21+$0xFFFFFFD0];
	[tilespmem:s22+$0x2040 ss:$0x81] =	vst.msk $0xffff, v4  }
0x5c: {  	v6 =	vld [tilespmem:s21+$0xFFFFFFE0];
	[tilespmem:s22+$0x2850 ss:$0x81] =	vst.msk $0xffff, v3  }
0x5d: {  	s26 =	sshra.s32 s24, $0x2;
	s24 =	smov.u32 s25;
	v7 =	vld [tilespmem:s21+$0xFFFFFFF0];
	[tilespmem:s22+$0x3060 ss:$0x81] =	vst.msk $0xffff, v2  }
.Ltmp3:
0x5e: {  	v4 =	vld [tilespmem:s21+$0x0];
	[tilespmem:s22+$0x0 ss:$0x81] =	vst.msk $0xffff, v1;
	s22 =	sadd.s32 s26, s23;
	(pc) =	sbr.rel @p1 .LBB1_3-.Ltmp3, $4  }
0x5f: {  	v3 =	vld [tilespmem:s21+$0x10];
	[tilespmem:s22+$0x3870 ss:$0x81] =	vst.msk $0xffff, v0  }
0x60: {  	[tilespmem:s22+$0x810 ss:$0x81] =	vst.msk $0xffff, v5;
	v2 =	vld [tilespmem:s21+$0x20]  }
0x61: {  	v1 =	vld [tilespmem:s21+$0xFFFFFFC0];
	[tilespmem:s22+$0x1020 ss:$0x81] =	vst.msk $0xffff, v6;
	s21 =	sadd.s32 $0x80, s21  }
0x62: {  	s25 =	sadd.s32 $0x4, s25;
	v0 =	vld [tilespmem:s21+$0x30];
	[tilespmem:s22+$0x1830 ss:$0x81] =	vst.msk $0xffff, v7  }
.Ltmp4:
0x63: {  	_ = 	snop;
	(pc) =	sbr.rel .LBB1_4-.Ltmp4, $1  }
0x64: {  	_ =	sdelay $0x3  }
.LBB1_6:
0x65: {  	_ =	sfence.sel $0x180000  }
0x66: {  	s2 =	simm.s32 $0x1;
	[bflag:$0x0] =	sbarrier.arrive $0xFFFF  }
0x67: {  	s31 =	simm.s32 $0x2;
	[sflag:s2] =	ssyncpa.u1 $0x1  }
0x68: {  	[sflag:s31] =	ssyncpa.u1 $0x1  }
0x69: {  	p0 =	sne.s32 s0, $0x0;
	_ =	strace $0x90000053  }
0x6a: {  	s0 =	sadd.s32 @!p0 $0x100000, s1;
	[bflag:$0x2] =	sbarrier.arrive $0xFFFF  }
0x6b: {  	[sflag:s0] =	ssyncadd.tile.s32 @!p0 $0x1;
	_ =	shalt  }
.Lfunc_end1:
_tile_overlayer_lowered:
.L_overlay_start_2:
0x6c: {  	(tag) =	ssettag $0x2  }
0x6d: {  	s0 =	rddreg [dreg:$0x0];
	s2 =	stileid.u32  }
0x6e: {  	s1 =	rddreg [dreg:$0x1];
	p0 =	sne.s32 s2, $0x0  }
0x6f: {  	s3 =	rddreg [dreg:$0x2];
	[bflag:$0x3] =	sbarrier.arrive $0xFFFF;
	s2 =	simm.s32 @!p0 $0x1C01  }
0x70: {  	[timem:s3], [sflag:s2] =	dma.local @!p0 [hbm:s0], s1  }
0x71: {  	s0 =	simm.s32 @!p0 $0x1  }
0x72: {  	_ =	swait.ge @!p0 [sflag:s0], s1  }
0x73: {  	s1 =	ssub.s32 @!p0 $0x0, s1;
	[sflag:s0] =	ssyncset.done @!p0 $0x0  }
0x74: {  	[sflag:s0] =	ssyncadd.s32 @!p0 s1  }
0x75: {  	[bflag:$0x3] =	sbarrier.arrive $0xFFFF  }
0x76: {  	_ =	shalt  }

</sc_bundles>
